<compile_context>
chip_gen: v7x
topology: tpu7x:2x2x1
jax: 0.10.2.dev20260603
libtpu: 0.0.44.dev20260713+nightly
codegen_flags: <defaults>
</compile_context>

<pallas_src>
import functools
import jax
import jax.numpy as jnp
from jax import lax
from jax.experimental import pallas as pl
from jax.experimental.pallas import tpu as pltpu
from jax.experimental.pallas import tpu_sc as plsc

N = 10000
NP = 10240
E = 160000
D = 256
H = 128
NC, NS = 2, 16
CH = 125
RPT = NP // NS

_MESH = plsc.VectorSubcoreMesh(
    core_axis_name="c", subcore_axis_name="s", num_cores=NC, num_subcores=NS)



def _deg_body(dst_hbm, ones_hbm, zeros_hbm, out_hbm, idx_v, ones_v, acc, sem):
    c = lax.axis_index("c")
    s = lax.axis_index("s")
    w = c * NS + s
    r0 = s * RPT
    pltpu.sync_copy(zeros_hbm, acc.at[pl.ds(r0, RPT)])
    pltpu.sync_copy(dst_hbm.at[w], idx_v)
    pltpu.sync_copy(ones_hbm, ones_v)
    plsc.subcore_barrier()

    def body(j, carry):
        pltpu.sync_copy(ones_v, acc.at[idx_v.at[j]], add=True)
        return carry

    lax.fori_loop(0, dst_hbm.shape[1], body, 0)
    plsc.subcore_barrier()
    pltpu.sync_copy(acc.at[pl.ds(r0, RPT)], out_hbm.at[c].at[pl.ds(r0, RPT)])


_deg_kernel = functools.partial(
    pl.kernel,
    out_type=jax.ShapeDtypeStruct((NC, NP, 16), jnp.float32),
    mesh=_MESH,
    scratch_types=[
        pltpu.VMEM((E // (NC * NS) // CH, CH), jnp.int32),
        pltpu.VMEM((CH, 16), jnp.float32),
        pltpu.VMEM_SHARED((NP, 16), jnp.float32),
        pltpu.SemaphoreType.DMA,
    ],
)(_deg_body)


UNROLL = 16
NB = (E // NS // CH) // UNROLL


def _agg_body(y_hbm, src_hbm, dst_hbm, out_hbm, src_v, dst_v,
              rows0, rows1, acc, sg0, sg1, sd):
    c = lax.axis_index("c")
    s = lax.axis_index("s")
    r0 = s * RPT
    pltpu.sync_copy(y_hbm.at[c].at[pl.ds(r0, RPT)], acc.at[pl.ds(r0, RPT)])
    pltpu.sync_copy(src_hbm.at[s], src_v)
    plsc.subcore_barrier()

    rbufs = (rows0, rows1)
    gsems = (sg0, sg1)

    def gather(j, k):
        pltpu.async_copy(y_hbm.at[c].at[src_v.at[j]], rbufs[k % 2],
                         gsems[k % 2])

    def wait_gather(j, k):
        pltpu.make_async_copy(y_hbm.at[c].at[src_v.at[j]], rbufs[k % 2],
                              gsems[k % 2]).wait()

    def dst_half(g):
        return dst_v.at[pl.ds(lax.rem(g, 2) * UNROLL, UNROLL)]

    def dst_src(g):
        return dst_hbm.at[s].at[pl.ds(g * UNROLL, UNROLL)]

    pltpu.async_copy(dst_src(0), dst_half(0), sd)
    gather(0, 0)

    def body(g, carry):
        base = g * UNROLL
        pltpu.make_async_copy(dst_src(g), dst_half(g), sd).wait()

        @pl.when(g + 1 < NB)
        def _():
            pltpu.async_copy(dst_src(g + 1), dst_half(g + 1), sd)

        for k in range(UNROLL):
            j = base + k
            if k + 1 < UNROLL:
                gather(j + 1, k + 1)
            else:
                @pl.when(g + 1 < NB)
                def _():
                    gather(j + 1, k + 1)
            wait_gather(j, k)
            pltpu.sync_copy(rbufs[k % 2],
                            acc.at[dst_v.at[lax.rem(g, 2) * UNROLL + k]],
                            add=True)
        return carry

    lax.fori_loop(0, NB, body, 0)
    plsc.subcore_barrier()
    pltpu.sync_copy(acc.at[pl.ds(r0, RPT)], out_hbm.at[c].at[pl.ds(r0, RPT)])


_agg_kernel = functools.partial(
    pl.kernel,
    out_type=jax.ShapeDtypeStruct((NC, NP, H), jnp.float32),
    mesh=_MESH,
    scratch_types=[
        pltpu.VMEM((E // NS // CH, CH), jnp.int32),
        pltpu.VMEM((2 * UNROLL, CH), jnp.int32),
        pltpu.VMEM((CH, H), jnp.float32),
        pltpu.VMEM((CH, H), jnp.float32),
        pltpu.VMEM_SHARED((NP, H), jnp.float32),
        pltpu.SemaphoreType.DMA,
        pltpu.SemaphoreType.DMA,
        pltpu.SemaphoreType.DMA,
    ],
)(_agg_body)



BLK = 1024


def _dinv_of(deg_ref):
    return lax.rsqrt(deg_ref[0, :, :1] + deg_ref[1, :, :1])


def _mm1_body(x_ref, w_ref, y_ref):
    y_ref[0] = jnp.dot(x_ref[...], w_ref[...],
                       preferred_element_type=jnp.float32)


def _scale_body(z_ref, deg_ref, y_ref):
    y_ref[...] = _dinv_of(deg_ref) * z_ref[...]


def _mm_fused_body(z_ref, w_ref, deg_ref, b_ref, y_ref):
    dinv = _dinv_of(deg_ref)
    z = jnp.concatenate([z_ref[0], z_ref[1]], axis=-1)
    x = jnp.maximum(dinv * z + b_ref[...], 0.0)
    y_ref[0] = dinv * jnp.dot(x, w_ref[...],
                              preferred_element_type=jnp.float32)


def _final_body(z_ref, deg_ref, b_ref, out_ref):
    dinv = _dinv_of(deg_ref)
    z = jnp.concatenate([z_ref[0], z_ref[1]], axis=-1)
    h = dinv * z + b_ref[...]
    m = jnp.max(h, axis=-1, keepdims=True)
    e = jnp.exp(h - m)
    lse = m + jnp.log(jnp.sum(e, axis=-1, keepdims=True))
    out_ref[...] = h - lse


_deg_spec = pl.BlockSpec((2, BLK, 16), lambda i, h: (0, i, 0))
_w_spec = pl.BlockSpec((D, H), lambda i, h: (0, h))
_y_out_spec = pl.BlockSpec((1, BLK, H), lambda i, h: (h, i, 0))
_z_spec = pl.BlockSpec((2, BLK, H), lambda i, h: (0, i, 0))
_b_spec = pl.BlockSpec((1, D), lambda i, h: (0, 0))

_mm1 = pl.pallas_call(
    _mm1_body,
    grid=(NP // BLK, 2),
    in_specs=[pl.BlockSpec((BLK, D), lambda i, h: (i, 0)), _w_spec],
    out_specs=_y_out_spec,
    out_shape=jax.ShapeDtypeStruct((NC, NP, H), jnp.float32),
)

_scale = pl.pallas_call(
    _scale_body,
    grid=(NP // BLK, 2),
    in_specs=[pl.BlockSpec((1, BLK, H), lambda i, h: (h, i, 0)), _deg_spec],
    out_specs=_y_out_spec,
    out_shape=jax.ShapeDtypeStruct((NC, NP, H), jnp.float32),
)

_mm_fused = pl.pallas_call(
    _mm_fused_body,
    grid=(NP // BLK, 2),
    in_specs=[_z_spec, _w_spec, _deg_spec, _b_spec],
    out_specs=_y_out_spec,
    out_shape=jax.ShapeDtypeStruct((NC, NP, H), jnp.float32),
)

_final = pl.pallas_call(
    _final_body,
    grid=(NP // BLK,),
    in_specs=[
        pl.BlockSpec((2, BLK, H), lambda i: (0, i, 0)),
        pl.BlockSpec((2, BLK, 16), lambda i: (0, i, 0)),
        pl.BlockSpec((1, D), lambda i: (0, 0)),
    ],
    out_specs=pl.BlockSpec((BLK, D), lambda i: (i, 0)),
    out_shape=jax.ShapeDtypeStruct((N, D), jnp.float32),
)


@jax.jit
def kernel(graph, nfeat, W1, b1, W2, b2, W3, b3):
    src = graph[0].astype(jnp.int32)
    dst = graph[1].astype(jnp.int32)
    dst_deg = dst.reshape(NC * NS, E // (NC * NS) // CH, CH)
    src_agg = src.reshape(NS, E // NS // CH, CH)
    dst_agg = dst.reshape(NS, E // NS // CH, CH)
    ones_c = jnp.ones((CH, 16), jnp.float32)
    zeros_c = jnp.zeros((RPT, 16), jnp.float32)
    x0 = jnp.pad(nfeat, ((0, NP - N), (0, 0)))

    deg = _deg_kernel(dst_deg, ones_c, zeros_c)

    xw = _mm1(x0, W1)
    y = _scale(xw, deg)
    z = _agg_kernel(y, src_agg, dst_agg)
    y = _mm_fused(z, W2, deg, b1.reshape(1, D))
    z = _agg_kernel(y, src_agg, dst_agg)
    y = _mm_fused(z, W3, deg, b2.reshape(1, D))
    z = _agg_kernel(y, src_agg, dst_agg)
    return _final(z, deg, b3.reshape(1, D))

# --- scband reference (transcript-rebuilt; emitter-appended) ---
"""Pipeline reference for scband-gcn-32160715112813 (READ-ONLY COPY).

The authoritative reference and input builder live on the scoring server;
editing this copy changes nothing except your own understanding.
"""

import jax, jax.numpy as jnp
import numpy as np

N_NODES = 10000
N_EDGES = 160000
D_IN = 256
D_HID = 256
D_OUT = 256


def glorot(key, shape):
    lim = jnp.sqrt(6.0 / (shape[0] + shape[1]))
    return jax.random.uniform(key, shape, jnp.float32, -lim, lim)


def setup_inputs(seed: int = 0) -> dict:
    key = jax.random.key(seed)
    k1, k2, k3, k4, k5 = jax.random.split(key, 5)
    edge_index = jax.random.randint(k1, (2, N_EDGES), 0, N_NODES, dtype=jnp.int64) if jax.config.jax_enable_x64 else jax.random.randint(k1, (2, N_EDGES), 0, N_NODES, dtype=jnp.int32)
    nfeat = jax.random.normal(k2, (N_NODES, D_IN), dtype=jnp.float32)
    W1 = glorot(k3, (D_IN, D_HID))
    W2 = glorot(k4, (D_HID, D_HID))
    W3 = glorot(k5, (D_HID, D_OUT))
    b1 = jnp.zeros((D_HID,), jnp.float32)
    b2 = jnp.zeros((D_HID,), jnp.float32)
    b3 = jnp.zeros((D_OUT,), jnp.float32)
    return {"graph": edge_index, "nfeat": nfeat, "W1": W1, "b1": b1, "W2": W2, "b2": b2, "W3": W3, "b3": b3}


def gcn_conv(x, src, dst, norm, W, b, n):
    xw = x @ W
    msg = xw[src] * norm[:, None]
    out = jnp.zeros((n, W.shape[1]), xw.dtype).at[dst].add(msg)
    return out + b


def reference(graph, nfeat, W1, b1, W2, b2, W3, b3):
    n = nfeat.shape[0]
    loop = jnp.arange(n, dtype=graph.dtype)
    src = jnp.concatenate([graph[0], loop])
    dst = jnp.concatenate([graph[1], loop])
    deg = jnp.zeros((n,), jnp.float32).at[dst].add(1.0)
    dinv = 1.0 / jnp.sqrt(jnp.clip(deg, 1.0))
    norm = dinv[src] * dinv[dst]
    # layer 1 (dropout is identity in eval mode)
    h = gcn_conv(nfeat, src, dst, norm, W1, b1, n)
    h = jax.nn.relu(h)
    # layer 2
    h = gcn_conv(h, src, dst, norm, W2, b2, n)
    h = jax.nn.relu(h)
    # layer 3
    h = gcn_conv(h, src, dst, norm, W3, b3, n)
    return jax.nn.log_softmax(h, axis=-1)

if __name__ == "__main__":
    import jax
    _d = setup_inputs()
    print(jax.jit(kernel)(*tuple(_d.values())))

</pallas_src>

<mosaic_0001>
#map = affine_map<(d0, d1) -> (0, 0, 0)>
#map1 = affine_map<(d0, d1) -> (0, 0)>
module attributes {stable_mosaic.version = 14 : i64} {
  func.func @_deg_body(%arg0: i32, %arg1: i32, %arg2: memref<32x40x125xi32, #tpu.memory_space<hbm>>, %arg3: memref<125x16xf32, #tpu.memory_space<hbm>>, %arg4: memref<640x16xf32, #tpu.memory_space<hbm>>, %arg5: memref<2x10240x16xf32, #tpu.memory_space<hbm>>, %arg6: memref<40x125xi32, #tpu.memory_space<vmem>>, %arg7: memref<125x16xf32, #tpu.memory_space<vmem>>, %arg8: memref<10240x16xf32, #tpu.memory_space<vmem_shared>>, %arg9: memref<!tpu.dma_semaphore, #tpu.memory_space<semaphore_mem>>) attributes {dimension_semantics = [#tpu.dimension_semantics<core_parallel>, #tpu.dimension_semantics<subcore_parallel>], iteration_bounds = array<i64: 2, 16>, scalar_prefetch = 0 : i64, scratch_operands = 4 : i64, tpu.core_type = #tpu.core_type<sc_vector_subcore>, window_params = [{transform_indices = #map}, {transform_indices = #map1}, {transform_indices = #map1}, {transform_indices = #map}]} {
    %mul3A = arith.constant 16 : i32
    %mul3A_0 = arith.muli %arg0, %mul3A : i32
    %add3A = arith.addi %mul3A_0, %arg1 : i32
    %mul3A_1 = arith.constant 640 : i32
    %mul3A_2 = arith.muli %arg1, %mul3A_1 : i32
    "tpu.region"() ({
      %run_scoped3A = tpu.sem_alloc : memref<!tpu.dma_semaphore, #tpu.memory_space<semaphore_mem>>
      %dma_start3A = arith.constant 0 : i32
      %dma_start3A_9 = tpu.memref_slice %arg8[%mul3A_2, %dma_start3A] : memref<10240x16xf32, #tpu.memory_space<vmem_shared>> -> memref<640x16xf32, #tpu.memory_space<vmem_shared>>
      tpu.enqueue_dma source(%arg4 : memref<640x16xf32, #tpu.memory_space<hbm>>) target(%dma_start3A_9 : memref<640x16xf32, #tpu.memory_space<vmem_shared>>) target_semaphore(%run_scoped3A : memref<!tpu.dma_semaphore, #tpu.memory_space<semaphore_mem>>)
      %dma_wait3A = arith.constant 0 : i32
      %dma_wait3A_10 = tpu.memref_slice %arg8[%mul3A_2, %dma_wait3A] : memref<10240x16xf32, #tpu.memory_space<vmem_shared>> -> memref<640x16xf32, #tpu.memory_space<vmem_shared>>
      tpu.wait_dma2 semaphore(%run_scoped3A : memref<!tpu.dma_semaphore, #tpu.memory_space<semaphore_mem>>) src(%arg4 : memref<640x16xf32, #tpu.memory_space<hbm>>) dst(%dma_wait3A_10 : memref<640x16xf32, #tpu.memory_space<vmem_shared>>)
      tpu.yield
    }) : () -> ()
    "tpu.region"() ({
      %run_scoped3A = tpu.sem_alloc : memref<!tpu.dma_semaphore, #tpu.memory_space<semaphore_mem>>
      %dma_start3A = arith.constant 0 : i32
      %dma_start3A_9 = arith.constant 0 : i32
      %dma_start3A_10 = tpu.memref_slice %arg2[%add3A, %dma_start3A, %dma_start3A_9] : memref<32x40x125xi32, #tpu.memory_space<hbm>> -> memref<1x40x125xi32, #tpu.memory_space<hbm>>
      %dma_start3A_11 = tpu.memref_squeeze %dma_start3A_10 : memref<1x40x125xi32, #tpu.memory_space<hbm>> -> memref<40x125xi32, #tpu.memory_space<hbm>>
      %dma_start3A_12 = arith.constant 0 : i32
      %dma_start3A_13 = arith.constant 0 : i32
      %dma_start3A_14 = tpu.memref_slice %arg2[%add3A, %dma_start3A_12, %dma_start3A_13] : memref<32x40x125xi32, #tpu.memory_space<hbm>> -> memref<1x40x125xi32, #tpu.memory_space<hbm>>
      %dma_start3A_15 = tpu.memref_squeeze %dma_start3A_14 : memref<1x40x125xi32, #tpu.memory_space<hbm>> -> memref<40x125xi32, #tpu.memory_space<hbm>>
      tpu.enqueue_dma source(%dma_start3A_15 : memref<40x125xi32, #tpu.memory_space<hbm>>) target(%arg6 : memref<40x125xi32, #tpu.memory_space<vmem>>) target_semaphore(%run_scoped3A : memref<!tpu.dma_semaphore, #tpu.memory_space<semaphore_mem>>)
      %dma_wait3A = arith.constant 0 : i32
      %dma_wait3A_16 = arith.constant 0 : i32
      %dma_wait3A_17 = tpu.memref_slice %arg2[%add3A, %dma_wait3A, %dma_wait3A_16] : memref<32x40x125xi32, #tpu.memory_space<hbm>> -> memref<1x40x125xi32, #tpu.memory_space<hbm>>
      %dma_wait3A_18 = tpu.memref_squeeze %dma_wait3A_17 : memref<1x40x125xi32, #tpu.memory_space<hbm>> -> memref<40x125xi32, #tpu.memory_space<hbm>>
      %dma_wait3A_19 = arith.constant 0 : i32
      %dma_wait3A_20 = arith.constant 0 : i32
      %dma_wait3A_21 = tpu.memref_slice %arg2[%add3A, %dma_wait3A_19, %dma_wait3A_20] : memref<32x40x125xi32, #tpu.memory_space<hbm>> -> memref<1x40x125xi32, #tpu.memory_space<hbm>>
      %dma_wait3A_22 = tpu.memref_squeeze %dma_wait3A_21 : memref<1x40x125xi32, #tpu.memory_space<hbm>> -> memref<40x125xi32, #tpu.memory_space<hbm>>
      tpu.wait_dma2 semaphore(%run_scoped3A : memref<!tpu.dma_semaphore, #tpu.memory_space<semaphore_mem>>) src(%dma_wait3A_22 : memref<40x125xi32, #tpu.memory_space<hbm>>) dst(%arg6 : memref<40x125xi32, #tpu.memory_space<vmem>>)
      tpu.yield
    }) : () -> ()
    "tpu.region"() ({
      %run_scoped3A = tpu.sem_alloc : memref<!tpu.dma_semaphore, #tpu.memory_space<semaphore_mem>>
      tpu.enqueue_dma source(%arg3 : memref<125x16xf32, #tpu.memory_space<hbm>>) target(%arg7 : memref<125x16xf32, #tpu.memory_space<vmem>>) target_semaphore(%run_scoped3A : memref<!tpu.dma_semaphore, #tpu.memory_space<semaphore_mem>>)
      tpu.wait_dma2 semaphore(%run_scoped3A : memref<!tpu.dma_semaphore, #tpu.memory_space<semaphore_mem>>) src(%arg3 : memref<125x16xf32, #tpu.memory_space<hbm>>) dst(%arg7 : memref<125x16xf32, #tpu.memory_space<vmem>>)
      tpu.yield
    }) : () -> ()
    %barrier3A = arith.constant 0 : index
    tpu.barrier barrier_id(%barrier3A)
    %scan3A = arith.constant 0 : i32
    %scan3A_3 = arith.constant 0 : i32
    %scan3A_4 = arith.constant 40 : i32
    %scan3A_5 = arith.addi %scan3A_3, %scan3A_4 : i32
    %scan3A_6 = arith.constant 1 : i32
    scf.for %scan3A_9 = %scan3A_3 to %scan3A_5 step %scan3A_6  : i32 {
      "tpu.region"() ({
        %run_scoped3A = tpu.sem_alloc : memref<!tpu.dma_semaphore, #tpu.memory_space<semaphore_mem>>
        %dma_start3A = arith.constant 0 : i32
        %dma_start3A_10 = tpu.memref_slice %arg6[%scan3A_9, %dma_start3A] : memref<40x125xi32, #tpu.memory_space<vmem>> -> memref<1x125xi32, #tpu.memory_space<vmem>>
        %dma_start3A_11 = tpu.memref_squeeze %dma_start3A_10 : memref<1x125xi32, #tpu.memory_space<vmem>> -> memref<125xi32, #tpu.memory_space<vmem>>
        %dma_start3A_12 = arith.constant 0 : i32
        %dma_start3A_13 = arith.constant 0 : i32
        %dma_start3A_14 = tpu.memref_slice %arg8[%dma_start3A_12, %dma_start3A_13] : memref<10240x16xf32, #tpu.memory_space<vmem_shared>> -> memref<10240x16xf32, #tpu.memory_space<vmem_shared>>
        tpu.enqueue_indirect_dma source(%arg7 : memref<125x16xf32, #tpu.memory_space<vmem>>) target(%dma_start3A_14 : memref<10240x16xf32, #tpu.memory_space<vmem_shared>>) offsets(%dma_start3A_11 : memref<125xi32, #tpu.memory_space<vmem>>) semaphore(%run_scoped3A : memref<!tpu.dma_semaphore, #tpu.memory_space<semaphore_mem>>) {add = true}
        %dma_wait3A = arith.constant 0 : i32
        %dma_wait3A_15 = tpu.memref_slice %arg6[%scan3A_9, %dma_wait3A] : memref<40x125xi32, #tpu.memory_space<vmem>> -> memref<1x125xi32, #tpu.memory_space<vmem>>
        %dma_wait3A_16 = tpu.memref_squeeze %dma_wait3A_15 : memref<1x125xi32, #tpu.memory_space<vmem>> -> memref<125xi32, #tpu.memory_space<vmem>>
        %dma_wait3A_17 = arith.constant 0 : i32
        %dma_wait3A_18 = arith.constant 0 : i32
        %dma_wait3A_19 = tpu.memref_slice %arg8[%dma_wait3A_17, %dma_wait3A_18] : memref<10240x16xf32, #tpu.memory_space<vmem_shared>> -> memref<10240x16xf32, #tpu.memory_space<vmem_shared>>
        tpu.wait_indirect_dma semaphore(%run_scoped3A : memref<!tpu.dma_semaphore, #tpu.memory_space<semaphore_mem>>) src(%arg7 : memref<125x16xf32, #tpu.memory_space<vmem>>) dst(%dma_wait3A_19 : memref<10240x16xf32, #tpu.memory_space<vmem_shared>>)
        tpu.yield
      }) : () -> ()
    }
    %scan3A_7 = arith.constant 40 : i32
    %barrier3A_8 = arith.constant 0 : index
    tpu.barrier barrier_id(%barrier3A_8)
    "tpu.region"() ({
      %run_scoped3A = tpu.sem_alloc : memref<!tpu.dma_semaphore, #tpu.memory_space<semaphore_mem>>
      %dma_start3A = arith.constant 0 : i32
      %dma_start3A_9 = arith.constant 0 : i32
      %dma_start3A_10 = tpu.memref_slice %arg5[%arg0, %dma_start3A, %dma_start3A_9] : memref<2x10240x16xf32, #tpu.memory_space<hbm>> -> memref<1x10240x16xf32, #tpu.memory_space<hbm>>
      %dma_start3A_11 = tpu.memref_squeeze %dma_start3A_10 : memref<1x10240x16xf32, #tpu.memory_space<hbm>> -> memref<10240x16xf32, #tpu.memory_space<hbm>>
      %dma_start3A_12 = arith.constant 0 : i32
      %dma_start3A_13 = tpu.memref_slice %dma_start3A_11[%mul3A_2, %dma_start3A_12] : memref<10240x16xf32, #tpu.memory_space<hbm>> -> memref<640x16xf32, #tpu.memory_space<hbm>>
      %dma_start3A_14 = arith.constant 0 : i32
      %dma_start3A_15 = tpu.memref_slice %arg8[%mul3A_2, %dma_start3A_14] : memref<10240x16xf32, #tpu.memory_space<vmem_shared>> -> memref<640x16xf32, #tpu.memory_space<vmem_shared>>
      tpu.enqueue_dma source(%dma_start3A_15 : memref<640x16xf32, #tpu.memory_space<vmem_shared>>) target(%dma_start3A_13 : memref<640x16xf32, #tpu.memory_space<hbm>>) target_semaphore(%run_scoped3A : memref<!tpu.dma_semaphore, #tpu.memory_space<semaphore_mem>>)
      %dma_wait3A = arith.constant 0 : i32
      %dma_wait3A_16 = arith.constant 0 : i32
      %dma_wait3A_17 = tpu.memref_slice %arg5[%arg0, %dma_wait3A, %dma_wait3A_16] : memref<2x10240x16xf32, #tpu.memory_space<hbm>> -> memref<1x10240x16xf32, #tpu.memory_space<hbm>>
      %dma_wait3A_18 = tpu.memref_squeeze %dma_wait3A_17 : memref<1x10240x16xf32, #tpu.memory_space<hbm>> -> memref<10240x16xf32, #tpu.memory_space<hbm>>
      %dma_wait3A_19 = arith.constant 0 : i32
      %dma_wait3A_20 = tpu.memref_slice %dma_wait3A_18[%mul3A_2, %dma_wait3A_19] : memref<10240x16xf32, #tpu.memory_space<hbm>> -> memref<640x16xf32, #tpu.memory_space<hbm>>
      %dma_wait3A_21 = arith.constant 0 : i32
      %dma_wait3A_22 = tpu.memref_slice %arg8[%mul3A_2, %dma_wait3A_21] : memref<10240x16xf32, #tpu.memory_space<vmem_shared>> -> memref<640x16xf32, #tpu.memory_space<vmem_shared>>
      tpu.wait_dma2 semaphore(%run_scoped3A : memref<!tpu.dma_semaphore, #tpu.memory_space<semaphore_mem>>) src(%dma_wait3A_22 : memref<640x16xf32, #tpu.memory_space<vmem_shared>>) dst(%dma_wait3A_20 : memref<640x16xf32, #tpu.memory_space<hbm>>)
      tpu.yield
    }) : () -> ()
    return
  }
}

#map = affine_map<(d0, d1) -> (0, 0, 0)>
module attributes {stable_mosaic.version = 14 : i64} {
  func.func @_agg_body(%arg0: i32, %arg1: i32, %arg2: memref<2x10240x128xf32, #tpu.memory_space<hbm>>, %arg3: memref<16x80x125xi32, #tpu.memory_space<hbm>>, %arg4: memref<16x80x125xi32, #tpu.memory_space<hbm>>, %arg5: memref<2x10240x128xf32, #tpu.memory_space<hbm>>, %arg6: memref<80x125xi32, #tpu.memory_space<vmem>>, %arg7: memref<32x125xi32, #tpu.memory_space<vmem>>, %arg8: memref<125x128xf32, #tpu.memory_space<vmem>>, %arg9: memref<125x128xf32, #tpu.memory_space<vmem>>, %arg10: memref<10240x128xf32, #tpu.memory_space<vmem_shared>>, %arg11: memref<!tpu.dma_semaphore, #tpu.memory_space<semaphore_mem>>, %arg12: memref<!tpu.dma_semaphore, #tpu.memory_space<semaphore_mem>>, %arg13: memref<!tpu.dma_semaphore, #tpu.memory_space<semaphore_mem>>) attributes {dimension_semantics = [#tpu.dimension_semantics<core_parallel>, #tpu.dimension_semantics<subcore_parallel>], iteration_bounds = array<i64: 2, 16>, scalar_prefetch = 0 : i64, scratch_operands = 8 : i64, tpu.core_type = #tpu.core_type<sc_vector_subcore>, window_params = [{transform_indices = #map}, {transform_indices = #map}, {transform_indices = #map}, {transform_indices = #map}]} {
    %mul3A = arith.constant 640 : i32
    %mul3A_0 = arith.muli %arg1, %mul3A : i32
    "tpu.region"() ({
      %run_scoped3A = tpu.sem_alloc : memref<!tpu.dma_semaphore, #tpu.memory_space<semaphore_mem>>
      %dma_start3A_39 = arith.constant 0 : i32
      %dma_start3A_40 = tpu.memref_slice %arg10[%mul3A_0, %dma_start3A_39] : memref<10240x128xf32, #tpu.memory_space<vmem_shared>> -> memref<640x128xf32, #tpu.memory_space<vmem_shared>>
      %dma_start3A_41 = arith.constant 0 : i32
      %dma_start3A_42 = arith.constant 0 : i32
      %dma_start3A_43 = tpu.memref_slice %arg2[%arg0, %dma_start3A_41, %dma_start3A_42] : memref<2x10240x128xf32, #tpu.memory_space<hbm>> -> memref<1x10240x128xf32, #tpu.memory_space<hbm>>
      %dma_start3A_44 = tpu.memref_squeeze %dma_start3A_43 : memref<1x10240x128xf32, #tpu.memory_space<hbm>> -> memref<10240x128xf32, #tpu.memory_space<hbm>>
      %dma_start3A_45 = arith.constant 0 : i32
      %dma_start3A_46 = tpu.memref_slice %dma_start3A_44[%mul3A_0, %dma_start3A_45] : memref<10240x128xf32, #tpu.memory_space<hbm>> -> memref<640x128xf32, #tpu.memory_space<hbm>>
      tpu.enqueue_dma source(%dma_start3A_46 : memref<640x128xf32, #tpu.memory_space<hbm>>) target(%dma_start3A_40 : memref<640x128xf32, #tpu.memory_space<vmem_shared>>) target_semaphore(%run_scoped3A : memref<!tpu.dma_semaphore, #tpu.memory_space<semaphore_mem>>)
      %dma_wait3A = arith.constant 0 : i32
      %dma_wait3A_47 = tpu.memref_slice %arg10[%mul3A_0, %dma_wait3A] : memref<10240x128xf32, #tpu.memory_space<vmem_shared>> -> memref<640x128xf32, #tpu.memory_space<vmem_shared>>
      %dma_wait3A_48 = arith.constant 0 : i32
      %dma_wait3A_49 = arith.constant 0 : i32
      %dma_wait3A_50 = tpu.memref_slice %arg2[%arg0, %dma_wait3A_48, %dma_wait3A_49] : memref<2x10240x128xf32, #tpu.memory_space<hbm>> -> memref<1x10240x128xf32, #tpu.memory_space<hbm>>
      %dma_wait3A_51 = tpu.memref_squeeze %dma_wait3A_50 : memref<1x10240x128xf32, #tpu.memory_space<hbm>> -> memref<10240x128xf32, #tpu.memory_space<hbm>>
      %dma_wait3A_52 = arith.constant 0 : i32
      %dma_wait3A_53 = tpu.memref_slice %dma_wait3A_51[%mul3A_0, %dma_wait3A_52] : memref<10240x128xf32, #tpu.memory_space<hbm>> -> memref<640x128xf32, #tpu.memory_space<hbm>>
      tpu.wait_dma2 semaphore(%run_scoped3A : memref<!tpu.dma_semaphore, #tpu.memory_space<semaphore_mem>>) src(%dma_wait3A_53 : memref<640x128xf32, #tpu.memory_space<hbm>>) dst(%dma_wait3A_47 : memref<640x128xf32, #tpu.memory_space<vmem_shared>>)
      tpu.yield
    }) : () -> ()
    "tpu.region"() ({
      %run_scoped3A = tpu.sem_alloc : memref<!tpu.dma_semaphore, #tpu.memory_space<semaphore_mem>>
      %dma_start3A_39 = arith.constant 0 : i32
      %dma_start3A_40 = arith.constant 0 : i32
      %dma_start3A_41 = tpu.memref_slice %arg3[%arg1, %dma_start3A_39, %dma_start3A_40] : memref<16x80x125xi32, #tpu.memory_space<hbm>> -> memref<1x80x125xi32, #tpu.memory_space<hbm>>
      %dma_start3A_42 = tpu.memref_squeeze %dma_start3A_41 : memref<1x80x125xi32, #tpu.memory_space<hbm>> -> memref<80x125xi32, #tpu.memory_space<hbm>>
      %dma_start3A_43 = arith.constant 0 : i32
      %dma_start3A_44 = arith.constant 0 : i32
      %dma_start3A_45 = tpu.memref_slice %arg3[%arg1, %dma_start3A_43, %dma_start3A_44] : memref<16x80x125xi32, #tpu.memory_space<hbm>> -> memref<1x80x125xi32, #tpu.memory_space<hbm>>
      %dma_start3A_46 = tpu.memref_squeeze %dma_start3A_45 : memref<1x80x125xi32, #tpu.memory_space<hbm>> -> memref<80x125xi32, #tpu.memory_space<hbm>>
      tpu.enqueue_dma source(%dma_start3A_46 : memref<80x125xi32, #tpu.memory_space<hbm>>) target(%arg6 : memref<80x125xi32, #tpu.memory_space<vmem>>) target_semaphore(%run_scoped3A : memref<!tpu.dma_semaphore, #tpu.memory_space<semaphore_mem>>)
      %dma_wait3A = arith.constant 0 : i32
      %dma_wait3A_47 = arith.constant 0 : i32
      %dma_wait3A_48 = tpu.memref_slice %arg3[%arg1, %dma_wait3A, %dma_wait3A_47] : memref<16x80x125xi32, #tpu.memory_space<hbm>> -> memref<1x80x125xi32, #tpu.memory_space<hbm>>
      %dma_wait3A_49 = tpu.memref_squeeze %dma_wait3A_48 : memref<1x80x125xi32, #tpu.memory_space<hbm>> -> memref<80x125xi32, #tpu.memory_space<hbm>>
      %dma_wait3A_50 = arith.constant 0 : i32
      %dma_wait3A_51 = arith.constant 0 : i32
      %dma_wait3A_52 = tpu.memref_slice %arg3[%arg1, %dma_wait3A_50, %dma_wait3A_51] : memref<16x80x125xi32, #tpu.memory_space<hbm>> -> memref<1x80x125xi32, #tpu.memory_space<hbm>>
      %dma_wait3A_53 = tpu.memref_squeeze %dma_wait3A_52 : memref<1x80x125xi32, #tpu.memory_space<hbm>> -> memref<80x125xi32, #tpu.memory_space<hbm>>
      tpu.wait_dma2 semaphore(%run_scoped3A : memref<!tpu.dma_semaphore, #tpu.memory_space<semaphore_mem>>) src(%dma_wait3A_53 : memref<80x125xi32, #tpu.memory_space<hbm>>) dst(%arg6 : memref<80x125xi32, #tpu.memory_space<vmem>>)
      tpu.yield
    }) : () -> ()
    %barrier3A = arith.constant 0 : index
    tpu.barrier barrier_id(%barrier3A)
    %rem3A = arith.constant 0 : i32
    %rem3A_1 = arith.constant 2 : i32
    %rem3A_2 = arith.remsi %rem3A, %rem3A_1 : i32
    %mul3A_3 = arith.constant 16 : i32
    %mul3A_4 = arith.muli %rem3A_2, %mul3A_3 : i32
    %dma_start3A = arith.constant 0 : i32
    %dma_start3A_5 = tpu.memref_slice %arg7[%mul3A_4, %dma_start3A] : memref<32x125xi32, #tpu.memory_space<vmem>> -> memref<16x125xi32, #tpu.memory_space<vmem>>
    %dma_start3A_6 = arith.constant 0 : i32
    %dma_start3A_7 = arith.constant 0 : i32
    %dma_start3A_8 = tpu.memref_slice %arg4[%arg1, %dma_start3A_6, %dma_start3A_7] : memref<16x80x125xi32, #tpu.memory_space<hbm>> -> memref<1x80x125xi32, #tpu.memory_space<hbm>>
    %dma_start3A_9 = tpu.memref_squeeze %dma_start3A_8 : memref<1x80x125xi32, #tpu.memory_space<hbm>> -> memref<80x125xi32, #tpu.memory_space<hbm>>
    %dma_start3A_10 = arith.constant 0 : i32
    %dma_start3A_11 = arith.constant 0 : i32
    %dma_start3A_12 = tpu.memref_slice %dma_start3A_9[%dma_start3A_10, %dma_start3A_11] : memref<80x125xi32, #tpu.memory_space<hbm>> -> memref<16x125xi32, #tpu.memory_space<hbm>>
    %dma_start3A_13 = arith.constant 0 : i32
    %dma_start3A_14 = tpu.memref_slice %arg7[%mul3A_4, %dma_start3A_13] : memref<32x125xi32, #tpu.memory_space<vmem>> -> memref<16x125xi32, #tpu.memory_space<vmem>>
    %dma_start3A_15 = arith.constant 0 : i32
    %dma_start3A_16 = arith.constant 0 : i32
    %dma_start3A_17 = tpu.memref_slice %arg4[%arg1, %dma_start3A_15, %dma_start3A_16] : memref<16x80x125xi32, #tpu.memory_space<hbm>> -> memref<1x80x125xi32, #tpu.memory_space<hbm>>
    %dma_start3A_18 = tpu.memref_squeeze %dma_start3A_17 : memref<1x80x125xi32, #tpu.memory_space<hbm>> -> memref<80x125xi32, #tpu.memory_space<hbm>>
    %dma_start3A_19 = arith.constant 0 : i32
    %dma_start3A_20 = arith.constant 0 : i32
    %dma_start3A_21 = tpu.memref_slice %dma_start3A_18[%dma_start3A_19, %dma_start3A_20] : memref<80x125xi32, #tpu.memory_space<hbm>> -> memref<16x125xi32, #tpu.memory_space<hbm>>
    tpu.enqueue_dma source(%dma_start3A_21 : memref<16x125xi32, #tpu.memory_space<hbm>>) target(%dma_start3A_14 : memref<16x125xi32, #tpu.memory_space<vmem>>) target_semaphore(%arg13 : memref<!tpu.dma_semaphore, #tpu.memory_space<semaphore_mem>>)
    %dma_start3A_22 = arith.constant 0 : i32
    %dma_start3A_23 = arith.constant 0 : i32
    %dma_start3A_24 = tpu.memref_slice %arg6[%dma_start3A_22, %dma_start3A_23] : memref<80x125xi32, #tpu.memory_space<vmem>> -> memref<1x125xi32, #tpu.memory_space<vmem>>
    %dma_start3A_25 = tpu.memref_squeeze %dma_start3A_24 : memref<1x125xi32, #tpu.memory_space<vmem>> -> memref<125xi32, #tpu.memory_space<vmem>>
    %dma_start3A_26 = arith.constant 0 : i32
    %dma_start3A_27 = arith.constant 0 : i32
    %dma_start3A_28 = tpu.memref_slice %arg2[%arg0, %dma_start3A_26, %dma_start3A_27] : memref<2x10240x128xf32, #tpu.memory_space<hbm>> -> memref<1x10240x128xf32, #tpu.memory_space<hbm>>
    %dma_start3A_29 = tpu.memref_squeeze %dma_start3A_28 : memref<1x10240x128xf32, #tpu.memory_space<hbm>> -> memref<10240x128xf32, #tpu.memory_space<hbm>>
    %dma_start3A_30 = arith.constant 0 : i32
    %dma_start3A_31 = arith.constant 0 : i32
    %dma_start3A_32 = tpu.memref_slice %dma_start3A_29[%dma_start3A_30, %dma_start3A_31] : memref<10240x128xf32, #tpu.memory_space<hbm>> -> memref<10240x128xf32, #tpu.memory_space<hbm>>
    tpu.enqueue_indirect_dma source(%dma_start3A_32 : memref<10240x128xf32, #tpu.memory_space<hbm>>) target(%arg8 : memref<125x128xf32, #tpu.memory_space<vmem>>) offsets(%dma_start3A_25 : memref<125xi32, #tpu.memory_space<vmem>>) semaphore(%arg11 : memref<!tpu.dma_semaphore, #tpu.memory_space<semaphore_mem>>)
    %scan3A = arith.constant 0 : i32
    %scan3A_33 = arith.constant 0 : i32
    %scan3A_34 = arith.constant 5 : i32
    %scan3A_35 = arith.addi %scan3A_33, %scan3A_34 : i32
    %scan3A_36 = arith.constant 1 : i32
    scf.for %scan3A_39 = %scan3A_33 to %scan3A_35 step %scan3A_36  : i32 {
      %mul3A_40 = arith.constant 16 : i32
      %mul3A_41 = arith.muli %scan3A_39, %mul3A_40 : i32
      %mul3A_42 = arith.constant 16 : i32
      %mul3A_43 = arith.muli %scan3A_39, %mul3A_42 : i32
      %rem3A_44 = arith.constant 2 : i32
      %rem3A_45 = arith.remsi %scan3A_39, %rem3A_44 : i32
      %mul3A_46 = arith.constant 16 : i32
      %mul3A_47 = arith.muli %rem3A_45, %mul3A_46 : i32
      %dma_wait3A = arith.constant 0 : i32
      %dma_wait3A_48 = tpu.memref_slice %arg7[%mul3A_47, %dma_wait3A] : memref<32x125xi32, #tpu.memory_space<vmem>> -> memref<16x125xi32, #tpu.memory_space<vmem>>
      %dma_wait3A_49 = arith.constant 0 : i32
      %dma_wait3A_50 = arith.constant 0 : i32
      %dma_wait3A_51 = tpu.memref_slice %arg4[%arg1, %dma_wait3A_49, %dma_wait3A_50] : memref<16x80x125xi32, #tpu.memory_space<hbm>> -> memref<1x80x125xi32, #tpu.memory_space<hbm>>
      %dma_wait3A_52 = tpu.memref_squeeze %dma_wait3A_51 : memref<1x80x125xi32, #tpu.memory_space<hbm>> -> memref<80x125xi32, #tpu.memory_space<hbm>>
      %dma_wait3A_53 = arith.constant 0 : i32
      %dma_wait3A_54 = tpu.memref_slice %dma_wait3A_52[%mul3A_43, %dma_wait3A_53] : memref<80x125xi32, #tpu.memory_space<hbm>> -> memref<16x125xi32, #tpu.memory_space<hbm>>
      %dma_wait3A_55 = arith.constant 0 : i32
      %dma_wait3A_56 = tpu.memref_slice %arg7[%mul3A_47, %dma_wait3A_55] : memref<32x125xi32, #tpu.memory_space<vmem>> -> memref<16x125xi32, #tpu.memory_space<vmem>>
      %dma_wait3A_57 = arith.constant 0 : i32
      %dma_wait3A_58 = arith.constant 0 : i32
      %dma_wait3A_59 = tpu.memref_slice %arg4[%arg1, %dma_wait3A_57, %dma_wait3A_58] : memref<16x80x125xi32, #tpu.memory_space<hbm>> -> memref<1x80x125xi32, #tpu.memory_space<hbm>>
      %dma_wait3A_60 = tpu.memref_squeeze %dma_wait3A_59 : memref<1x80x125xi32, #tpu.memory_space<hbm>> -> memref<80x125xi32, #tpu.memory_space<hbm>>
      %dma_wait3A_61 = arith.constant 0 : i32
      %dma_wait3A_62 = tpu.memref_slice %dma_wait3A_60[%mul3A_43, %dma_wait3A_61] : memref<80x125xi32, #tpu.memory_space<hbm>> -> memref<16x125xi32, #tpu.memory_space<hbm>>
      tpu.wait_dma2 semaphore(%arg13 : memref<!tpu.dma_semaphore, #tpu.memory_space<semaphore_mem>>) src(%dma_wait3A_62 : memref<16x125xi32, #tpu.memory_space<hbm>>) dst(%dma_wait3A_56 : memref<16x125xi32, #tpu.memory_space<vmem>>)
      %add3A = arith.constant 1 : i32
      %add3A_63 = arith.addi %scan3A_39, %add3A : i32
      %lt3A = arith.constant 5 : i32
      %lt3A_64 = arith.cmpi slt, %add3A_63, %lt3A : i32
      %convert_element_type3A = arith.extui %lt3A_64 : i1 to i32
      %cond3A = arith.constant 0 : i32
      %cond3A_65 = arith.cmpi ne, %convert_element_type3A, %cond3A : i32
      scf.if %cond3A_65 {
        %add3A_541 = arith.constant 1 : i32
        %add3A_542 = arith.addi %scan3A_39, %add3A_541 : i32
        %mul3A_543 = arith.constant 16 : i32
        %mul3A_544 = arith.muli %add3A_542, %mul3A_543 : i32
        %add3A_545 = arith.constant 1 : i32
        %add3A_546 = arith.addi %scan3A_39, %add3A_545 : i32
        %rem3A_547 = arith.constant 2 : i32
        %rem3A_548 = arith.remsi %add3A_546, %rem3A_547 : i32
        %mul3A_549 = arith.constant 16 : i32
        %mul3A_550 = arith.muli %rem3A_548, %mul3A_549 : i32
        %dma_start3A_551 = arith.constant 0 : i32
        %dma_start3A_552 = tpu.memref_slice %arg7[%mul3A_550, %dma_start3A_551] : memref<32x125xi32, #tpu.memory_space<vmem>> -> memref<16x125xi32, #tpu.memory_space<vmem>>
        %dma_start3A_553 = arith.constant 0 : i32
        %dma_start3A_554 = arith.constant 0 : i32
        %dma_start3A_555 = tpu.memref_slice %arg4[%arg1, %dma_start3A_553, %dma_start3A_554] : memref<16x80x125xi32, #tpu.memory_space<hbm>> -> memref<1x80x125xi32, #tpu.memory_space<hbm>>
        %dma_start3A_556 = tpu.memref_squeeze %dma_start3A_555 : memref<1x80x125xi32, #tpu.memory_space<hbm>> -> memref<80x125xi32, #tpu.memory_space<hbm>>
        %dma_start3A_557 = arith.constant 0 : i32
        %dma_start3A_558 = tpu.memref_slice %dma_start3A_556[%mul3A_544, %dma_start3A_557] : memref<80x125xi32, #tpu.memory_space<hbm>> -> memref<16x125xi32, #tpu.memory_space<hbm>>
        %dma_start3A_559 = arith.constant 0 : i32
        %dma_start3A_560 = tpu.memref_slice %arg7[%mul3A_550, %dma_start3A_559] : memref<32x125xi32, #tpu.memory_space<vmem>> -> memref<16x125xi32, #tpu.memory_space<vmem>>
        %dma_start3A_561 = arith.constant 0 : i32
        %dma_start3A_562 = arith.constant 0 : i32
        %dma_start3A_563 = tpu.memref_slice %arg4[%arg1, %dma_start3A_561, %dma_start3A_562] : memref<16x80x125xi32, #tpu.memory_space<hbm>> -> memref<1x80x125xi32, #tpu.memory_space<hbm>>
        %dma_start3A_564 = tpu.memref_squeeze %dma_start3A_563 : memref<1x80x125xi32, #tpu.memory_space<hbm>> -> memref<80x125xi32, #tpu.memory_space<hbm>>
        %dma_start3A_565 = arith.constant 0 : i32
        %dma_start3A_566 = tpu.memref_slice %dma_start3A_564[%mul3A_544, %dma_start3A_565] : memref<80x125xi32, #tpu.memory_space<hbm>> -> memref<16x125xi32, #tpu.memory_space<hbm>>
        tpu.enqueue_dma source(%dma_start3A_566 : memref<16x125xi32, #tpu.memory_space<hbm>>) target(%dma_start3A_560 : memref<16x125xi32, #tpu.memory_space<vmem>>) target_semaphore(%arg13 : memref<!tpu.dma_semaphore, #tpu.memory_space<semaphore_mem>>)
      } else {
      }
      %add3A_66 = arith.constant 0 : i32
      %add3A_67 = arith.addi %mul3A_41, %add3A_66 : i32
      %add3A_68 = arith.constant 1 : i32
      %add3A_69 = arith.addi %add3A_67, %add3A_68 : i32
      %dma_start3A_70 = arith.constant 0 : i32
      %dma_start3A_71 = tpu.memref_slice %arg6[%add3A_69, %dma_start3A_70] : memref<80x125xi32, #tpu.memory_space<vmem>> -> memref<1x125xi32, #tpu.memory_space<vmem>>
      %dma_start3A_72 = tpu.memref_squeeze %dma_start3A_71 : memref<1x125xi32, #tpu.memory_space<vmem>> -> memref<125xi32, #tpu.memory_space<vmem>>
      %dma_start3A_73 = arith.constant 0 : i32
      %dma_start3A_74 = arith.constant 0 : i32
      %dma_start3A_75 = tpu.memref_slice %arg2[%arg0, %dma_start3A_73, %dma_start3A_74] : memref<2x10240x128xf32, #tpu.memory_space<hbm>> -> memref<1x10240x128xf32, #tpu.memory_space<hbm>>
      %dma_start3A_76 = tpu.memref_squeeze %dma_start3A_75 : memref<1x10240x128xf32, #tpu.memory_space<hbm>> -> memref<10240x128xf32, #tpu.memory_space<hbm>>
      %dma_start3A_77 = arith.constant 0 : i32
      %dma_start3A_78 = arith.constant 0 : i32
      %dma_start3A_79 = tpu.memref_slice %dma_start3A_76[%dma_start3A_77, %dma_start3A_78] : memref<10240x128xf32, #tpu.memory_space<hbm>> -> memref<10240x128xf32, #tpu.memory_space<hbm>>
      tpu.enqueue_indirect_dma source(%dma_start3A_79 : memref<10240x128xf32, #tpu.memory_space<hbm>>) target(%arg9 : memref<125x128xf32, #tpu.memory_space<vmem>>) offsets(%dma_start3A_72 : memref<125xi32, #tpu.memory_space<vmem>>) semaphore(%arg12 : memref<!tpu.dma_semaphore, #tpu.memory_space<semaphore_mem>>)
      %dma_wait3A_80 = arith.constant 0 : i32
      %dma_wait3A_81 = tpu.memref_slice %arg6[%add3A_67, %dma_wait3A_80] : memref<80x125xi32, #tpu.memory_space<vmem>> -> memref<1x125xi32, #tpu.memory_space<vmem>>
      %dma_wait3A_82 = tpu.memref_squeeze %dma_wait3A_81 : memref<1x125xi32, #tpu.memory_space<vmem>> -> memref<125xi32, #tpu.memory_space<vmem>>
      %dma_wait3A_83 = arith.constant 0 : i32
      %dma_wait3A_84 = arith.constant 0 : i32
      %dma_wait3A_85 = tpu.memref_slice %arg2[%arg0, %dma_wait3A_83, %dma_wait3A_84] : memref<2x10240x128xf32, #tpu.memory_space<hbm>> -> memref<1x10240x128xf32, #tpu.memory_space<hbm>>
      %dma_wait3A_86 = tpu.memref_squeeze %dma_wait3A_85 : memref<1x10240x128xf32, #tpu.memory_space<hbm>> -> memref<10240x128xf32, #tpu.memory_space<hbm>>
      %dma_wait3A_87 = arith.constant 0 : i32
      %dma_wait3A_88 = arith.constant 0 : i32
      %dma_wait3A_89 = tpu.memref_slice %dma_wait3A_86[%dma_wait3A_87, %dma_wait3A_88] : memref<10240x128xf32, #tpu.memory_space<hbm>> -> memref<10240x128xf32, #tpu.memory_space<hbm>>
      tpu.wait_indirect_dma semaphore(%arg11 : memref<!tpu.dma_semaphore, #tpu.memory_space<semaphore_mem>>) src(%dma_wait3A_89 : memref<10240x128xf32, #tpu.memory_space<hbm>>) dst(%arg8 : memref<125x128xf32, #tpu.memory_space<vmem>>)
      %rem3A_90 = arith.constant 2 : i32
      %rem3A_91 = arith.remsi %scan3A_39, %rem3A_90 : i32
      %mul3A_92 = arith.constant 16 : i32
      %mul3A_93 = arith.muli %rem3A_91, %mul3A_92 : i32
      %add3A_94 = arith.constant 0 : i32
      %add3A_95 = arith.addi %mul3A_93, %add3A_94 : i32
      "tpu.region"() ({
        %run_scoped3A = tpu.sem_alloc : memref<!tpu.dma_semaphore, #tpu.memory_space<semaphore_mem>>
        %dma_start3A_541 = arith.constant 0 : i32
        %dma_start3A_542 = tpu.memref_slice %arg7[%add3A_95, %dma_start3A_541] : memref<32x125xi32, #tpu.memory_space<vmem>> -> memref<1x125xi32, #tpu.memory_space<vmem>>
        %dma_start3A_543 = tpu.memref_squeeze %dma_start3A_542 : memref<1x125xi32, #tpu.memory_space<vmem>> -> memref<125xi32, #tpu.memory_space<vmem>>
        %dma_start3A_544 = arith.constant 0 : i32
        %dma_start3A_545 = arith.constant 0 : i32
        %dma_start3A_546 = tpu.memref_slice %arg10[%dma_start3A_544, %dma_start3A_545] : memref<10240x128xf32, #tpu.memory_space<vmem_shared>> -> memref<10240x128xf32, #tpu.memory_space<vmem_shared>>
        tpu.enqueue_indirect_dma source(%arg8 : memref<125x128xf32, #tpu.memory_space<vmem>>) target(%dma_start3A_546 : memref<10240x128xf32, #tpu.memory_space<vmem_shared>>) offsets(%dma_start3A_543 : memref<125xi32, #tpu.memory_space<vmem>>) semaphore(%run_scoped3A : memref<!tpu.dma_semaphore, #tpu.memory_space<semaphore_mem>>) {add = true}
        %dma_wait3A_547 = arith.constant 0 : i32
        %dma_wait3A_548 = tpu.memref_slice %arg7[%add3A_95, %dma_wait3A_547] : memref<32x125xi32, #tpu.memory_space<vmem>> -> memref<1x125xi32, #tpu.memory_space<vmem>>
        %dma_wait3A_549 = tpu.memref_squeeze %dma_wait3A_548 : memref<1x125xi32, #tpu.memory_space<vmem>> -> memref<125xi32, #tpu.memory_space<vmem>>
        %dma_wait3A_550 = arith.constant 0 : i32
        %dma_wait3A_551 = arith.constant 0 : i32
        %dma_wait3A_552 = tpu.memref_slice %arg10[%dma_wait3A_550, %dma_wait3A_551] : memref<10240x128xf32, #tpu.memory_space<vmem_shared>> -> memref<10240x128xf32, #tpu.memory_space<vmem_shared>>
        tpu.wait_indirect_dma semaphore(%run_scoped3A : memref<!tpu.dma_semaphore, #tpu.memory_space<semaphore_mem>>) src(%arg8 : memref<125x128xf32, #tpu.memory_space<vmem>>) dst(%dma_wait3A_552 : memref<10240x128xf32, #tpu.memory_space<vmem_shared>>)
        tpu.yield
      }) : () -> ()
      %add3A_96 = arith.constant 1 : i32
      %add3A_97 = arith.addi %mul3A_41, %add3A_96 : i32
      %add3A_98 = arith.constant 1 : i32
      %add3A_99 = arith.addi %add3A_97, %add3A_98 : i32
      %dma_start3A_100 = arith.constant 0 : i32
      %dma_start3A_101 = tpu.memref_slice %arg6[%add3A_99, %dma_start3A_100] : memref<80x125xi32, #tpu.memory_space<vmem>> -> memref<1x125xi32, #tpu.memory_space<vmem>>
      %dma_start3A_102 = tpu.memref_squeeze %dma_start3A_101 : memref<1x125xi32, #tpu.memory_space<vmem>> -> memref<125xi32, #tpu.memory_space<vmem>>
      %dma_start3A_103 = arith.constant 0 : i32
      %dma_start3A_104 = arith.constant 0 : i32
      %dma_start3A_105 = tpu.memref_slice %arg2[%arg0, %dma_start3A_103, %dma_start3A_104] : memref<2x10240x128xf32, #tpu.memory_space<hbm>> -> memref<1x10240x128xf32, #tpu.memory_space<hbm>>
      %dma_start3A_106 = tpu.memref_squeeze %dma_start3A_105 : memref<1x10240x128xf32, #tpu.memory_space<hbm>> -> memref<10240x128xf32, #tpu.memory_space<hbm>>
      %dma_start3A_107 = arith.constant 0 : i32
      %dma_start3A_108 = arith.constant 0 : i32
      %dma_start3A_109 = tpu.memref_slice %dma_start3A_106[%dma_start3A_107, %dma_start3A_108] : memref<10240x128xf32, #tpu.memory_space<hbm>> -> memref<10240x128xf32, #tpu.memory_space<hbm>>
      tpu.enqueue_indirect_dma source(%dma_start3A_109 : memref<10240x128xf32, #tpu.memory_space<hbm>>) target(%arg8 : memref<125x128xf32, #tpu.memory_space<vmem>>) offsets(%dma_start3A_102 : memref<125xi32, #tpu.memory_space<vmem>>) semaphore(%arg11 : memref<!tpu.dma_semaphore, #tpu.memory_space<semaphore_mem>>)
      %dma_wait3A_110 = arith.constant 0 : i32
      %dma_wait3A_111 = tpu.memref_slice %arg6[%add3A_97, %dma_wait3A_110] : memref<80x125xi32, #tpu.memory_space<vmem>> -> memref<1x125xi32, #tpu.memory_space<vmem>>
      %dma_wait3A_112 = tpu.memref_squeeze %dma_wait3A_111 : memref<1x125xi32, #tpu.memory_space<vmem>> -> memref<125xi32, #tpu.memory_space<vmem>>
      %dma_wait3A_113 = arith.constant 0 : i32
      %dma_wait3A_114 = arith.constant 0 : i32
      %dma_wait3A_115 = tpu.memref_slice %arg2[%arg0, %dma_wait3A_113, %dma_wait3A_114] : memref<2x10240x128xf32, #tpu.memory_space<hbm>> -> memref<1x10240x128xf32, #tpu.memory_space<hbm>>
      %dma_wait3A_116 = tpu.memref_squeeze %dma_wait3A_115 : memref<1x10240x128xf32, #tpu.memory_space<hbm>> -> memref<10240x128xf32, #tpu.memory_space<hbm>>
      %dma_wait3A_117 = arith.constant 0 : i32
      %dma_wait3A_118 = arith.constant 0 : i32
      %dma_wait3A_119 = tpu.memref_slice %dma_wait3A_116[%dma_wait3A_117, %dma_wait3A_118] : memref<10240x128xf32, #tpu.memory_space<hbm>> -> memref<10240x128xf32, #tpu.memory_space<hbm>>
      tpu.wait_indirect_dma semaphore(%arg12 : memref<!tpu.dma_semaphore, #tpu.memory_space<semaphore_mem>>) src(%dma_wait3A_119 : memref<10240x128xf32, #tpu.memory_space<hbm>>) dst(%arg9 : memref<125x128xf32, #tpu.memory_space<vmem>>)
      %rem3A_120 = arith.constant 2 : i32
      %rem3A_121 = arith.remsi %scan3A_39, %rem3A_120 : i32
      %mul3A_122 = arith.constant 16 : i32
      %mul3A_123 = arith.muli %rem3A_121, %mul3A_122 : i32
      %add3A_124 = arith.constant 1 : i32
      %add3A_125 = arith.addi %mul3A_123, %add3A_124 : i32
      "tpu.region"() ({
        %run_scoped3A = tpu.sem_alloc : memref<!tpu.dma_semaphore, #tpu.memory_space<semaphore_mem>>
        %dma_start3A_541 = arith.constant 0 : i32
        %dma_start3A_542 = tpu.memref_slice %arg7[%add3A_125, %dma_start3A_541] : memref<32x125xi32, #tpu.memory_space<vmem>> -> memref<1x125xi32, #tpu.memory_space<vmem>>
        %dma_start3A_543 = tpu.memref_squeeze %dma_start3A_542 : memref<1x125xi32, #tpu.memory_space<vmem>> -> memref<125xi32, #tpu.memory_space<vmem>>
        %dma_start3A_544 = arith.constant 0 : i32
        %dma_start3A_545 = arith.constant 0 : i32
        %dma_start3A_546 = tpu.memref_slice %arg10[%dma_start3A_544, %dma_start3A_545] : memref<10240x128xf32, #tpu.memory_space<vmem_shared>> -> memref<10240x128xf32, #tpu.memory_space<vmem_shared>>
        tpu.enqueue_indirect_dma source(%arg9 : memref<125x128xf32, #tpu.memory_space<vmem>>) target(%dma_start3A_546 : memref<10240x128xf32, #tpu.memory_space<vmem_shared>>) offsets(%dma_start3A_543 : memref<125xi32, #tpu.memory_space<vmem>>) semaphore(%run_scoped3A : memref<!tpu.dma_semaphore, #tpu.memory_space<semaphore_mem>>) {add = true}
        %dma_wait3A_547 = arith.constant 0 : i32
        %dma_wait3A_548 = tpu.memref_slice %arg7[%add3A_125, %dma_wait3A_547] : memref<32x125xi32, #tpu.memory_space<vmem>> -> memref<1x125xi32, #tpu.memory_space<vmem>>
        %dma_wait3A_549 = tpu.memref_squeeze %dma_wait3A_548 : memref<1x125xi32, #tpu.memory_space<vmem>> -> memref<125xi32, #tpu.memory_space<vmem>>
        %dma_wait3A_550 = arith.constant 0 : i32
        %dma_wait3A_551 = arith.constant 0 : i32
        %dma_wait3A_552 = tpu.memref_slice %arg10[%dma_wait3A_550, %dma_wait3A_551] : memref<10240x128xf32, #tpu.memory_space<vmem_shared>> -> memref<10240x128xf32, #tpu.memory_space<vmem_shared>>
        tpu.wait_indirect_dma semaphore(%run_scoped3A : memref<!tpu.dma_semaphore, #tpu.memory_space<semaphore_mem>>) src(%arg9 : memref<125x128xf32, #tpu.memory_space<vmem>>) dst(%dma_wait3A_552 : memref<10240x128xf32, #tpu.memory_space<vmem_shared>>)
        tpu.yield
      }) : () -> ()
      %add3A_126 = arith.constant 2 : i32
      %add3A_127 = arith.addi %mul3A_41, %add3A_126 : i32
      %add3A_128 = arith.constant 1 : i32
      %add3A_129 = arith.addi %add3A_127, %add3A_128 : i32
      %dma_start3A_130 = arith.constant 0 : i32
      %dma_start3A_131 = tpu.memref_slice %arg6[%add3A_129, %dma_start3A_130] : memref<80x125xi32, #tpu.memory_space<vmem>> -> memref<1x125xi32, #tpu.memory_space<vmem>>
      %dma_start3A_132 = tpu.memref_squeeze %dma_start3A_131 : memref<1x125xi32, #tpu.memory_space<vmem>> -> memref<125xi32, #tpu.memory_space<vmem>>
      %dma_start3A_133 = arith.constant 0 : i32
      %dma_start3A_134 = arith.constant 0 : i32
      %dma_start3A_135 = tpu.memref_slice %arg2[%arg0, %dma_start3A_133, %dma_start3A_134] : memref<2x10240x128xf32, #tpu.memory_space<hbm>> -> memref<1x10240x128xf32, #tpu.memory_space<hbm>>
      %dma_start3A_136 = tpu.memref_squeeze %dma_start3A_135 : memref<1x10240x128xf32, #tpu.memory_space<hbm>> -> memref<10240x128xf32, #tpu.memory_space<hbm>>
      %dma_start3A_137 = arith.constant 0 : i32
      %dma_start3A_138 = arith.constant 0 : i32
      %dma_start3A_139 = tpu.memref_slice %dma_start3A_136[%dma_start3A_137, %dma_start3A_138] : memref<10240x128xf32, #tpu.memory_space<hbm>> -> memref<10240x128xf32, #tpu.memory_space<hbm>>
      tpu.enqueue_indirect_dma source(%dma_start3A_139 : memref<10240x128xf32, #tpu.memory_space<hbm>>) target(%arg9 : memref<125x128xf32, #tpu.memory_space<vmem>>) offsets(%dma_start3A_132 : memref<125xi32, #tpu.memory_space<vmem>>) semaphore(%arg12 : memref<!tpu.dma_semaphore, #tpu.memory_space<semaphore_mem>>)
      %dma_wait3A_140 = arith.constant 0 : i32
      %dma_wait3A_141 = tpu.memref_slice %arg6[%add3A_127, %dma_wait3A_140] : memref<80x125xi32, #tpu.memory_space<vmem>> -> memref<1x125xi32, #tpu.memory_space<vmem>>
      %dma_wait3A_142 = tpu.memref_squeeze %dma_wait3A_141 : memref<1x125xi32, #tpu.memory_space<vmem>> -> memref<125xi32, #tpu.memory_space<vmem>>
      %dma_wait3A_143 = arith.constant 0 : i32
      %dma_wait3A_144 = arith.constant 0 : i32
      %dma_wait3A_145 = tpu.memref_slice %arg2[%arg0, %dma_wait3A_143, %dma_wait3A_144] : memref<2x10240x128xf32, #tpu.memory_space<hbm>> -> memref<1x10240x128xf32, #tpu.memory_space<hbm>>
      %dma_wait3A_146 = tpu.memref_squeeze %dma_wait3A_145 : memref<1x10240x128xf32, #tpu.memory_space<hbm>> -> memref<10240x128xf32, #tpu.memory_space<hbm>>
      %dma_wait3A_147 = arith.constant 0 : i32
      %dma_wait3A_148 = arith.constant 0 : i32
      %dma_wait3A_149 = tpu.memref_slice %dma_wait3A_146[%dma_wait3A_147, %dma_wait3A_148] : memref<10240x128xf32, #tpu.memory_space<hbm>> -> memref<10240x128xf32, #tpu.memory_space<hbm>>
      tpu.wait_indirect_dma semaphore(%arg11 : memref<!tpu.dma_semaphore, #tpu.memory_space<semaphore_mem>>) src(%dma_wait3A_149 : memref<10240x128xf32, #tpu.memory_space<hbm>>) dst(%arg8 : memref<125x128xf32, #tpu.memory_space<vmem>>)
      %rem3A_150 = arith.constant 2 : i32
      %rem3A_151 = arith.remsi %scan3A_39, %rem3A_150 : i32
      %mul3A_152 = arith.constant 16 : i32
      %mul3A_153 = arith.muli %rem3A_151, %mul3A_152 : i32
      %add3A_154 = arith.constant 2 : i32
      %add3A_155 = arith.addi %mul3A_153, %add3A_154 : i32
      "tpu.region"() ({
        %run_scoped3A = tpu.sem_alloc : memref<!tpu.dma_semaphore, #tpu.memory_space<semaphore_mem>>
        %dma_start3A_541 = arith.constant 0 : i32
        %dma_start3A_542 = tpu.memref_slice %arg7[%add3A_155, %dma_start3A_541] : memref<32x125xi32, #tpu.memory_space<vmem>> -> memref<1x125xi32, #tpu.memory_space<vmem>>
        %dma_start3A_543 = tpu.memref_squeeze %dma_start3A_542 : memref<1x125xi32, #tpu.memory_space<vmem>> -> memref<125xi32, #tpu.memory_space<vmem>>
        %dma_start3A_544 = arith.constant 0 : i32
        %dma_start3A_545 = arith.constant 0 : i32
        %dma_start3A_546 = tpu.memref_slice %arg10[%dma_start3A_544, %dma_start3A_545] : memref<10240x128xf32, #tpu.memory_space<vmem_shared>> -> memref<10240x128xf32, #tpu.memory_space<vmem_shared>>
        tpu.enqueue_indirect_dma source(%arg8 : memref<125x128xf32, #tpu.memory_space<vmem>>) target(%dma_start3A_546 : memref<10240x128xf32, #tpu.memory_space<vmem_shared>>) offsets(%dma_start3A_543 : memref<125xi32, #tpu.memory_space<vmem>>) semaphore(%run_scoped3A : memref<!tpu.dma_semaphore, #tpu.memory_space<semaphore_mem>>) {add = true}
        %dma_wait3A_547 = arith.constant 0 : i32
        %dma_wait3A_548 = tpu.memref_slice %arg7[%add3A_155, %dma_wait3A_547] : memref<32x125xi32, #tpu.memory_space<vmem>> -> memref<1x125xi32, #tpu.memory_space<vmem>>
        %dma_wait3A_549 = tpu.memref_squeeze %dma_wait3A_548 : memref<1x125xi32, #tpu.memory_space<vmem>> -> memref<125xi32, #tpu.memory_space<vmem>>
        %dma_wait3A_550 = arith.constant 0 : i32
        %dma_wait3A_551 = arith.constant 0 : i32
        %dma_wait3A_552 = tpu.memref_slice %arg10[%dma_wait3A_550, %dma_wait3A_551] : memref<10240x128xf32, #tpu.memory_space<vmem_shared>> -> memref<10240x128xf32, #tpu.memory_space<vmem_shared>>
        tpu.wait_indirect_dma semaphore(%run_scoped3A : memref<!tpu.dma_semaphore, #tpu.memory_space<semaphore_mem>>) src(%arg8 : memref<125x128xf32, #tpu.memory_space<vmem>>) dst(%dma_wait3A_552 : memref<10240x128xf32, #tpu.memory_space<vmem_shared>>)
        tpu.yield
      }) : () -> ()
      %add3A_156 = arith.constant 3 : i32
      %add3A_157 = arith.addi %mul3A_41, %add3A_156 : i32
      %add3A_158 = arith.constant 1 : i32
      %add3A_159 = arith.addi %add3A_157, %add3A_158 : i32
      %dma_start3A_160 = arith.constant 0 : i32
      %dma_start3A_161 = tpu.memref_slice %arg6[%add3A_159, %dma_start3A_160] : memref<80x125xi32, #tpu.memory_space<vmem>> -> memref<1x125xi32, #tpu.memory_space<vmem>>
      %dma_start3A_162 = tpu.memref_squeeze %dma_start3A_161 : memref<1x125xi32, #tpu.memory_space<vmem>> -> memref<125xi32, #tpu.memory_space<vmem>>
      %dma_start3A_163 = arith.constant 0 : i32
      %dma_start3A_164 = arith.constant 0 : i32
      %dma_start3A_165 = tpu.memref_slice %arg2[%arg0, %dma_start3A_163, %dma_start3A_164] : memref<2x10240x128xf32, #tpu.memory_space<hbm>> -> memref<1x10240x128xf32, #tpu.memory_space<hbm>>
      %dma_start3A_166 = tpu.memref_squeeze %dma_start3A_165 : memref<1x10240x128xf32, #tpu.memory_space<hbm>> -> memref<10240x128xf32, #tpu.memory_space<hbm>>
      %dma_start3A_167 = arith.constant 0 : i32
      %dma_start3A_168 = arith.constant 0 : i32
      %dma_start3A_169 = tpu.memref_slice %dma_start3A_166[%dma_start3A_167, %dma_start3A_168] : memref<10240x128xf32, #tpu.memory_space<hbm>> -> memref<10240x128xf32, #tpu.memory_space<hbm>>
      tpu.enqueue_indirect_dma source(%dma_start3A_169 : memref<10240x128xf32, #tpu.memory_space<hbm>>) target(%arg8 : memref<125x128xf32, #tpu.memory_space<vmem>>) offsets(%dma_start3A_162 : memref<125xi32, #tpu.memory_space<vmem>>) semaphore(%arg11 : memref<!tpu.dma_semaphore, #tpu.memory_space<semaphore_mem>>)
      %dma_wait3A_170 = arith.constant 0 : i32
      %dma_wait3A_171 = tpu.memref_slice %arg6[%add3A_157, %dma_wait3A_170] : memref<80x125xi32, #tpu.memory_space<vmem>> -> memref<1x125xi32, #tpu.memory_space<vmem>>
      %dma_wait3A_172 = tpu.memref_squeeze %dma_wait3A_171 : memref<1x125xi32, #tpu.memory_space<vmem>> -> memref<125xi32, #tpu.memory_space<vmem>>
      %dma_wait3A_173 = arith.constant 0 : i32
      %dma_wait3A_174 = arith.constant 0 : i32
      %dma_wait3A_175 = tpu.memref_slice %arg2[%arg0, %dma_wait3A_173, %dma_wait3A_174] : memref<2x10240x128xf32, #tpu.memory_space<hbm>> -> memref<1x10240x128xf32, #tpu.memory_space<hbm>>
      %dma_wait3A_176 = tpu.memref_squeeze %dma_wait3A_175 : memref<1x10240x128xf32, #tpu.memory_space<hbm>> -> memref<10240x128xf32, #tpu.memory_space<hbm>>
      %dma_wait3A_177 = arith.constant 0 : i32
      %dma_wait3A_178 = arith.constant 0 : i32
      %dma_wait3A_179 = tpu.memref_slice %dma_wait3A_176[%dma_wait3A_177, %dma_wait3A_178] : memref<10240x128xf32, #tpu.memory_space<hbm>> -> memref<10240x128xf32, #tpu.memory_space<hbm>>
      tpu.wait_indirect_dma semaphore(%arg12 : memref<!tpu.dma_semaphore, #tpu.memory_space<semaphore_mem>>) src(%dma_wait3A_179 : memref<10240x128xf32, #tpu.memory_space<hbm>>) dst(%arg9 : memref<125x128xf32, #tpu.memory_space<vmem>>)
      %rem3A_180 = arith.constant 2 : i32
      %rem3A_181 = arith.remsi %scan3A_39, %rem3A_180 : i32
      %mul3A_182 = arith.constant 16 : i32
      %mul3A_183 = arith.muli %rem3A_181, %mul3A_182 : i32
      %add3A_184 = arith.constant 3 : i32
      %add3A_185 = arith.addi %mul3A_183, %add3A_184 : i32
      "tpu.region"() ({
        %run_scoped3A = tpu.sem_alloc : memref<!tpu.dma_semaphore, #tpu.memory_space<semaphore_mem>>
        %dma_start3A_541 = arith.constant 0 : i32
        %dma_start3A_542 = tpu.memref_slice %arg7[%add3A_185, %dma_start3A_541] : memref<32x125xi32, #tpu.memory_space<vmem>> -> memref<1x125xi32, #tpu.memory_space<vmem>>
        %dma_start3A_543 = tpu.memref_squeeze %dma_start3A_542 : memref<1x125xi32, #tpu.memory_space<vmem>> -> memref<125xi32, #tpu.memory_space<vmem>>
        %dma_start3A_544 = arith.constant 0 : i32
        %dma_start3A_545 = arith.constant 0 : i32
        %dma_start3A_546 = tpu.memref_slice %arg10[%dma_start3A_544, %dma_start3A_545] : memref<10240x128xf32, #tpu.memory_space<vmem_shared>> -> memref<10240x128xf32, #tpu.memory_space<vmem_shared>>
        tpu.enqueue_indirect_dma source(%arg9 : memref<125x128xf32, #tpu.memory_space<vmem>>) target(%dma_start3A_546 : memref<10240x128xf32, #tpu.memory_space<vmem_shared>>) offsets(%dma_start3A_543 : memref<125xi32, #tpu.memory_space<vmem>>) semaphore(%run_scoped3A : memref<!tpu.dma_semaphore, #tpu.memory_space<semaphore_mem>>) {add = true}
        %dma_wait3A_547 = arith.constant 0 : i32
        %dma_wait3A_548 = tpu.memref_slice %arg7[%add3A_185, %dma_wait3A_547] : memref<32x125xi32, #tpu.memory_space<vmem>> -> memref<1x125xi32, #tpu.memory_space<vmem>>
        %dma_wait3A_549 = tpu.memref_squeeze %dma_wait3A_548 : memref<1x125xi32, #tpu.memory_space<vmem>> -> memref<125xi32, #tpu.memory_space<vmem>>
        %dma_wait3A_550 = arith.constant 0 : i32
        %dma_wait3A_551 = arith.constant 0 : i32
        %dma_wait3A_552 = tpu.memref_slice %arg10[%dma_wait3A_550, %dma_wait3A_551] : memref<10240x128xf32, #tpu.memory_space<vmem_shared>> -> memref<10240x128xf32, #tpu.memory_space<vmem_shared>>
        tpu.wait_indirect_dma semaphore(%run_scoped3A : memref<!tpu.dma_semaphore, #tpu.memory_space<semaphore_mem>>) src(%arg9 : memref<125x128xf32, #tpu.memory_space<vmem>>) dst(%dma_wait3A_552 : memref<10240x128xf32, #tpu.memory_space<vmem_shared>>)
        tpu.yield
      }) : () -> ()
      %add3A_186 = arith.constant 4 : i32
      %add3A_187 = arith.addi %mul3A_41, %add3A_186 : i32
      %add3A_188 = arith.constant 1 : i32
      %add3A_189 = arith.addi %add3A_187, %add3A_188 : i32
      %dma_start3A_190 = arith.constant 0 : i32
      %dma_start3A_191 = tpu.memref_slice %arg6[%add3A_189, %dma_start3A_190] : memref<80x125xi32, #tpu.memory_space<vmem>> -> memref<1x125xi32, #tpu.memory_space<vmem>>
      %dma_start3A_192 = tpu.memref_squeeze %dma_start3A_191 : memref<1x125xi32, #tpu.memory_space<vmem>> -> memref<125xi32, #tpu.memory_space<vmem>>
      %dma_start3A_193 = arith.constant 0 : i32
      %dma_start3A_194 = arith.constant 0 : i32
      %dma_start3A_195 = tpu.memref_slice %arg2[%arg0, %dma_start3A_193, %dma_start3A_194] : memref<2x10240x128xf32, #tpu.memory_space<hbm>> -> memref<1x10240x128xf32, #tpu.memory_space<hbm>>
      %dma_start3A_196 = tpu.memref_squeeze %dma_start3A_195 : memref<1x10240x128xf32, #tpu.memory_space<hbm>> -> memref<10240x128xf32, #tpu.memory_space<hbm>>
      %dma_start3A_197 = arith.constant 0 : i32
      %dma_start3A_198 = arith.constant 0 : i32
      %dma_start3A_199 = tpu.memref_slice %dma_start3A_196[%dma_start3A_197, %dma_start3A_198] : memref<10240x128xf32, #tpu.memory_space<hbm>> -> memref<10240x128xf32, #tpu.memory_space<hbm>>
      tpu.enqueue_indirect_dma source(%dma_start3A_199 : memref<10240x128xf32, #tpu.memory_space<hbm>>) target(%arg9 : memref<125x128xf32, #tpu.memory_space<vmem>>) offsets(%dma_start3A_192 : memref<125xi32, #tpu.memory_space<vmem>>) semaphore(%arg12 : memref<!tpu.dma_semaphore, #tpu.memory_space<semaphore_mem>>)
      %dma_wait3A_200 = arith.constant 0 : i32
      %dma_wait3A_201 = tpu.memref_slice %arg6[%add3A_187, %dma_wait3A_200] : memref<80x125xi32, #tpu.memory_space<vmem>> -> memref<1x125xi32, #tpu.memory_space<vmem>>
      %dma_wait3A_202 = tpu.memref_squeeze %dma_wait3A_201 : memref<1x125xi32, #tpu.memory_space<vmem>> -> memref<125xi32, #tpu.memory_space<vmem>>
      %dma_wait3A_203 = arith.constant 0 : i32
      %dma_wait3A_204 = arith.constant 0 : i32
      %dma_wait3A_205 = tpu.memref_slice %arg2[%arg0, %dma_wait3A_203, %dma_wait3A_204] : memref<2x10240x128xf32, #tpu.memory_space<hbm>> -> memref<1x10240x128xf32, #tpu.memory_space<hbm>>
      %dma_wait3A_206 = tpu.memref_squeeze %dma_wait3A_205 : memref<1x10240x128xf32, #tpu.memory_space<hbm>> -> memref<10240x128xf32, #tpu.memory_space<hbm>>
      %dma_wait3A_207 = arith.constant 0 : i32
      %dma_wait3A_208 = arith.constant 0 : i32
      %dma_wait3A_209 = tpu.memref_slice %dma_wait3A_206[%dma_wait3A_207, %dma_wait3A_208] : memref<10240x128xf32, #tpu.memory_space<hbm>> -> memref<10240x128xf32, #tpu.memory_space<hbm>>
      tpu.wait_indirect_dma semaphore(%arg11 : memref<!tpu.dma_semaphore, #tpu.memory_space<semaphore_mem>>) src(%dma_wait3A_209 : memref<10240x128xf32, #tpu.memory_space<hbm>>) dst(%arg8 : memref<125x128xf32, #tpu.memory_space<vmem>>)
      %rem3A_210 = arith.constant 2 : i32
      %rem3A_211 = arith.remsi %scan3A_39, %rem3A_210 : i32
      %mul3A_212 = arith.constant 16 : i32
      %mul3A_213 = arith.muli %rem3A_211, %mul3A_212 : i32
      %add3A_214 = arith.constant 4 : i32
      %add3A_215 = arith.addi %mul3A_213, %add3A_214 : i32
      "tpu.region"() ({
        %run_scoped3A = tpu.sem_alloc : memref<!tpu.dma_semaphore, #tpu.memory_space<semaphore_mem>>
        %dma_start3A_541 = arith.constant 0 : i32
        %dma_start3A_542 = tpu.memref_slice %arg7[%add3A_215, %dma_start3A_541] : memref<32x125xi32, #tpu.memory_space<vmem>> -> memref<1x125xi32, #tpu.memory_space<vmem>>
        %dma_start3A_543 = tpu.memref_squeeze %dma_start3A_542 : memref<1x125xi32, #tpu.memory_space<vmem>> -> memref<125xi32, #tpu.memory_space<vmem>>
        %dma_start3A_544 = arith.constant 0 : i32
        %dma_start3A_545 = arith.constant 0 : i32
        %dma_start3A_546 = tpu.memref_slice %arg10[%dma_start3A_544, %dma_start3A_545] : memref<10240x128xf32, #tpu.memory_space<vmem_shared>> -> memref<10240x128xf32, #tpu.memory_space<vmem_shared>>
        tpu.enqueue_indirect_dma source(%arg8 : memref<125x128xf32, #tpu.memory_space<vmem>>) target(%dma_start3A_546 : memref<10240x128xf32, #tpu.memory_space<vmem_shared>>) offsets(%dma_start3A_543 : memref<125xi32, #tpu.memory_space<vmem>>) semaphore(%run_scoped3A : memref<!tpu.dma_semaphore, #tpu.memory_space<semaphore_mem>>) {add = true}
        %dma_wait3A_547 = arith.constant 0 : i32
        %dma_wait3A_548 = tpu.memref_slice %arg7[%add3A_215, %dma_wait3A_547] : memref<32x125xi32, #tpu.memory_space<vmem>> -> memref<1x125xi32, #tpu.memory_space<vmem>>
        %dma_wait3A_549 = tpu.memref_squeeze %dma_wait3A_548 : memref<1x125xi32, #tpu.memory_space<vmem>> -> memref<125xi32, #tpu.memory_space<vmem>>
        %dma_wait3A_550 = arith.constant 0 : i32
        %dma_wait3A_551 = arith.constant 0 : i32
        %dma_wait3A_552 = tpu.memref_slice %arg10[%dma_wait3A_550, %dma_wait3A_551] : memref<10240x128xf32, #tpu.memory_space<vmem_shared>> -> memref<10240x128xf32, #tpu.memory_space<vmem_shared>>
        tpu.wait_indirect_dma semaphore(%run_scoped3A : memref<!tpu.dma_semaphore, #tpu.memory_space<semaphore_mem>>) src(%arg8 : memref<125x128xf32, #tpu.memory_space<vmem>>) dst(%dma_wait3A_552 : memref<10240x128xf32, #tpu.memory_space<vmem_shared>>)
        tpu.yield
      }) : () -> ()
      %add3A_216 = arith.constant 5 : i32
      %add3A_217 = arith.addi %mul3A_41, %add3A_216 : i32
      %add3A_218 = arith.constant 1 : i32
      %add3A_219 = arith.addi %add3A_217, %add3A_218 : i32
      %dma_start3A_220 = arith.constant 0 : i32
      %dma_start3A_221 = tpu.memref_slice %arg6[%add3A_219, %dma_start3A_220] : memref<80x125xi32, #tpu.memory_space<vmem>> -> memref<1x125xi32, #tpu.memory_space<vmem>>
      %dma_start3A_222 = tpu.memref_squeeze %dma_start3A_221 : memref<1x125xi32, #tpu.memory_space<vmem>> -> memref<125xi32, #tpu.memory_space<vmem>>
      %dma_start3A_223 = arith.constant 0 : i32
      %dma_start3A_224 = arith.constant 0 : i32
      %dma_start3A_225 = tpu.memref_slice %arg2[%arg0, %dma_start3A_223, %dma_start3A_224] : memref<2x10240x128xf32, #tpu.memory_space<hbm>> -> memref<1x10240x128xf32, #tpu.memory_space<hbm>>
      %dma_start3A_226 = tpu.memref_squeeze %dma_start3A_225 : memref<1x10240x128xf32, #tpu.memory_space<hbm>> -> memref<10240x128xf32, #tpu.memory_space<hbm>>
      %dma_start3A_227 = arith.constant 0 : i32
      %dma_start3A_228 = arith.constant 0 : i32
      %dma_start3A_229 = tpu.memref_slice %dma_start3A_226[%dma_start3A_227, %dma_start3A_228] : memref<10240x128xf32, #tpu.memory_space<hbm>> -> memref<10240x128xf32, #tpu.memory_space<hbm>>
      tpu.enqueue_indirect_dma source(%dma_start3A_229 : memref<10240x128xf32, #tpu.memory_space<hbm>>) target(%arg8 : memref<125x128xf32, #tpu.memory_space<vmem>>) offsets(%dma_start3A_222 : memref<125xi32, #tpu.memory_space<vmem>>) semaphore(%arg11 : memref<!tpu.dma_semaphore, #tpu.memory_space<semaphore_mem>>)
      %dma_wait3A_230 = arith.constant 0 : i32
      %dma_wait3A_231 = tpu.memref_slice %arg6[%add3A_217, %dma_wait3A_230] : memref<80x125xi32, #tpu.memory_space<vmem>> -> memref<1x125xi32, #tpu.memory_space<vmem>>
      %dma_wait3A_232 = tpu.memref_squeeze %dma_wait3A_231 : memref<1x125xi32, #tpu.memory_space<vmem>> -> memref<125xi32, #tpu.memory_space<vmem>>
      %dma_wait3A_233 = arith.constant 0 : i32
      %dma_wait3A_234 = arith.constant 0 : i32
      %dma_wait3A_235 = tpu.memref_slice %arg2[%arg0, %dma_wait3A_233, %dma_wait3A_234] : memref<2x10240x128xf32, #tpu.memory_space<hbm>> -> memref<1x10240x128xf32, #tpu.memory_space<hbm>>
      %dma_wait3A_236 = tpu.memref_squeeze %dma_wait3A_235 : memref<1x10240x128xf32, #tpu.memory_space<hbm>> -> memref<10240x128xf32, #tpu.memory_space<hbm>>
      %dma_wait3A_237 = arith.constant 0 : i32
      %dma_wait3A_238 = arith.constant 0 : i32
      %dma_wait3A_239 = tpu.memref_slice %dma_wait3A_236[%dma_wait3A_237, %dma_wait3A_238] : memref<10240x128xf32, #tpu.memory_space<hbm>> -> memref<10240x128xf32, #tpu.memory_space<hbm>>
      tpu.wait_indirect_dma semaphore(%arg12 : memref<!tpu.dma_semaphore, #tpu.memory_space<semaphore_mem>>) src(%dma_wait3A_239 : memref<10240x128xf32, #tpu.memory_space<hbm>>) dst(%arg9 : memref<125x128xf32, #tpu.memory_space<vmem>>)
      %rem3A_240 = arith.constant 2 : i32
      %rem3A_241 = arith.remsi %scan3A_39, %rem3A_240 : i32
      %mul3A_242 = arith.constant 16 : i32
      %mul3A_243 = arith.muli %rem3A_241, %mul3A_242 : i32
      %add3A_244 = arith.constant 5 : i32
      %add3A_245 = arith.addi %mul3A_243, %add3A_244 : i32
      "tpu.region"() ({
        %run_scoped3A = tpu.sem_alloc : memref<!tpu.dma_semaphore, #tpu.memory_space<semaphore_mem>>
        %dma_start3A_541 = arith.constant 0 : i32
        %dma_start3A_542 = tpu.memref_slice %arg7[%add3A_245, %dma_start3A_541] : memref<32x125xi32, #tpu.memory_space<vmem>> -> memref<1x125xi32, #tpu.memory_space<vmem>>
        %dma_start3A_543 = tpu.memref_squeeze %dma_start3A_542 : memref<1x125xi32, #tpu.memory_space<vmem>> -> memref<125xi32, #tpu.memory_space<vmem>>
        %dma_start3A_544 = arith.constant 0 : i32
        %dma_start3A_545 = arith.constant 0 : i32
        %dma_start3A_546 = tpu.memref_slice %arg10[%dma_start3A_544, %dma_start3A_545] : memref<10240x128xf32, #tpu.memory_space<vmem_shared>> -> memref<10240x128xf32, #tpu.memory_space<vmem_shared>>
        tpu.enqueue_indirect_dma source(%arg9 : memref<125x128xf32, #tpu.memory_space<vmem>>) target(%dma_start3A_546 : memref<10240x128xf32, #tpu.memory_space<vmem_shared>>) offsets(%dma_start3A_543 : memref<125xi32, #tpu.memory_space<vmem>>) semaphore(%run_scoped3A : memref<!tpu.dma_semaphore, #tpu.memory_space<semaphore_mem>>) {add = true}
        %dma_wait3A_547 = arith.constant 0 : i32
        %dma_wait3A_548 = tpu.memref_slice %arg7[%add3A_245, %dma_wait3A_547] : memref<32x125xi32, #tpu.memory_space<vmem>> -> memref<1x125xi32, #tpu.memory_space<vmem>>
        %dma_wait3A_549 = tpu.memref_squeeze %dma_wait3A_548 : memref<1x125xi32, #tpu.memory_space<vmem>> -> memref<125xi32, #tpu.memory_space<vmem>>
        %dma_wait3A_550 = arith.constant 0 : i32
        %dma_wait3A_551 = arith.constant 0 : i32
        %dma_wait3A_552 = tpu.memref_slice %arg10[%dma_wait3A_550, %dma_wait3A_551] : memref<10240x128xf32, #tpu.memory_space<vmem_shared>> -> memref<10240x128xf32, #tpu.memory_space<vmem_shared>>
        tpu.wait_indirect_dma semaphore(%run_scoped3A : memref<!tpu.dma_semaphore, #tpu.memory_space<semaphore_mem>>) src(%arg9 : memref<125x128xf32, #tpu.memory_space<vmem>>) dst(%dma_wait3A_552 : memref<10240x128xf32, #tpu.memory_space<vmem_shared>>)
        tpu.yield
      }) : () -> ()
      %add3A_246 = arith.constant 6 : i32
      %add3A_247 = arith.addi %mul3A_41, %add3A_246 : i32
      %add3A_248 = arith.constant 1 : i32
      %add3A_249 = arith.addi %add3A_247, %add3A_248 : i32
      %dma_start3A_250 = arith.constant 0 : i32
      %dma_start3A_251 = tpu.memref_slice %arg6[%add3A_249, %dma_start3A_250] : memref<80x125xi32, #tpu.memory_space<vmem>> -> memref<1x125xi32, #tpu.memory_space<vmem>>
      %dma_start3A_252 = tpu.memref_squeeze %dma_start3A_251 : memref<1x125xi32, #tpu.memory_space<vmem>> -> memref<125xi32, #tpu.memory_space<vmem>>
      %dma_start3A_253 = arith.constant 0 : i32
      %dma_start3A_254 = arith.constant 0 : i32
      %dma_start3A_255 = tpu.memref_slice %arg2[%arg0, %dma_start3A_253, %dma_start3A_254] : memref<2x10240x128xf32, #tpu.memory_space<hbm>> -> memref<1x10240x128xf32, #tpu.memory_space<hbm>>
      %dma_start3A_256 = tpu.memref_squeeze %dma_start3A_255 : memref<1x10240x128xf32, #tpu.memory_space<hbm>> -> memref<10240x128xf32, #tpu.memory_space<hbm>>
      %dma_start3A_257 = arith.constant 0 : i32
      %dma_start3A_258 = arith.constant 0 : i32
      %dma_start3A_259 = tpu.memref_slice %dma_start3A_256[%dma_start3A_257, %dma_start3A_258] : memref<10240x128xf32, #tpu.memory_space<hbm>> -> memref<10240x128xf32, #tpu.memory_space<hbm>>
      tpu.enqueue_indirect_dma source(%dma_start3A_259 : memref<10240x128xf32, #tpu.memory_space<hbm>>) target(%arg9 : memref<125x128xf32, #tpu.memory_space<vmem>>) offsets(%dma_start3A_252 : memref<125xi32, #tpu.memory_space<vmem>>) semaphore(%arg12 : memref<!tpu.dma_semaphore, #tpu.memory_space<semaphore_mem>>)
      %dma_wait3A_260 = arith.constant 0 : i32
      %dma_wait3A_261 = tpu.memref_slice %arg6[%add3A_247, %dma_wait3A_260] : memref<80x125xi32, #tpu.memory_space<vmem>> -> memref<1x125xi32, #tpu.memory_space<vmem>>
      %dma_wait3A_262 = tpu.memref_squeeze %dma_wait3A_261 : memref<1x125xi32, #tpu.memory_space<vmem>> -> memref<125xi32, #tpu.memory_space<vmem>>
      %dma_wait3A_263 = arith.constant 0 : i32
      %dma_wait3A_264 = arith.constant 0 : i32
      %dma_wait3A_265 = tpu.memref_slice %arg2[%arg0, %dma_wait3A_263, %dma_wait3A_264] : memref<2x10240x128xf32, #tpu.memory_space<hbm>> -> memref<1x10240x128xf32, #tpu.memory_space<hbm>>
      %dma_wait3A_266 = tpu.memref_squeeze %dma_wait3A_265 : memref<1x10240x128xf32, #tpu.memory_space<hbm>> -> memref<10240x128xf32, #tpu.memory_space<hbm>>
      %dma_wait3A_267 = arith.constant 0 : i32
      %dma_wait3A_268 = arith.constant 0 : i32
      %dma_wait3A_269 = tpu.memref_slice %dma_wait3A_266[%dma_wait3A_267, %dma_wait3A_268] : memref<10240x128xf32, #tpu.memory_space<hbm>> -> memref<10240x128xf32, #tpu.memory_space<hbm>>
      tpu.wait_indirect_dma semaphore(%arg11 : memref<!tpu.dma_semaphore, #tpu.memory_space<semaphore_mem>>) src(%dma_wait3A_269 : memref<10240x128xf32, #tpu.memory_space<hbm>>) dst(%arg8 : memref<125x128xf32, #tpu.memory_space<vmem>>)
      %rem3A_270 = arith.constant 2 : i32
      %rem3A_271 = arith.remsi %scan3A_39, %rem3A_270 : i32
      %mul3A_272 = arith.constant 16 : i32
      %mul3A_273 = arith.muli %rem3A_271, %mul3A_272 : i32
      %add3A_274 = arith.constant 6 : i32
      %add3A_275 = arith.addi %mul3A_273, %add3A_274 : i32
      "tpu.region"() ({
        %run_scoped3A = tpu.sem_alloc : memref<!tpu.dma_semaphore, #tpu.memory_space<semaphore_mem>>
        %dma_start3A_541 = arith.constant 0 : i32
        %dma_start3A_542 = tpu.memref_slice %arg7[%add3A_275, %dma_start3A_541] : memref<32x125xi32, #tpu.memory_space<vmem>> -> memref<1x125xi32, #tpu.memory_space<vmem>>
        %dma_start3A_543 = tpu.memref_squeeze %dma_start3A_542 : memref<1x125xi32, #tpu.memory_space<vmem>> -> memref<125xi32, #tpu.memory_space<vmem>>
        %dma_start3A_544 = arith.constant 0 : i32
        %dma_start3A_545 = arith.constant 0 : i32
        %dma_start3A_546 = tpu.memref_slice %arg10[%dma_start3A_544, %dma_start3A_545] : memref<10240x128xf32, #tpu.memory_space<vmem_shared>> -> memref<10240x128xf32, #tpu.memory_space<vmem_shared>>
        tpu.enqueue_indirect_dma source(%arg8 : memref<125x128xf32, #tpu.memory_space<vmem>>) target(%dma_start3A_546 : memref<10240x128xf32, #tpu.memory_space<vmem_shared>>) offsets(%dma_start3A_543 : memref<125xi32, #tpu.memory_space<vmem>>) semaphore(%run_scoped3A : memref<!tpu.dma_semaphore, #tpu.memory_space<semaphore_mem>>) {add = true}
        %dma_wait3A_547 = arith.constant 0 : i32
        %dma_wait3A_548 = tpu.memref_slice %arg7[%add3A_275, %dma_wait3A_547] : memref<32x125xi32, #tpu.memory_space<vmem>> -> memref<1x125xi32, #tpu.memory_space<vmem>>
        %dma_wait3A_549 = tpu.memref_squeeze %dma_wait3A_548 : memref<1x125xi32, #tpu.memory_space<vmem>> -> memref<125xi32, #tpu.memory_space<vmem>>
        %dma_wait3A_550 = arith.constant 0 : i32
        %dma_wait3A_551 = arith.constant 0 : i32
        %dma_wait3A_552 = tpu.memref_slice %arg10[%dma_wait3A_550, %dma_wait3A_551] : memref<10240x128xf32, #tpu.memory_space<vmem_shared>> -> memref<10240x128xf32, #tpu.memory_space<vmem_shared>>
        tpu.wait_indirect_dma semaphore(%run_scoped3A : memref<!tpu.dma_semaphore, #tpu.memory_space<semaphore_mem>>) src(%arg8 : memref<125x128xf32, #tpu.memory_space<vmem>>) dst(%dma_wait3A_552 : memref<10240x128xf32, #tpu.memory_space<vmem_shared>>)
        tpu.yield
      }) : () -> ()
      %add3A_276 = arith.constant 7 : i32
      %add3A_277 = arith.addi %mul3A_41, %add3A_276 : i32
      %add3A_278 = arith.constant 1 : i32
      %add3A_279 = arith.addi %add3A_277, %add3A_278 : i32
      %dma_start3A_280 = arith.constant 0 : i32
      %dma_start3A_281 = tpu.memref_slice %arg6[%add3A_279, %dma_start3A_280] : memref<80x125xi32, #tpu.memory_space<vmem>> -> memref<1x125xi32, #tpu.memory_space<vmem>>
      %dma_start3A_282 = tpu.memref_squeeze %dma_start3A_281 : memref<1x125xi32, #tpu.memory_space<vmem>> -> memref<125xi32, #tpu.memory_space<vmem>>
      %dma_start3A_283 = arith.constant 0 : i32
      %dma_start3A_284 = arith.constant 0 : i32
      %dma_start3A_285 = tpu.memref_slice %arg2[%arg0, %dma_start3A_283, %dma_start3A_284] : memref<2x10240x128xf32, #tpu.memory_space<hbm>> -> memref<1x10240x128xf32, #tpu.memory_space<hbm>>
      %dma_start3A_286 = tpu.memref_squeeze %dma_start3A_285 : memref<1x10240x128xf32, #tpu.memory_space<hbm>> -> memref<10240x128xf32, #tpu.memory_space<hbm>>
      %dma_start3A_287 = arith.constant 0 : i32
      %dma_start3A_288 = arith.constant 0 : i32
      %dma_start3A_289 = tpu.memref_slice %dma_start3A_286[%dma_start3A_287, %dma_start3A_288] : memref<10240x128xf32, #tpu.memory_space<hbm>> -> memref<10240x128xf32, #tpu.memory_space<hbm>>
      tpu.enqueue_indirect_dma source(%dma_start3A_289 : memref<10240x128xf32, #tpu.memory_space<hbm>>) target(%arg8 : memref<125x128xf32, #tpu.memory_space<vmem>>) offsets(%dma_start3A_282 : memref<125xi32, #tpu.memory_space<vmem>>) semaphore(%arg11 : memref<!tpu.dma_semaphore, #tpu.memory_space<semaphore_mem>>)
      %dma_wait3A_290 = arith.constant 0 : i32
      %dma_wait3A_291 = tpu.memref_slice %arg6[%add3A_277, %dma_wait3A_290] : memref<80x125xi32, #tpu.memory_space<vmem>> -> memref<1x125xi32, #tpu.memory_space<vmem>>
      %dma_wait3A_292 = tpu.memref_squeeze %dma_wait3A_291 : memref<1x125xi32, #tpu.memory_space<vmem>> -> memref<125xi32, #tpu.memory_space<vmem>>
      %dma_wait3A_293 = arith.constant 0 : i32
      %dma_wait3A_294 = arith.constant 0 : i32
      %dma_wait3A_295 = tpu.memref_slice %arg2[%arg0, %dma_wait3A_293, %dma_wait3A_294] : memref<2x10240x128xf32, #tpu.memory_space<hbm>> -> memref<1x10240x128xf32, #tpu.memory_space<hbm>>
      %dma_wait3A_296 = tpu.memref_squeeze %dma_wait3A_295 : memref<1x10240x128xf32, #tpu.memory_space<hbm>> -> memref<10240x128xf32, #tpu.memory_space<hbm>>
      %dma_wait3A_297 = arith.constant 0 : i32
      %dma_wait3A_298 = arith.constant 0 : i32
      %dma_wait3A_299 = tpu.memref_slice %dma_wait3A_296[%dma_wait3A_297, %dma_wait3A_298] : memref<10240x128xf32, #tpu.memory_space<hbm>> -> memref<10240x128xf32, #tpu.memory_space<hbm>>
      tpu.wait_indirect_dma semaphore(%arg12 : memref<!tpu.dma_semaphore, #tpu.memory_space<semaphore_mem>>) src(%dma_wait3A_299 : memref<10240x128xf32, #tpu.memory_space<hbm>>) dst(%arg9 : memref<125x128xf32, #tpu.memory_space<vmem>>)
      %rem3A_300 = arith.constant 2 : i32
      %rem3A_301 = arith.remsi %scan3A_39, %rem3A_300 : i32
      %mul3A_302 = arith.constant 16 : i32
      %mul3A_303 = arith.muli %rem3A_301, %mul3A_302 : i32
      %add3A_304 = arith.constant 7 : i32
      %add3A_305 = arith.addi %mul3A_303, %add3A_304 : i32
      "tpu.region"() ({
        %run_scoped3A = tpu.sem_alloc : memref<!tpu.dma_semaphore, #tpu.memory_space<semaphore_mem>>
        %dma_start3A_541 = arith.constant 0 : i32
        %dma_start3A_542 = tpu.memref_slice %arg7[%add3A_305, %dma_start3A_541] : memref<32x125xi32, #tpu.memory_space<vmem>> -> memref<1x125xi32, #tpu.memory_space<vmem>>
        %dma_start3A_543 = tpu.memref_squeeze %dma_start3A_542 : memref<1x125xi32, #tpu.memory_space<vmem>> -> memref<125xi32, #tpu.memory_space<vmem>>
        %dma_start3A_544 = arith.constant 0 : i32
        %dma_start3A_545 = arith.constant 0 : i32
        %dma_start3A_546 = tpu.memref_slice %arg10[%dma_start3A_544, %dma_start3A_545] : memref<10240x128xf32, #tpu.memory_space<vmem_shared>> -> memref<10240x128xf32, #tpu.memory_space<vmem_shared>>
        tpu.enqueue_indirect_dma source(%arg9 : memref<125x128xf32, #tpu.memory_space<vmem>>) target(%dma_start3A_546 : memref<10240x128xf32, #tpu.memory_space<vmem_shared>>) offsets(%dma_start3A_543 : memref<125xi32, #tpu.memory_space<vmem>>) semaphore(%run_scoped3A : memref<!tpu.dma_semaphore, #tpu.memory_space<semaphore_mem>>) {add = true}
        %dma_wait3A_547 = arith.constant 0 : i32
        %dma_wait3A_548 = tpu.memref_slice %arg7[%add3A_305, %dma_wait3A_547] : memref<32x125xi32, #tpu.memory_space<vmem>> -> memref<1x125xi32, #tpu.memory_space<vmem>>
        %dma_wait3A_549 = tpu.memref_squeeze %dma_wait3A_548 : memref<1x125xi32, #tpu.memory_space<vmem>> -> memref<125xi32, #tpu.memory_space<vmem>>
        %dma_wait3A_550 = arith.constant 0 : i32
        %dma_wait3A_551 = arith.constant 0 : i32
        %dma_wait3A_552 = tpu.memref_slice %arg10[%dma_wait3A_550, %dma_wait3A_551] : memref<10240x128xf32, #tpu.memory_space<vmem_shared>> -> memref<10240x128xf32, #tpu.memory_space<vmem_shared>>
        tpu.wait_indirect_dma semaphore(%run_scoped3A : memref<!tpu.dma_semaphore, #tpu.memory_space<semaphore_mem>>) src(%arg9 : memref<125x128xf32, #tpu.memory_space<vmem>>) dst(%dma_wait3A_552 : memref<10240x128xf32, #tpu.memory_space<vmem_shared>>)
        tpu.yield
      }) : () -> ()
      %add3A_306 = arith.constant 8 : i32
      %add3A_307 = arith.addi %mul3A_41, %add3A_306 : i32
      %add3A_308 = arith.constant 1 : i32
      %add3A_309 = arith.addi %add3A_307, %add3A_308 : i32
      %dma_start3A_310 = arith.constant 0 : i32
      %dma_start3A_311 = tpu.memref_slice %arg6[%add3A_309, %dma_start3A_310] : memref<80x125xi32, #tpu.memory_space<vmem>> -> memref<1x125xi32, #tpu.memory_space<vmem>>
      %dma_start3A_312 = tpu.memref_squeeze %dma_start3A_311 : memref<1x125xi32, #tpu.memory_space<vmem>> -> memref<125xi32, #tpu.memory_space<vmem>>
      %dma_start3A_313 = arith.constant 0 : i32
      %dma_start3A_314 = arith.constant 0 : i32
      %dma_start3A_315 = tpu.memref_slice %arg2[%arg0, %dma_start3A_313, %dma_start3A_314] : memref<2x10240x128xf32, #tpu.memory_space<hbm>> -> memref<1x10240x128xf32, #tpu.memory_space<hbm>>
      %dma_start3A_316 = tpu.memref_squeeze %dma_start3A_315 : memref<1x10240x128xf32, #tpu.memory_space<hbm>> -> memref<10240x128xf32, #tpu.memory_space<hbm>>
      %dma_start3A_317 = arith.constant 0 : i32
      %dma_start3A_318 = arith.constant 0 : i32
      %dma_start3A_319 = tpu.memref_slice %dma_start3A_316[%dma_start3A_317, %dma_start3A_318] : memref<10240x128xf32, #tpu.memory_space<hbm>> -> memref<10240x128xf32, #tpu.memory_space<hbm>>
      tpu.enqueue_indirect_dma source(%dma_start3A_319 : memref<10240x128xf32, #tpu.memory_space<hbm>>) target(%arg9 : memref<125x128xf32, #tpu.memory_space<vmem>>) offsets(%dma_start3A_312 : memref<125xi32, #tpu.memory_space<vmem>>) semaphore(%arg12 : memref<!tpu.dma_semaphore, #tpu.memory_space<semaphore_mem>>)
      %dma_wait3A_320 = arith.constant 0 : i32
      %dma_wait3A_321 = tpu.memref_slice %arg6[%add3A_307, %dma_wait3A_320] : memref<80x125xi32, #tpu.memory_space<vmem>> -> memref<1x125xi32, #tpu.memory_space<vmem>>
      %dma_wait3A_322 = tpu.memref_squeeze %dma_wait3A_321 : memref<1x125xi32, #tpu.memory_space<vmem>> -> memref<125xi32, #tpu.memory_space<vmem>>
      %dma_wait3A_323 = arith.constant 0 : i32
      %dma_wait3A_324 = arith.constant 0 : i32
      %dma_wait3A_325 = tpu.memref_slice %arg2[%arg0, %dma_wait3A_323, %dma_wait3A_324] : memref<2x10240x128xf32, #tpu.memory_space<hbm>> -> memref<1x10240x128xf32, #tpu.memory_space<hbm>>
      %dma_wait3A_326 = tpu.memref_squeeze %dma_wait3A_325 : memref<1x10240x128xf32, #tpu.memory_space<hbm>> -> memref<10240x128xf32, #tpu.memory_space<hbm>>
      %dma_wait3A_327 = arith.constant 0 : i32
      %dma_wait3A_328 = arith.constant 0 : i32
      %dma_wait3A_329 = tpu.memref_slice %dma_wait3A_326[%dma_wait3A_327, %dma_wait3A_328] : memref<10240x128xf32, #tpu.memory_space<hbm>> -> memref<10240x128xf32, #tpu.memory_space<hbm>>
      tpu.wait_indirect_dma semaphore(%arg11 : memref<!tpu.dma_semaphore, #tpu.memory_space<semaphore_mem>>) src(%dma_wait3A_329 : memref<10240x128xf32, #tpu.memory_space<hbm>>) dst(%arg8 : memref<125x128xf32, #tpu.memory_space<vmem>>)
      %rem3A_330 = arith.constant 2 : i32
      %rem3A_331 = arith.remsi %scan3A_39, %rem3A_330 : i32
      %mul3A_332 = arith.constant 16 : i32
      %mul3A_333 = arith.muli %rem3A_331, %mul3A_332 : i32
      %add3A_334 = arith.constant 8 : i32
      %add3A_335 = arith.addi %mul3A_333, %add3A_334 : i32
      "tpu.region"() ({
        %run_scoped3A = tpu.sem_alloc : memref<!tpu.dma_semaphore, #tpu.memory_space<semaphore_mem>>
        %dma_start3A_541 = arith.constant 0 : i32
        %dma_start3A_542 = tpu.memref_slice %arg7[%add3A_335, %dma_start3A_541] : memref<32x125xi32, #tpu.memory_space<vmem>> -> memref<1x125xi32, #tpu.memory_space<vmem>>
        %dma_start3A_543 = tpu.memref_squeeze %dma_start3A_542 : memref<1x125xi32, #tpu.memory_space<vmem>> -> memref<125xi32, #tpu.memory_space<vmem>>
        %dma_start3A_544 = arith.constant 0 : i32
        %dma_start3A_545 = arith.constant 0 : i32
        %dma_start3A_546 = tpu.memref_slice %arg10[%dma_start3A_544, %dma_start3A_545] : memref<10240x128xf32, #tpu.memory_space<vmem_shared>> -> memref<10240x128xf32, #tpu.memory_space<vmem_shared>>
        tpu.enqueue_indirect_dma source(%arg8 : memref<125x128xf32, #tpu.memory_space<vmem>>) target(%dma_start3A_546 : memref<10240x128xf32, #tpu.memory_space<vmem_shared>>) offsets(%dma_start3A_543 : memref<125xi32, #tpu.memory_space<vmem>>) semaphore(%run_scoped3A : memref<!tpu.dma_semaphore, #tpu.memory_space<semaphore_mem>>) {add = true}
        %dma_wait3A_547 = arith.constant 0 : i32
        %dma_wait3A_548 = tpu.memref_slice %arg7[%add3A_335, %dma_wait3A_547] : memref<32x125xi32, #tpu.memory_space<vmem>> -> memref<1x125xi32, #tpu.memory_space<vmem>>
        %dma_wait3A_549 = tpu.memref_squeeze %dma_wait3A_548 : memref<1x125xi32, #tpu.memory_space<vmem>> -> memref<125xi32, #tpu.memory_space<vmem>>
        %dma_wait3A_550 = arith.constant 0 : i32
        %dma_wait3A_551 = arith.constant 0 : i32
        %dma_wait3A_552 = tpu.memref_slice %arg10[%dma_wait3A_550, %dma_wait3A_551] : memref<10240x128xf32, #tpu.memory_space<vmem_shared>> -> memref<10240x128xf32, #tpu.memory_space<vmem_shared>>
        tpu.wait_indirect_dma semaphore(%run_scoped3A : memref<!tpu.dma_semaphore, #tpu.memory_space<semaphore_mem>>) src(%arg8 : memref<125x128xf32, #tpu.memory_space<vmem>>) dst(%dma_wait3A_552 : memref<10240x128xf32, #tpu.memory_space<vmem_shared>>)
        tpu.yield
      }) : () -> ()
      %add3A_336 = arith.constant 9 : i32
      %add3A_337 = arith.addi %mul3A_41, %add3A_336 : i32
      %add3A_338 = arith.constant 1 : i32
      %add3A_339 = arith.addi %add3A_337, %add3A_338 : i32
      %dma_start3A_340 = arith.constant 0 : i32
      %dma_start3A_341 = tpu.memref_slice %arg6[%add3A_339, %dma_start3A_340] : memref<80x125xi32, #tpu.memory_space<vmem>> -> memref<1x125xi32, #tpu.memory_space<vmem>>
      %dma_start3A_342 = tpu.memref_squeeze %dma_start3A_341 : memref<1x125xi32, #tpu.memory_space<vmem>> -> memref<125xi32, #tpu.memory_space<vmem>>
      %dma_start3A_343 = arith.constant 0 : i32
      %dma_start3A_344 = arith.constant 0 : i32
      %dma_start3A_345 = tpu.memref_slice %arg2[%arg0, %dma_start3A_343, %dma_start3A_344] : memref<2x10240x128xf32, #tpu.memory_space<hbm>> -> memref<1x10240x128xf32, #tpu.memory_space<hbm>>
      %dma_start3A_346 = tpu.memref_squeeze %dma_start3A_345 : memref<1x10240x128xf32, #tpu.memory_space<hbm>> -> memref<10240x128xf32, #tpu.memory_space<hbm>>
      %dma_start3A_347 = arith.constant 0 : i32
      %dma_start3A_348 = arith.constant 0 : i32
      %dma_start3A_349 = tpu.memref_slice %dma_start3A_346[%dma_start3A_347, %dma_start3A_348] : memref<10240x128xf32, #tpu.memory_space<hbm>> -> memref<10240x128xf32, #tpu.memory_space<hbm>>
      tpu.enqueue_indirect_dma source(%dma_start3A_349 : memref<10240x128xf32, #tpu.memory_space<hbm>>) target(%arg8 : memref<125x128xf32, #tpu.memory_space<vmem>>) offsets(%dma_start3A_342 : memref<125xi32, #tpu.memory_space<vmem>>) semaphore(%arg11 : memref<!tpu.dma_semaphore, #tpu.memory_space<semaphore_mem>>)
      %dma_wait3A_350 = arith.constant 0 : i32
      %dma_wait3A_351 = tpu.memref_slice %arg6[%add3A_337, %dma_wait3A_350] : memref<80x125xi32, #tpu.memory_space<vmem>> -> memref<1x125xi32, #tpu.memory_space<vmem>>
      %dma_wait3A_352 = tpu.memref_squeeze %dma_wait3A_351 : memref<1x125xi32, #tpu.memory_space<vmem>> -> memref<125xi32, #tpu.memory_space<vmem>>
      %dma_wait3A_353 = arith.constant 0 : i32
      %dma_wait3A_354 = arith.constant 0 : i32
      %dma_wait3A_355 = tpu.memref_slice %arg2[%arg0, %dma_wait3A_353, %dma_wait3A_354] : memref<2x10240x128xf32, #tpu.memory_space<hbm>> -> memref<1x10240x128xf32, #tpu.memory_space<hbm>>
      %dma_wait3A_356 = tpu.memref_squeeze %dma_wait3A_355 : memref<1x10240x128xf32, #tpu.memory_space<hbm>> -> memref<10240x128xf32, #tpu.memory_space<hbm>>
      %dma_wait3A_357 = arith.constant 0 : i32
      %dma_wait3A_358 = arith.constant 0 : i32
      %dma_wait3A_359 = tpu.memref_slice %dma_wait3A_356[%dma_wait3A_357, %dma_wait3A_358] : memref<10240x128xf32, #tpu.memory_space<hbm>> -> memref<10240x128xf32, #tpu.memory_space<hbm>>
      tpu.wait_indirect_dma semaphore(%arg12 : memref<!tpu.dma_semaphore, #tpu.memory_space<semaphore_mem>>) src(%dma_wait3A_359 : memref<10240x128xf32, #tpu.memory_space<hbm>>) dst(%arg9 : memref<125x128xf32, #tpu.memory_space<vmem>>)
      %rem3A_360 = arith.constant 2 : i32
      %rem3A_361 = arith.remsi %scan3A_39, %rem3A_360 : i32
      %mul3A_362 = arith.constant 16 : i32
      %mul3A_363 = arith.muli %rem3A_361, %mul3A_362 : i32
      %add3A_364 = arith.constant 9 : i32
      %add3A_365 = arith.addi %mul3A_363, %add3A_364 : i32
      "tpu.region"() ({
        %run_scoped3A = tpu.sem_alloc : memref<!tpu.dma_semaphore, #tpu.memory_space<semaphore_mem>>
        %dma_start3A_541 = arith.constant 0 : i32
        %dma_start3A_542 = tpu.memref_slice %arg7[%add3A_365, %dma_start3A_541] : memref<32x125xi32, #tpu.memory_space<vmem>> -> memref<1x125xi32, #tpu.memory_space<vmem>>
        %dma_start3A_543 = tpu.memref_squeeze %dma_start3A_542 : memref<1x125xi32, #tpu.memory_space<vmem>> -> memref<125xi32, #tpu.memory_space<vmem>>
        %dma_start3A_544 = arith.constant 0 : i32
        %dma_start3A_545 = arith.constant 0 : i32
        %dma_start3A_546 = tpu.memref_slice %arg10[%dma_start3A_544, %dma_start3A_545] : memref<10240x128xf32, #tpu.memory_space<vmem_shared>> -> memref<10240x128xf32, #tpu.memory_space<vmem_shared>>
        tpu.enqueue_indirect_dma source(%arg9 : memref<125x128xf32, #tpu.memory_space<vmem>>) target(%dma_start3A_546 : memref<10240x128xf32, #tpu.memory_space<vmem_shared>>) offsets(%dma_start3A_543 : memref<125xi32, #tpu.memory_space<vmem>>) semaphore(%run_scoped3A : memref<!tpu.dma_semaphore, #tpu.memory_space<semaphore_mem>>) {add = true}
        %dma_wait3A_547 = arith.constant 0 : i32
        %dma_wait3A_548 = tpu.memref_slice %arg7[%add3A_365, %dma_wait3A_547] : memref<32x125xi32, #tpu.memory_space<vmem>> -> memref<1x125xi32, #tpu.memory_space<vmem>>
        %dma_wait3A_549 = tpu.memref_squeeze %dma_wait3A_548 : memref<1x125xi32, #tpu.memory_space<vmem>> -> memref<125xi32, #tpu.memory_space<vmem>>
        %dma_wait3A_550 = arith.constant 0 : i32
        %dma_wait3A_551 = arith.constant 0 : i32
        %dma_wait3A_552 = tpu.memref_slice %arg10[%dma_wait3A_550, %dma_wait3A_551] : memref<10240x128xf32, #tpu.memory_space<vmem_shared>> -> memref<10240x128xf32, #tpu.memory_space<vmem_shared>>
        tpu.wait_indirect_dma semaphore(%run_scoped3A : memref<!tpu.dma_semaphore, #tpu.memory_space<semaphore_mem>>) src(%arg9 : memref<125x128xf32, #tpu.memory_space<vmem>>) dst(%dma_wait3A_552 : memref<10240x128xf32, #tpu.memory_space<vmem_shared>>)
        tpu.yield
      }) : () -> ()
      %add3A_366 = arith.constant 10 : i32
      %add3A_367 = arith.addi %mul3A_41, %add3A_366 : i32
      %add3A_368 = arith.constant 1 : i32
      %add3A_369 = arith.addi %add3A_367, %add3A_368 : i32
      %dma_start3A_370 = arith.constant 0 : i32
      %dma_start3A_371 = tpu.memref_slice %arg6[%add3A_369, %dma_start3A_370] : memref<80x125xi32, #tpu.memory_space<vmem>> -> memref<1x125xi32, #tpu.memory_space<vmem>>
      %dma_start3A_372 = tpu.memref_squeeze %dma_start3A_371 : memref<1x125xi32, #tpu.memory_space<vmem>> -> memref<125xi32, #tpu.memory_space<vmem>>
      %dma_start3A_373 = arith.constant 0 : i32
      %dma_start3A_374 = arith.constant 0 : i32
      %dma_start3A_375 = tpu.memref_slice %arg2[%arg0, %dma_start3A_373, %dma_start3A_374] : memref<2x10240x128xf32, #tpu.memory_space<hbm>> -> memref<1x10240x128xf32, #tpu.memory_space<hbm>>
      %dma_start3A_376 = tpu.memref_squeeze %dma_start3A_375 : memref<1x10240x128xf32, #tpu.memory_space<hbm>> -> memref<10240x128xf32, #tpu.memory_space<hbm>>
      %dma_start3A_377 = arith.constant 0 : i32
      %dma_start3A_378 = arith.constant 0 : i32
      %dma_start3A_379 = tpu.memref_slice %dma_start3A_376[%dma_start3A_377, %dma_start3A_378] : memref<10240x128xf32, #tpu.memory_space<hbm>> -> memref<10240x128xf32, #tpu.memory_space<hbm>>
      tpu.enqueue_indirect_dma source(%dma_start3A_379 : memref<10240x128xf32, #tpu.memory_space<hbm>>) target(%arg9 : memref<125x128xf32, #tpu.memory_space<vmem>>) offsets(%dma_start3A_372 : memref<125xi32, #tpu.memory_space<vmem>>) semaphore(%arg12 : memref<!tpu.dma_semaphore, #tpu.memory_space<semaphore_mem>>)
      %dma_wait3A_380 = arith.constant 0 : i32
      %dma_wait3A_381 = tpu.memref_slice %arg6[%add3A_367, %dma_wait3A_380] : memref<80x125xi32, #tpu.memory_space<vmem>> -> memref<1x125xi32, #tpu.memory_space<vmem>>
      %dma_wait3A_382 = tpu.memref_squeeze %dma_wait3A_381 : memref<1x125xi32, #tpu.memory_space<vmem>> -> memref<125xi32, #tpu.memory_space<vmem>>
      %dma_wait3A_383 = arith.constant 0 : i32
      %dma_wait3A_384 = arith.constant 0 : i32
      %dma_wait3A_385 = tpu.memref_slice %arg2[%arg0, %dma_wait3A_383, %dma_wait3A_384] : memref<2x10240x128xf32, #tpu.memory_space<hbm>> -> memref<1x10240x128xf32, #tpu.memory_space<hbm>>
      %dma_wait3A_386 = tpu.memref_squeeze %dma_wait3A_385 : memref<1x10240x128xf32, #tpu.memory_space<hbm>> -> memref<10240x128xf32, #tpu.memory_space<hbm>>
      %dma_wait3A_387 = arith.constant 0 : i32
      %dma_wait3A_388 = arith.constant 0 : i32
      %dma_wait3A_389 = tpu.memref_slice %dma_wait3A_386[%dma_wait3A_387, %dma_wait3A_388] : memref<10240x128xf32, #tpu.memory_space<hbm>> -> memref<10240x128xf32, #tpu.memory_space<hbm>>
      tpu.wait_indirect_dma semaphore(%arg11 : memref<!tpu.dma_semaphore, #tpu.memory_space<semaphore_mem>>) src(%dma_wait3A_389 : memref<10240x128xf32, #tpu.memory_space<hbm>>) dst(%arg8 : memref<125x128xf32, #tpu.memory_space<vmem>>)
      %rem3A_390 = arith.constant 2 : i32
      %rem3A_391 = arith.remsi %scan3A_39, %rem3A_390 : i32
      %mul3A_392 = arith.constant 16 : i32
      %mul3A_393 = arith.muli %rem3A_391, %mul3A_392 : i32
      %add3A_394 = arith.constant 10 : i32
      %add3A_395 = arith.addi %mul3A_393, %add3A_394 : i32
      "tpu.region"() ({
        %run_scoped3A = tpu.sem_alloc : memref<!tpu.dma_semaphore, #tpu.memory_space<semaphore_mem>>
        %dma_start3A_541 = arith.constant 0 : i32
        %dma_start3A_542 = tpu.memref_slice %arg7[%add3A_395, %dma_start3A_541] : memref<32x125xi32, #tpu.memory_space<vmem>> -> memref<1x125xi32, #tpu.memory_space<vmem>>
        %dma_start3A_543 = tpu.memref_squeeze %dma_start3A_542 : memref<1x125xi32, #tpu.memory_space<vmem>> -> memref<125xi32, #tpu.memory_space<vmem>>
        %dma_start3A_544 = arith.constant 0 : i32
        %dma_start3A_545 = arith.constant 0 : i32
        %dma_start3A_546 = tpu.memref_slice %arg10[%dma_start3A_544, %dma_start3A_545] : memref<10240x128xf32, #tpu.memory_space<vmem_shared>> -> memref<10240x128xf32, #tpu.memory_space<vmem_shared>>
        tpu.enqueue_indirect_dma source(%arg8 : memref<125x128xf32, #tpu.memory_space<vmem>>) target(%dma_start3A_546 : memref<10240x128xf32, #tpu.memory_space<vmem_shared>>) offsets(%dma_start3A_543 : memref<125xi32, #tpu.memory_space<vmem>>) semaphore(%run_scoped3A : memref<!tpu.dma_semaphore, #tpu.memory_space<semaphore_mem>>) {add = true}
        %dma_wait3A_547 = arith.constant 0 : i32
        %dma_wait3A_548 = tpu.memref_slice %arg7[%add3A_395, %dma_wait3A_547] : memref<32x125xi32, #tpu.memory_space<vmem>> -> memref<1x125xi32, #tpu.memory_space<vmem>>
        %dma_wait3A_549 = tpu.memref_squeeze %dma_wait3A_548 : memref<1x125xi32, #tpu.memory_space<vmem>> -> memref<125xi32, #tpu.memory_space<vmem>>
        %dma_wait3A_550 = arith.constant 0 : i32
        %dma_wait3A_551 = arith.constant 0 : i32
        %dma_wait3A_552 = tpu.memref_slice %arg10[%dma_wait3A_550, %dma_wait3A_551] : memref<10240x128xf32, #tpu.memory_space<vmem_shared>> -> memref<10240x128xf32, #tpu.memory_space<vmem_shared>>
        tpu.wait_indirect_dma semaphore(%run_scoped3A : memref<!tpu.dma_semaphore, #tpu.memory_space<semaphore_mem>>) src(%arg8 : memref<125x128xf32, #tpu.memory_space<vmem>>) dst(%dma_wait3A_552 : memref<10240x128xf32, #tpu.memory_space<vmem_shared>>)
        tpu.yield
      }) : () -> ()
      %add3A_396 = arith.constant 11 : i32
      %add3A_397 = arith.addi %mul3A_41, %add3A_396 : i32
      %add3A_398 = arith.constant 1 : i32
      %add3A_399 = arith.addi %add3A_397, %add3A_398 : i32
      %dma_start3A_400 = arith.constant 0 : i32
      %dma_start3A_401 = tpu.memref_slice %arg6[%add3A_399, %dma_start3A_400] : memref<80x125xi32, #tpu.memory_space<vmem>> -> memref<1x125xi32, #tpu.memory_space<vmem>>
      %dma_start3A_402 = tpu.memref_squeeze %dma_start3A_401 : memref<1x125xi32, #tpu.memory_space<vmem>> -> memref<125xi32, #tpu.memory_space<vmem>>
      %dma_start3A_403 = arith.constant 0 : i32
      %dma_start3A_404 = arith.constant 0 : i32
      %dma_start3A_405 = tpu.memref_slice %arg2[%arg0, %dma_start3A_403, %dma_start3A_404] : memref<2x10240x128xf32, #tpu.memory_space<hbm>> -> memref<1x10240x128xf32, #tpu.memory_space<hbm>>
      %dma_start3A_406 = tpu.memref_squeeze %dma_start3A_405 : memref<1x10240x128xf32, #tpu.memory_space<hbm>> -> memref<10240x128xf32, #tpu.memory_space<hbm>>
      %dma_start3A_407 = arith.constant 0 : i32
      %dma_start3A_408 = arith.constant 0 : i32
      %dma_start3A_409 = tpu.memref_slice %dma_start3A_406[%dma_start3A_407, %dma_start3A_408] : memref<10240x128xf32, #tpu.memory_space<hbm>> -> memref<10240x128xf32, #tpu.memory_space<hbm>>
      tpu.enqueue_indirect_dma source(%dma_start3A_409 : memref<10240x128xf32, #tpu.memory_space<hbm>>) target(%arg8 : memref<125x128xf32, #tpu.memory_space<vmem>>) offsets(%dma_start3A_402 : memref<125xi32, #tpu.memory_space<vmem>>) semaphore(%arg11 : memref<!tpu.dma_semaphore, #tpu.memory_space<semaphore_mem>>)
      %dma_wait3A_410 = arith.constant 0 : i32
      %dma_wait3A_411 = tpu.memref_slice %arg6[%add3A_397, %dma_wait3A_410] : memref<80x125xi32, #tpu.memory_space<vmem>> -> memref<1x125xi32, #tpu.memory_space<vmem>>
      %dma_wait3A_412 = tpu.memref_squeeze %dma_wait3A_411 : memref<1x125xi32, #tpu.memory_space<vmem>> -> memref<125xi32, #tpu.memory_space<vmem>>
      %dma_wait3A_413 = arith.constant 0 : i32
      %dma_wait3A_414 = arith.constant 0 : i32
      %dma_wait3A_415 = tpu.memref_slice %arg2[%arg0, %dma_wait3A_413, %dma_wait3A_414] : memref<2x10240x128xf32, #tpu.memory_space<hbm>> -> memref<1x10240x128xf32, #tpu.memory_space<hbm>>
      %dma_wait3A_416 = tpu.memref_squeeze %dma_wait3A_415 : memref<1x10240x128xf32, #tpu.memory_space<hbm>> -> memref<10240x128xf32, #tpu.memory_space<hbm>>
      %dma_wait3A_417 = arith.constant 0 : i32
      %dma_wait3A_418 = arith.constant 0 : i32
      %dma_wait3A_419 = tpu.memref_slice %dma_wait3A_416[%dma_wait3A_417, %dma_wait3A_418] : memref<10240x128xf32, #tpu.memory_space<hbm>> -> memref<10240x128xf32, #tpu.memory_space<hbm>>
      tpu.wait_indirect_dma semaphore(%arg12 : memref<!tpu.dma_semaphore, #tpu.memory_space<semaphore_mem>>) src(%dma_wait3A_419 : memref<10240x128xf32, #tpu.memory_space<hbm>>) dst(%arg9 : memref<125x128xf32, #tpu.memory_space<vmem>>)
      %rem3A_420 = arith.constant 2 : i32
      %rem3A_421 = arith.remsi %scan3A_39, %rem3A_420 : i32
      %mul3A_422 = arith.constant 16 : i32
      %mul3A_423 = arith.muli %rem3A_421, %mul3A_422 : i32
      %add3A_424 = arith.constant 11 : i32
      %add3A_425 = arith.addi %mul3A_423, %add3A_424 : i32
      "tpu.region"() ({
        %run_scoped3A = tpu.sem_alloc : memref<!tpu.dma_semaphore, #tpu.memory_space<semaphore_mem>>
        %dma_start3A_541 = arith.constant 0 : i32
        %dma_start3A_542 = tpu.memref_slice %arg7[%add3A_425, %dma_start3A_541] : memref<32x125xi32, #tpu.memory_space<vmem>> -> memref<1x125xi32, #tpu.memory_space<vmem>>
        %dma_start3A_543 = tpu.memref_squeeze %dma_start3A_542 : memref<1x125xi32, #tpu.memory_space<vmem>> -> memref<125xi32, #tpu.memory_space<vmem>>
        %dma_start3A_544 = arith.constant 0 : i32
        %dma_start3A_545 = arith.constant 0 : i32
        %dma_start3A_546 = tpu.memref_slice %arg10[%dma_start3A_544, %dma_start3A_545] : memref<10240x128xf32, #tpu.memory_space<vmem_shared>> -> memref<10240x128xf32, #tpu.memory_space<vmem_shared>>
        tpu.enqueue_indirect_dma source(%arg9 : memref<125x128xf32, #tpu.memory_space<vmem>>) target(%dma_start3A_546 : memref<10240x128xf32, #tpu.memory_space<vmem_shared>>) offsets(%dma_start3A_543 : memref<125xi32, #tpu.memory_space<vmem>>) semaphore(%run_scoped3A : memref<!tpu.dma_semaphore, #tpu.memory_space<semaphore_mem>>) {add = true}
        %dma_wait3A_547 = arith.constant 0 : i32
        %dma_wait3A_548 = tpu.memref_slice %arg7[%add3A_425, %dma_wait3A_547] : memref<32x125xi32, #tpu.memory_space<vmem>> -> memref<1x125xi32, #tpu.memory_space<vmem>>
        %dma_wait3A_549 = tpu.memref_squeeze %dma_wait3A_548 : memref<1x125xi32, #tpu.memory_space<vmem>> -> memref<125xi32, #tpu.memory_space<vmem>>
        %dma_wait3A_550 = arith.constant 0 : i32
        %dma_wait3A_551 = arith.constant 0 : i32
        %dma_wait3A_552 = tpu.memref_slice %arg10[%dma_wait3A_550, %dma_wait3A_551] : memref<10240x128xf32, #tpu.memory_space<vmem_shared>> -> memref<10240x128xf32, #tpu.memory_space<vmem_shared>>
        tpu.wait_indirect_dma semaphore(%run_scoped3A : memref<!tpu.dma_semaphore, #tpu.memory_space<semaphore_mem>>) src(%arg9 : memref<125x128xf32, #tpu.memory_space<vmem>>) dst(%dma_wait3A_552 : memref<10240x128xf32, #tpu.memory_space<vmem_shared>>)
        tpu.yield
      }) : () -> ()
      %add3A_426 = arith.constant 12 : i32
      %add3A_427 = arith.addi %mul3A_41, %add3A_426 : i32
      %add3A_428 = arith.constant 1 : i32
      %add3A_429 = arith.addi %add3A_427, %add3A_428 : i32
      %dma_start3A_430 = arith.constant 0 : i32
      %dma_start3A_431 = tpu.memref_slice %arg6[%add3A_429, %dma_start3A_430] : memref<80x125xi32, #tpu.memory_space<vmem>> -> memref<1x125xi32, #tpu.memory_space<vmem>>
      %dma_start3A_432 = tpu.memref_squeeze %dma_start3A_431 : memref<1x125xi32, #tpu.memory_space<vmem>> -> memref<125xi32, #tpu.memory_space<vmem>>
      %dma_start3A_433 = arith.constant 0 : i32
      %dma_start3A_434 = arith.constant 0 : i32
      %dma_start3A_435 = tpu.memref_slice %arg2[%arg0, %dma_start3A_433, %dma_start3A_434] : memref<2x10240x128xf32, #tpu.memory_space<hbm>> -> memref<1x10240x128xf32, #tpu.memory_space<hbm>>
      %dma_start3A_436 = tpu.memref_squeeze %dma_start3A_435 : memref<1x10240x128xf32, #tpu.memory_space<hbm>> -> memref<10240x128xf32, #tpu.memory_space<hbm>>
      %dma_start3A_437 = arith.constant 0 : i32
      %dma_start3A_438 = arith.constant 0 : i32
      %dma_start3A_439 = tpu.memref_slice %dma_start3A_436[%dma_start3A_437, %dma_start3A_438] : memref<10240x128xf32, #tpu.memory_space<hbm>> -> memref<10240x128xf32, #tpu.memory_space<hbm>>
      tpu.enqueue_indirect_dma source(%dma_start3A_439 : memref<10240x128xf32, #tpu.memory_space<hbm>>) target(%arg9 : memref<125x128xf32, #tpu.memory_space<vmem>>) offsets(%dma_start3A_432 : memref<125xi32, #tpu.memory_space<vmem>>) semaphore(%arg12 : memref<!tpu.dma_semaphore, #tpu.memory_space<semaphore_mem>>)
      %dma_wait3A_440 = arith.constant 0 : i32
      %dma_wait3A_441 = tpu.memref_slice %arg6[%add3A_427, %dma_wait3A_440] : memref<80x125xi32, #tpu.memory_space<vmem>> -> memref<1x125xi32, #tpu.memory_space<vmem>>
      %dma_wait3A_442 = tpu.memref_squeeze %dma_wait3A_441 : memref<1x125xi32, #tpu.memory_space<vmem>> -> memref<125xi32, #tpu.memory_space<vmem>>
      %dma_wait3A_443 = arith.constant 0 : i32
      %dma_wait3A_444 = arith.constant 0 : i32
      %dma_wait3A_445 = tpu.memref_slice %arg2[%arg0, %dma_wait3A_443, %dma_wait3A_444] : memref<2x10240x128xf32, #tpu.memory_space<hbm>> -> memref<1x10240x128xf32, #tpu.memory_space<hbm>>
      %dma_wait3A_446 = tpu.memref_squeeze %dma_wait3A_445 : memref<1x10240x128xf32, #tpu.memory_space<hbm>> -> memref<10240x128xf32, #tpu.memory_space<hbm>>
      %dma_wait3A_447 = arith.constant 0 : i32
      %dma_wait3A_448 = arith.constant 0 : i32
      %dma_wait3A_449 = tpu.memref_slice %dma_wait3A_446[%dma_wait3A_447, %dma_wait3A_448] : memref<10240x128xf32, #tpu.memory_space<hbm>> -> memref<10240x128xf32, #tpu.memory_space<hbm>>
      tpu.wait_indirect_dma semaphore(%arg11 : memref<!tpu.dma_semaphore, #tpu.memory_space<semaphore_mem>>) src(%dma_wait3A_449 : memref<10240x128xf32, #tpu.memory_space<hbm>>) dst(%arg8 : memref<125x128xf32, #tpu.memory_space<vmem>>)
      %rem3A_450 = arith.constant 2 : i32
      %rem3A_451 = arith.remsi %scan3A_39, %rem3A_450 : i32
      %mul3A_452 = arith.constant 16 : i32
      %mul3A_453 = arith.muli %rem3A_451, %mul3A_452 : i32
      %add3A_454 = arith.constant 12 : i32
      %add3A_455 = arith.addi %mul3A_453, %add3A_454 : i32
      "tpu.region"() ({
        %run_scoped3A = tpu.sem_alloc : memref<!tpu.dma_semaphore, #tpu.memory_space<semaphore_mem>>
        %dma_start3A_541 = arith.constant 0 : i32
        %dma_start3A_542 = tpu.memref_slice %arg7[%add3A_455, %dma_start3A_541] : memref<32x125xi32, #tpu.memory_space<vmem>> -> memref<1x125xi32, #tpu.memory_space<vmem>>
        %dma_start3A_543 = tpu.memref_squeeze %dma_start3A_542 : memref<1x125xi32, #tpu.memory_space<vmem>> -> memref<125xi32, #tpu.memory_space<vmem>>
        %dma_start3A_544 = arith.constant 0 : i32
        %dma_start3A_545 = arith.constant 0 : i32
        %dma_start3A_546 = tpu.memref_slice %arg10[%dma_start3A_544, %dma_start3A_545] : memref<10240x128xf32, #tpu.memory_space<vmem_shared>> -> memref<10240x128xf32, #tpu.memory_space<vmem_shared>>
        tpu.enqueue_indirect_dma source(%arg8 : memref<125x128xf32, #tpu.memory_space<vmem>>) target(%dma_start3A_546 : memref<10240x128xf32, #tpu.memory_space<vmem_shared>>) offsets(%dma_start3A_543 : memref<125xi32, #tpu.memory_space<vmem>>) semaphore(%run_scoped3A : memref<!tpu.dma_semaphore, #tpu.memory_space<semaphore_mem>>) {add = true}
        %dma_wait3A_547 = arith.constant 0 : i32
        %dma_wait3A_548 = tpu.memref_slice %arg7[%add3A_455, %dma_wait3A_547] : memref<32x125xi32, #tpu.memory_space<vmem>> -> memref<1x125xi32, #tpu.memory_space<vmem>>
        %dma_wait3A_549 = tpu.memref_squeeze %dma_wait3A_548 : memref<1x125xi32, #tpu.memory_space<vmem>> -> memref<125xi32, #tpu.memory_space<vmem>>
        %dma_wait3A_550 = arith.constant 0 : i32
        %dma_wait3A_551 = arith.constant 0 : i32
        %dma_wait3A_552 = tpu.memref_slice %arg10[%dma_wait3A_550, %dma_wait3A_551] : memref<10240x128xf32, #tpu.memory_space<vmem_shared>> -> memref<10240x128xf32, #tpu.memory_space<vmem_shared>>
        tpu.wait_indirect_dma semaphore(%run_scoped3A : memref<!tpu.dma_semaphore, #tpu.memory_space<semaphore_mem>>) src(%arg8 : memref<125x128xf32, #tpu.memory_space<vmem>>) dst(%dma_wait3A_552 : memref<10240x128xf32, #tpu.memory_space<vmem_shared>>)
        tpu.yield
      }) : () -> ()
      %add3A_456 = arith.constant 13 : i32
      %add3A_457 = arith.addi %mul3A_41, %add3A_456 : i32
      %add3A_458 = arith.constant 1 : i32
      %add3A_459 = arith.addi %add3A_457, %add3A_458 : i32
      %dma_start3A_460 = arith.constant 0 : i32
      %dma_start3A_461 = tpu.memref_slice %arg6[%add3A_459, %dma_start3A_460] : memref<80x125xi32, #tpu.memory_space<vmem>> -> memref<1x125xi32, #tpu.memory_space<vmem>>
      %dma_start3A_462 = tpu.memref_squeeze %dma_start3A_461 : memref<1x125xi32, #tpu.memory_space<vmem>> -> memref<125xi32, #tpu.memory_space<vmem>>
      %dma_start3A_463 = arith.constant 0 : i32
      %dma_start3A_464 = arith.constant 0 : i32
      %dma_start3A_465 = tpu.memref_slice %arg2[%arg0, %dma_start3A_463, %dma_start3A_464] : memref<2x10240x128xf32, #tpu.memory_space<hbm>> -> memref<1x10240x128xf32, #tpu.memory_space<hbm>>
      %dma_start3A_466 = tpu.memref_squeeze %dma_start3A_465 : memref<1x10240x128xf32, #tpu.memory_space<hbm>> -> memref<10240x128xf32, #tpu.memory_space<hbm>>
      %dma_start3A_467 = arith.constant 0 : i32
      %dma_start3A_468 = arith.constant 0 : i32
      %dma_start3A_469 = tpu.memref_slice %dma_start3A_466[%dma_start3A_467, %dma_start3A_468] : memref<10240x128xf32, #tpu.memory_space<hbm>> -> memref<10240x128xf32, #tpu.memory_space<hbm>>
      tpu.enqueue_indirect_dma source(%dma_start3A_469 : memref<10240x128xf32, #tpu.memory_space<hbm>>) target(%arg8 : memref<125x128xf32, #tpu.memory_space<vmem>>) offsets(%dma_start3A_462 : memref<125xi32, #tpu.memory_space<vmem>>) semaphore(%arg11 : memref<!tpu.dma_semaphore, #tpu.memory_space<semaphore_mem>>)
      %dma_wait3A_470 = arith.constant 0 : i32
      %dma_wait3A_471 = tpu.memref_slice %arg6[%add3A_457, %dma_wait3A_470] : memref<80x125xi32, #tpu.memory_space<vmem>> -> memref<1x125xi32, #tpu.memory_space<vmem>>
      %dma_wait3A_472 = tpu.memref_squeeze %dma_wait3A_471 : memref<1x125xi32, #tpu.memory_space<vmem>> -> memref<125xi32, #tpu.memory_space<vmem>>
      %dma_wait3A_473 = arith.constant 0 : i32
      %dma_wait3A_474 = arith.constant 0 : i32
      %dma_wait3A_475 = tpu.memref_slice %arg2[%arg0, %dma_wait3A_473, %dma_wait3A_474] : memref<2x10240x128xf32, #tpu.memory_space<hbm>> -> memref<1x10240x128xf32, #tpu.memory_space<hbm>>
      %dma_wait3A_476 = tpu.memref_squeeze %dma_wait3A_475 : memref<1x10240x128xf32, #tpu.memory_space<hbm>> -> memref<10240x128xf32, #tpu.memory_space<hbm>>
      %dma_wait3A_477 = arith.constant 0 : i32
      %dma_wait3A_478 = arith.constant 0 : i32
      %dma_wait3A_479 = tpu.memref_slice %dma_wait3A_476[%dma_wait3A_477, %dma_wait3A_478] : memref<10240x128xf32, #tpu.memory_space<hbm>> -> memref<10240x128xf32, #tpu.memory_space<hbm>>
      tpu.wait_indirect_dma semaphore(%arg12 : memref<!tpu.dma_semaphore, #tpu.memory_space<semaphore_mem>>) src(%dma_wait3A_479 : memref<10240x128xf32, #tpu.memory_space<hbm>>) dst(%arg9 : memref<125x128xf32, #tpu.memory_space<vmem>>)
      %rem3A_480 = arith.constant 2 : i32
      %rem3A_481 = arith.remsi %scan3A_39, %rem3A_480 : i32
      %mul3A_482 = arith.constant 16 : i32
      %mul3A_483 = arith.muli %rem3A_481, %mul3A_482 : i32
      %add3A_484 = arith.constant 13 : i32
      %add3A_485 = arith.addi %mul3A_483, %add3A_484 : i32
      "tpu.region"() ({
        %run_scoped3A = tpu.sem_alloc : memref<!tpu.dma_semaphore, #tpu.memory_space<semaphore_mem>>
        %dma_start3A_541 = arith.constant 0 : i32
        %dma_start3A_542 = tpu.memref_slice %arg7[%add3A_485, %dma_start3A_541] : memref<32x125xi32, #tpu.memory_space<vmem>> -> memref<1x125xi32, #tpu.memory_space<vmem>>
        %dma_start3A_543 = tpu.memref_squeeze %dma_start3A_542 : memref<1x125xi32, #tpu.memory_space<vmem>> -> memref<125xi32, #tpu.memory_space<vmem>>
        %dma_start3A_544 = arith.constant 0 : i32
        %dma_start3A_545 = arith.constant 0 : i32
        %dma_start3A_546 = tpu.memref_slice %arg10[%dma_start3A_544, %dma_start3A_545] : memref<10240x128xf32, #tpu.memory_space<vmem_shared>> -> memref<10240x128xf32, #tpu.memory_space<vmem_shared>>
        tpu.enqueue_indirect_dma source(%arg9 : memref<125x128xf32, #tpu.memory_space<vmem>>) target(%dma_start3A_546 : memref<10240x128xf32, #tpu.memory_space<vmem_shared>>) offsets(%dma_start3A_543 : memref<125xi32, #tpu.memory_space<vmem>>) semaphore(%run_scoped3A : memref<!tpu.dma_semaphore, #tpu.memory_space<semaphore_mem>>) {add = true}
        %dma_wait3A_547 = arith.constant 0 : i32
        %dma_wait3A_548 = tpu.memref_slice %arg7[%add3A_485, %dma_wait3A_547] : memref<32x125xi32, #tpu.memory_space<vmem>> -> memref<1x125xi32, #tpu.memory_space<vmem>>
        %dma_wait3A_549 = tpu.memref_squeeze %dma_wait3A_548 : memref<1x125xi32, #tpu.memory_space<vmem>> -> memref<125xi32, #tpu.memory_space<vmem>>
        %dma_wait3A_550 = arith.constant 0 : i32
        %dma_wait3A_551 = arith.constant 0 : i32
        %dma_wait3A_552 = tpu.memref_slice %arg10[%dma_wait3A_550, %dma_wait3A_551] : memref<10240x128xf32, #tpu.memory_space<vmem_shared>> -> memref<10240x128xf32, #tpu.memory_space<vmem_shared>>
        tpu.wait_indirect_dma semaphore(%run_scoped3A : memref<!tpu.dma_semaphore, #tpu.memory_space<semaphore_mem>>) src(%arg9 : memref<125x128xf32, #tpu.memory_space<vmem>>) dst(%dma_wait3A_552 : memref<10240x128xf32, #tpu.memory_space<vmem_shared>>)
        tpu.yield
      }) : () -> ()
      %add3A_486 = arith.constant 14 : i32
      %add3A_487 = arith.addi %mul3A_41, %add3A_486 : i32
      %add3A_488 = arith.constant 1 : i32
      %add3A_489 = arith.addi %add3A_487, %add3A_488 : i32
      %dma_start3A_490 = arith.constant 0 : i32
      %dma_start3A_491 = tpu.memref_slice %arg6[%add3A_489, %dma_start3A_490] : memref<80x125xi32, #tpu.memory_space<vmem>> -> memref<1x125xi32, #tpu.memory_space<vmem>>
      %dma_start3A_492 = tpu.memref_squeeze %dma_start3A_491 : memref<1x125xi32, #tpu.memory_space<vmem>> -> memref<125xi32, #tpu.memory_space<vmem>>
      %dma_start3A_493 = arith.constant 0 : i32
      %dma_start3A_494 = arith.constant 0 : i32
      %dma_start3A_495 = tpu.memref_slice %arg2[%arg0, %dma_start3A_493, %dma_start3A_494] : memref<2x10240x128xf32, #tpu.memory_space<hbm>> -> memref<1x10240x128xf32, #tpu.memory_space<hbm>>
      %dma_start3A_496 = tpu.memref_squeeze %dma_start3A_495 : memref<1x10240x128xf32, #tpu.memory_space<hbm>> -> memref<10240x128xf32, #tpu.memory_space<hbm>>
      %dma_start3A_497 = arith.constant 0 : i32
      %dma_start3A_498 = arith.constant 0 : i32
      %dma_start3A_499 = tpu.memref_slice %dma_start3A_496[%dma_start3A_497, %dma_start3A_498] : memref<10240x128xf32, #tpu.memory_space<hbm>> -> memref<10240x128xf32, #tpu.memory_space<hbm>>
      tpu.enqueue_indirect_dma source(%dma_start3A_499 : memref<10240x128xf32, #tpu.memory_space<hbm>>) target(%arg9 : memref<125x128xf32, #tpu.memory_space<vmem>>) offsets(%dma_start3A_492 : memref<125xi32, #tpu.memory_space<vmem>>) semaphore(%arg12 : memref<!tpu.dma_semaphore, #tpu.memory_space<semaphore_mem>>)
      %dma_wait3A_500 = arith.constant 0 : i32
      %dma_wait3A_501 = tpu.memref_slice %arg6[%add3A_487, %dma_wait3A_500] : memref<80x125xi32, #tpu.memory_space<vmem>> -> memref<1x125xi32, #tpu.memory_space<vmem>>
      %dma_wait3A_502 = tpu.memref_squeeze %dma_wait3A_501 : memref<1x125xi32, #tpu.memory_space<vmem>> -> memref<125xi32, #tpu.memory_space<vmem>>
      %dma_wait3A_503 = arith.constant 0 : i32
      %dma_wait3A_504 = arith.constant 0 : i32
      %dma_wait3A_505 = tpu.memref_slice %arg2[%arg0, %dma_wait3A_503, %dma_wait3A_504] : memref<2x10240x128xf32, #tpu.memory_space<hbm>> -> memref<1x10240x128xf32, #tpu.memory_space<hbm>>
      %dma_wait3A_506 = tpu.memref_squeeze %dma_wait3A_505 : memref<1x10240x128xf32, #tpu.memory_space<hbm>> -> memref<10240x128xf32, #tpu.memory_space<hbm>>
      %dma_wait3A_507 = arith.constant 0 : i32
      %dma_wait3A_508 = arith.constant 0 : i32
      %dma_wait3A_509 = tpu.memref_slice %dma_wait3A_506[%dma_wait3A_507, %dma_wait3A_508] : memref<10240x128xf32, #tpu.memory_space<hbm>> -> memref<10240x128xf32, #tpu.memory_space<hbm>>
      tpu.wait_indirect_dma semaphore(%arg11 : memref<!tpu.dma_semaphore, #tpu.memory_space<semaphore_mem>>) src(%dma_wait3A_509 : memref<10240x128xf32, #tpu.memory_space<hbm>>) dst(%arg8 : memref<125x128xf32, #tpu.memory_space<vmem>>)
      %rem3A_510 = arith.constant 2 : i32
      %rem3A_511 = arith.remsi %scan3A_39, %rem3A_510 : i32
      %mul3A_512 = arith.constant 16 : i32
      %mul3A_513 = arith.muli %rem3A_511, %mul3A_512 : i32
      %add3A_514 = arith.constant 14 : i32
      %add3A_515 = arith.addi %mul3A_513, %add3A_514 : i32
      "tpu.region"() ({
        %run_scoped3A = tpu.sem_alloc : memref<!tpu.dma_semaphore, #tpu.memory_space<semaphore_mem>>
        %dma_start3A_541 = arith.constant 0 : i32
        %dma_start3A_542 = tpu.memref_slice %arg7[%add3A_515, %dma_start3A_541] : memref<32x125xi32, #tpu.memory_space<vmem>> -> memref<1x125xi32, #tpu.memory_space<vmem>>
        %dma_start3A_543 = tpu.memref_squeeze %dma_start3A_542 : memref<1x125xi32, #tpu.memory_space<vmem>> -> memref<125xi32, #tpu.memory_space<vmem>>
        %dma_start3A_544 = arith.constant 0 : i32
        %dma_start3A_545 = arith.constant 0 : i32
        %dma_start3A_546 = tpu.memref_slice %arg10[%dma_start3A_544, %dma_start3A_545] : memref<10240x128xf32, #tpu.memory_space<vmem_shared>> -> memref<10240x128xf32, #tpu.memory_space<vmem_shared>>
        tpu.enqueue_indirect_dma source(%arg8 : memref<125x128xf32, #tpu.memory_space<vmem>>) target(%dma_start3A_546 : memref<10240x128xf32, #tpu.memory_space<vmem_shared>>) offsets(%dma_start3A_543 : memref<125xi32, #tpu.memory_space<vmem>>) semaphore(%run_scoped3A : memref<!tpu.dma_semaphore, #tpu.memory_space<semaphore_mem>>) {add = true}
        %dma_wait3A_547 = arith.constant 0 : i32
        %dma_wait3A_548 = tpu.memref_slice %arg7[%add3A_515, %dma_wait3A_547] : memref<32x125xi32, #tpu.memory_space<vmem>> -> memref<1x125xi32, #tpu.memory_space<vmem>>
        %dma_wait3A_549 = tpu.memref_squeeze %dma_wait3A_548 : memref<1x125xi32, #tpu.memory_space<vmem>> -> memref<125xi32, #tpu.memory_space<vmem>>
        %dma_wait3A_550 = arith.constant 0 : i32
        %dma_wait3A_551 = arith.constant 0 : i32
        %dma_wait3A_552 = tpu.memref_slice %arg10[%dma_wait3A_550, %dma_wait3A_551] : memref<10240x128xf32, #tpu.memory_space<vmem_shared>> -> memref<10240x128xf32, #tpu.memory_space<vmem_shared>>
        tpu.wait_indirect_dma semaphore(%run_scoped3A : memref<!tpu.dma_semaphore, #tpu.memory_space<semaphore_mem>>) src(%arg8 : memref<125x128xf32, #tpu.memory_space<vmem>>) dst(%dma_wait3A_552 : memref<10240x128xf32, #tpu.memory_space<vmem_shared>>)
        tpu.yield
      }) : () -> ()
      %add3A_516 = arith.constant 15 : i32
      %add3A_517 = arith.addi %mul3A_41, %add3A_516 : i32
      %add3A_518 = arith.constant 1 : i32
      %add3A_519 = arith.addi %scan3A_39, %add3A_518 : i32
      %lt3A_520 = arith.constant 5 : i32
      %lt3A_521 = arith.cmpi slt, %add3A_519, %lt3A_520 : i32
      %convert_element_type3A_522 = arith.extui %lt3A_521 : i1 to i32
      %cond3A_523 = arith.constant 0 : i32
      %cond3A_524 = arith.cmpi ne, %convert_element_type3A_522, %cond3A_523 : i32
      scf.if %cond3A_524 {
        %add3A_541 = arith.constant 1 : i32
        %add3A_542 = arith.addi %add3A_517, %add3A_541 : i32
        %dma_start3A_543 = arith.constant 0 : i32
        %dma_start3A_544 = tpu.memref_slice %arg6[%add3A_542, %dma_start3A_543] : memref<80x125xi32, #tpu.memory_space<vmem>> -> memref<1x125xi32, #tpu.memory_space<vmem>>
        %dma_start3A_545 = tpu.memref_squeeze %dma_start3A_544 : memref<1x125xi32, #tpu.memory_space<vmem>> -> memref<125xi32, #tpu.memory_space<vmem>>
        %dma_start3A_546 = arith.constant 0 : i32
        %dma_start3A_547 = arith.constant 0 : i32
        %dma_start3A_548 = tpu.memref_slice %arg2[%arg0, %dma_start3A_546, %dma_start3A_547] : memref<2x10240x128xf32, #tpu.memory_space<hbm>> -> memref<1x10240x128xf32, #tpu.memory_space<hbm>>
        %dma_start3A_549 = tpu.memref_squeeze %dma_start3A_548 : memref<1x10240x128xf32, #tpu.memory_space<hbm>> -> memref<10240x128xf32, #tpu.memory_space<hbm>>
        %dma_start3A_550 = arith.constant 0 : i32
        %dma_start3A_551 = arith.constant 0 : i32
        %dma_start3A_552 = tpu.memref_slice %dma_start3A_549[%dma_start3A_550, %dma_start3A_551] : memref<10240x128xf32, #tpu.memory_space<hbm>> -> memref<10240x128xf32, #tpu.memory_space<hbm>>
        tpu.enqueue_indirect_dma source(%dma_start3A_552 : memref<10240x128xf32, #tpu.memory_space<hbm>>) target(%arg8 : memref<125x128xf32, #tpu.memory_space<vmem>>) offsets(%dma_start3A_545 : memref<125xi32, #tpu.memory_space<vmem>>) semaphore(%arg11 : memref<!tpu.dma_semaphore, #tpu.memory_space<semaphore_mem>>)
      } else {
      }
      %dma_wait3A_525 = arith.constant 0 : i32
      %dma_wait3A_526 = tpu.memref_slice %arg6[%add3A_517, %dma_wait3A_525] : memref<80x125xi32, #tpu.memory_space<vmem>> -> memref<1x125xi32, #tpu.memory_space<vmem>>
      %dma_wait3A_527 = tpu.memref_squeeze %dma_wait3A_526 : memref<1x125xi32, #tpu.memory_space<vmem>> -> memref<125xi32, #tpu.memory_space<vmem>>
      %dma_wait3A_528 = arith.constant 0 : i32
      %dma_wait3A_529 = arith.constant 0 : i32
      %dma_wait3A_530 = tpu.memref_slice %arg2[%arg0, %dma_wait3A_528, %dma_wait3A_529] : memref<2x10240x128xf32, #tpu.memory_space<hbm>> -> memref<1x10240x128xf32, #tpu.memory_space<hbm>>
      %dma_wait3A_531 = tpu.memref_squeeze %dma_wait3A_530 : memref<1x10240x128xf32, #tpu.memory_space<hbm>> -> memref<10240x128xf32, #tpu.memory_space<hbm>>
      %dma_wait3A_532 = arith.constant 0 : i32
      %dma_wait3A_533 = arith.constant 0 : i32
      %dma_wait3A_534 = tpu.memref_slice %dma_wait3A_531[%dma_wait3A_532, %dma_wait3A_533] : memref<10240x128xf32, #tpu.memory_space<hbm>> -> memref<10240x128xf32, #tpu.memory_space<hbm>>
      tpu.wait_indirect_dma semaphore(%arg12 : memref<!tpu.dma_semaphore, #tpu.memory_space<semaphore_mem>>) src(%dma_wait3A_534 : memref<10240x128xf32, #tpu.memory_space<hbm>>) dst(%arg9 : memref<125x128xf32, #tpu.memory_space<vmem>>)
      %rem3A_535 = arith.constant 2 : i32
      %rem3A_536 = arith.remsi %scan3A_39, %rem3A_535 : i32
      %mul3A_537 = arith.constant 16 : i32
      %mul3A_538 = arith.muli %rem3A_536, %mul3A_537 : i32
      %add3A_539 = arith.constant 15 : i32
      %add3A_540 = arith.addi %mul3A_538, %add3A_539 : i32
      "tpu.region"() ({
        %run_scoped3A = tpu.sem_alloc : memref<!tpu.dma_semaphore, #tpu.memory_space<semaphore_mem>>
        %dma_start3A_541 = arith.constant 0 : i32
        %dma_start3A_542 = tpu.memref_slice %arg7[%add3A_540, %dma_start3A_541] : memref<32x125xi32, #tpu.memory_space<vmem>> -> memref<1x125xi32, #tpu.memory_space<vmem>>
        %dma_start3A_543 = tpu.memref_squeeze %dma_start3A_542 : memref<1x125xi32, #tpu.memory_space<vmem>> -> memref<125xi32, #tpu.memory_space<vmem>>
        %dma_start3A_544 = arith.constant 0 : i32
        %dma_start3A_545 = arith.constant 0 : i32
        %dma_start3A_546 = tpu.memref_slice %arg10[%dma_start3A_544, %dma_start3A_545] : memref<10240x128xf32, #tpu.memory_space<vmem_shared>> -> memref<10240x128xf32, #tpu.memory_space<vmem_shared>>
        tpu.enqueue_indirect_dma source(%arg9 : memref<125x128xf32, #tpu.memory_space<vmem>>) target(%dma_start3A_546 : memref<10240x128xf32, #tpu.memory_space<vmem_shared>>) offsets(%dma_start3A_543 : memref<125xi32, #tpu.memory_space<vmem>>) semaphore(%run_scoped3A : memref<!tpu.dma_semaphore, #tpu.memory_space<semaphore_mem>>) {add = true}
        %dma_wait3A_547 = arith.constant 0 : i32
        %dma_wait3A_548 = tpu.memref_slice %arg7[%add3A_540, %dma_wait3A_547] : memref<32x125xi32, #tpu.memory_space<vmem>> -> memref<1x125xi32, #tpu.memory_space<vmem>>
        %dma_wait3A_549 = tpu.memref_squeeze %dma_wait3A_548 : memref<1x125xi32, #tpu.memory_space<vmem>> -> memref<125xi32, #tpu.memory_space<vmem>>
        %dma_wait3A_550 = arith.constant 0 : i32
        %dma_wait3A_551 = arith.constant 0 : i32
        %dma_wait3A_552 = tpu.memref_slice %arg10[%dma_wait3A_550, %dma_wait3A_551] : memref<10240x128xf32, #tpu.memory_space<vmem_shared>> -> memref<10240x128xf32, #tpu.memory_space<vmem_shared>>
        tpu.wait_indirect_dma semaphore(%run_scoped3A : memref<!tpu.dma_semaphore, #tpu.memory_space<semaphore_mem>>) src(%arg9 : memref<125x128xf32, #tpu.memory_space<vmem>>) dst(%dma_wait3A_552 : memref<10240x128xf32, #tpu.memory_space<vmem_shared>>)
        tpu.yield
      }) : () -> ()
    }
    %scan3A_37 = arith.constant 5 : i32
    %barrier3A_38 = arith.constant 0 : index
    tpu.barrier barrier_id(%barrier3A_38)
    "tpu.region"() ({
      %run_scoped3A = tpu.sem_alloc : memref<!tpu.dma_semaphore, #tpu.memory_space<semaphore_mem>>
      %dma_start3A_39 = arith.constant 0 : i32
      %dma_start3A_40 = arith.constant 0 : i32
      %dma_start3A_41 = tpu.memref_slice %arg5[%arg0, %dma_start3A_39, %dma_start3A_40] : memref<2x10240x128xf32, #tpu.memory_space<hbm>> -> memref<1x10240x128xf32, #tpu.memory_space<hbm>>
      %dma_start3A_42 = tpu.memref_squeeze %dma_start3A_41 : memref<1x10240x128xf32, #tpu.memory_space<hbm>> -> memref<10240x128xf32, #tpu.memory_space<hbm>>
      %dma_start3A_43 = arith.constant 0 : i32
      %dma_start3A_44 = tpu.memref_slice %dma_start3A_42[%mul3A_0, %dma_start3A_43] : memref<10240x128xf32, #tpu.memory_space<hbm>> -> memref<640x128xf32, #tpu.memory_space<hbm>>
      %dma_start3A_45 = arith.constant 0 : i32
      %dma_start3A_46 = tpu.memref_slice %arg10[%mul3A_0, %dma_start3A_45] : memref<10240x128xf32, #tpu.memory_space<vmem_shared>> -> memref<640x128xf32, #tpu.memory_space<vmem_shared>>
      tpu.enqueue_dma source(%dma_start3A_46 : memref<640x128xf32, #tpu.memory_space<vmem_shared>>) target(%dma_start3A_44 : memref<640x128xf32, #tpu.memory_space<hbm>>) target_semaphore(%run_scoped3A : memref<!tpu.dma_semaphore, #tpu.memory_space<semaphore_mem>>)
      %dma_wait3A = arith.constant 0 : i32
      %dma_wait3A_47 = arith.constant 0 : i32
      %dma_wait3A_48 = tpu.memref_slice %arg5[%arg0, %dma_wait3A, %dma_wait3A_47] : memref<2x10240x128xf32, #tpu.memory_space<hbm>> -> memref<1x10240x128xf32, #tpu.memory_space<hbm>>
      %dma_wait3A_49 = tpu.memref_squeeze %dma_wait3A_48 : memref<1x10240x128xf32, #tpu.memory_space<hbm>> -> memref<10240x128xf32, #tpu.memory_space<hbm>>
      %dma_wait3A_50 = arith.constant 0 : i32
      %dma_wait3A_51 = tpu.memref_slice %dma_wait3A_49[%mul3A_0, %dma_wait3A_50] : memref<10240x128xf32, #tpu.memory_space<hbm>> -> memref<640x128xf32, #tpu.memory_space<hbm>>
      %dma_wait3A_52 = arith.constant 0 : i32
      %dma_wait3A_53 = tpu.memref_slice %arg10[%mul3A_0, %dma_wait3A_52] : memref<10240x128xf32, #tpu.memory_space<vmem_shared>> -> memref<640x128xf32, #tpu.memory_space<vmem_shared>>
      tpu.wait_dma2 semaphore(%run_scoped3A : memref<!tpu.dma_semaphore, #tpu.memory_space<semaphore_mem>>) src(%dma_wait3A_53 : memref<640x128xf32, #tpu.memory_space<vmem_shared>>) dst(%dma_wait3A_51 : memref<640x128xf32, #tpu.memory_space<hbm>>)
      tpu.yield
    }) : () -> ()
    return
  }
}

#map = affine_map<(d0, d1) -> (0, 0, 0)>
module attributes {stable_mosaic.version = 14 : i64} {
  func.func @_agg_body(%arg0: i32, %arg1: i32, %arg2: memref<2x10240x128xf32, #tpu.memory_space<hbm>>, %arg3: memref<16x80x125xi32, #tpu.memory_space<hbm>>, %arg4: memref<16x80x125xi32, #tpu.memory_space<hbm>>, %arg5: memref<2x10240x128xf32, #tpu.memory_space<hbm>>, %arg6: memref<80x125xi32, #tpu.memory_space<vmem>>, %arg7: memref<32x125xi32, #tpu.memory_space<vmem>>, %arg8: memref<125x128xf32, #tpu.memory_space<vmem>>, %arg9: memref<125x128xf32, #tpu.memory_space<vmem>>, %arg10: memref<10240x128xf32, #tpu.memory_space<vmem_shared>>, %arg11: memref<!tpu.dma_semaphore, #tpu.memory_space<semaphore_mem>>, %arg12: memref<!tpu.dma_semaphore, #tpu.memory_space<semaphore_mem>>, %arg13: memref<!tpu.dma_semaphore, #tpu.memory_space<semaphore_mem>>) attributes {dimension_semantics = [#tpu.dimension_semantics<core_parallel>, #tpu.dimension_semantics<subcore_parallel>], iteration_bounds = array<i64: 2, 16>, scalar_prefetch = 0 : i64, scratch_operands = 8 : i64, tpu.core_type = #tpu.core_type<sc_vector_subcore>, window_params = [{transform_indices = #map}, {transform_indices = #map}, {transform_indices = #map}, {transform_indices = #map}]} {
    %mul3A = arith.constant 640 : i32
    %mul3A_0 = arith.muli %arg1, %mul3A : i32
    "tpu.region"() ({
      %run_scoped3A = tpu.sem_alloc : memref<!tpu.dma_semaphore, #tpu.memory_space<semaphore_mem>>
      %dma_start3A_39 = arith.constant 0 : i32
      %dma_start3A_40 = tpu.memref_slice %arg10[%mul3A_0, %dma_start3A_39] : memref<10240x128xf32, #tpu.memory_space<vmem_shared>> -> memref<640x128xf32, #tpu.memory_space<vmem_shared>>
      %dma_start3A_41 = arith.constant 0 : i32
      %dma_start3A_42 = arith.constant 0 : i32
      %dma_start3A_43 = tpu.memref_slice %arg2[%arg0, %dma_start3A_41, %dma_start3A_42] : memref<2x10240x128xf32, #tpu.memory_space<hbm>> -> memref<1x10240x128xf32, #tpu.memory_space<hbm>>
      %dma_start3A_44 = tpu.memref_squeeze %dma_start3A_43 : memref<1x10240x128xf32, #tpu.memory_space<hbm>> -> memref<10240x128xf32, #tpu.memory_space<hbm>>
      %dma_start3A_45 = arith.constant 0 : i32
      %dma_start3A_46 = tpu.memref_slice %dma_start3A_44[%mul3A_0, %dma_start3A_45] : memref<10240x128xf32, #tpu.memory_space<hbm>> -> memref<640x128xf32, #tpu.memory_space<hbm>>
      tpu.enqueue_dma source(%dma_start3A_46 : memref<640x128xf32, #tpu.memory_space<hbm>>) target(%dma_start3A_40 : memref<640x128xf32, #tpu.memory_space<vmem_shared>>) target_semaphore(%run_scoped3A : memref<!tpu.dma_semaphore, #tpu.memory_space<semaphore_mem>>)
      %dma_wait3A = arith.constant 0 : i32
      %dma_wait3A_47 = tpu.memref_slice %arg10[%mul3A_0, %dma_wait3A] : memref<10240x128xf32, #tpu.memory_space<vmem_shared>> -> memref<640x128xf32, #tpu.memory_space<vmem_shared>>
      %dma_wait3A_48 = arith.constant 0 : i32
      %dma_wait3A_49 = arith.constant 0 : i32
      %dma_wait3A_50 = tpu.memref_slice %arg2[%arg0, %dma_wait3A_48, %dma_wait3A_49] : memref<2x10240x128xf32, #tpu.memory_space<hbm>> -> memref<1x10240x128xf32, #tpu.memory_space<hbm>>
      %dma_wait3A_51 = tpu.memref_squeeze %dma_wait3A_50 : memref<1x10240x128xf32, #tpu.memory_space<hbm>> -> memref<10240x128xf32, #tpu.memory_space<hbm>>
      %dma_wait3A_52 = arith.constant 0 : i32
      %dma_wait3A_53 = tpu.memref_slice %dma_wait3A_51[%mul3A_0, %dma_wait3A_52] : memref<10240x128xf32, #tpu.memory_space<hbm>> -> memref<640x128xf32, #tpu.memory_space<hbm>>
      tpu.wait_dma2 semaphore(%run_scoped3A : memref<!tpu.dma_semaphore, #tpu.memory_space<semaphore_mem>>) src(%dma_wait3A_53 : memref<640x128xf32, #tpu.memory_space<hbm>>) dst(%dma_wait3A_47 : memref<640x128xf32, #tpu.memory_space<vmem_shared>>)
      tpu.yield
    }) : () -> ()
    "tpu.region"() ({
      %run_scoped3A = tpu.sem_alloc : memref<!tpu.dma_semaphore, #tpu.memory_space<semaphore_mem>>
      %dma_start3A_39 = arith.constant 0 : i32
      %dma_start3A_40 = arith.constant 0 : i32
      %dma_start3A_41 = tpu.memref_slice %arg3[%arg1, %dma_start3A_39, %dma_start3A_40] : memref<16x80x125xi32, #tpu.memory_space<hbm>> -> memref<1x80x125xi32, #tpu.memory_space<hbm>>
      %dma_start3A_42 = tpu.memref_squeeze %dma_start3A_41 : memref<1x80x125xi32, #tpu.memory_space<hbm>> -> memref<80x125xi32, #tpu.memory_space<hbm>>
      %dma_start3A_43 = arith.constant 0 : i32
      %dma_start3A_44 = arith.constant 0 : i32
      %dma_start3A_45 = tpu.memref_slice %arg3[%arg1, %dma_start3A_43, %dma_start3A_44] : memref<16x80x125xi32, #tpu.memory_space<hbm>> -> memref<1x80x125xi32, #tpu.memory_space<hbm>>
      %dma_start3A_46 = tpu.memref_squeeze %dma_start3A_45 : memref<1x80x125xi32, #tpu.memory_space<hbm>> -> memref<80x125xi32, #tpu.memory_space<hbm>>
      tpu.enqueue_dma source(%dma_start3A_46 : memref<80x125xi32, #tpu.memory_space<hbm>>) target(%arg6 : memref<80x125xi32, #tpu.memory_space<vmem>>) target_semaphore(%run_scoped3A : memref<!tpu.dma_semaphore, #tpu.memory_space<semaphore_mem>>)
      %dma_wait3A = arith.constant 0 : i32
      %dma_wait3A_47 = arith.constant 0 : i32
      %dma_wait3A_48 = tpu.memref_slice %arg3[%arg1, %dma_wait3A, %dma_wait3A_47] : memref<16x80x125xi32, #tpu.memory_space<hbm>> -> memref<1x80x125xi32, #tpu.memory_space<hbm>>
      %dma_wait3A_49 = tpu.memref_squeeze %dma_wait3A_48 : memref<1x80x125xi32, #tpu.memory_space<hbm>> -> memref<80x125xi32, #tpu.memory_space<hbm>>
      %dma_wait3A_50 = arith.constant 0 : i32
      %dma_wait3A_51 = arith.constant 0 : i32
      %dma_wait3A_52 = tpu.memref_slice %arg3[%arg1, %dma_wait3A_50, %dma_wait3A_51] : memref<16x80x125xi32, #tpu.memory_space<hbm>> -> memref<1x80x125xi32, #tpu.memory_space<hbm>>
      %dma_wait3A_53 = tpu.memref_squeeze %dma_wait3A_52 : memref<1x80x125xi32, #tpu.memory_space<hbm>> -> memref<80x125xi32, #tpu.memory_space<hbm>>
      tpu.wait_dma2 semaphore(%run_scoped3A : memref<!tpu.dma_semaphore, #tpu.memory_space<semaphore_mem>>) src(%dma_wait3A_53 : memref<80x125xi32, #tpu.memory_space<hbm>>) dst(%arg6 : memref<80x125xi32, #tpu.memory_space<vmem>>)
      tpu.yield
    }) : () -> ()
    %barrier3A = arith.constant 0 : index
    tpu.barrier barrier_id(%barrier3A)
    %rem3A = arith.constant 0 : i32
    %rem3A_1 = arith.constant 2 : i32
    %rem3A_2 = arith.remsi %rem3A, %rem3A_1 : i32
    %mul3A_3 = arith.constant 16 : i32
    %mul3A_4 = arith.muli %rem3A_2, %mul3A_3 : i32
    %dma_start3A = arith.constant 0 : i32
    %dma_start3A_5 = tpu.memref_slice %arg7[%mul3A_4, %dma_start3A] : memref<32x125xi32, #tpu.memory_space<vmem>> -> memref<16x125xi32, #tpu.memory_space<vmem>>
    %dma_start3A_6 = arith.constant 0 : i32
    %dma_start3A_7 = arith.constant 0 : i32
    %dma_start3A_8 = tpu.memref_slice %arg4[%arg1, %dma_start3A_6, %dma_start3A_7] : memref<16x80x125xi32, #tpu.memory_space<hbm>> -> memref<1x80x125xi32, #tpu.memory_space<hbm>>
    %dma_start3A_9 = tpu.memref_squeeze %dma_start3A_8 : memref<1x80x125xi32, #tpu.memory_space<hbm>> -> memref<80x125xi32, #tpu.memory_space<hbm>>
    %dma_start3A_10 = arith.constant 0 : i32
    %dma_start3A_11 = arith.constant 0 : i32
    %dma_start3A_12 = tpu.memref_slice %dma_start3A_9[%dma_start3A_10, %dma_start3A_11] : memref<80x125xi32, #tpu.memory_space<hbm>> -> memref<16x125xi32, #tpu.memory_space<hbm>>
    %dma_start3A_13 = arith.constant 0 : i32
    %dma_start3A_14 = tpu.memref_slice %arg7[%mul3A_4, %dma_start3A_13] : memref<32x125xi32, #tpu.memory_space<vmem>> -> memref<16x125xi32, #tpu.memory_space<vmem>>
    %dma_start3A_15 = arith.constant 0 : i32
    %dma_start3A_16 = arith.constant 0 : i32
    %dma_start3A_17 = tpu.memref_slice %arg4[%arg1, %dma_start3A_15, %dma_start3A_16] : memref<16x80x125xi32, #tpu.memory_space<hbm>> -> memref<1x80x125xi32, #tpu.memory_space<hbm>>
    %dma_start3A_18 = tpu.memref_squeeze %dma_start3A_17 : memref<1x80x125xi32, #tpu.memory_space<hbm>> -> memref<80x125xi32, #tpu.memory_space<hbm>>
    %dma_start3A_19 = arith.constant 0 : i32
    %dma_start3A_20 = arith.constant 0 : i32
    %dma_start3A_21 = tpu.memref_slice %dma_start3A_18[%dma_start3A_19, %dma_start3A_20] : memref<80x125xi32, #tpu.memory_space<hbm>> -> memref<16x125xi32, #tpu.memory_space<hbm>>
    tpu.enqueue_dma source(%dma_start3A_21 : memref<16x125xi32, #tpu.memory_space<hbm>>) target(%dma_start3A_14 : memref<16x125xi32, #tpu.memory_space<vmem>>) target_semaphore(%arg13 : memref<!tpu.dma_semaphore, #tpu.memory_space<semaphore_mem>>)
    %dma_start3A_22 = arith.constant 0 : i32
    %dma_start3A_23 = arith.constant 0 : i32
    %dma_start3A_24 = tpu.memref_slice %arg6[%dma_start3A_22, %dma_start3A_23] : memref<80x125xi32, #tpu.memory_space<vmem>> -> memref<1x125xi32, #tpu.memory_space<vmem>>
    %dma_start3A_25 = tpu.memref_squeeze %dma_start3A_24 : memref<1x125xi32, #tpu.memory_space<vmem>> -> memref<125xi32, #tpu.memory_space<vmem>>
    %dma_start3A_26 = arith.constant 0 : i32
    %dma_start3A_27 = arith.constant 0 : i32
    %dma_start3A_28 = tpu.memref_slice %arg2[%arg0, %dma_start3A_26, %dma_start3A_27] : memref<2x10240x128xf32, #tpu.memory_space<hbm>> -> memref<1x10240x128xf32, #tpu.memory_space<hbm>>
    %dma_start3A_29 = tpu.memref_squeeze %dma_start3A_28 : memref<1x10240x128xf32, #tpu.memory_space<hbm>> -> memref<10240x128xf32, #tpu.memory_space<hbm>>
    %dma_start3A_30 = arith.constant 0 : i32
    %dma_start3A_31 = arith.constant 0 : i32
    %dma_start3A_32 = tpu.memref_slice %dma_start3A_29[%dma_start3A_30, %dma_start3A_31] : memref<10240x128xf32, #tpu.memory_space<hbm>> -> memref<10240x128xf32, #tpu.memory_space<hbm>>
    tpu.enqueue_indirect_dma source(%dma_start3A_32 : memref<10240x128xf32, #tpu.memory_space<hbm>>) target(%arg8 : memref<125x128xf32, #tpu.memory_space<vmem>>) offsets(%dma_start3A_25 : memref<125xi32, #tpu.memory_space<vmem>>) semaphore(%arg11 : memref<!tpu.dma_semaphore, #tpu.memory_space<semaphore_mem>>)
    %scan3A = arith.constant 0 : i32
    %scan3A_33 = arith.constant 0 : i32
    %scan3A_34 = arith.constant 5 : i32
    %scan3A_35 = arith.addi %scan3A_33, %scan3A_34 : i32
    %scan3A_36 = arith.constant 1 : i32
    scf.for %scan3A_39 = %scan3A_33 to %scan3A_35 step %scan3A_36  : i32 {
      %mul3A_40 = arith.constant 16 : i32
      %mul3A_41 = arith.muli %scan3A_39, %mul3A_40 : i32
      %mul3A_42 = arith.constant 16 : i32
      %mul3A_43 = arith.muli %scan3A_39, %mul3A_42 : i32
      %rem3A_44 = arith.constant 2 : i32
      %rem3A_45 = arith.remsi %scan3A_39, %rem3A_44 : i32
      %mul3A_46 = arith.constant 16 : i32
      %mul3A_47 = arith.muli %rem3A_45, %mul3A_46 : i32
      %dma_wait3A = arith.constant 0 : i32
      %dma_wait3A_48 = tpu.memref_slice %arg7[%mul3A_47, %dma_wait3A] : memref<32x125xi32, #tpu.memory_space<vmem>> -> memref<16x125xi32, #tpu.memory_space<vmem>>
      %dma_wait3A_49 = arith.constant 0 : i32
      %dma_wait3A_50 = arith.constant 0 : i32
      %dma_wait3A_51 = tpu.memref_slice %arg4[%arg1, %dma_wait3A_49, %dma_wait3A_50] : memref<16x80x125xi32, #tpu.memory_space<hbm>> -> memref<1x80x125xi32, #tpu.memory_space<hbm>>
      %dma_wait3A_52 = tpu.memref_squeeze %dma_wait3A_51 : memref<1x80x125xi32, #tpu.memory_space<hbm>> -> memref<80x125xi32, #tpu.memory_space<hbm>>
      %dma_wait3A_53 = arith.constant 0 : i32
      %dma_wait3A_54 = tpu.memref_slice %dma_wait3A_52[%mul3A_43, %dma_wait3A_53] : memref<80x125xi32, #tpu.memory_space<hbm>> -> memref<16x125xi32, #tpu.memory_space<hbm>>
      %dma_wait3A_55 = arith.constant 0 : i32
      %dma_wait3A_56 = tpu.memref_slice %arg7[%mul3A_47, %dma_wait3A_55] : memref<32x125xi32, #tpu.memory_space<vmem>> -> memref<16x125xi32, #tpu.memory_space<vmem>>
      %dma_wait3A_57 = arith.constant 0 : i32
      %dma_wait3A_58 = arith.constant 0 : i32
      %dma_wait3A_59 = tpu.memref_slice %arg4[%arg1, %dma_wait3A_57, %dma_wait3A_58] : memref<16x80x125xi32, #tpu.memory_space<hbm>> -> memref<1x80x125xi32, #tpu.memory_space<hbm>>
      %dma_wait3A_60 = tpu.memref_squeeze %dma_wait3A_59 : memref<1x80x125xi32, #tpu.memory_space<hbm>> -> memref<80x125xi32, #tpu.memory_space<hbm>>
      %dma_wait3A_61 = arith.constant 0 : i32
      %dma_wait3A_62 = tpu.memref_slice %dma_wait3A_60[%mul3A_43, %dma_wait3A_61] : memref<80x125xi32, #tpu.memory_space<hbm>> -> memref<16x125xi32, #tpu.memory_space<hbm>>
      tpu.wait_dma2 semaphore(%arg13 : memref<!tpu.dma_semaphore, #tpu.memory_space<semaphore_mem>>) src(%dma_wait3A_62 : memref<16x125xi32, #tpu.memory_space<hbm>>) dst(%dma_wait3A_56 : memref<16x125xi32, #tpu.memory_space<vmem>>)
      %add3A = arith.constant 1 : i32
      %add3A_63 = arith.addi %scan3A_39, %add3A : i32
      %lt3A = arith.constant 5 : i32
      %lt3A_64 = arith.cmpi slt, %add3A_63, %lt3A : i32
      %convert_element_type3A = arith.extui %lt3A_64 : i1 to i32
      %cond3A = arith.constant 0 : i32
      %cond3A_65 = arith.cmpi ne, %convert_element_type3A, %cond3A : i32
      scf.if %cond3A_65 {
        %add3A_541 = arith.constant 1 : i32
        %add3A_542 = arith.addi %scan3A_39, %add3A_541 : i32
        %mul3A_543 = arith.constant 16 : i32
        %mul3A_544 = arith.muli %add3A_542, %mul3A_543 : i32
        %add3A_545 = arith.constant 1 : i32
        %add3A_546 = arith.addi %scan3A_39, %add3A_545 : i32
        %rem3A_547 = arith.constant 2 : i32
        %rem3A_548 = arith.remsi %add3A_546, %rem3A_547 : i32
        %mul3A_549 = arith.constant 16 : i32
        %mul3A_550 = arith.muli %rem3A_548, %mul3A_549 : i32
        %dma_start3A_551 = arith.constant 0 : i32
        %dma_start3A_552 = tpu.memref_slice %arg7[%mul3A_550, %dma_start3A_551] : memref<32x125xi32, #tpu.memory_space<vmem>> -> memref<16x125xi32, #tpu.memory_space<vmem>>
        %dma_start3A_553 = arith.constant 0 : i32
        %dma_start3A_554 = arith.constant 0 : i32
        %dma_start3A_555 = tpu.memref_slice %arg4[%arg1, %dma_start3A_553, %dma_start3A_554] : memref<16x80x125xi32, #tpu.memory_space<hbm>> -> memref<1x80x125xi32, #tpu.memory_space<hbm>>
        %dma_start3A_556 = tpu.memref_squeeze %dma_start3A_555 : memref<1x80x125xi32, #tpu.memory_space<hbm>> -> memref<80x125xi32, #tpu.memory_space<hbm>>
        %dma_start3A_557 = arith.constant 0 : i32
        %dma_start3A_558 = tpu.memref_slice %dma_start3A_556[%mul3A_544, %dma_start3A_557] : memref<80x125xi32, #tpu.memory_space<hbm>> -> memref<16x125xi32, #tpu.memory_space<hbm>>
        %dma_start3A_559 = arith.constant 0 : i32
        %dma_start3A_560 = tpu.memref_slice %arg7[%mul3A_550, %dma_start3A_559] : memref<32x125xi32, #tpu.memory_space<vmem>> -> memref<16x125xi32, #tpu.memory_space<vmem>>
        %dma_start3A_561 = arith.constant 0 : i32
        %dma_start3A_562 = arith.constant 0 : i32
        %dma_start3A_563 = tpu.memref_slice %arg4[%arg1, %dma_start3A_561, %dma_start3A_562] : memref<16x80x125xi32, #tpu.memory_space<hbm>> -> memref<1x80x125xi32, #tpu.memory_space<hbm>>
        %dma_start3A_564 = tpu.memref_squeeze %dma_start3A_563 : memref<1x80x125xi32, #tpu.memory_space<hbm>> -> memref<80x125xi32, #tpu.memory_space<hbm>>
        %dma_start3A_565 = arith.constant 0 : i32
        %dma_start3A_566 = tpu.memref_slice %dma_start3A_564[%mul3A_544, %dma_start3A_565] : memref<80x125xi32, #tpu.memory_space<hbm>> -> memref<16x125xi32, #tpu.memory_space<hbm>>
        tpu.enqueue_dma source(%dma_start3A_566 : memref<16x125xi32, #tpu.memory_space<hbm>>) target(%dma_start3A_560 : memref<16x125xi32, #tpu.memory_space<vmem>>) target_semaphore(%arg13 : memref<!tpu.dma_semaphore, #tpu.memory_space<semaphore_mem>>)
      } else {
      }
      %add3A_66 = arith.constant 0 : i32
      %add3A_67 = arith.addi %mul3A_41, %add3A_66 : i32
      %add3A_68 = arith.constant 1 : i32
      %add3A_69 = arith.addi %add3A_67, %add3A_68 : i32
      %dma_start3A_70 = arith.constant 0 : i32
      %dma_start3A_71 = tpu.memref_slice %arg6[%add3A_69, %dma_start3A_70] : memref<80x125xi32, #tpu.memory_space<vmem>> -> memref<1x125xi32, #tpu.memory_space<vmem>>
      %dma_start3A_72 = tpu.memref_squeeze %dma_start3A_71 : memref<1x125xi32, #tpu.memory_space<vmem>> -> memref<125xi32, #tpu.memory_space<vmem>>
      %dma_start3A_73 = arith.constant 0 : i32
      %dma_start3A_74 = arith.constant 0 : i32
      %dma_start3A_75 = tpu.memref_slice %arg2[%arg0, %dma_start3A_73, %dma_start3A_74] : memref<2x10240x128xf32, #tpu.memory_space<hbm>> -> memref<1x10240x128xf32, #tpu.memory_space<hbm>>
      %dma_start3A_76 = tpu.memref_squeeze %dma_start3A_75 : memref<1x10240x128xf32, #tpu.memory_space<hbm>> -> memref<10240x128xf32, #tpu.memory_space<hbm>>
      %dma_start3A_77 = arith.constant 0 : i32
      %dma_start3A_78 = arith.constant 0 : i32
      %dma_start3A_79 = tpu.memref_slice %dma_start3A_76[%dma_start3A_77, %dma_start3A_78] : memref<10240x128xf32, #tpu.memory_space<hbm>> -> memref<10240x128xf32, #tpu.memory_space<hbm>>
      tpu.enqueue_indirect_dma source(%dma_start3A_79 : memref<10240x128xf32, #tpu.memory_space<hbm>>) target(%arg9 : memref<125x128xf32, #tpu.memory_space<vmem>>) offsets(%dma_start3A_72 : memref<125xi32, #tpu.memory_space<vmem>>) semaphore(%arg12 : memref<!tpu.dma_semaphore, #tpu.memory_space<semaphore_mem>>)
      %dma_wait3A_80 = arith.constant 0 : i32
      %dma_wait3A_81 = tpu.memref_slice %arg6[%add3A_67, %dma_wait3A_80] : memref<80x125xi32, #tpu.memory_space<vmem>> -> memref<1x125xi32, #tpu.memory_space<vmem>>
      %dma_wait3A_82 = tpu.memref_squeeze %dma_wait3A_81 : memref<1x125xi32, #tpu.memory_space<vmem>> -> memref<125xi32, #tpu.memory_space<vmem>>
      %dma_wait3A_83 = arith.constant 0 : i32
      %dma_wait3A_84 = arith.constant 0 : i32
      %dma_wait3A_85 = tpu.memref_slice %arg2[%arg0, %dma_wait3A_83, %dma_wait3A_84] : memref<2x10240x128xf32, #tpu.memory_space<hbm>> -> memref<1x10240x128xf32, #tpu.memory_space<hbm>>
      %dma_wait3A_86 = tpu.memref_squeeze %dma_wait3A_85 : memref<1x10240x128xf32, #tpu.memory_space<hbm>> -> memref<10240x128xf32, #tpu.memory_space<hbm>>
      %dma_wait3A_87 = arith.constant 0 : i32
      %dma_wait3A_88 = arith.constant 0 : i32
      %dma_wait3A_89 = tpu.memref_slice %dma_wait3A_86[%dma_wait3A_87, %dma_wait3A_88] : memref<10240x128xf32, #tpu.memory_space<hbm>> -> memref<10240x128xf32, #tpu.memory_space<hbm>>
      tpu.wait_indirect_dma semaphore(%arg11 : memref<!tpu.dma_semaphore, #tpu.memory_space<semaphore_mem>>) src(%dma_wait3A_89 : memref<10240x128xf32, #tpu.memory_space<hbm>>) dst(%arg8 : memref<125x128xf32, #tpu.memory_space<vmem>>)
      %rem3A_90 = arith.constant 2 : i32
      %rem3A_91 = arith.remsi %scan3A_39, %rem3A_90 : i32
      %mul3A_92 = arith.constant 16 : i32
      %mul3A_93 = arith.muli %rem3A_91, %mul3A_92 : i32
      %add3A_94 = arith.constant 0 : i32
      %add3A_95 = arith.addi %mul3A_93, %add3A_94 : i32
      "tpu.region"() ({
        %run_scoped3A = tpu.sem_alloc : memref<!tpu.dma_semaphore, #tpu.memory_space<semaphore_mem>>
        %dma_start3A_541 = arith.constant 0 : i32
        %dma_start3A_542 = tpu.memref_slice %arg7[%add3A_95, %dma_start3A_541] : memref<32x125xi32, #tpu.memory_space<vmem>> -> memref<1x125xi32, #tpu.memory_space<vmem>>
        %dma_start3A_543 = tpu.memref_squeeze %dma_start3A_542 : memref<1x125xi32, #tpu.memory_space<vmem>> -> memref<125xi32, #tpu.memory_space<vmem>>
        %dma_start3A_544 = arith.constant 0 : i32
        %dma_start3A_545 = arith.constant 0 : i32
        %dma_start3A_546 = tpu.memref_slice %arg10[%dma_start3A_544, %dma_start3A_545] : memref<10240x128xf32, #tpu.memory_space<vmem_shared>> -> memref<10240x128xf32, #tpu.memory_space<vmem_shared>>
        tpu.enqueue_indirect_dma source(%arg8 : memref<125x128xf32, #tpu.memory_space<vmem>>) target(%dma_start3A_546 : memref<10240x128xf32, #tpu.memory_space<vmem_shared>>) offsets(%dma_start3A_543 : memref<125xi32, #tpu.memory_space<vmem>>) semaphore(%run_scoped3A : memref<!tpu.dma_semaphore, #tpu.memory_space<semaphore_mem>>) {add = true}
        %dma_wait3A_547 = arith.constant 0 : i32
        %dma_wait3A_548 = tpu.memref_slice %arg7[%add3A_95, %dma_wait3A_547] : memref<32x125xi32, #tpu.memory_space<vmem>> -> memref<1x125xi32, #tpu.memory_space<vmem>>
        %dma_wait3A_549 = tpu.memref_squeeze %dma_wait3A_548 : memref<1x125xi32, #tpu.memory_space<vmem>> -> memref<125xi32, #tpu.memory_space<vmem>>
        %dma_wait3A_550 = arith.constant 0 : i32
        %dma_wait3A_551 = arith.constant 0 : i32
        %dma_wait3A_552 = tpu.memref_slice %arg10[%dma_wait3A_550, %dma_wait3A_551] : memref<10240x128xf32, #tpu.memory_space<vmem_shared>> -> memref<10240x128xf32, #tpu.memory_space<vmem_shared>>
        tpu.wait_indirect_dma semaphore(%run_scoped3A : memref<!tpu.dma_semaphore, #tpu.memory_space<semaphore_mem>>) src(%arg8 : memref<125x128xf32, #tpu.memory_space<vmem>>) dst(%dma_wait3A_552 : memref<10240x128xf32, #tpu.memory_space<vmem_shared>>)
        tpu.yield
      }) : () -> ()
      %add3A_96 = arith.constant 1 : i32
      %add3A_97 = arith.addi %mul3A_41, %add3A_96 : i32
      %add3A_98 = arith.constant 1 : i32
      %add3A_99 = arith.addi %add3A_97, %add3A_98 : i32
      %dma_start3A_100 = arith.constant 0 : i32
      %dma_start3A_101 = tpu.memref_slice %arg6[%add3A_99, %dma_start3A_100] : memref<80x125xi32, #tpu.memory_space<vmem>> -> memref<1x125xi32, #tpu.memory_space<vmem>>
      %dma_start3A_102 = tpu.memref_squeeze %dma_start3A_101 : memref<1x125xi32, #tpu.memory_space<vmem>> -> memref<125xi32, #tpu.memory_space<vmem>>
      %dma_start3A_103 = arith.constant 0 : i32
      %dma_start3A_104 = arith.constant 0 : i32
      %dma_start3A_105 = tpu.memref_slice %arg2[%arg0, %dma_start3A_103, %dma_start3A_104] : memref<2x10240x128xf32, #tpu.memory_space<hbm>> -> memref<1x10240x128xf32, #tpu.memory_space<hbm>>
      %dma_start3A_106 = tpu.memref_squeeze %dma_start3A_105 : memref<1x10240x128xf32, #tpu.memory_space<hbm>> -> memref<10240x128xf32, #tpu.memory_space<hbm>>
      %dma_start3A_107 = arith.constant 0 : i32
      %dma_start3A_108 = arith.constant 0 : i32
      %dma_start3A_109 = tpu.memref_slice %dma_start3A_106[%dma_start3A_107, %dma_start3A_108] : memref<10240x128xf32, #tpu.memory_space<hbm>> -> memref<10240x128xf32, #tpu.memory_space<hbm>>
      tpu.enqueue_indirect_dma source(%dma_start3A_109 : memref<10240x128xf32, #tpu.memory_space<hbm>>) target(%arg8 : memref<125x128xf32, #tpu.memory_space<vmem>>) offsets(%dma_start3A_102 : memref<125xi32, #tpu.memory_space<vmem>>) semaphore(%arg11 : memref<!tpu.dma_semaphore, #tpu.memory_space<semaphore_mem>>)
      %dma_wait3A_110 = arith.constant 0 : i32
      %dma_wait3A_111 = tpu.memref_slice %arg6[%add3A_97, %dma_wait3A_110] : memref<80x125xi32, #tpu.memory_space<vmem>> -> memref<1x125xi32, #tpu.memory_space<vmem>>
      %dma_wait3A_112 = tpu.memref_squeeze %dma_wait3A_111 : memref<1x125xi32, #tpu.memory_space<vmem>> -> memref<125xi32, #tpu.memory_space<vmem>>
      %dma_wait3A_113 = arith.constant 0 : i32
      %dma_wait3A_114 = arith.constant 0 : i32
      %dma_wait3A_115 = tpu.memref_slice %arg2[%arg0, %dma_wait3A_113, %dma_wait3A_114] : memref<2x10240x128xf32, #tpu.memory_space<hbm>> -> memref<1x10240x128xf32, #tpu.memory_space<hbm>>
      %dma_wait3A_116 = tpu.memref_squeeze %dma_wait3A_115 : memref<1x10240x128xf32, #tpu.memory_space<hbm>> -> memref<10240x128xf32, #tpu.memory_space<hbm>>
      %dma_wait3A_117 = arith.constant 0 : i32
      %dma_wait3A_118 = arith.constant 0 : i32
      %dma_wait3A_119 = tpu.memref_slice %dma_wait3A_116[%dma_wait3A_117, %dma_wait3A_118] : memref<10240x128xf32, #tpu.memory_space<hbm>> -> memref<10240x128xf32, #tpu.memory_space<hbm>>
      tpu.wait_indirect_dma semaphore(%arg12 : memref<!tpu.dma_semaphore, #tpu.memory_space<semaphore_mem>>) src(%dma_wait3A_119 : memref<10240x128xf32, #tpu.memory_space<hbm>>) dst(%arg9 : memref<125x128xf32, #tpu.memory_space<vmem>>)
      %rem3A_120 = arith.constant 2 : i32
      %rem3A_121 = arith.remsi %scan3A_39, %rem3A_120 : i32
      %mul3A_122 = arith.constant 16 : i32
      %mul3A_123 = arith.muli %rem3A_121, %mul3A_122 : i32
      %add3A_124 = arith.constant 1 : i32
      %add3A_125 = arith.addi %mul3A_123, %add3A_124 : i32
      "tpu.region"() ({
        %run_scoped3A = tpu.sem_alloc : memref<!tpu.dma_semaphore, #tpu.memory_space<semaphore_mem>>
        %dma_start3A_541 = arith.constant 0 : i32
        %dma_start3A_542 = tpu.memref_slice %arg7[%add3A_125, %dma_start3A_541] : memref<32x125xi32, #tpu.memory_space<vmem>> -> memref<1x125xi32, #tpu.memory_space<vmem>>
        %dma_start3A_543 = tpu.memref_squeeze %dma_start3A_542 : memref<1x125xi32, #tpu.memory_space<vmem>> -> memref<125xi32, #tpu.memory_space<vmem>>
        %dma_start3A_544 = arith.constant 0 : i32
        %dma_start3A_545 = arith.constant 0 : i32
        %dma_start3A_546 = tpu.memref_slice %arg10[%dma_start3A_544, %dma_start3A_545] : memref<10240x128xf32, #tpu.memory_space<vmem_shared>> -> memref<10240x128xf32, #tpu.memory_space<vmem_shared>>
        tpu.enqueue_indirect_dma source(%arg9 : memref<125x128xf32, #tpu.memory_space<vmem>>) target(%dma_start3A_546 : memref<10240x128xf32, #tpu.memory_space<vmem_shared>>) offsets(%dma_start3A_543 : memref<125xi32, #tpu.memory_space<vmem>>) semaphore(%run_scoped3A : memref<!tpu.dma_semaphore, #tpu.memory_space<semaphore_mem>>) {add = true}
        %dma_wait3A_547 = arith.constant 0 : i32
        %dma_wait3A_548 = tpu.memref_slice %arg7[%add3A_125, %dma_wait3A_547] : memref<32x125xi32, #tpu.memory_space<vmem>> -> memref<1x125xi32, #tpu.memory_space<vmem>>
        %dma_wait3A_549 = tpu.memref_squeeze %dma_wait3A_548 : memref<1x125xi32, #tpu.memory_space<vmem>> -> memref<125xi32, #tpu.memory_space<vmem>>
        %dma_wait3A_550 = arith.constant 0 : i32
        %dma_wait3A_551 = arith.constant 0 : i32
        %dma_wait3A_552 = tpu.memref_slice %arg10[%dma_wait3A_550, %dma_wait3A_551] : memref<10240x128xf32, #tpu.memory_space<vmem_shared>> -> memref<10240x128xf32, #tpu.memory_space<vmem_shared>>
        tpu.wait_indirect_dma semaphore(%run_scoped3A : memref<!tpu.dma_semaphore, #tpu.memory_space<semaphore_mem>>) src(%arg9 : memref<125x128xf32, #tpu.memory_space<vmem>>) dst(%dma_wait3A_552 : memref<10240x128xf32, #tpu.memory_space<vmem_shared>>)
        tpu.yield
      }) : () -> ()
      %add3A_126 = arith.constant 2 : i32
      %add3A_127 = arith.addi %mul3A_41, %add3A_126 : i32
      %add3A_128 = arith.constant 1 : i32
      %add3A_129 = arith.addi %add3A_127, %add3A_128 : i32
      %dma_start3A_130 = arith.constant 0 : i32
      %dma_start3A_131 = tpu.memref_slice %arg6[%add3A_129, %dma_start3A_130] : memref<80x125xi32, #tpu.memory_space<vmem>> -> memref<1x125xi32, #tpu.memory_space<vmem>>
      %dma_start3A_132 = tpu.memref_squeeze %dma_start3A_131 : memref<1x125xi32, #tpu.memory_space<vmem>> -> memref<125xi32, #tpu.memory_space<vmem>>
      %dma_start3A_133 = arith.constant 0 : i32
      %dma_start3A_134 = arith.constant 0 : i32
      %dma_start3A_135 = tpu.memref_slice %arg2[%arg0, %dma_start3A_133, %dma_start3A_134] : memref<2x10240x128xf32, #tpu.memory_space<hbm>> -> memref<1x10240x128xf32, #tpu.memory_space<hbm>>
      %dma_start3A_136 = tpu.memref_squeeze %dma_start3A_135 : memref<1x10240x128xf32, #tpu.memory_space<hbm>> -> memref<10240x128xf32, #tpu.memory_space<hbm>>
      %dma_start3A_137 = arith.constant 0 : i32
      %dma_start3A_138 = arith.constant 0 : i32
      %dma_start3A_139 = tpu.memref_slice %dma_start3A_136[%dma_start3A_137, %dma_start3A_138] : memref<10240x128xf32, #tpu.memory_space<hbm>> -> memref<10240x128xf32, #tpu.memory_space<hbm>>
      tpu.enqueue_indirect_dma source(%dma_start3A_139 : memref<10240x128xf32, #tpu.memory_space<hbm>>) target(%arg9 : memref<125x128xf32, #tpu.memory_space<vmem>>) offsets(%dma_start3A_132 : memref<125xi32, #tpu.memory_space<vmem>>) semaphore(%arg12 : memref<!tpu.dma_semaphore, #tpu.memory_space<semaphore_mem>>)
      %dma_wait3A_140 = arith.constant 0 : i32
      %dma_wait3A_141 = tpu.memref_slice %arg6[%add3A_127, %dma_wait3A_140] : memref<80x125xi32, #tpu.memory_space<vmem>> -> memref<1x125xi32, #tpu.memory_space<vmem>>
      %dma_wait3A_142 = tpu.memref_squeeze %dma_wait3A_141 : memref<1x125xi32, #tpu.memory_space<vmem>> -> memref<125xi32, #tpu.memory_space<vmem>>
      %dma_wait3A_143 = arith.constant 0 : i32
      %dma_wait3A_144 = arith.constant 0 : i32
      %dma_wait3A_145 = tpu.memref_slice %arg2[%arg0, %dma_wait3A_143, %dma_wait3A_144] : memref<2x10240x128xf32, #tpu.memory_space<hbm>> -> memref<1x10240x128xf32, #tpu.memory_space<hbm>>
      %dma_wait3A_146 = tpu.memref_squeeze %dma_wait3A_145 : memref<1x10240x128xf32, #tpu.memory_space<hbm>> -> memref<10240x128xf32, #tpu.memory_space<hbm>>
      %dma_wait3A_147 = arith.constant 0 : i32
      %dma_wait3A_148 = arith.constant 0 : i32
      %dma_wait3A_149 = tpu.memref_slice %dma_wait3A_146[%dma_wait3A_147, %dma_wait3A_148] : memref<10240x128xf32, #tpu.memory_space<hbm>> -> memref<10240x128xf32, #tpu.memory_space<hbm>>
      tpu.wait_indirect_dma semaphore(%arg11 : memref<!tpu.dma_semaphore, #tpu.memory_space<semaphore_mem>>) src(%dma_wait3A_149 : memref<10240x128xf32, #tpu.memory_space<hbm>>) dst(%arg8 : memref<125x128xf32, #tpu.memory_space<vmem>>)
      %rem3A_150 = arith.constant 2 : i32
      %rem3A_151 = arith.remsi %scan3A_39, %rem3A_150 : i32
      %mul3A_152 = arith.constant 16 : i32
      %mul3A_153 = arith.muli %rem3A_151, %mul3A_152 : i32
      %add3A_154 = arith.constant 2 : i32
      %add3A_155 = arith.addi %mul3A_153, %add3A_154 : i32
      "tpu.region"() ({
        %run_scoped3A = tpu.sem_alloc : memref<!tpu.dma_semaphore, #tpu.memory_space<semaphore_mem>>
        %dma_start3A_541 = arith.constant 0 : i32
        %dma_start3A_542 = tpu.memref_slice %arg7[%add3A_155, %dma_start3A_541] : memref<32x125xi32, #tpu.memory_space<vmem>> -> memref<1x125xi32, #tpu.memory_space<vmem>>
        %dma_start3A_543 = tpu.memref_squeeze %dma_start3A_542 : memref<1x125xi32, #tpu.memory_space<vmem>> -> memref<125xi32, #tpu.memory_space<vmem>>
        %dma_start3A_544 = arith.constant 0 : i32
        %dma_start3A_545 = arith.constant 0 : i32
        %dma_start3A_546 = tpu.memref_slice %arg10[%dma_start3A_544, %dma_start3A_545] : memref<10240x128xf32, #tpu.memory_space<vmem_shared>> -> memref<10240x128xf32, #tpu.memory_space<vmem_shared>>
        tpu.enqueue_indirect_dma source(%arg8 : memref<125x128xf32, #tpu.memory_space<vmem>>) target(%dma_start3A_546 : memref<10240x128xf32, #tpu.memory_space<vmem_shared>>) offsets(%dma_start3A_543 : memref<125xi32, #tpu.memory_space<vmem>>) semaphore(%run_scoped3A : memref<!tpu.dma_semaphore, #tpu.memory_space<semaphore_mem>>) {add = true}
        %dma_wait3A_547 = arith.constant 0 : i32
        %dma_wait3A_548 = tpu.memref_slice %arg7[%add3A_155, %dma_wait3A_547] : memref<32x125xi32, #tpu.memory_space<vmem>> -> memref<1x125xi32, #tpu.memory_space<vmem>>
        %dma_wait3A_549 = tpu.memref_squeeze %dma_wait3A_548 : memref<1x125xi32, #tpu.memory_space<vmem>> -> memref<125xi32, #tpu.memory_space<vmem>>
        %dma_wait3A_550 = arith.constant 0 : i32
        %dma_wait3A_551 = arith.constant 0 : i32
        %dma_wait3A_552 = tpu.memref_slice %arg10[%dma_wait3A_550, %dma_wait3A_551] : memref<10240x128xf32, #tpu.memory_space<vmem_shared>> -> memref<10240x128xf32, #tpu.memory_space<vmem_shared>>
        tpu.wait_indirect_dma semaphore(%run_scoped3A : memref<!tpu.dma_semaphore, #tpu.memory_space<semaphore_mem>>) src(%arg8 : memref<125x128xf32, #tpu.memory_space<vmem>>) dst(%dma_wait3A_552 : memref<10240x128xf32, #tpu.memory_space<vmem_shared>>)
        tpu.yield
      }) : () -> ()
      %add3A_156 = arith.constant 3 : i32
      %add3A_157 = arith.addi %mul3A_41, %add3A_156 : i32
      %add3A_158 = arith.constant 1 : i32
      %add3A_159 = arith.addi %add3A_157, %add3A_158 : i32
      %dma_start3A_160 = arith.constant 0 : i32
      %dma_start3A_161 = tpu.memref_slice %arg6[%add3A_159, %dma_start3A_160] : memref<80x125xi32, #tpu.memory_space<vmem>> -> memref<1x125xi32, #tpu.memory_space<vmem>>
      %dma_start3A_162 = tpu.memref_squeeze %dma_start3A_161 : memref<1x125xi32, #tpu.memory_space<vmem>> -> memref<125xi32, #tpu.memory_space<vmem>>
      %dma_start3A_163 = arith.constant 0 : i32
      %dma_start3A_164 = arith.constant 0 : i32
      %dma_start3A_165 = tpu.memref_slice %arg2[%arg0, %dma_start3A_163, %dma_start3A_164] : memref<2x10240x128xf32, #tpu.memory_space<hbm>> -> memref<1x10240x128xf32, #tpu.memory_space<hbm>>
      %dma_start3A_166 = tpu.memref_squeeze %dma_start3A_165 : memref<1x10240x128xf32, #tpu.memory_space<hbm>> -> memref<10240x128xf32, #tpu.memory_space<hbm>>
      %dma_start3A_167 = arith.constant 0 : i32
      %dma_start3A_168 = arith.constant 0 : i32
      %dma_start3A_169 = tpu.memref_slice %dma_start3A_166[%dma_start3A_167, %dma_start3A_168] : memref<10240x128xf32, #tpu.memory_space<hbm>> -> memref<10240x128xf32, #tpu.memory_space<hbm>>
      tpu.enqueue_indirect_dma source(%dma_start3A_169 : memref<10240x128xf32, #tpu.memory_space<hbm>>) target(%arg8 : memref<125x128xf32, #tpu.memory_space<vmem>>) offsets(%dma_start3A_162 : memref<125xi32, #tpu.memory_space<vmem>>) semaphore(%arg11 : memref<!tpu.dma_semaphore, #tpu.memory_space<semaphore_mem>>)
      %dma_wait3A_170 = arith.constant 0 : i32
      %dma_wait3A_171 = tpu.memref_slice %arg6[%add3A_157, %dma_wait3A_170] : memref<80x125xi32, #tpu.memory_space<vmem>> -> memref<1x125xi32, #tpu.memory_space<vmem>>
      %dma_wait3A_172 = tpu.memref_squeeze %dma_wait3A_171 : memref<1x125xi32, #tpu.memory_space<vmem>> -> memref<125xi32, #tpu.memory_space<vmem>>
      %dma_wait3A_173 = arith.constant 0 : i32
      %dma_wait3A_174 = arith.constant 0 : i32
      %dma_wait3A_175 = tpu.memref_slice %arg2[%arg0, %dma_wait3A_173, %dma_wait3A_174] : memref<2x10240x128xf32, #tpu.memory_space<hbm>> -> memref<1x10240x128xf32, #tpu.memory_space<hbm>>
      %dma_wait3A_176 = tpu.memref_squeeze %dma_wait3A_175 : memref<1x10240x128xf32, #tpu.memory_space<hbm>> -> memref<10240x128xf32, #tpu.memory_space<hbm>>
      %dma_wait3A_177 = arith.constant 0 : i32
      %dma_wait3A_178 = arith.constant 0 : i32
      %dma_wait3A_179 = tpu.memref_slice %dma_wait3A_176[%dma_wait3A_177, %dma_wait3A_178] : memref<10240x128xf32, #tpu.memory_space<hbm>> -> memref<10240x128xf32, #tpu.memory_space<hbm>>
      tpu.wait_indirect_dma semaphore(%arg12 : memref<!tpu.dma_semaphore, #tpu.memory_space<semaphore_mem>>) src(%dma_wait3A_179 : memref<10240x128xf32, #tpu.memory_space<hbm>>) dst(%arg9 : memref<125x128xf32, #tpu.memory_space<vmem>>)
      %rem3A_180 = arith.constant 2 : i32
      %rem3A_181 = arith.remsi %scan3A_39, %rem3A_180 : i32
      %mul3A_182 = arith.constant 16 : i32
      %mul3A_183 = arith.muli %rem3A_181, %mul3A_182 : i32
      %add3A_184 = arith.constant 3 : i32
      %add3A_185 = arith.addi %mul3A_183, %add3A_184 : i32
      "tpu.region"() ({
        %run_scoped3A = tpu.sem_alloc : memref<!tpu.dma_semaphore, #tpu.memory_space<semaphore_mem>>
        %dma_start3A_541 = arith.constant 0 : i32
        %dma_start3A_542 = tpu.memref_slice %arg7[%add3A_185, %dma_start3A_541] : memref<32x125xi32, #tpu.memory_space<vmem>> -> memref<1x125xi32, #tpu.memory_space<vmem>>
        %dma_start3A_543 = tpu.memref_squeeze %dma_start3A_542 : memref<1x125xi32, #tpu.memory_space<vmem>> -> memref<125xi32, #tpu.memory_space<vmem>>
        %dma_start3A_544 = arith.constant 0 : i32
        %dma_start3A_545 = arith.constant 0 : i32
        %dma_start3A_546 = tpu.memref_slice %arg10[%dma_start3A_544, %dma_start3A_545] : memref<10240x128xf32, #tpu.memory_space<vmem_shared>> -> memref<10240x128xf32, #tpu.memory_space<vmem_shared>>
        tpu.enqueue_indirect_dma source(%arg9 : memref<125x128xf32, #tpu.memory_space<vmem>>) target(%dma_start3A_546 : memref<10240x128xf32, #tpu.memory_space<vmem_shared>>) offsets(%dma_start3A_543 : memref<125xi32, #tpu.memory_space<vmem>>) semaphore(%run_scoped3A : memref<!tpu.dma_semaphore, #tpu.memory_space<semaphore_mem>>) {add = true}
        %dma_wait3A_547 = arith.constant 0 : i32
        %dma_wait3A_548 = tpu.memref_slice %arg7[%add3A_185, %dma_wait3A_547] : memref<32x125xi32, #tpu.memory_space<vmem>> -> memref<1x125xi32, #tpu.memory_space<vmem>>
        %dma_wait3A_549 = tpu.memref_squeeze %dma_wait3A_548 : memref<1x125xi32, #tpu.memory_space<vmem>> -> memref<125xi32, #tpu.memory_space<vmem>>
        %dma_wait3A_550 = arith.constant 0 : i32
        %dma_wait3A_551 = arith.constant 0 : i32
        %dma_wait3A_552 = tpu.memref_slice %arg10[%dma_wait3A_550, %dma_wait3A_551] : memref<10240x128xf32, #tpu.memory_space<vmem_shared>> -> memref<10240x128xf32, #tpu.memory_space<vmem_shared>>
        tpu.wait_indirect_dma semaphore(%run_scoped3A : memref<!tpu.dma_semaphore, #tpu.memory_space<semaphore_mem>>) src(%arg9 : memref<125x128xf32, #tpu.memory_space<vmem>>) dst(%dma_wait3A_552 : memref<10240x128xf32, #tpu.memory_space<vmem_shared>>)
        tpu.yield
      }) : () -> ()
      %add3A_186 = arith.constant 4 : i32
      %add3A_187 = arith.addi %mul3A_41, %add3A_186 : i32
      %add3A_188 = arith.constant 1 : i32
      %add3A_189 = arith.addi %add3A_187, %add3A_188 : i32
      %dma_start3A_190 = arith.constant 0 : i32
      %dma_start3A_191 = tpu.memref_slice %arg6[%add3A_189, %dma_start3A_190] : memref<80x125xi32, #tpu.memory_space<vmem>> -> memref<1x125xi32, #tpu.memory_space<vmem>>
      %dma_start3A_192 = tpu.memref_squeeze %dma_start3A_191 : memref<1x125xi32, #tpu.memory_space<vmem>> -> memref<125xi32, #tpu.memory_space<vmem>>
      %dma_start3A_193 = arith.constant 0 : i32
      %dma_start3A_194 = arith.constant 0 : i32
      %dma_start3A_195 = tpu.memref_slice %arg2[%arg0, %dma_start3A_193, %dma_start3A_194] : memref<2x10240x128xf32, #tpu.memory_space<hbm>> -> memref<1x10240x128xf32, #tpu.memory_space<hbm>>
      %dma_start3A_196 = tpu.memref_squeeze %dma_start3A_195 : memref<1x10240x128xf32, #tpu.memory_space<hbm>> -> memref<10240x128xf32, #tpu.memory_space<hbm>>
      %dma_start3A_197 = arith.constant 0 : i32
      %dma_start3A_198 = arith.constant 0 : i32
      %dma_start3A_199 = tpu.memref_slice %dma_start3A_196[%dma_start3A_197, %dma_start3A_198] : memref<10240x128xf32, #tpu.memory_space<hbm>> -> memref<10240x128xf32, #tpu.memory_space<hbm>>
      tpu.enqueue_indirect_dma source(%dma_start3A_199 : memref<10240x128xf32, #tpu.memory_space<hbm>>) target(%arg9 : memref<125x128xf32, #tpu.memory_space<vmem>>) offsets(%dma_start3A_192 : memref<125xi32, #tpu.memory_space<vmem>>) semaphore(%arg12 : memref<!tpu.dma_semaphore, #tpu.memory_space<semaphore_mem>>)
      %dma_wait3A_200 = arith.constant 0 : i32
      %dma_wait3A_201 = tpu.memref_slice %arg6[%add3A_187, %dma_wait3A_200] : memref<80x125xi32, #tpu.memory_space<vmem>> -> memref<1x125xi32, #tpu.memory_space<vmem>>
      %dma_wait3A_202 = tpu.memref_squeeze %dma_wait3A_201 : memref<1x125xi32, #tpu.memory_space<vmem>> -> memref<125xi32, #tpu.memory_space<vmem>>
      %dma_wait3A_203 = arith.constant 0 : i32
      %dma_wait3A_204 = arith.constant 0 : i32
      %dma_wait3A_205 = tpu.memref_slice %arg2[%arg0, %dma_wait3A_203, %dma_wait3A_204] : memref<2x10240x128xf32, #tpu.memory_space<hbm>> -> memref<1x10240x128xf32, #tpu.memory_space<hbm>>
      %dma_wait3A_206 = tpu.memref_squeeze %dma_wait3A_205 : memref<1x10240x128xf32, #tpu.memory_space<hbm>> -> memref<10240x128xf32, #tpu.memory_space<hbm>>
      %dma_wait3A_207 = arith.constant 0 : i32
      %dma_wait3A_208 = arith.constant 0 : i32
      %dma_wait3A_209 = tpu.memref_slice %dma_wait3A_206[%dma_wait3A_207, %dma_wait3A_208] : memref<10240x128xf32, #tpu.memory_space<hbm>> -> memref<10240x128xf32, #tpu.memory_space<hbm>>
      tpu.wait_indirect_dma semaphore(%arg11 : memref<!tpu.dma_semaphore, #tpu.memory_space<semaphore_mem>>) src(%dma_wait3A_209 : memref<10240x128xf32, #tpu.memory_space<hbm>>) dst(%arg8 : memref<125x128xf32, #tpu.memory_space<vmem>>)
      %rem3A_210 = arith.constant 2 : i32
      %rem3A_211 = arith.remsi %scan3A_39, %rem3A_210 : i32
      %mul3A_212 = arith.constant 16 : i32
      %mul3A_213 = arith.muli %rem3A_211, %mul3A_212 : i32
      %add3A_214 = arith.constant 4 : i32
      %add3A_215 = arith.addi %mul3A_213, %add3A_214 : i32
      "tpu.region"() ({
        %run_scoped3A = tpu.sem_alloc : memref<!tpu.dma_semaphore, #tpu.memory_space<semaphore_mem>>
        %dma_start3A_541 = arith.constant 0 : i32
        %dma_start3A_542 = tpu.memref_slice %arg7[%add3A_215, %dma_start3A_541] : memref<32x125xi32, #tpu.memory_space<vmem>> -> memref<1x125xi32, #tpu.memory_space<vmem>>
        %dma_start3A_543 = tpu.memref_squeeze %dma_start3A_542 : memref<1x125xi32, #tpu.memory_space<vmem>> -> memref<125xi32, #tpu.memory_space<vmem>>
        %dma_start3A_544 = arith.constant 0 : i32
        %dma_start3A_545 = arith.constant 0 : i32
        %dma_start3A_546 = tpu.memref_slice %arg10[%dma_start3A_544, %dma_start3A_545] : memref<10240x128xf32, #tpu.memory_space<vmem_shared>> -> memref<10240x128xf32, #tpu.memory_space<vmem_shared>>
        tpu.enqueue_indirect_dma source(%arg8 : memref<125x128xf32, #tpu.memory_space<vmem>>) target(%dma_start3A_546 : memref<10240x128xf32, #tpu.memory_space<vmem_shared>>) offsets(%dma_start3A_543 : memref<125xi32, #tpu.memory_space<vmem>>) semaphore(%run_scoped3A : memref<!tpu.dma_semaphore, #tpu.memory_space<semaphore_mem>>) {add = true}
        %dma_wait3A_547 = arith.constant 0 : i32
        %dma_wait3A_548 = tpu.memref_slice %arg7[%add3A_215, %dma_wait3A_547] : memref<32x125xi32, #tpu.memory_space<vmem>> -> memref<1x125xi32, #tpu.memory_space<vmem>>
        %dma_wait3A_549 = tpu.memref_squeeze %dma_wait3A_548 : memref<1x125xi32, #tpu.memory_space<vmem>> -> memref<125xi32, #tpu.memory_space<vmem>>
        %dma_wait3A_550 = arith.constant 0 : i32
        %dma_wait3A_551 = arith.constant 0 : i32
        %dma_wait3A_552 = tpu.memref_slice %arg10[%dma_wait3A_550, %dma_wait3A_551] : memref<10240x128xf32, #tpu.memory_space<vmem_shared>> -> memref<10240x128xf32, #tpu.memory_space<vmem_shared>>
        tpu.wait_indirect_dma semaphore(%run_scoped3A : memref<!tpu.dma_semaphore, #tpu.memory_space<semaphore_mem>>) src(%arg8 : memref<125x128xf32, #tpu.memory_space<vmem>>) dst(%dma_wait3A_552 : memref<10240x128xf32, #tpu.memory_space<vmem_shared>>)
        tpu.yield
      }) : () -> ()
      %add3A_216 = arith.constant 5 : i32
      %add3A_217 = arith.addi %mul3A_41, %add3A_216 : i32
      %add3A_218 = arith.constant 1 : i32
      %add3A_219 = arith.addi %add3A_217, %add3A_218 : i32
      %dma_start3A_220 = arith.constant 0 : i32
      %dma_start3A_221 = tpu.memref_slice %arg6[%add3A_219, %dma_start3A_220] : memref<80x125xi32, #tpu.memory_space<vmem>> -> memref<1x125xi32, #tpu.memory_space<vmem>>
      %dma_start3A_222 = tpu.memref_squeeze %dma_start3A_221 : memref<1x125xi32, #tpu.memory_space<vmem>> -> memref<125xi32, #tpu.memory_space<vmem>>
      %dma_start3A_223 = arith.constant 0 : i32
      %dma_start3A_224 = arith.constant 0 : i32
      %dma_start3A_225 = tpu.memref_slice %arg2[%arg0, %dma_start3A_223, %dma_start3A_224] : memref<2x10240x128xf32, #tpu.memory_space<hbm>> -> memref<1x10240x128xf32, #tpu.memory_space<hbm>>
      %dma_start3A_226 = tpu.memref_squeeze %dma_start3A_225 : memref<1x10240x128xf32, #tpu.memory_space<hbm>> -> memref<10240x128xf32, #tpu.memory_space<hbm>>
      %dma_start3A_227 = arith.constant 0 : i32
      %dma_start3A_228 = arith.constant 0 : i32
      %dma_start3A_229 = tpu.memref_slice %dma_start3A_226[%dma_start3A_227, %dma_start3A_228] : memref<10240x128xf32, #tpu.memory_space<hbm>> -> memref<10240x128xf32, #tpu.memory_space<hbm>>
      tpu.enqueue_indirect_dma source(%dma_start3A_229 : memref<10240x128xf32, #tpu.memory_space<hbm>>) target(%arg8 : memref<125x128xf32, #tpu.memory_space<vmem>>) offsets(%dma_start3A_222 : memref<125xi32, #tpu.memory_space<vmem>>) semaphore(%arg11 : memref<!tpu.dma_semaphore, #tpu.memory_space<semaphore_mem>>)
      %dma_wait3A_230 = arith.constant 0 : i32
      %dma_wait3A_231 = tpu.memref_slice %arg6[%add3A_217, %dma_wait3A_230] : memref<80x125xi32, #tpu.memory_space<vmem>> -> memref<1x125xi32, #tpu.memory_space<vmem>>
      %dma_wait3A_232 = tpu.memref_squeeze %dma_wait3A_231 : memref<1x125xi32, #tpu.memory_space<vmem>> -> memref<125xi32, #tpu.memory_space<vmem>>
      %dma_wait3A_233 = arith.constant 0 : i32
      %dma_wait3A_234 = arith.constant 0 : i32
      %dma_wait3A_235 = tpu.memref_slice %arg2[%arg0, %dma_wait3A_233, %dma_wait3A_234] : memref<2x10240x128xf32, #tpu.memory_space<hbm>> -> memref<1x10240x128xf32, #tpu.memory_space<hbm>>
      %dma_wait3A_236 = tpu.memref_squeeze %dma_wait3A_235 : memref<1x10240x128xf32, #tpu.memory_space<hbm>> -> memref<10240x128xf32, #tpu.memory_space<hbm>>
      %dma_wait3A_237 = arith.constant 0 : i32
      %dma_wait3A_238 = arith.constant 0 : i32
      %dma_wait3A_239 = tpu.memref_slice %dma_wait3A_236[%dma_wait3A_237, %dma_wait3A_238] : memref<10240x128xf32, #tpu.memory_space<hbm>> -> memref<10240x128xf32, #tpu.memory_space<hbm>>
      tpu.wait_indirect_dma semaphore(%arg12 : memref<!tpu.dma_semaphore, #tpu.memory_space<semaphore_mem>>) src(%dma_wait3A_239 : memref<10240x128xf32, #tpu.memory_space<hbm>>) dst(%arg9 : memref<125x128xf32, #tpu.memory_space<vmem>>)
      %rem3A_240 = arith.constant 2 : i32
      %rem3A_241 = arith.remsi %scan3A_39, %rem3A_240 : i32
      %mul3A_242 = arith.constant 16 : i32
      %mul3A_243 = arith.muli %rem3A_241, %mul3A_242 : i32
      %add3A_244 = arith.constant 5 : i32
      %add3A_245 = arith.addi %mul3A_243, %add3A_244 : i32
      "tpu.region"() ({
        %run_scoped3A = tpu.sem_alloc : memref<!tpu.dma_semaphore, #tpu.memory_space<semaphore_mem>>
        %dma_start3A_541 = arith.constant 0 : i32
        %dma_start3A_542 = tpu.memref_slice %arg7[%add3A_245, %dma_start3A_541] : memref<32x125xi32, #tpu.memory_space<vmem>> -> memref<1x125xi32, #tpu.memory_space<vmem>>
        %dma_start3A_543 = tpu.memref_squeeze %dma_start3A_542 : memref<1x125xi32, #tpu.memory_space<vmem>> -> memref<125xi32, #tpu.memory_space<vmem>>
        %dma_start3A_544 = arith.constant 0 : i32
        %dma_start3A_545 = arith.constant 0 : i32
        %dma_start3A_546 = tpu.memref_slice %arg10[%dma_start3A_544, %dma_start3A_545] : memref<10240x128xf32, #tpu.memory_space<vmem_shared>> -> memref<10240x128xf32, #tpu.memory_space<vmem_shared>>
        tpu.enqueue_indirect_dma source(%arg9 : memref<125x128xf32, #tpu.memory_space<vmem>>) target(%dma_start3A_546 : memref<10240x128xf32, #tpu.memory_space<vmem_shared>>) offsets(%dma_start3A_543 : memref<125xi32, #tpu.memory_space<vmem>>) semaphore(%run_scoped3A : memref<!tpu.dma_semaphore, #tpu.memory_space<semaphore_mem>>) {add = true}
        %dma_wait3A_547 = arith.constant 0 : i32
        %dma_wait3A_548 = tpu.memref_slice %arg7[%add3A_245, %dma_wait3A_547] : memref<32x125xi32, #tpu.memory_space<vmem>> -> memref<1x125xi32, #tpu.memory_space<vmem>>
        %dma_wait3A_549 = tpu.memref_squeeze %dma_wait3A_548 : memref<1x125xi32, #tpu.memory_space<vmem>> -> memref<125xi32, #tpu.memory_space<vmem>>
        %dma_wait3A_550 = arith.constant 0 : i32
        %dma_wait3A_551 = arith.constant 0 : i32
        %dma_wait3A_552 = tpu.memref_slice %arg10[%dma_wait3A_550, %dma_wait3A_551] : memref<10240x128xf32, #tpu.memory_space<vmem_shared>> -> memref<10240x128xf32, #tpu.memory_space<vmem_shared>>
        tpu.wait_indirect_dma semaphore(%run_scoped3A : memref<!tpu.dma_semaphore, #tpu.memory_space<semaphore_mem>>) src(%arg9 : memref<125x128xf32, #tpu.memory_space<vmem>>) dst(%dma_wait3A_552 : memref<10240x128xf32, #tpu.memory_space<vmem_shared>>)
        tpu.yield
      }) : () -> ()
      %add3A_246 = arith.constant 6 : i32
      %add3A_247 = arith.addi %mul3A_41, %add3A_246 : i32
      %add3A_248 = arith.constant 1 : i32
      %add3A_249 = arith.addi %add3A_247, %add3A_248 : i32
      %dma_start3A_250 = arith.constant 0 : i32
      %dma_start3A_251 = tpu.memref_slice %arg6[%add3A_249, %dma_start3A_250] : memref<80x125xi32, #tpu.memory_space<vmem>> -> memref<1x125xi32, #tpu.memory_space<vmem>>
      %dma_start3A_252 = tpu.memref_squeeze %dma_start3A_251 : memref<1x125xi32, #tpu.memory_space<vmem>> -> memref<125xi32, #tpu.memory_space<vmem>>
      %dma_start3A_253 = arith.constant 0 : i32
      %dma_start3A_254 = arith.constant 0 : i32
      %dma_start3A_255 = tpu.memref_slice %arg2[%arg0, %dma_start3A_253, %dma_start3A_254] : memref<2x10240x128xf32, #tpu.memory_space<hbm>> -> memref<1x10240x128xf32, #tpu.memory_space<hbm>>
      %dma_start3A_256 = tpu.memref_squeeze %dma_start3A_255 : memref<1x10240x128xf32, #tpu.memory_space<hbm>> -> memref<10240x128xf32, #tpu.memory_space<hbm>>
      %dma_start3A_257 = arith.constant 0 : i32
      %dma_start3A_258 = arith.constant 0 : i32
      %dma_start3A_259 = tpu.memref_slice %dma_start3A_256[%dma_start3A_257, %dma_start3A_258] : memref<10240x128xf32, #tpu.memory_space<hbm>> -> memref<10240x128xf32, #tpu.memory_space<hbm>>
      tpu.enqueue_indirect_dma source(%dma_start3A_259 : memref<10240x128xf32, #tpu.memory_space<hbm>>) target(%arg9 : memref<125x128xf32, #tpu.memory_space<vmem>>) offsets(%dma_start3A_252 : memref<125xi32, #tpu.memory_space<vmem>>) semaphore(%arg12 : memref<!tpu.dma_semaphore, #tpu.memory_space<semaphore_mem>>)
      %dma_wait3A_260 = arith.constant 0 : i32
      %dma_wait3A_261 = tpu.memref_slice %arg6[%add3A_247, %dma_wait3A_260] : memref<80x125xi32, #tpu.memory_space<vmem>> -> memref<1x125xi32, #tpu.memory_space<vmem>>
      %dma_wait3A_262 = tpu.memref_squeeze %dma_wait3A_261 : memref<1x125xi32, #tpu.memory_space<vmem>> -> memref<125xi32, #tpu.memory_space<vmem>>
      %dma_wait3A_263 = arith.constant 0 : i32
      %dma_wait3A_264 = arith.constant 0 : i32
      %dma_wait3A_265 = tpu.memref_slice %arg2[%arg0, %dma_wait3A_263, %dma_wait3A_264] : memref<2x10240x128xf32, #tpu.memory_space<hbm>> -> memref<1x10240x128xf32, #tpu.memory_space<hbm>>
      %dma_wait3A_266 = tpu.memref_squeeze %dma_wait3A_265 : memref<1x10240x128xf32, #tpu.memory_space<hbm>> -> memref<10240x128xf32, #tpu.memory_space<hbm>>
      %dma_wait3A_267 = arith.constant 0 : i32
      %dma_wait3A_268 = arith.constant 0 : i32
      %dma_wait3A_269 = tpu.memref_slice %dma_wait3A_266[%dma_wait3A_267, %dma_wait3A_268] : memref<10240x128xf32, #tpu.memory_space<hbm>> -> memref<10240x128xf32, #tpu.memory_space<hbm>>
      tpu.wait_indirect_dma semaphore(%arg11 : memref<!tpu.dma_semaphore, #tpu.memory_space<semaphore_mem>>) src(%dma_wait3A_269 : memref<10240x128xf32, #tpu.memory_space<hbm>>) dst(%arg8 : memref<125x128xf32, #tpu.memory_space<vmem>>)
      %rem3A_270 = arith.constant 2 : i32
      %rem3A_271 = arith.remsi %scan3A_39, %rem3A_270 : i32
      %mul3A_272 = arith.constant 16 : i32
      %mul3A_273 = arith.muli %rem3A_271, %mul3A_272 : i32
      %add3A_274 = arith.constant 6 : i32
      %add3A_275 = arith.addi %mul3A_273, %add3A_274 : i32
      "tpu.region"() ({
        %run_scoped3A = tpu.sem_alloc : memref<!tpu.dma_semaphore, #tpu.memory_space<semaphore_mem>>
        %dma_start3A_541 = arith.constant 0 : i32
        %dma_start3A_542 = tpu.memref_slice %arg7[%add3A_275, %dma_start3A_541] : memref<32x125xi32, #tpu.memory_space<vmem>> -> memref<1x125xi32, #tpu.memory_space<vmem>>
        %dma_start3A_543 = tpu.memref_squeeze %dma_start3A_542 : memref<1x125xi32, #tpu.memory_space<vmem>> -> memref<125xi32, #tpu.memory_space<vmem>>
        %dma_start3A_544 = arith.constant 0 : i32
        %dma_start3A_545 = arith.constant 0 : i32
        %dma_start3A_546 = tpu.memref_slice %arg10[%dma_start3A_544, %dma_start3A_545] : memref<10240x128xf32, #tpu.memory_space<vmem_shared>> -> memref<10240x128xf32, #tpu.memory_space<vmem_shared>>
        tpu.enqueue_indirect_dma source(%arg8 : memref<125x128xf32, #tpu.memory_space<vmem>>) target(%dma_start3A_546 : memref<10240x128xf32, #tpu.memory_space<vmem_shared>>) offsets(%dma_start3A_543 : memref<125xi32, #tpu.memory_space<vmem>>) semaphore(%run_scoped3A : memref<!tpu.dma_semaphore, #tpu.memory_space<semaphore_mem>>) {add = true}
        %dma_wait3A_547 = arith.constant 0 : i32
        %dma_wait3A_548 = tpu.memref_slice %arg7[%add3A_275, %dma_wait3A_547] : memref<32x125xi32, #tpu.memory_space<vmem>> -> memref<1x125xi32, #tpu.memory_space<vmem>>
        %dma_wait3A_549 = tpu.memref_squeeze %dma_wait3A_548 : memref<1x125xi32, #tpu.memory_space<vmem>> -> memref<125xi32, #tpu.memory_space<vmem>>
        %dma_wait3A_550 = arith.constant 0 : i32
        %dma_wait3A_551 = arith.constant 0 : i32
        %dma_wait3A_552 = tpu.memref_slice %arg10[%dma_wait3A_550, %dma_wait3A_551] : memref<10240x128xf32, #tpu.memory_space<vmem_shared>> -> memref<10240x128xf32, #tpu.memory_space<vmem_shared>>
        tpu.wait_indirect_dma semaphore(%run_scoped3A : memref<!tpu.dma_semaphore, #tpu.memory_space<semaphore_mem>>) src(%arg8 : memref<125x128xf32, #tpu.memory_space<vmem>>) dst(%dma_wait3A_552 : memref<10240x128xf32, #tpu.memory_space<vmem_shared>>)
        tpu.yield
      }) : () -> ()
      %add3A_276 = arith.constant 7 : i32
      %add3A_277 = arith.addi %mul3A_41, %add3A_276 : i32
      %add3A_278 = arith.constant 1 : i32
      %add3A_279 = arith.addi %add3A_277, %add3A_278 : i32
      %dma_start3A_280 = arith.constant 0 : i32
      %dma_start3A_281 = tpu.memref_slice %arg6[%add3A_279, %dma_start3A_280] : memref<80x125xi32, #tpu.memory_space<vmem>> -> memref<1x125xi32, #tpu.memory_space<vmem>>
      %dma_start3A_282 = tpu.memref_squeeze %dma_start3A_281 : memref<1x125xi32, #tpu.memory_space<vmem>> -> memref<125xi32, #tpu.memory_space<vmem>>
      %dma_start3A_283 = arith.constant 0 : i32
      %dma_start3A_284 = arith.constant 0 : i32
      %dma_start3A_285 = tpu.memref_slice %arg2[%arg0, %dma_start3A_283, %dma_start3A_284] : memref<2x10240x128xf32, #tpu.memory_space<hbm>> -> memref<1x10240x128xf32, #tpu.memory_space<hbm>>
      %dma_start3A_286 = tpu.memref_squeeze %dma_start3A_285 : memref<1x10240x128xf32, #tpu.memory_space<hbm>> -> memref<10240x128xf32, #tpu.memory_space<hbm>>
      %dma_start3A_287 = arith.constant 0 : i32
      %dma_start3A_288 = arith.constant 0 : i32
      %dma_start3A_289 = tpu.memref_slice %dma_start3A_286[%dma_start3A_287, %dma_start3A_288] : memref<10240x128xf32, #tpu.memory_space<hbm>> -> memref<10240x128xf32, #tpu.memory_space<hbm>>
      tpu.enqueue_indirect_dma source(%dma_start3A_289 : memref<10240x128xf32, #tpu.memory_space<hbm>>) target(%arg8 : memref<125x128xf32, #tpu.memory_space<vmem>>) offsets(%dma_start3A_282 : memref<125xi32, #tpu.memory_space<vmem>>) semaphore(%arg11 : memref<!tpu.dma_semaphore, #tpu.memory_space<semaphore_mem>>)
      %dma_wait3A_290 = arith.constant 0 : i32
      %dma_wait3A_291 = tpu.memref_slice %arg6[%add3A_277, %dma_wait3A_290] : memref<80x125xi32, #tpu.memory_space<vmem>> -> memref<1x125xi32, #tpu.memory_space<vmem>>
      %dma_wait3A_292 = tpu.memref_squeeze %dma_wait3A_291 : memref<1x125xi32, #tpu.memory_space<vmem>> -> memref<125xi32, #tpu.memory_space<vmem>>
      %dma_wait3A_293 = arith.constant 0 : i32
      %dma_wait3A_294 = arith.constant 0 : i32
      %dma_wait3A_295 = tpu.memref_slice %arg2[%arg0, %dma_wait3A_293, %dma_wait3A_294] : memref<2x10240x128xf32, #tpu.memory_space<hbm>> -> memref<1x10240x128xf32, #tpu.memory_space<hbm>>
      %dma_wait3A_296 = tpu.memref_squeeze %dma_wait3A_295 : memref<1x10240x128xf32, #tpu.memory_space<hbm>> -> memref<10240x128xf32, #tpu.memory_space<hbm>>
      %dma_wait3A_297 = arith.constant 0 : i32
      %dma_wait3A_298 = arith.constant 0 : i32
      %dma_wait3A_299 = tpu.memref_slice %dma_wait3A_296[%dma_wait3A_297, %dma_wait3A_298] : memref<10240x128xf32, #tpu.memory_space<hbm>> -> memref<10240x128xf32, #tpu.memory_space<hbm>>
      tpu.wait_indirect_dma semaphore(%arg12 : memref<!tpu.dma_semaphore, #tpu.memory_space<semaphore_mem>>) src(%dma_wait3A_299 : memref<10240x128xf32, #tpu.memory_space<hbm>>) dst(%arg9 : memref<125x128xf32, #tpu.memory_space<vmem>>)
      %rem3A_300 = arith.constant 2 : i32
      %rem3A_301 = arith.remsi %scan3A_39, %rem3A_300 : i32
      %mul3A_302 = arith.constant 16 : i32
      %mul3A_303 = arith.muli %rem3A_301, %mul3A_302 : i32
      %add3A_304 = arith.constant 7 : i32
      %add3A_305 = arith.addi %mul3A_303, %add3A_304 : i32
      "tpu.region"() ({
        %run_scoped3A = tpu.sem_alloc : memref<!tpu.dma_semaphore, #tpu.memory_space<semaphore_mem>>
        %dma_start3A_541 = arith.constant 0 : i32
        %dma_start3A_542 = tpu.memref_slice %arg7[%add3A_305, %dma_start3A_541] : memref<32x125xi32, #tpu.memory_space<vmem>> -> memref<1x125xi32, #tpu.memory_space<vmem>>
        %dma_start3A_543 = tpu.memref_squeeze %dma_start3A_542 : memref<1x125xi32, #tpu.memory_space<vmem>> -> memref<125xi32, #tpu.memory_space<vmem>>
        %dma_start3A_544 = arith.constant 0 : i32
        %dma_start3A_545 = arith.constant 0 : i32
        %dma_start3A_546 = tpu.memref_slice %arg10[%dma_start3A_544, %dma_start3A_545] : memref<10240x128xf32, #tpu.memory_space<vmem_shared>> -> memref<10240x128xf32, #tpu.memory_space<vmem_shared>>
        tpu.enqueue_indirect_dma source(%arg9 : memref<125x128xf32, #tpu.memory_space<vmem>>) target(%dma_start3A_546 : memref<10240x128xf32, #tpu.memory_space<vmem_shared>>) offsets(%dma_start3A_543 : memref<125xi32, #tpu.memory_space<vmem>>) semaphore(%run_scoped3A : memref<!tpu.dma_semaphore, #tpu.memory_space<semaphore_mem>>) {add = true}
        %dma_wait3A_547 = arith.constant 0 : i32
        %dma_wait3A_548 = tpu.memref_slice %arg7[%add3A_305, %dma_wait3A_547] : memref<32x125xi32, #tpu.memory_space<vmem>> -> memref<1x125xi32, #tpu.memory_space<vmem>>
        %dma_wait3A_549 = tpu.memref_squeeze %dma_wait3A_548 : memref<1x125xi32, #tpu.memory_space<vmem>> -> memref<125xi32, #tpu.memory_space<vmem>>
        %dma_wait3A_550 = arith.constant 0 : i32
        %dma_wait3A_551 = arith.constant 0 : i32
        %dma_wait3A_552 = tpu.memref_slice %arg10[%dma_wait3A_550, %dma_wait3A_551] : memref<10240x128xf32, #tpu.memory_space<vmem_shared>> -> memref<10240x128xf32, #tpu.memory_space<vmem_shared>>
        tpu.wait_indirect_dma semaphore(%run_scoped3A : memref<!tpu.dma_semaphore, #tpu.memory_space<semaphore_mem>>) src(%arg9 : memref<125x128xf32, #tpu.memory_space<vmem>>) dst(%dma_wait3A_552 : memref<10240x128xf32, #tpu.memory_space<vmem_shared>>)
        tpu.yield
      }) : () -> ()
      %add3A_306 = arith.constant 8 : i32
      %add3A_307 = arith.addi %mul3A_41, %add3A_306 : i32
      %add3A_308 = arith.constant 1 : i32
      %add3A_309 = arith.addi %add3A_307, %add3A_308 : i32
      %dma_start3A_310 = arith.constant 0 : i32
      %dma_start3A_311 = tpu.memref_slice %arg6[%add3A_309, %dma_start3A_310] : memref<80x125xi32, #tpu.memory_space<vmem>> -> memref<1x125xi32, #tpu.memory_space<vmem>>
      %dma_start3A_312 = tpu.memref_squeeze %dma_start3A_311 : memref<1x125xi32, #tpu.memory_space<vmem>> -> memref<125xi32, #tpu.memory_space<vmem>>
      %dma_start3A_313 = arith.constant 0 : i32
      %dma_start3A_314 = arith.constant 0 : i32
      %dma_start3A_315 = tpu.memref_slice %arg2[%arg0, %dma_start3A_313, %dma_start3A_314] : memref<2x10240x128xf32, #tpu.memory_space<hbm>> -> memref<1x10240x128xf32, #tpu.memory_space<hbm>>
      %dma_start3A_316 = tpu.memref_squeeze %dma_start3A_315 : memref<1x10240x128xf32, #tpu.memory_space<hbm>> -> memref<10240x128xf32, #tpu.memory_space<hbm>>
      %dma_start3A_317 = arith.constant 0 : i32
      %dma_start3A_318 = arith.constant 0 : i32
      %dma_start3A_319 = tpu.memref_slice %dma_start3A_316[%dma_start3A_317, %dma_start3A_318] : memref<10240x128xf32, #tpu.memory_space<hbm>> -> memref<10240x128xf32, #tpu.memory_space<hbm>>
      tpu.enqueue_indirect_dma source(%dma_start3A_319 : memref<10240x128xf32, #tpu.memory_space<hbm>>) target(%arg9 : memref<125x128xf32, #tpu.memory_space<vmem>>) offsets(%dma_start3A_312 : memref<125xi32, #tpu.memory_space<vmem>>) semaphore(%arg12 : memref<!tpu.dma_semaphore, #tpu.memory_space<semaphore_mem>>)
      %dma_wait3A_320 = arith.constant 0 : i32
      %dma_wait3A_321 = tpu.memref_slice %arg6[%add3A_307, %dma_wait3A_320] : memref<80x125xi32, #tpu.memory_space<vmem>> -> memref<1x125xi32, #tpu.memory_space<vmem>>
      %dma_wait3A_322 = tpu.memref_squeeze %dma_wait3A_321 : memref<1x125xi32, #tpu.memory_space<vmem>> -> memref<125xi32, #tpu.memory_space<vmem>>
      %dma_wait3A_323 = arith.constant 0 : i32
      %dma_wait3A_324 = arith.constant 0 : i32
      %dma_wait3A_325 = tpu.memref_slice %arg2[%arg0, %dma_wait3A_323, %dma_wait3A_324] : memref<2x10240x128xf32, #tpu.memory_space<hbm>> -> memref<1x10240x128xf32, #tpu.memory_space<hbm>>
      %dma_wait3A_326 = tpu.memref_squeeze %dma_wait3A_325 : memref<1x10240x128xf32, #tpu.memory_space<hbm>> -> memref<10240x128xf32, #tpu.memory_space<hbm>>
      %dma_wait3A_327 = arith.constant 0 : i32
      %dma_wait3A_328 = arith.constant 0 : i32
      %dma_wait3A_329 = tpu.memref_slice %dma_wait3A_326[%dma_wait3A_327, %dma_wait3A_328] : memref<10240x128xf32, #tpu.memory_space<hbm>> -> memref<10240x128xf32, #tpu.memory_space<hbm>>
      tpu.wait_indirect_dma semaphore(%arg11 : memref<!tpu.dma_semaphore, #tpu.memory_space<semaphore_mem>>) src(%dma_wait3A_329 : memref<10240x128xf32, #tpu.memory_space<hbm>>) dst(%arg8 : memref<125x128xf32, #tpu.memory_space<vmem>>)
      %rem3A_330 = arith.constant 2 : i32
      %rem3A_331 = arith.remsi %scan3A_39, %rem3A_330 : i32
      %mul3A_332 = arith.constant 16 : i32
      %mul3A_333 = arith.muli %rem3A_331, %mul3A_332 : i32
      %add3A_334 = arith.constant 8 : i32
      %add3A_335 = arith.addi %mul3A_333, %add3A_334 : i32
      "tpu.region"() ({
        %run_scoped3A = tpu.sem_alloc : memref<!tpu.dma_semaphore, #tpu.memory_space<semaphore_mem>>
        %dma_start3A_541 = arith.constant 0 : i32
        %dma_start3A_542 = tpu.memref_slice %arg7[%add3A_335, %dma_start3A_541] : memref<32x125xi32, #tpu.memory_space<vmem>> -> memref<1x125xi32, #tpu.memory_space<vmem>>
        %dma_start3A_543 = tpu.memref_squeeze %dma_start3A_542 : memref<1x125xi32, #tpu.memory_space<vmem>> -> memref<125xi32, #tpu.memory_space<vmem>>
        %dma_start3A_544 = arith.constant 0 : i32
        %dma_start3A_545 = arith.constant 0 : i32
        %dma_start3A_546 = tpu.memref_slice %arg10[%dma_start3A_544, %dma_start3A_545] : memref<10240x128xf32, #tpu.memory_space<vmem_shared>> -> memref<10240x128xf32, #tpu.memory_space<vmem_shared>>
        tpu.enqueue_indirect_dma source(%arg8 : memref<125x128xf32, #tpu.memory_space<vmem>>) target(%dma_start3A_546 : memref<10240x128xf32, #tpu.memory_space<vmem_shared>>) offsets(%dma_start3A_543 : memref<125xi32, #tpu.memory_space<vmem>>) semaphore(%run_scoped3A : memref<!tpu.dma_semaphore, #tpu.memory_space<semaphore_mem>>) {add = true}
        %dma_wait3A_547 = arith.constant 0 : i32
        %dma_wait3A_548 = tpu.memref_slice %arg7[%add3A_335, %dma_wait3A_547] : memref<32x125xi32, #tpu.memory_space<vmem>> -> memref<1x125xi32, #tpu.memory_space<vmem>>
        %dma_wait3A_549 = tpu.memref_squeeze %dma_wait3A_548 : memref<1x125xi32, #tpu.memory_space<vmem>> -> memref<125xi32, #tpu.memory_space<vmem>>
        %dma_wait3A_550 = arith.constant 0 : i32
        %dma_wait3A_551 = arith.constant 0 : i32
        %dma_wait3A_552 = tpu.memref_slice %arg10[%dma_wait3A_550, %dma_wait3A_551] : memref<10240x128xf32, #tpu.memory_space<vmem_shared>> -> memref<10240x128xf32, #tpu.memory_space<vmem_shared>>
        tpu.wait_indirect_dma semaphore(%run_scoped3A : memref<!tpu.dma_semaphore, #tpu.memory_space<semaphore_mem>>) src(%arg8 : memref<125x128xf32, #tpu.memory_space<vmem>>) dst(%dma_wait3A_552 : memref<10240x128xf32, #tpu.memory_space<vmem_shared>>)
        tpu.yield
      }) : () -> ()
      %add3A_336 = arith.constant 9 : i32
      %add3A_337 = arith.addi %mul3A_41, %add3A_336 : i32
      %add3A_338 = arith.constant 1 : i32
      %add3A_339 = arith.addi %add3A_337, %add3A_338 : i32
      %dma_start3A_340 = arith.constant 0 : i32
      %dma_start3A_341 = tpu.memref_slice %arg6[%add3A_339, %dma_start3A_340] : memref<80x125xi32, #tpu.memory_space<vmem>> -> memref<1x125xi32, #tpu.memory_space<vmem>>
      %dma_start3A_342 = tpu.memref_squeeze %dma_start3A_341 : memref<1x125xi32, #tpu.memory_space<vmem>> -> memref<125xi32, #tpu.memory_space<vmem>>
      %dma_start3A_343 = arith.constant 0 : i32
      %dma_start3A_344 = arith.constant 0 : i32
      %dma_start3A_345 = tpu.memref_slice %arg2[%arg0, %dma_start3A_343, %dma_start3A_344] : memref<2x10240x128xf32, #tpu.memory_space<hbm>> -> memref<1x10240x128xf32, #tpu.memory_space<hbm>>
      %dma_start3A_346 = tpu.memref_squeeze %dma_start3A_345 : memref<1x10240x128xf32, #tpu.memory_space<hbm>> -> memref<10240x128xf32, #tpu.memory_space<hbm>>
      %dma_start3A_347 = arith.constant 0 : i32
      %dma_start3A_348 = arith.constant 0 : i32
      %dma_start3A_349 = tpu.memref_slice %dma_start3A_346[%dma_start3A_347, %dma_start3A_348] : memref<10240x128xf32, #tpu.memory_space<hbm>> -> memref<10240x128xf32, #tpu.memory_space<hbm>>
      tpu.enqueue_indirect_dma source(%dma_start3A_349 : memref<10240x128xf32, #tpu.memory_space<hbm>>) target(%arg8 : memref<125x128xf32, #tpu.memory_space<vmem>>) offsets(%dma_start3A_342 : memref<125xi32, #tpu.memory_space<vmem>>) semaphore(%arg11 : memref<!tpu.dma_semaphore, #tpu.memory_space<semaphore_mem>>)
      %dma_wait3A_350 = arith.constant 0 : i32
      %dma_wait3A_351 = tpu.memref_slice %arg6[%add3A_337, %dma_wait3A_350] : memref<80x125xi32, #tpu.memory_space<vmem>> -> memref<1x125xi32, #tpu.memory_space<vmem>>
      %dma_wait3A_352 = tpu.memref_squeeze %dma_wait3A_351 : memref<1x125xi32, #tpu.memory_space<vmem>> -> memref<125xi32, #tpu.memory_space<vmem>>
      %dma_wait3A_353 = arith.constant 0 : i32
      %dma_wait3A_354 = arith.constant 0 : i32
      %dma_wait3A_355 = tpu.memref_slice %arg2[%arg0, %dma_wait3A_353, %dma_wait3A_354] : memref<2x10240x128xf32, #tpu.memory_space<hbm>> -> memref<1x10240x128xf32, #tpu.memory_space<hbm>>
      %dma_wait3A_356 = tpu.memref_squeeze %dma_wait3A_355 : memref<1x10240x128xf32, #tpu.memory_space<hbm>> -> memref<10240x128xf32, #tpu.memory_space<hbm>>
      %dma_wait3A_357 = arith.constant 0 : i32
      %dma_wait3A_358 = arith.constant 0 : i32
      %dma_wait3A_359 = tpu.memref_slice %dma_wait3A_356[%dma_wait3A_357, %dma_wait3A_358] : memref<10240x128xf32, #tpu.memory_space<hbm>> -> memref<10240x128xf32, #tpu.memory_space<hbm>>
      tpu.wait_indirect_dma semaphore(%arg12 : memref<!tpu.dma_semaphore, #tpu.memory_space<semaphore_mem>>) src(%dma_wait3A_359 : memref<10240x128xf32, #tpu.memory_space<hbm>>) dst(%arg9 : memref<125x128xf32, #tpu.memory_space<vmem>>)
      %rem3A_360 = arith.constant 2 : i32
      %rem3A_361 = arith.remsi %scan3A_39, %rem3A_360 : i32
      %mul3A_362 = arith.constant 16 : i32
      %mul3A_363 = arith.muli %rem3A_361, %mul3A_362 : i32
      %add3A_364 = arith.constant 9 : i32
      %add3A_365 = arith.addi %mul3A_363, %add3A_364 : i32
      "tpu.region"() ({
        %run_scoped3A = tpu.sem_alloc : memref<!tpu.dma_semaphore, #tpu.memory_space<semaphore_mem>>
        %dma_start3A_541 = arith.constant 0 : i32
        %dma_start3A_542 = tpu.memref_slice %arg7[%add3A_365, %dma_start3A_541] : memref<32x125xi32, #tpu.memory_space<vmem>> -> memref<1x125xi32, #tpu.memory_space<vmem>>
        %dma_start3A_543 = tpu.memref_squeeze %dma_start3A_542 : memref<1x125xi32, #tpu.memory_space<vmem>> -> memref<125xi32, #tpu.memory_space<vmem>>
        %dma_start3A_544 = arith.constant 0 : i32
        %dma_start3A_545 = arith.constant 0 : i32
        %dma_start3A_546 = tpu.memref_slice %arg10[%dma_start3A_544, %dma_start3A_545] : memref<10240x128xf32, #tpu.memory_space<vmem_shared>> -> memref<10240x128xf32, #tpu.memory_space<vmem_shared>>
        tpu.enqueue_indirect_dma source(%arg9 : memref<125x128xf32, #tpu.memory_space<vmem>>) target(%dma_start3A_546 : memref<10240x128xf32, #tpu.memory_space<vmem_shared>>) offsets(%dma_start3A_543 : memref<125xi32, #tpu.memory_space<vmem>>) semaphore(%run_scoped3A : memref<!tpu.dma_semaphore, #tpu.memory_space<semaphore_mem>>) {add = true}
        %dma_wait3A_547 = arith.constant 0 : i32
        %dma_wait3A_548 = tpu.memref_slice %arg7[%add3A_365, %dma_wait3A_547] : memref<32x125xi32, #tpu.memory_space<vmem>> -> memref<1x125xi32, #tpu.memory_space<vmem>>
        %dma_wait3A_549 = tpu.memref_squeeze %dma_wait3A_548 : memref<1x125xi32, #tpu.memory_space<vmem>> -> memref<125xi32, #tpu.memory_space<vmem>>
        %dma_wait3A_550 = arith.constant 0 : i32
        %dma_wait3A_551 = arith.constant 0 : i32
        %dma_wait3A_552 = tpu.memref_slice %arg10[%dma_wait3A_550, %dma_wait3A_551] : memref<10240x128xf32, #tpu.memory_space<vmem_shared>> -> memref<10240x128xf32, #tpu.memory_space<vmem_shared>>
        tpu.wait_indirect_dma semaphore(%run_scoped3A : memref<!tpu.dma_semaphore, #tpu.memory_space<semaphore_mem>>) src(%arg9 : memref<125x128xf32, #tpu.memory_space<vmem>>) dst(%dma_wait3A_552 : memref<10240x128xf32, #tpu.memory_space<vmem_shared>>)
        tpu.yield
      }) : () -> ()
      %add3A_366 = arith.constant 10 : i32
      %add3A_367 = arith.addi %mul3A_41, %add3A_366 : i32
      %add3A_368 = arith.constant 1 : i32
      %add3A_369 = arith.addi %add3A_367, %add3A_368 : i32
      %dma_start3A_370 = arith.constant 0 : i32
      %dma_start3A_371 = tpu.memref_slice %arg6[%add3A_369, %dma_start3A_370] : memref<80x125xi32, #tpu.memory_space<vmem>> -> memref<1x125xi32, #tpu.memory_space<vmem>>
      %dma_start3A_372 = tpu.memref_squeeze %dma_start3A_371 : memref<1x125xi32, #tpu.memory_space<vmem>> -> memref<125xi32, #tpu.memory_space<vmem>>
      %dma_start3A_373 = arith.constant 0 : i32
      %dma_start3A_374 = arith.constant 0 : i32
      %dma_start3A_375 = tpu.memref_slice %arg2[%arg0, %dma_start3A_373, %dma_start3A_374] : memref<2x10240x128xf32, #tpu.memory_space<hbm>> -> memref<1x10240x128xf32, #tpu.memory_space<hbm>>
      %dma_start3A_376 = tpu.memref_squeeze %dma_start3A_375 : memref<1x10240x128xf32, #tpu.memory_space<hbm>> -> memref<10240x128xf32, #tpu.memory_space<hbm>>
      %dma_start3A_377 = arith.constant 0 : i32
      %dma_start3A_378 = arith.constant 0 : i32
      %dma_start3A_379 = tpu.memref_slice %dma_start3A_376[%dma_start3A_377, %dma_start3A_378] : memref<10240x128xf32, #tpu.memory_space<hbm>> -> memref<10240x128xf32, #tpu.memory_space<hbm>>
      tpu.enqueue_indirect_dma source(%dma_start3A_379 : memref<10240x128xf32, #tpu.memory_space<hbm>>) target(%arg9 : memref<125x128xf32, #tpu.memory_space<vmem>>) offsets(%dma_start3A_372 : memref<125xi32, #tpu.memory_space<vmem>>) semaphore(%arg12 : memref<!tpu.dma_semaphore, #tpu.memory_space<semaphore_mem>>)
      %dma_wait3A_380 = arith.constant 0 : i32
      %dma_wait3A_381 = tpu.memref_slice %arg6[%add3A_367, %dma_wait3A_380] : memref<80x125xi32, #tpu.memory_space<vmem>> -> memref<1x125xi32, #tpu.memory_space<vmem>>
      %dma_wait3A_382 = tpu.memref_squeeze %dma_wait3A_381 : memref<1x125xi32, #tpu.memory_space<vmem>> -> memref<125xi32, #tpu.memory_space<vmem>>
      %dma_wait3A_383 = arith.constant 0 : i32
      %dma_wait3A_384 = arith.constant 0 : i32
      %dma_wait3A_385 = tpu.memref_slice %arg2[%arg0, %dma_wait3A_383, %dma_wait3A_384] : memref<2x10240x128xf32, #tpu.memory_space<hbm>> -> memref<1x10240x128xf32, #tpu.memory_space<hbm>>
      %dma_wait3A_386 = tpu.memref_squeeze %dma_wait3A_385 : memref<1x10240x128xf32, #tpu.memory_space<hbm>> -> memref<10240x128xf32, #tpu.memory_space<hbm>>
      %dma_wait3A_387 = arith.constant 0 : i32
      %dma_wait3A_388 = arith.constant 0 : i32
      %dma_wait3A_389 = tpu.memref_slice %dma_wait3A_386[%dma_wait3A_387, %dma_wait3A_388] : memref<10240x128xf32, #tpu.memory_space<hbm>> -> memref<10240x128xf32, #tpu.memory_space<hbm>>
      tpu.wait_indirect_dma semaphore(%arg11 : memref<!tpu.dma_semaphore, #tpu.memory_space<semaphore_mem>>) src(%dma_wait3A_389 : memref<10240x128xf32, #tpu.memory_space<hbm>>) dst(%arg8 : memref<125x128xf32, #tpu.memory_space<vmem>>)
      %rem3A_390 = arith.constant 2 : i32
      %rem3A_391 = arith.remsi %scan3A_39, %rem3A_390 : i32
      %mul3A_392 = arith.constant 16 : i32
      %mul3A_393 = arith.muli %rem3A_391, %mul3A_392 : i32
      %add3A_394 = arith.constant 10 : i32
      %add3A_395 = arith.addi %mul3A_393, %add3A_394 : i32
      "tpu.region"() ({
        %run_scoped3A = tpu.sem_alloc : memref<!tpu.dma_semaphore, #tpu.memory_space<semaphore_mem>>
        %dma_start3A_541 = arith.constant 0 : i32
        %dma_start3A_542 = tpu.memref_slice %arg7[%add3A_395, %dma_start3A_541] : memref<32x125xi32, #tpu.memory_space<vmem>> -> memref<1x125xi32, #tpu.memory_space<vmem>>
        %dma_start3A_543 = tpu.memref_squeeze %dma_start3A_542 : memref<1x125xi32, #tpu.memory_space<vmem>> -> memref<125xi32, #tpu.memory_space<vmem>>
        %dma_start3A_544 = arith.constant 0 : i32
        %dma_start3A_545 = arith.constant 0 : i32
        %dma_start3A_546 = tpu.memref_slice %arg10[%dma_start3A_544, %dma_start3A_545] : memref<10240x128xf32, #tpu.memory_space<vmem_shared>> -> memref<10240x128xf32, #tpu.memory_space<vmem_shared>>
        tpu.enqueue_indirect_dma source(%arg8 : memref<125x128xf32, #tpu.memory_space<vmem>>) target(%dma_start3A_546 : memref<10240x128xf32, #tpu.memory_space<vmem_shared>>) offsets(%dma_start3A_543 : memref<125xi32, #tpu.memory_space<vmem>>) semaphore(%run_scoped3A : memref<!tpu.dma_semaphore, #tpu.memory_space<semaphore_mem>>) {add = true}
        %dma_wait3A_547 = arith.constant 0 : i32
        %dma_wait3A_548 = tpu.memref_slice %arg7[%add3A_395, %dma_wait3A_547] : memref<32x125xi32, #tpu.memory_space<vmem>> -> memref<1x125xi32, #tpu.memory_space<vmem>>
        %dma_wait3A_549 = tpu.memref_squeeze %dma_wait3A_548 : memref<1x125xi32, #tpu.memory_space<vmem>> -> memref<125xi32, #tpu.memory_space<vmem>>
        %dma_wait3A_550 = arith.constant 0 : i32
        %dma_wait3A_551 = arith.constant 0 : i32
        %dma_wait3A_552 = tpu.memref_slice %arg10[%dma_wait3A_550, %dma_wait3A_551] : memref<10240x128xf32, #tpu.memory_space<vmem_shared>> -> memref<10240x128xf32, #tpu.memory_space<vmem_shared>>
        tpu.wait_indirect_dma semaphore(%run_scoped3A : memref<!tpu.dma_semaphore, #tpu.memory_space<semaphore_mem>>) src(%arg8 : memref<125x128xf32, #tpu.memory_space<vmem>>) dst(%dma_wait3A_552 : memref<10240x128xf32, #tpu.memory_space<vmem_shared>>)
        tpu.yield
      }) : () -> ()
      %add3A_396 = arith.constant 11 : i32
      %add3A_397 = arith.addi %mul3A_41, %add3A_396 : i32
      %add3A_398 = arith.constant 1 : i32
      %add3A_399 = arith.addi %add3A_397, %add3A_398 : i32
      %dma_start3A_400 = arith.constant 0 : i32
      %dma_start3A_401 = tpu.memref_slice %arg6[%add3A_399, %dma_start3A_400] : memref<80x125xi32, #tpu.memory_space<vmem>> -> memref<1x125xi32, #tpu.memory_space<vmem>>
      %dma_start3A_402 = tpu.memref_squeeze %dma_start3A_401 : memref<1x125xi32, #tpu.memory_space<vmem>> -> memref<125xi32, #tpu.memory_space<vmem>>
      %dma_start3A_403 = arith.constant 0 : i32
      %dma_start3A_404 = arith.constant 0 : i32
      %dma_start3A_405 = tpu.memref_slice %arg2[%arg0, %dma_start3A_403, %dma_start3A_404] : memref<2x10240x128xf32, #tpu.memory_space<hbm>> -> memref<1x10240x128xf32, #tpu.memory_space<hbm>>
      %dma_start3A_406 = tpu.memref_squeeze %dma_start3A_405 : memref<1x10240x128xf32, #tpu.memory_space<hbm>> -> memref<10240x128xf32, #tpu.memory_space<hbm>>
      %dma_start3A_407 = arith.constant 0 : i32
      %dma_start3A_408 = arith.constant 0 : i32
      %dma_start3A_409 = tpu.memref_slice %dma_start3A_406[%dma_start3A_407, %dma_start3A_408] : memref<10240x128xf32, #tpu.memory_space<hbm>> -> memref<10240x128xf32, #tpu.memory_space<hbm>>
      tpu.enqueue_indirect_dma source(%dma_start3A_409 : memref<10240x128xf32, #tpu.memory_space<hbm>>) target(%arg8 : memref<125x128xf32, #tpu.memory_space<vmem>>) offsets(%dma_start3A_402 : memref<125xi32, #tpu.memory_space<vmem>>) semaphore(%arg11 : memref<!tpu.dma_semaphore, #tpu.memory_space<semaphore_mem>>)
      %dma_wait3A_410 = arith.constant 0 : i32
      %dma_wait3A_411 = tpu.memref_slice %arg6[%add3A_397, %dma_wait3A_410] : memref<80x125xi32, #tpu.memory_space<vmem>> -> memref<1x125xi32, #tpu.memory_space<vmem>>
      %dma_wait3A_412 = tpu.memref_squeeze %dma_wait3A_411 : memref<1x125xi32, #tpu.memory_space<vmem>> -> memref<125xi32, #tpu.memory_space<vmem>>
      %dma_wait3A_413 = arith.constant 0 : i32
      %dma_wait3A_414 = arith.constant 0 : i32
      %dma_wait3A_415 = tpu.memref_slice %arg2[%arg0, %dma_wait3A_413, %dma_wait3A_414] : memref<2x10240x128xf32, #tpu.memory_space<hbm>> -> memref<1x10240x128xf32, #tpu.memory_space<hbm>>
      %dma_wait3A_416 = tpu.memref_squeeze %dma_wait3A_415 : memref<1x10240x128xf32, #tpu.memory_space<hbm>> -> memref<10240x128xf32, #tpu.memory_space<hbm>>
      %dma_wait3A_417 = arith.constant 0 : i32
      %dma_wait3A_418 = arith.constant 0 : i32
      %dma_wait3A_419 = tpu.memref_slice %dma_wait3A_416[%dma_wait3A_417, %dma_wait3A_418] : memref<10240x128xf32, #tpu.memory_space<hbm>> -> memref<10240x128xf32, #tpu.memory_space<hbm>>
      tpu.wait_indirect_dma semaphore(%arg12 : memref<!tpu.dma_semaphore, #tpu.memory_space<semaphore_mem>>) src(%dma_wait3A_419 : memref<10240x128xf32, #tpu.memory_space<hbm>>) dst(%arg9 : memref<125x128xf32, #tpu.memory_space<vmem>>)
      %rem3A_420 = arith.constant 2 : i32
      %rem3A_421 = arith.remsi %scan3A_39, %rem3A_420 : i32
      %mul3A_422 = arith.constant 16 : i32
      %mul3A_423 = arith.muli %rem3A_421, %mul3A_422 : i32
      %add3A_424 = arith.constant 11 : i32
      %add3A_425 = arith.addi %mul3A_423, %add3A_424 : i32
      "tpu.region"() ({
        %run_scoped3A = tpu.sem_alloc : memref<!tpu.dma_semaphore, #tpu.memory_space<semaphore_mem>>
        %dma_start3A_541 = arith.constant 0 : i32
        %dma_start3A_542 = tpu.memref_slice %arg7[%add3A_425, %dma_start3A_541] : memref<32x125xi32, #tpu.memory_space<vmem>> -> memref<1x125xi32, #tpu.memory_space<vmem>>
        %dma_start3A_543 = tpu.memref_squeeze %dma_start3A_542 : memref<1x125xi32, #tpu.memory_space<vmem>> -> memref<125xi32, #tpu.memory_space<vmem>>
        %dma_start3A_544 = arith.constant 0 : i32
        %dma_start3A_545 = arith.constant 0 : i32
        %dma_start3A_546 = tpu.memref_slice %arg10[%dma_start3A_544, %dma_start3A_545] : memref<10240x128xf32, #tpu.memory_space<vmem_shared>> -> memref<10240x128xf32, #tpu.memory_space<vmem_shared>>
        tpu.enqueue_indirect_dma source(%arg9 : memref<125x128xf32, #tpu.memory_space<vmem>>) target(%dma_start3A_546 : memref<10240x128xf32, #tpu.memory_space<vmem_shared>>) offsets(%dma_start3A_543 : memref<125xi32, #tpu.memory_space<vmem>>) semaphore(%run_scoped3A : memref<!tpu.dma_semaphore, #tpu.memory_space<semaphore_mem>>) {add = true}
        %dma_wait3A_547 = arith.constant 0 : i32
        %dma_wait3A_548 = tpu.memref_slice %arg7[%add3A_425, %dma_wait3A_547] : memref<32x125xi32, #tpu.memory_space<vmem>> -> memref<1x125xi32, #tpu.memory_space<vmem>>
        %dma_wait3A_549 = tpu.memref_squeeze %dma_wait3A_548 : memref<1x125xi32, #tpu.memory_space<vmem>> -> memref<125xi32, #tpu.memory_space<vmem>>
        %dma_wait3A_550 = arith.constant 0 : i32
        %dma_wait3A_551 = arith.constant 0 : i32
        %dma_wait3A_552 = tpu.memref_slice %arg10[%dma_wait3A_550, %dma_wait3A_551] : memref<10240x128xf32, #tpu.memory_space<vmem_shared>> -> memref<10240x128xf32, #tpu.memory_space<vmem_shared>>
        tpu.wait_indirect_dma semaphore(%run_scoped3A : memref<!tpu.dma_semaphore, #tpu.memory_space<semaphore_mem>>) src(%arg9 : memref<125x128xf32, #tpu.memory_space<vmem>>) dst(%dma_wait3A_552 : memref<10240x128xf32, #tpu.memory_space<vmem_shared>>)
        tpu.yield
      }) : () -> ()
      %add3A_426 = arith.constant 12 : i32
      %add3A_427 = arith.addi %mul3A_41, %add3A_426 : i32
      %add3A_428 = arith.constant 1 : i32
      %add3A_429 = arith.addi %add3A_427, %add3A_428 : i32
      %dma_start3A_430 = arith.constant 0 : i32
      %dma_start3A_431 = tpu.memref_slice %arg6[%add3A_429, %dma_start3A_430] : memref<80x125xi32, #tpu.memory_space<vmem>> -> memref<1x125xi32, #tpu.memory_space<vmem>>
      %dma_start3A_432 = tpu.memref_squeeze %dma_start3A_431 : memref<1x125xi32, #tpu.memory_space<vmem>> -> memref<125xi32, #tpu.memory_space<vmem>>
      %dma_start3A_433 = arith.constant 0 : i32
      %dma_start3A_434 = arith.constant 0 : i32
      %dma_start3A_435 = tpu.memref_slice %arg2[%arg0, %dma_start3A_433, %dma_start3A_434] : memref<2x10240x128xf32, #tpu.memory_space<hbm>> -> memref<1x10240x128xf32, #tpu.memory_space<hbm>>
      %dma_start3A_436 = tpu.memref_squeeze %dma_start3A_435 : memref<1x10240x128xf32, #tpu.memory_space<hbm>> -> memref<10240x128xf32, #tpu.memory_space<hbm>>
      %dma_start3A_437 = arith.constant 0 : i32
      %dma_start3A_438 = arith.constant 0 : i32
      %dma_start3A_439 = tpu.memref_slice %dma_start3A_436[%dma_start3A_437, %dma_start3A_438] : memref<10240x128xf32, #tpu.memory_space<hbm>> -> memref<10240x128xf32, #tpu.memory_space<hbm>>
      tpu.enqueue_indirect_dma source(%dma_start3A_439 : memref<10240x128xf32, #tpu.memory_space<hbm>>) target(%arg9 : memref<125x128xf32, #tpu.memory_space<vmem>>) offsets(%dma_start3A_432 : memref<125xi32, #tpu.memory_space<vmem>>) semaphore(%arg12 : memref<!tpu.dma_semaphore, #tpu.memory_space<semaphore_mem>>)
      %dma_wait3A_440 = arith.constant 0 : i32
      %dma_wait3A_441 = tpu.memref_slice %arg6[%add3A_427, %dma_wait3A_440] : memref<80x125xi32, #tpu.memory_space<vmem>> -> memref<1x125xi32, #tpu.memory_space<vmem>>
      %dma_wait3A_442 = tpu.memref_squeeze %dma_wait3A_441 : memref<1x125xi32, #tpu.memory_space<vmem>> -> memref<125xi32, #tpu.memory_space<vmem>>
      %dma_wait3A_443 = arith.constant 0 : i32
      %dma_wait3A_444 = arith.constant 0 : i32
      %dma_wait3A_445 = tpu.memref_slice %arg2[%arg0, %dma_wait3A_443, %dma_wait3A_444] : memref<2x10240x128xf32, #tpu.memory_space<hbm>> -> memref<1x10240x128xf32, #tpu.memory_space<hbm>>
      %dma_wait3A_446 = tpu.memref_squeeze %dma_wait3A_445 : memref<1x10240x128xf32, #tpu.memory_space<hbm>> -> memref<10240x128xf32, #tpu.memory_space<hbm>>
      %dma_wait3A_447 = arith.constant 0 : i32
      %dma_wait3A_448 = arith.constant 0 : i32
      %dma_wait3A_449 = tpu.memref_slice %dma_wait3A_446[%dma_wait3A_447, %dma_wait3A_448] : memref<10240x128xf32, #tpu.memory_space<hbm>> -> memref<10240x128xf32, #tpu.memory_space<hbm>>
      tpu.wait_indirect_dma semaphore(%arg11 : memref<!tpu.dma_semaphore, #tpu.memory_space<semaphore_mem>>) src(%dma_wait3A_449 : memref<10240x128xf32, #tpu.memory_space<hbm>>) dst(%arg8 : memref<125x128xf32, #tpu.memory_space<vmem>>)
      %rem3A_450 = arith.constant 2 : i32
      %rem3A_451 = arith.remsi %scan3A_39, %rem3A_450 : i32
      %mul3A_452 = arith.constant 16 : i32
      %mul3A_453 = arith.muli %rem3A_451, %mul3A_452 : i32
      %add3A_454 = arith.constant 12 : i32
      %add3A_455 = arith.addi %mul3A_453, %add3A_454 : i32
      "tpu.region"() ({
        %run_scoped3A = tpu.sem_alloc : memref<!tpu.dma_semaphore, #tpu.memory_space<semaphore_mem>>
        %dma_start3A_541 = arith.constant 0 : i32
        %dma_start3A_542 = tpu.memref_slice %arg7[%add3A_455, %dma_start3A_541] : memref<32x125xi32, #tpu.memory_space<vmem>> -> memref<1x125xi32, #tpu.memory_space<vmem>>
        %dma_start3A_543 = tpu.memref_squeeze %dma_start3A_542 : memref<1x125xi32, #tpu.memory_space<vmem>> -> memref<125xi32, #tpu.memory_space<vmem>>
        %dma_start3A_544 = arith.constant 0 : i32
        %dma_start3A_545 = arith.constant 0 : i32
        %dma_start3A_546 = tpu.memref_slice %arg10[%dma_start3A_544, %dma_start3A_545] : memref<10240x128xf32, #tpu.memory_space<vmem_shared>> -> memref<10240x128xf32, #tpu.memory_space<vmem_shared>>
        tpu.enqueue_indirect_dma source(%arg8 : memref<125x128xf32, #tpu.memory_space<vmem>>) target(%dma_start3A_546 : memref<10240x128xf32, #tpu.memory_space<vmem_shared>>) offsets(%dma_start3A_543 : memref<125xi32, #tpu.memory_space<vmem>>) semaphore(%run_scoped3A : memref<!tpu.dma_semaphore, #tpu.memory_space<semaphore_mem>>) {add = true}
        %dma_wait3A_547 = arith.constant 0 : i32
        %dma_wait3A_548 = tpu.memref_slice %arg7[%add3A_455, %dma_wait3A_547] : memref<32x125xi32, #tpu.memory_space<vmem>> -> memref<1x125xi32, #tpu.memory_space<vmem>>
        %dma_wait3A_549 = tpu.memref_squeeze %dma_wait3A_548 : memref<1x125xi32, #tpu.memory_space<vmem>> -> memref<125xi32, #tpu.memory_space<vmem>>
        %dma_wait3A_550 = arith.constant 0 : i32
        %dma_wait3A_551 = arith.constant 0 : i32
        %dma_wait3A_552 = tpu.memref_slice %arg10[%dma_wait3A_550, %dma_wait3A_551] : memref<10240x128xf32, #tpu.memory_space<vmem_shared>> -> memref<10240x128xf32, #tpu.memory_space<vmem_shared>>
        tpu.wait_indirect_dma semaphore(%run_scoped3A : memref<!tpu.dma_semaphore, #tpu.memory_space<semaphore_mem>>) src(%arg8 : memref<125x128xf32, #tpu.memory_space<vmem>>) dst(%dma_wait3A_552 : memref<10240x128xf32, #tpu.memory_space<vmem_shared>>)
        tpu.yield
      }) : () -> ()
      %add3A_456 = arith.constant 13 : i32
      %add3A_457 = arith.addi %mul3A_41, %add3A_456 : i32
      %add3A_458 = arith.constant 1 : i32
      %add3A_459 = arith.addi %add3A_457, %add3A_458 : i32
      %dma_start3A_460 = arith.constant 0 : i32
      %dma_start3A_461 = tpu.memref_slice %arg6[%add3A_459, %dma_start3A_460] : memref<80x125xi32, #tpu.memory_space<vmem>> -> memref<1x125xi32, #tpu.memory_space<vmem>>
      %dma_start3A_462 = tpu.memref_squeeze %dma_start3A_461 : memref<1x125xi32, #tpu.memory_space<vmem>> -> memref<125xi32, #tpu.memory_space<vmem>>
      %dma_start3A_463 = arith.constant 0 : i32
      %dma_start3A_464 = arith.constant 0 : i32
      %dma_start3A_465 = tpu.memref_slice %arg2[%arg0, %dma_start3A_463, %dma_start3A_464] : memref<2x10240x128xf32, #tpu.memory_space<hbm>> -> memref<1x10240x128xf32, #tpu.memory_space<hbm>>
      %dma_start3A_466 = tpu.memref_squeeze %dma_start3A_465 : memref<1x10240x128xf32, #tpu.memory_space<hbm>> -> memref<10240x128xf32, #tpu.memory_space<hbm>>
      %dma_start3A_467 = arith.constant 0 : i32
      %dma_start3A_468 = arith.constant 0 : i32
      %dma_start3A_469 = tpu.memref_slice %dma_start3A_466[%dma_start3A_467, %dma_start3A_468] : memref<10240x128xf32, #tpu.memory_space<hbm>> -> memref<10240x128xf32, #tpu.memory_space<hbm>>
      tpu.enqueue_indirect_dma source(%dma_start3A_469 : memref<10240x128xf32, #tpu.memory_space<hbm>>) target(%arg8 : memref<125x128xf32, #tpu.memory_space<vmem>>) offsets(%dma_start3A_462 : memref<125xi32, #tpu.memory_space<vmem>>) semaphore(%arg11 : memref<!tpu.dma_semaphore, #tpu.memory_space<semaphore_mem>>)
      %dma_wait3A_470 = arith.constant 0 : i32
      %dma_wait3A_471 = tpu.memref_slice %arg6[%add3A_457, %dma_wait3A_470] : memref<80x125xi32, #tpu.memory_space<vmem>> -> memref<1x125xi32, #tpu.memory_space<vmem>>
      %dma_wait3A_472 = tpu.memref_squeeze %dma_wait3A_471 : memref<1x125xi32, #tpu.memory_space<vmem>> -> memref<125xi32, #tpu.memory_space<vmem>>
      %dma_wait3A_473 = arith.constant 0 : i32
      %dma_wait3A_474 = arith.constant 0 : i32
      %dma_wait3A_475 = tpu.memref_slice %arg2[%arg0, %dma_wait3A_473, %dma_wait3A_474] : memref<2x10240x128xf32, #tpu.memory_space<hbm>> -> memref<1x10240x128xf32, #tpu.memory_space<hbm>>
      %dma_wait3A_476 = tpu.memref_squeeze %dma_wait3A_475 : memref<1x10240x128xf32, #tpu.memory_space<hbm>> -> memref<10240x128xf32, #tpu.memory_space<hbm>>
      %dma_wait3A_477 = arith.constant 0 : i32
      %dma_wait3A_478 = arith.constant 0 : i32
      %dma_wait3A_479 = tpu.memref_slice %dma_wait3A_476[%dma_wait3A_477, %dma_wait3A_478] : memref<10240x128xf32, #tpu.memory_space<hbm>> -> memref<10240x128xf32, #tpu.memory_space<hbm>>
      tpu.wait_indirect_dma semaphore(%arg12 : memref<!tpu.dma_semaphore, #tpu.memory_space<semaphore_mem>>) src(%dma_wait3A_479 : memref<10240x128xf32, #tpu.memory_space<hbm>>) dst(%arg9 : memref<125x128xf32, #tpu.memory_space<vmem>>)
      %rem3A_480 = arith.constant 2 : i32
      %rem3A_481 = arith.remsi %scan3A_39, %rem3A_480 : i32
      %mul3A_482 = arith.constant 16 : i32
      %mul3A_483 = arith.muli %rem3A_481, %mul3A_482 : i32
      %add3A_484 = arith.constant 13 : i32
      %add3A_485 = arith.addi %mul3A_483, %add3A_484 : i32
      "tpu.region"() ({
        %run_scoped3A = tpu.sem_alloc : memref<!tpu.dma_semaphore, #tpu.memory_space<semaphore_mem>>
        %dma_start3A_541 = arith.constant 0 : i32
        %dma_start3A_542 = tpu.memref_slice %arg7[%add3A_485, %dma_start3A_541] : memref<32x125xi32, #tpu.memory_space<vmem>> -> memref<1x125xi32, #tpu.memory_space<vmem>>
        %dma_start3A_543 = tpu.memref_squeeze %dma_start3A_542 : memref<1x125xi32, #tpu.memory_space<vmem>> -> memref<125xi32, #tpu.memory_space<vmem>>
        %dma_start3A_544 = arith.constant 0 : i32
        %dma_start3A_545 = arith.constant 0 : i32
        %dma_start3A_546 = tpu.memref_slice %arg10[%dma_start3A_544, %dma_start3A_545] : memref<10240x128xf32, #tpu.memory_space<vmem_shared>> -> memref<10240x128xf32, #tpu.memory_space<vmem_shared>>
        tpu.enqueue_indirect_dma source(%arg9 : memref<125x128xf32, #tpu.memory_space<vmem>>) target(%dma_start3A_546 : memref<10240x128xf32, #tpu.memory_space<vmem_shared>>) offsets(%dma_start3A_543 : memref<125xi32, #tpu.memory_space<vmem>>) semaphore(%run_scoped3A : memref<!tpu.dma_semaphore, #tpu.memory_space<semaphore_mem>>) {add = true}
        %dma_wait3A_547 = arith.constant 0 : i32
        %dma_wait3A_548 = tpu.memref_slice %arg7[%add3A_485, %dma_wait3A_547] : memref<32x125xi32, #tpu.memory_space<vmem>> -> memref<1x125xi32, #tpu.memory_space<vmem>>
        %dma_wait3A_549 = tpu.memref_squeeze %dma_wait3A_548 : memref<1x125xi32, #tpu.memory_space<vmem>> -> memref<125xi32, #tpu.memory_space<vmem>>
        %dma_wait3A_550 = arith.constant 0 : i32
        %dma_wait3A_551 = arith.constant 0 : i32
        %dma_wait3A_552 = tpu.memref_slice %arg10[%dma_wait3A_550, %dma_wait3A_551] : memref<10240x128xf32, #tpu.memory_space<vmem_shared>> -> memref<10240x128xf32, #tpu.memory_space<vmem_shared>>
        tpu.wait_indirect_dma semaphore(%run_scoped3A : memref<!tpu.dma_semaphore, #tpu.memory_space<semaphore_mem>>) src(%arg9 : memref<125x128xf32, #tpu.memory_space<vmem>>) dst(%dma_wait3A_552 : memref<10240x128xf32, #tpu.memory_space<vmem_shared>>)
        tpu.yield
      }) : () -> ()
      %add3A_486 = arith.constant 14 : i32
      %add3A_487 = arith.addi %mul3A_41, %add3A_486 : i32
      %add3A_488 = arith.constant 1 : i32
      %add3A_489 = arith.addi %add3A_487, %add3A_488 : i32
      %dma_start3A_490 = arith.constant 0 : i32
      %dma_start3A_491 = tpu.memref_slice %arg6[%add3A_489, %dma_start3A_490] : memref<80x125xi32, #tpu.memory_space<vmem>> -> memref<1x125xi32, #tpu.memory_space<vmem>>
      %dma_start3A_492 = tpu.memref_squeeze %dma_start3A_491 : memref<1x125xi32, #tpu.memory_space<vmem>> -> memref<125xi32, #tpu.memory_space<vmem>>
      %dma_start3A_493 = arith.constant 0 : i32
      %dma_start3A_494 = arith.constant 0 : i32
      %dma_start3A_495 = tpu.memref_slice %arg2[%arg0, %dma_start3A_493, %dma_start3A_494] : memref<2x10240x128xf32, #tpu.memory_space<hbm>> -> memref<1x10240x128xf32, #tpu.memory_space<hbm>>
      %dma_start3A_496 = tpu.memref_squeeze %dma_start3A_495 : memref<1x10240x128xf32, #tpu.memory_space<hbm>> -> memref<10240x128xf32, #tpu.memory_space<hbm>>
      %dma_start3A_497 = arith.constant 0 : i32
      %dma_start3A_498 = arith.constant 0 : i32
      %dma_start3A_499 = tpu.memref_slice %dma_start3A_496[%dma_start3A_497, %dma_start3A_498] : memref<10240x128xf32, #tpu.memory_space<hbm>> -> memref<10240x128xf32, #tpu.memory_space<hbm>>
      tpu.enqueue_indirect_dma source(%dma_start3A_499 : memref<10240x128xf32, #tpu.memory_space<hbm>>) target(%arg9 : memref<125x128xf32, #tpu.memory_space<vmem>>) offsets(%dma_start3A_492 : memref<125xi32, #tpu.memory_space<vmem>>) semaphore(%arg12 : memref<!tpu.dma_semaphore, #tpu.memory_space<semaphore_mem>>)
      %dma_wait3A_500 = arith.constant 0 : i32
      %dma_wait3A_501 = tpu.memref_slice %arg6[%add3A_487, %dma_wait3A_500] : memref<80x125xi32, #tpu.memory_space<vmem>> -> memref<1x125xi32, #tpu.memory_space<vmem>>
      %dma_wait3A_502 = tpu.memref_squeeze %dma_wait3A_501 : memref<1x125xi32, #tpu.memory_space<vmem>> -> memref<125xi32, #tpu.memory_space<vmem>>
      %dma_wait3A_503 = arith.constant 0 : i32
      %dma_wait3A_504 = arith.constant 0 : i32
      %dma_wait3A_505 = tpu.memref_slice %arg2[%arg0, %dma_wait3A_503, %dma_wait3A_504] : memref<2x10240x128xf32, #tpu.memory_space<hbm>> -> memref<1x10240x128xf32, #tpu.memory_space<hbm>>
      %dma_wait3A_506 = tpu.memref_squeeze %dma_wait3A_505 : memref<1x10240x128xf32, #tpu.memory_space<hbm>> -> memref<10240x128xf32, #tpu.memory_space<hbm>>
      %dma_wait3A_507 = arith.constant 0 : i32
      %dma_wait3A_508 = arith.constant 0 : i32
      %dma_wait3A_509 = tpu.memref_slice %dma_wait3A_506[%dma_wait3A_507, %dma_wait3A_508] : memref<10240x128xf32, #tpu.memory_space<hbm>> -> memref<10240x128xf32, #tpu.memory_space<hbm>>
      tpu.wait_indirect_dma semaphore(%arg11 : memref<!tpu.dma_semaphore, #tpu.memory_space<semaphore_mem>>) src(%dma_wait3A_509 : memref<10240x128xf32, #tpu.memory_space<hbm>>) dst(%arg8 : memref<125x128xf32, #tpu.memory_space<vmem>>)
      %rem3A_510 = arith.constant 2 : i32
      %rem3A_511 = arith.remsi %scan3A_39, %rem3A_510 : i32
      %mul3A_512 = arith.constant 16 : i32
      %mul3A_513 = arith.muli %rem3A_511, %mul3A_512 : i32
      %add3A_514 = arith.constant 14 : i32
      %add3A_515 = arith.addi %mul3A_513, %add3A_514 : i32
      "tpu.region"() ({
        %run_scoped3A = tpu.sem_alloc : memref<!tpu.dma_semaphore, #tpu.memory_space<semaphore_mem>>
        %dma_start3A_541 = arith.constant 0 : i32
        %dma_start3A_542 = tpu.memref_slice %arg7[%add3A_515, %dma_start3A_541] : memref<32x125xi32, #tpu.memory_space<vmem>> -> memref<1x125xi32, #tpu.memory_space<vmem>>
        %dma_start3A_543 = tpu.memref_squeeze %dma_start3A_542 : memref<1x125xi32, #tpu.memory_space<vmem>> -> memref<125xi32, #tpu.memory_space<vmem>>
        %dma_start3A_544 = arith.constant 0 : i32
        %dma_start3A_545 = arith.constant 0 : i32
        %dma_start3A_546 = tpu.memref_slice %arg10[%dma_start3A_544, %dma_start3A_545] : memref<10240x128xf32, #tpu.memory_space<vmem_shared>> -> memref<10240x128xf32, #tpu.memory_space<vmem_shared>>
        tpu.enqueue_indirect_dma source(%arg8 : memref<125x128xf32, #tpu.memory_space<vmem>>) target(%dma_start3A_546 : memref<10240x128xf32, #tpu.memory_space<vmem_shared>>) offsets(%dma_start3A_543 : memref<125xi32, #tpu.memory_space<vmem>>) semaphore(%run_scoped3A : memref<!tpu.dma_semaphore, #tpu.memory_space<semaphore_mem>>) {add = true}
        %dma_wait3A_547 = arith.constant 0 : i32
        %dma_wait3A_548 = tpu.memref_slice %arg7[%add3A_515, %dma_wait3A_547] : memref<32x125xi32, #tpu.memory_space<vmem>> -> memref<1x125xi32, #tpu.memory_space<vmem>>
        %dma_wait3A_549 = tpu.memref_squeeze %dma_wait3A_548 : memref<1x125xi32, #tpu.memory_space<vmem>> -> memref<125xi32, #tpu.memory_space<vmem>>
        %dma_wait3A_550 = arith.constant 0 : i32
        %dma_wait3A_551 = arith.constant 0 : i32
        %dma_wait3A_552 = tpu.memref_slice %arg10[%dma_wait3A_550, %dma_wait3A_551] : memref<10240x128xf32, #tpu.memory_space<vmem_shared>> -> memref<10240x128xf32, #tpu.memory_space<vmem_shared>>
        tpu.wait_indirect_dma semaphore(%run_scoped3A : memref<!tpu.dma_semaphore, #tpu.memory_space<semaphore_mem>>) src(%arg8 : memref<125x128xf32, #tpu.memory_space<vmem>>) dst(%dma_wait3A_552 : memref<10240x128xf32, #tpu.memory_space<vmem_shared>>)
        tpu.yield
      }) : () -> ()
      %add3A_516 = arith.constant 15 : i32
      %add3A_517 = arith.addi %mul3A_41, %add3A_516 : i32
      %add3A_518 = arith.constant 1 : i32
      %add3A_519 = arith.addi %scan3A_39, %add3A_518 : i32
      %lt3A_520 = arith.constant 5 : i32
      %lt3A_521 = arith.cmpi slt, %add3A_519, %lt3A_520 : i32
      %convert_element_type3A_522 = arith.extui %lt3A_521 : i1 to i32
      %cond3A_523 = arith.constant 0 : i32
      %cond3A_524 = arith.cmpi ne, %convert_element_type3A_522, %cond3A_523 : i32
      scf.if %cond3A_524 {
        %add3A_541 = arith.constant 1 : i32
        %add3A_542 = arith.addi %add3A_517, %add3A_541 : i32
        %dma_start3A_543 = arith.constant 0 : i32
        %dma_start3A_544 = tpu.memref_slice %arg6[%add3A_542, %dma_start3A_543] : memref<80x125xi32, #tpu.memory_space<vmem>> -> memref<1x125xi32, #tpu.memory_space<vmem>>
        %dma_start3A_545 = tpu.memref_squeeze %dma_start3A_544 : memref<1x125xi32, #tpu.memory_space<vmem>> -> memref<125xi32, #tpu.memory_space<vmem>>
        %dma_start3A_546 = arith.constant 0 : i32
        %dma_start3A_547 = arith.constant 0 : i32
        %dma_start3A_548 = tpu.memref_slice %arg2[%arg0, %dma_start3A_546, %dma_start3A_547] : memref<2x10240x128xf32, #tpu.memory_space<hbm>> -> memref<1x10240x128xf32, #tpu.memory_space<hbm>>
        %dma_start3A_549 = tpu.memref_squeeze %dma_start3A_548 : memref<1x10240x128xf32, #tpu.memory_space<hbm>> -> memref<10240x128xf32, #tpu.memory_space<hbm>>
        %dma_start3A_550 = arith.constant 0 : i32
        %dma_start3A_551 = arith.constant 0 : i32
        %dma_start3A_552 = tpu.memref_slice %dma_start3A_549[%dma_start3A_550, %dma_start3A_551] : memref<10240x128xf32, #tpu.memory_space<hbm>> -> memref<10240x128xf32, #tpu.memory_space<hbm>>
        tpu.enqueue_indirect_dma source(%dma_start3A_552 : memref<10240x128xf32, #tpu.memory_space<hbm>>) target(%arg8 : memref<125x128xf32, #tpu.memory_space<vmem>>) offsets(%dma_start3A_545 : memref<125xi32, #tpu.memory_space<vmem>>) semaphore(%arg11 : memref<!tpu.dma_semaphore, #tpu.memory_space<semaphore_mem>>)
      } else {
      }
      %dma_wait3A_525 = arith.constant 0 : i32
      %dma_wait3A_526 = tpu.memref_slice %arg6[%add3A_517, %dma_wait3A_525] : memref<80x125xi32, #tpu.memory_space<vmem>> -> memref<1x125xi32, #tpu.memory_space<vmem>>
      %dma_wait3A_527 = tpu.memref_squeeze %dma_wait3A_526 : memref<1x125xi32, #tpu.memory_space<vmem>> -> memref<125xi32, #tpu.memory_space<vmem>>
      %dma_wait3A_528 = arith.constant 0 : i32
      %dma_wait3A_529 = arith.constant 0 : i32
      %dma_wait3A_530 = tpu.memref_slice %arg2[%arg0, %dma_wait3A_528, %dma_wait3A_529] : memref<2x10240x128xf32, #tpu.memory_space<hbm>> -> memref<1x10240x128xf32, #tpu.memory_space<hbm>>
      %dma_wait3A_531 = tpu.memref_squeeze %dma_wait3A_530 : memref<1x10240x128xf32, #tpu.memory_space<hbm>> -> memref<10240x128xf32, #tpu.memory_space<hbm>>
      %dma_wait3A_532 = arith.constant 0 : i32
      %dma_wait3A_533 = arith.constant 0 : i32
      %dma_wait3A_534 = tpu.memref_slice %dma_wait3A_531[%dma_wait3A_532, %dma_wait3A_533] : memref<10240x128xf32, #tpu.memory_space<hbm>> -> memref<10240x128xf32, #tpu.memory_space<hbm>>
      tpu.wait_indirect_dma semaphore(%arg12 : memref<!tpu.dma_semaphore, #tpu.memory_space<semaphore_mem>>) src(%dma_wait3A_534 : memref<10240x128xf32, #tpu.memory_space<hbm>>) dst(%arg9 : memref<125x128xf32, #tpu.memory_space<vmem>>)
      %rem3A_535 = arith.constant 2 : i32
      %rem3A_536 = arith.remsi %scan3A_39, %rem3A_535 : i32
      %mul3A_537 = arith.constant 16 : i32
      %mul3A_538 = arith.muli %rem3A_536, %mul3A_537 : i32
      %add3A_539 = arith.constant 15 : i32
      %add3A_540 = arith.addi %mul3A_538, %add3A_539 : i32
      "tpu.region"() ({
        %run_scoped3A = tpu.sem_alloc : memref<!tpu.dma_semaphore, #tpu.memory_space<semaphore_mem>>
        %dma_start3A_541 = arith.constant 0 : i32
        %dma_start3A_542 = tpu.memref_slice %arg7[%add3A_540, %dma_start3A_541] : memref<32x125xi32, #tpu.memory_space<vmem>> -> memref<1x125xi32, #tpu.memory_space<vmem>>
        %dma_start3A_543 = tpu.memref_squeeze %dma_start3A_542 : memref<1x125xi32, #tpu.memory_space<vmem>> -> memref<125xi32, #tpu.memory_space<vmem>>
        %dma_start3A_544 = arith.constant 0 : i32
        %dma_start3A_545 = arith.constant 0 : i32
        %dma_start3A_546 = tpu.memref_slice %arg10[%dma_start3A_544, %dma_start3A_545] : memref<10240x128xf32, #tpu.memory_space<vmem_shared>> -> memref<10240x128xf32, #tpu.memory_space<vmem_shared>>
        tpu.enqueue_indirect_dma source(%arg9 : memref<125x128xf32, #tpu.memory_space<vmem>>) target(%dma_start3A_546 : memref<10240x128xf32, #tpu.memory_space<vmem_shared>>) offsets(%dma_start3A_543 : memref<125xi32, #tpu.memory_space<vmem>>) semaphore(%run_scoped3A : memref<!tpu.dma_semaphore, #tpu.memory_space<semaphore_mem>>) {add = true}
        %dma_wait3A_547 = arith.constant 0 : i32
        %dma_wait3A_548 = tpu.memref_slice %arg7[%add3A_540, %dma_wait3A_547] : memref<32x125xi32, #tpu.memory_space<vmem>> -> memref<1x125xi32, #tpu.memory_space<vmem>>
        %dma_wait3A_549 = tpu.memref_squeeze %dma_wait3A_548 : memref<1x125xi32, #tpu.memory_space<vmem>> -> memref<125xi32, #tpu.memory_space<vmem>>
        %dma_wait3A_550 = arith.constant 0 : i32
        %dma_wait3A_551 = arith.constant 0 : i32
        %dma_wait3A_552 = tpu.memref_slice %arg10[%dma_wait3A_550, %dma_wait3A_551] : memref<10240x128xf32, #tpu.memory_space<vmem_shared>> -> memref<10240x128xf32, #tpu.memory_space<vmem_shared>>
        tpu.wait_indirect_dma semaphore(%run_scoped3A : memref<!tpu.dma_semaphore, #tpu.memory_space<semaphore_mem>>) src(%arg9 : memref<125x128xf32, #tpu.memory_space<vmem>>) dst(%dma_wait3A_552 : memref<10240x128xf32, #tpu.memory_space<vmem_shared>>)
        tpu.yield
      }) : () -> ()
    }
    %scan3A_37 = arith.constant 5 : i32
    %barrier3A_38 = arith.constant 0 : index
    tpu.barrier barrier_id(%barrier3A_38)
    "tpu.region"() ({
      %run_scoped3A = tpu.sem_alloc : memref<!tpu.dma_semaphore, #tpu.memory_space<semaphore_mem>>
      %dma_start3A_39 = arith.constant 0 : i32
      %dma_start3A_40 = arith.constant 0 : i32
      %dma_start3A_41 = tpu.memref_slice %arg5[%arg0, %dma_start3A_39, %dma_start3A_40] : memref<2x10240x128xf32, #tpu.memory_space<hbm>> -> memref<1x10240x128xf32, #tpu.memory_space<hbm>>
      %dma_start3A_42 = tpu.memref_squeeze %dma_start3A_41 : memref<1x10240x128xf32, #tpu.memory_space<hbm>> -> memref<10240x128xf32, #tpu.memory_space<hbm>>
      %dma_start3A_43 = arith.constant 0 : i32
      %dma_start3A_44 = tpu.memref_slice %dma_start3A_42[%mul3A_0, %dma_start3A_43] : memref<10240x128xf32, #tpu.memory_space<hbm>> -> memref<640x128xf32, #tpu.memory_space<hbm>>
      %dma_start3A_45 = arith.constant 0 : i32
      %dma_start3A_46 = tpu.memref_slice %arg10[%mul3A_0, %dma_start3A_45] : memref<10240x128xf32, #tpu.memory_space<vmem_shared>> -> memref<640x128xf32, #tpu.memory_space<vmem_shared>>
      tpu.enqueue_dma source(%dma_start3A_46 : memref<640x128xf32, #tpu.memory_space<vmem_shared>>) target(%dma_start3A_44 : memref<640x128xf32, #tpu.memory_space<hbm>>) target_semaphore(%run_scoped3A : memref<!tpu.dma_semaphore, #tpu.memory_space<semaphore_mem>>)
      %dma_wait3A = arith.constant 0 : i32
      %dma_wait3A_47 = arith.constant 0 : i32
      %dma_wait3A_48 = tpu.memref_slice %arg5[%arg0, %dma_wait3A, %dma_wait3A_47] : memref<2x10240x128xf32, #tpu.memory_space<hbm>> -> memref<1x10240x128xf32, #tpu.memory_space<hbm>>
      %dma_wait3A_49 = tpu.memref_squeeze %dma_wait3A_48 : memref<1x10240x128xf32, #tpu.memory_space<hbm>> -> memref<10240x128xf32, #tpu.memory_space<hbm>>
      %dma_wait3A_50 = arith.constant 0 : i32
      %dma_wait3A_51 = tpu.memref_slice %dma_wait3A_49[%mul3A_0, %dma_wait3A_50] : memref<10240x128xf32, #tpu.memory_space<hbm>> -> memref<640x128xf32, #tpu.memory_space<hbm>>
      %dma_wait3A_52 = arith.constant 0 : i32
      %dma_wait3A_53 = tpu.memref_slice %arg10[%mul3A_0, %dma_wait3A_52] : memref<10240x128xf32, #tpu.memory_space<vmem_shared>> -> memref<640x128xf32, #tpu.memory_space<vmem_shared>>
      tpu.wait_dma2 semaphore(%run_scoped3A : memref<!tpu.dma_semaphore, #tpu.memory_space<semaphore_mem>>) src(%dma_wait3A_53 : memref<640x128xf32, #tpu.memory_space<vmem_shared>>) dst(%dma_wait3A_51 : memref<640x128xf32, #tpu.memory_space<hbm>>)
      tpu.yield
    }) : () -> ()
    return
  }
}

#map = affine_map<(d0, d1) -> (0, 0, 0)>
module attributes {stable_mosaic.version = 14 : i64} {
  func.func @_agg_body(%arg0: i32, %arg1: i32, %arg2: memref<2x10240x128xf32, #tpu.memory_space<hbm>>, %arg3: memref<16x80x125xi32, #tpu.memory_space<hbm>>, %arg4: memref<16x80x125xi32, #tpu.memory_space<hbm>>, %arg5: memref<2x10240x128xf32, #tpu.memory_space<hbm>>, %arg6: memref<80x125xi32, #tpu.memory_space<vmem>>, %arg7: memref<32x125xi32, #tpu.memory_space<vmem>>, %arg8: memref<125x128xf32, #tpu.memory_space<vmem>>, %arg9: memref<125x128xf32, #tpu.memory_space<vmem>>, %arg10: memref<10240x128xf32, #tpu.memory_space<vmem_shared>>, %arg11: memref<!tpu.dma_semaphore, #tpu.memory_space<semaphore_mem>>, %arg12: memref<!tpu.dma_semaphore, #tpu.memory_space<semaphore_mem>>, %arg13: memref<!tpu.dma_semaphore, #tpu.memory_space<semaphore_mem>>) attributes {dimension_semantics = [#tpu.dimension_semantics<core_parallel>, #tpu.dimension_semantics<subcore_parallel>], iteration_bounds = array<i64: 2, 16>, scalar_prefetch = 0 : i64, scratch_operands = 8 : i64, tpu.core_type = #tpu.core_type<sc_vector_subcore>, window_params = [{transform_indices = #map}, {transform_indices = #map}, {transform_indices = #map}, {transform_indices = #map}]} {
    %mul3A = arith.constant 640 : i32
    %mul3A_0 = arith.muli %arg1, %mul3A : i32
    "tpu.region"() ({
      %run_scoped3A = tpu.sem_alloc : memref<!tpu.dma_semaphore, #tpu.memory_space<semaphore_mem>>
      %dma_start3A_39 = arith.constant 0 : i32
      %dma_start3A_40 = tpu.memref_slice %arg10[%mul3A_0, %dma_start3A_39] : memref<10240x128xf32, #tpu.memory_space<vmem_shared>> -> memref<640x128xf32, #tpu.memory_space<vmem_shared>>
      %dma_start3A_41 = arith.constant 0 : i32
      %dma_start3A_42 = arith.constant 0 : i32
      %dma_start3A_43 = tpu.memref_slice %arg2[%arg0, %dma_start3A_41, %dma_start3A_42] : memref<2x10240x128xf32, #tpu.memory_space<hbm>> -> memref<1x10240x128xf32, #tpu.memory_space<hbm>>
      %dma_start3A_44 = tpu.memref_squeeze %dma_start3A_43 : memref<1x10240x128xf32, #tpu.memory_space<hbm>> -> memref<10240x128xf32, #tpu.memory_space<hbm>>
      %dma_start3A_45 = arith.constant 0 : i32
      %dma_start3A_46 = tpu.memref_slice %dma_start3A_44[%mul3A_0, %dma_start3A_45] : memref<10240x128xf32, #tpu.memory_space<hbm>> -> memref<640x128xf32, #tpu.memory_space<hbm>>
      tpu.enqueue_dma source(%dma_start3A_46 : memref<640x128xf32, #tpu.memory_space<hbm>>) target(%dma_start3A_40 : memref<640x128xf32, #tpu.memory_space<vmem_shared>>) target_semaphore(%run_scoped3A : memref<!tpu.dma_semaphore, #tpu.memory_space<semaphore_mem>>)
      %dma_wait3A = arith.constant 0 : i32
      %dma_wait3A_47 = tpu.memref_slice %arg10[%mul3A_0, %dma_wait3A] : memref<10240x128xf32, #tpu.memory_space<vmem_shared>> -> memref<640x128xf32, #tpu.memory_space<vmem_shared>>
      %dma_wait3A_48 = arith.constant 0 : i32
      %dma_wait3A_49 = arith.constant 0 : i32
      %dma_wait3A_50 = tpu.memref_slice %arg2[%arg0, %dma_wait3A_48, %dma_wait3A_49] : memref<2x10240x128xf32, #tpu.memory_space<hbm>> -> memref<1x10240x128xf32, #tpu.memory_space<hbm>>
      %dma_wait3A_51 = tpu.memref_squeeze %dma_wait3A_50 : memref<1x10240x128xf32, #tpu.memory_space<hbm>> -> memref<10240x128xf32, #tpu.memory_space<hbm>>
      %dma_wait3A_52 = arith.constant 0 : i32
      %dma_wait3A_53 = tpu.memref_slice %dma_wait3A_51[%mul3A_0, %dma_wait3A_52] : memref<10240x128xf32, #tpu.memory_space<hbm>> -> memref<640x128xf32, #tpu.memory_space<hbm>>
      tpu.wait_dma2 semaphore(%run_scoped3A : memref<!tpu.dma_semaphore, #tpu.memory_space<semaphore_mem>>) src(%dma_wait3A_53 : memref<640x128xf32, #tpu.memory_space<hbm>>) dst(%dma_wait3A_47 : memref<640x128xf32, #tpu.memory_space<vmem_shared>>)
      tpu.yield
    }) : () -> ()
    "tpu.region"() ({
      %run_scoped3A = tpu.sem_alloc : memref<!tpu.dma_semaphore, #tpu.memory_space<semaphore_mem>>
      %dma_start3A_39 = arith.constant 0 : i32
      %dma_start3A_40 = arith.constant 0 : i32
      %dma_start3A_41 = tpu.memref_slice %arg3[%arg1, %dma_start3A_39, %dma_start3A_40] : memref<16x80x125xi32, #tpu.memory_space<hbm>> -> memref<1x80x125xi32, #tpu.memory_space<hbm>>
      %dma_start3A_42 = tpu.memref_squeeze %dma_start3A_41 : memref<1x80x125xi32, #tpu.memory_space<hbm>> -> memref<80x125xi32, #tpu.memory_space<hbm>>
      %dma_start3A_43 = arith.constant 0 : i32
      %dma_start3A_44 = arith.constant 0 : i32
      %dma_start3A_45 = tpu.memref_slice %arg3[%arg1, %dma_start3A_43, %dma_start3A_44] : memref<16x80x125xi32, #tpu.memory_space<hbm>> -> memref<1x80x125xi32, #tpu.memory_space<hbm>>
      %dma_start3A_46 = tpu.memref_squeeze %dma_start3A_45 : memref<1x80x125xi32, #tpu.memory_space<hbm>> -> memref<80x125xi32, #tpu.memory_space<hbm>>
      tpu.enqueue_dma source(%dma_start3A_46 : memref<80x125xi32, #tpu.memory_space<hbm>>) target(%arg6 : memref<80x125xi32, #tpu.memory_space<vmem>>) target_semaphore(%run_scoped3A : memref<!tpu.dma_semaphore, #tpu.memory_space<semaphore_mem>>)
      %dma_wait3A = arith.constant 0 : i32
      %dma_wait3A_47 = arith.constant 0 : i32
      %dma_wait3A_48 = tpu.memref_slice %arg3[%arg1, %dma_wait3A, %dma_wait3A_47] : memref<16x80x125xi32, #tpu.memory_space<hbm>> -> memref<1x80x125xi32, #tpu.memory_space<hbm>>
      %dma_wait3A_49 = tpu.memref_squeeze %dma_wait3A_48 : memref<1x80x125xi32, #tpu.memory_space<hbm>> -> memref<80x125xi32, #tpu.memory_space<hbm>>
      %dma_wait3A_50 = arith.constant 0 : i32
      %dma_wait3A_51 = arith.constant 0 : i32
      %dma_wait3A_52 = tpu.memref_slice %arg3[%arg1, %dma_wait3A_50, %dma_wait3A_51] : memref<16x80x125xi32, #tpu.memory_space<hbm>> -> memref<1x80x125xi32, #tpu.memory_space<hbm>>
      %dma_wait3A_53 = tpu.memref_squeeze %dma_wait3A_52 : memref<1x80x125xi32, #tpu.memory_space<hbm>> -> memref<80x125xi32, #tpu.memory_space<hbm>>
      tpu.wait_dma2 semaphore(%run_scoped3A : memref<!tpu.dma_semaphore, #tpu.memory_space<semaphore_mem>>) src(%dma_wait3A_53 : memref<80x125xi32, #tpu.memory_space<hbm>>) dst(%arg6 : memref<80x125xi32, #tpu.memory_space<vmem>>)
      tpu.yield
    }) : () -> ()
    %barrier3A = arith.constant 0 : index
    tpu.barrier barrier_id(%barrier3A)
    %rem3A = arith.constant 0 : i32
    %rem3A_1 = arith.constant 2 : i32
    %rem3A_2 = arith.remsi %rem3A, %rem3A_1 : i32
    %mul3A_3 = arith.constant 16 : i32
    %mul3A_4 = arith.muli %rem3A_2, %mul3A_3 : i32
    %dma_start3A = arith.constant 0 : i32
    %dma_start3A_5 = tpu.memref_slice %arg7[%mul3A_4, %dma_start3A] : memref<32x125xi32, #tpu.memory_space<vmem>> -> memref<16x125xi32, #tpu.memory_space<vmem>>
    %dma_start3A_6 = arith.constant 0 : i32
    %dma_start3A_7 = arith.constant 0 : i32
    %dma_start3A_8 = tpu.memref_slice %arg4[%arg1, %dma_start3A_6, %dma_start3A_7] : memref<16x80x125xi32, #tpu.memory_space<hbm>> -> memref<1x80x125xi32, #tpu.memory_space<hbm>>
    %dma_start3A_9 = tpu.memref_squeeze %dma_start3A_8 : memref<1x80x125xi32, #tpu.memory_space<hbm>> -> memref<80x125xi32, #tpu.memory_space<hbm>>
    %dma_start3A_10 = arith.constant 0 : i32
    %dma_start3A_11 = arith.constant 0 : i32
    %dma_start3A_12 = tpu.memref_slice %dma_start3A_9[%dma_start3A_10, %dma_start3A_11] : memref<80x125xi32, #tpu.memory_space<hbm>> -> memref<16x125xi32, #tpu.memory_space<hbm>>
    %dma_start3A_13 = arith.constant 0 : i32
    %dma_start3A_14 = tpu.memref_slice %arg7[%mul3A_4, %dma_start3A_13] : memref<32x125xi32, #tpu.memory_space<vmem>> -> memref<16x125xi32, #tpu.memory_space<vmem>>
    %dma_start3A_15 = arith.constant 0 : i32
    %dma_start3A_16 = arith.constant 0 : i32
    %dma_start3A_17 = tpu.memref_slice %arg4[%arg1, %dma_start3A_15, %dma_start3A_16] : memref<16x80x125xi32, #tpu.memory_space<hbm>> -> memref<1x80x125xi32, #tpu.memory_space<hbm>>
    %dma_start3A_18 = tpu.memref_squeeze %dma_start3A_17 : memref<1x80x125xi32, #tpu.memory_space<hbm>> -> memref<80x125xi32, #tpu.memory_space<hbm>>
    %dma_start3A_19 = arith.constant 0 : i32
    %dma_start3A_20 = arith.constant 0 : i32
    %dma_start3A_21 = tpu.memref_slice %dma_start3A_18[%dma_start3A_19, %dma_start3A_20] : memref<80x125xi32, #tpu.memory_space<hbm>> -> memref<16x125xi32, #tpu.memory_space<hbm>>
    tpu.enqueue_dma source(%dma_start3A_21 : memref<16x125xi32, #tpu.memory_space<hbm>>) target(%dma_start3A_14 : memref<16x125xi32, #tpu.memory_space<vmem>>) target_semaphore(%arg13 : memref<!tpu.dma_semaphore, #tpu.memory_space<semaphore_mem>>)
    %dma_start3A_22 = arith.constant 0 : i32
    %dma_start3A_23 = arith.constant 0 : i32
    %dma_start3A_24 = tpu.memref_slice %arg6[%dma_start3A_22, %dma_start3A_23] : memref<80x125xi32, #tpu.memory_space<vmem>> -> memref<1x125xi32, #tpu.memory_space<vmem>>
    %dma_start3A_25 = tpu.memref_squeeze %dma_start3A_24 : memref<1x125xi32, #tpu.memory_space<vmem>> -> memref<125xi32, #tpu.memory_space<vmem>>
    %dma_start3A_26 = arith.constant 0 : i32
    %dma_start3A_27 = arith.constant 0 : i32
    %dma_start3A_28 = tpu.memref_slice %arg2[%arg0, %dma_start3A_26, %dma_start3A_27] : memref<2x10240x128xf32, #tpu.memory_space<hbm>> -> memref<1x10240x128xf32, #tpu.memory_space<hbm>>
    %dma_start3A_29 = tpu.memref_squeeze %dma_start3A_28 : memref<1x10240x128xf32, #tpu.memory_space<hbm>> -> memref<10240x128xf32, #tpu.memory_space<hbm>>
    %dma_start3A_30 = arith.constant 0 : i32
    %dma_start3A_31 = arith.constant 0 : i32
    %dma_start3A_32 = tpu.memref_slice %dma_start3A_29[%dma_start3A_30, %dma_start3A_31] : memref<10240x128xf32, #tpu.memory_space<hbm>> -> memref<10240x128xf32, #tpu.memory_space<hbm>>
    tpu.enqueue_indirect_dma source(%dma_start3A_32 : memref<10240x128xf32, #tpu.memory_space<hbm>>) target(%arg8 : memref<125x128xf32, #tpu.memory_space<vmem>>) offsets(%dma_start3A_25 : memref<125xi32, #tpu.memory_space<vmem>>) semaphore(%arg11 : memref<!tpu.dma_semaphore, #tpu.memory_space<semaphore_mem>>)
    %scan3A = arith.constant 0 : i32
    %scan3A_33 = arith.constant 0 : i32
    %scan3A_34 = arith.constant 5 : i32
    %scan3A_35 = arith.addi %scan3A_33, %scan3A_34 : i32
    %scan3A_36 = arith.constant 1 : i32
    scf.for %scan3A_39 = %scan3A_33 to %scan3A_35 step %scan3A_36  : i32 {
      %mul3A_40 = arith.constant 16 : i32
      %mul3A_41 = arith.muli %scan3A_39, %mul3A_40 : i32
      %mul3A_42 = arith.constant 16 : i32
      %mul3A_43 = arith.muli %scan3A_39, %mul3A_42 : i32
      %rem3A_44 = arith.constant 2 : i32
      %rem3A_45 = arith.remsi %scan3A_39, %rem3A_44 : i32
      %mul3A_46 = arith.constant 16 : i32
      %mul3A_47 = arith.muli %rem3A_45, %mul3A_46 : i32
      %dma_wait3A = arith.constant 0 : i32
      %dma_wait3A_48 = tpu.memref_slice %arg7[%mul3A_47, %dma_wait3A] : memref<32x125xi32, #tpu.memory_space<vmem>> -> memref<16x125xi32, #tpu.memory_space<vmem>>
      %dma_wait3A_49 = arith.constant 0 : i32
      %dma_wait3A_50 = arith.constant 0 : i32
      %dma_wait3A_51 = tpu.memref_slice %arg4[%arg1, %dma_wait3A_49, %dma_wait3A_50] : memref<16x80x125xi32, #tpu.memory_space<hbm>> -> memref<1x80x125xi32, #tpu.memory_space<hbm>>
      %dma_wait3A_52 = tpu.memref_squeeze %dma_wait3A_51 : memref<1x80x125xi32, #tpu.memory_space<hbm>> -> memref<80x125xi32, #tpu.memory_space<hbm>>
      %dma_wait3A_53 = arith.constant 0 : i32
      %dma_wait3A_54 = tpu.memref_slice %dma_wait3A_52[%mul3A_43, %dma_wait3A_53] : memref<80x125xi32, #tpu.memory_space<hbm>> -> memref<16x125xi32, #tpu.memory_space<hbm>>
      %dma_wait3A_55 = arith.constant 0 : i32
      %dma_wait3A_56 = tpu.memref_slice %arg7[%mul3A_47, %dma_wait3A_55] : memref<32x125xi32, #tpu.memory_space<vmem>> -> memref<16x125xi32, #tpu.memory_space<vmem>>
      %dma_wait3A_57 = arith.constant 0 : i32
      %dma_wait3A_58 = arith.constant 0 : i32
      %dma_wait3A_59 = tpu.memref_slice %arg4[%arg1, %dma_wait3A_57, %dma_wait3A_58] : memref<16x80x125xi32, #tpu.memory_space<hbm>> -> memref<1x80x125xi32, #tpu.memory_space<hbm>>
      %dma_wait3A_60 = tpu.memref_squeeze %dma_wait3A_59 : memref<1x80x125xi32, #tpu.memory_space<hbm>> -> memref<80x125xi32, #tpu.memory_space<hbm>>
      %dma_wait3A_61 = arith.constant 0 : i32
      %dma_wait3A_62 = tpu.memref_slice %dma_wait3A_60[%mul3A_43, %dma_wait3A_61] : memref<80x125xi32, #tpu.memory_space<hbm>> -> memref<16x125xi32, #tpu.memory_space<hbm>>
      tpu.wait_dma2 semaphore(%arg13 : memref<!tpu.dma_semaphore, #tpu.memory_space<semaphore_mem>>) src(%dma_wait3A_62 : memref<16x125xi32, #tpu.memory_space<hbm>>) dst(%dma_wait3A_56 : memref<16x125xi32, #tpu.memory_space<vmem>>)
      %add3A = arith.constant 1 : i32
      %add3A_63 = arith.addi %scan3A_39, %add3A : i32
      %lt3A = arith.constant 5 : i32
      %lt3A_64 = arith.cmpi slt, %add3A_63, %lt3A : i32
      %convert_element_type3A = arith.extui %lt3A_64 : i1 to i32
      %cond3A = arith.constant 0 : i32
      %cond3A_65 = arith.cmpi ne, %convert_element_type3A, %cond3A : i32
      scf.if %cond3A_65 {
        %add3A_541 = arith.constant 1 : i32
        %add3A_542 = arith.addi %scan3A_39, %add3A_541 : i32
        %mul3A_543 = arith.constant 16 : i32
        %mul3A_544 = arith.muli %add3A_542, %mul3A_543 : i32
        %add3A_545 = arith.constant 1 : i32
        %add3A_546 = arith.addi %scan3A_39, %add3A_545 : i32
        %rem3A_547 = arith.constant 2 : i32
        %rem3A_548 = arith.remsi %add3A_546, %rem3A_547 : i32
        %mul3A_549 = arith.constant 16 : i32
        %mul3A_550 = arith.muli %rem3A_548, %mul3A_549 : i32
        %dma_start3A_551 = arith.constant 0 : i32
        %dma_start3A_552 = tpu.memref_slice %arg7[%mul3A_550, %dma_start3A_551] : memref<32x125xi32, #tpu.memory_space<vmem>> -> memref<16x125xi32, #tpu.memory_space<vmem>>
        %dma_start3A_553 = arith.constant 0 : i32
        %dma_start3A_554 = arith.constant 0 : i32
        %dma_start3A_555 = tpu.memref_slice %arg4[%arg1, %dma_start3A_553, %dma_start3A_554] : memref<16x80x125xi32, #tpu.memory_space<hbm>> -> memref<1x80x125xi32, #tpu.memory_space<hbm>>
        %dma_start3A_556 = tpu.memref_squeeze %dma_start3A_555 : memref<1x80x125xi32, #tpu.memory_space<hbm>> -> memref<80x125xi32, #tpu.memory_space<hbm>>
        %dma_start3A_557 = arith.constant 0 : i32
        %dma_start3A_558 = tpu.memref_slice %dma_start3A_556[%mul3A_544, %dma_start3A_557] : memref<80x125xi32, #tpu.memory_space<hbm>> -> memref<16x125xi32, #tpu.memory_space<hbm>>
        %dma_start3A_559 = arith.constant 0 : i32
        %dma_start3A_560 = tpu.memref_slice %arg7[%mul3A_550, %dma_start3A_559] : memref<32x125xi32, #tpu.memory_space<vmem>> -> memref<16x125xi32, #tpu.memory_space<vmem>>
        %dma_start3A_561 = arith.constant 0 : i32
        %dma_start3A_562 = arith.constant 0 : i32
        %dma_start3A_563 = tpu.memref_slice %arg4[%arg1, %dma_start3A_561, %dma_start3A_562] : memref<16x80x125xi32, #tpu.memory_space<hbm>> -> memref<1x80x125xi32, #tpu.memory_space<hbm>>
        %dma_start3A_564 = tpu.memref_squeeze %dma_start3A_563 : memref<1x80x125xi32, #tpu.memory_space<hbm>> -> memref<80x125xi32, #tpu.memory_space<hbm>>
        %dma_start3A_565 = arith.constant 0 : i32
        %dma_start3A_566 = tpu.memref_slice %dma_start3A_564[%mul3A_544, %dma_start3A_565] : memref<80x125xi32, #tpu.memory_space<hbm>> -> memref<16x125xi32, #tpu.memory_space<hbm>>
        tpu.enqueue_dma source(%dma_start3A_566 : memref<16x125xi32, #tpu.memory_space<hbm>>) target(%dma_start3A_560 : memref<16x125xi32, #tpu.memory_space<vmem>>) target_semaphore(%arg13 : memref<!tpu.dma_semaphore, #tpu.memory_space<semaphore_mem>>)
      } else {
      }
      %add3A_66 = arith.constant 0 : i32
      %add3A_67 = arith.addi %mul3A_41, %add3A_66 : i32
      %add3A_68 = arith.constant 1 : i32
      %add3A_69 = arith.addi %add3A_67, %add3A_68 : i32
      %dma_start3A_70 = arith.constant 0 : i32
      %dma_start3A_71 = tpu.memref_slice %arg6[%add3A_69, %dma_start3A_70] : memref<80x125xi32, #tpu.memory_space<vmem>> -> memref<1x125xi32, #tpu.memory_space<vmem>>
      %dma_start3A_72 = tpu.memref_squeeze %dma_start3A_71 : memref<1x125xi32, #tpu.memory_space<vmem>> -> memref<125xi32, #tpu.memory_space<vmem>>
      %dma_start3A_73 = arith.constant 0 : i32
      %dma_start3A_74 = arith.constant 0 : i32
      %dma_start3A_75 = tpu.memref_slice %arg2[%arg0, %dma_start3A_73, %dma_start3A_74] : memref<2x10240x128xf32, #tpu.memory_space<hbm>> -> memref<1x10240x128xf32, #tpu.memory_space<hbm>>
      %dma_start3A_76 = tpu.memref_squeeze %dma_start3A_75 : memref<1x10240x128xf32, #tpu.memory_space<hbm>> -> memref<10240x128xf32, #tpu.memory_space<hbm>>
      %dma_start3A_77 = arith.constant 0 : i32
      %dma_start3A_78 = arith.constant 0 : i32
      %dma_start3A_79 = tpu.memref_slice %dma_start3A_76[%dma_start3A_77, %dma_start3A_78] : memref<10240x128xf32, #tpu.memory_space<hbm>> -> memref<10240x128xf32, #tpu.memory_space<hbm>>
      tpu.enqueue_indirect_dma source(%dma_start3A_79 : memref<10240x128xf32, #tpu.memory_space<hbm>>) target(%arg9 : memref<125x128xf32, #tpu.memory_space<vmem>>) offsets(%dma_start3A_72 : memref<125xi32, #tpu.memory_space<vmem>>) semaphore(%arg12 : memref<!tpu.dma_semaphore, #tpu.memory_space<semaphore_mem>>)
      %dma_wait3A_80 = arith.constant 0 : i32
      %dma_wait3A_81 = tpu.memref_slice %arg6[%add3A_67, %dma_wait3A_80] : memref<80x125xi32, #tpu.memory_space<vmem>> -> memref<1x125xi32, #tpu.memory_space<vmem>>
      %dma_wait3A_82 = tpu.memref_squeeze %dma_wait3A_81 : memref<1x125xi32, #tpu.memory_space<vmem>> -> memref<125xi32, #tpu.memory_space<vmem>>
      %dma_wait3A_83 = arith.constant 0 : i32
      %dma_wait3A_84 = arith.constant 0 : i32
      %dma_wait3A_85 = tpu.memref_slice %arg2[%arg0, %dma_wait3A_83, %dma_wait3A_84] : memref<2x10240x128xf32, #tpu.memory_space<hbm>> -> memref<1x10240x128xf32, #tpu.memory_space<hbm>>
      %dma_wait3A_86 = tpu.memref_squeeze %dma_wait3A_85 : memref<1x10240x128xf32, #tpu.memory_space<hbm>> -> memref<10240x128xf32, #tpu.memory_space<hbm>>
      %dma_wait3A_87 = arith.constant 0 : i32
      %dma_wait3A_88 = arith.constant 0 : i32
      %dma_wait3A_89 = tpu.memref_slice %dma_wait3A_86[%dma_wait3A_87, %dma_wait3A_88] : memref<10240x128xf32, #tpu.memory_space<hbm>> -> memref<10240x128xf32, #tpu.memory_space<hbm>>
      tpu.wait_indirect_dma semaphore(%arg11 : memref<!tpu.dma_semaphore, #tpu.memory_space<semaphore_mem>>) src(%dma_wait3A_89 : memref<10240x128xf32, #tpu.memory_space<hbm>>) dst(%arg8 : memref<125x128xf32, #tpu.memory_space<vmem>>)
      %rem3A_90 = arith.constant 2 : i32
      %rem3A_91 = arith.remsi %scan3A_39, %rem3A_90 : i32
      %mul3A_92 = arith.constant 16 : i32
      %mul3A_93 = arith.muli %rem3A_91, %mul3A_92 : i32
      %add3A_94 = arith.constant 0 : i32
      %add3A_95 = arith.addi %mul3A_93, %add3A_94 : i32
      "tpu.region"() ({
        %run_scoped3A = tpu.sem_alloc : memref<!tpu.dma_semaphore, #tpu.memory_space<semaphore_mem>>
        %dma_start3A_541 = arith.constant 0 : i32
        %dma_start3A_542 = tpu.memref_slice %arg7[%add3A_95, %dma_start3A_541] : memref<32x125xi32, #tpu.memory_space<vmem>> -> memref<1x125xi32, #tpu.memory_space<vmem>>
        %dma_start3A_543 = tpu.memref_squeeze %dma_start3A_542 : memref<1x125xi32, #tpu.memory_space<vmem>> -> memref<125xi32, #tpu.memory_space<vmem>>
        %dma_start3A_544 = arith.constant 0 : i32
        %dma_start3A_545 = arith.constant 0 : i32
        %dma_start3A_546 = tpu.memref_slice %arg10[%dma_start3A_544, %dma_start3A_545] : memref<10240x128xf32, #tpu.memory_space<vmem_shared>> -> memref<10240x128xf32, #tpu.memory_space<vmem_shared>>
        tpu.enqueue_indirect_dma source(%arg8 : memref<125x128xf32, #tpu.memory_space<vmem>>) target(%dma_start3A_546 : memref<10240x128xf32, #tpu.memory_space<vmem_shared>>) offsets(%dma_start3A_543 : memref<125xi32, #tpu.memory_space<vmem>>) semaphore(%run_scoped3A : memref<!tpu.dma_semaphore, #tpu.memory_space<semaphore_mem>>) {add = true}
        %dma_wait3A_547 = arith.constant 0 : i32
        %dma_wait3A_548 = tpu.memref_slice %arg7[%add3A_95, %dma_wait3A_547] : memref<32x125xi32, #tpu.memory_space<vmem>> -> memref<1x125xi32, #tpu.memory_space<vmem>>
        %dma_wait3A_549 = tpu.memref_squeeze %dma_wait3A_548 : memref<1x125xi32, #tpu.memory_space<vmem>> -> memref<125xi32, #tpu.memory_space<vmem>>
        %dma_wait3A_550 = arith.constant 0 : i32
        %dma_wait3A_551 = arith.constant 0 : i32
        %dma_wait3A_552 = tpu.memref_slice %arg10[%dma_wait3A_550, %dma_wait3A_551] : memref<10240x128xf32, #tpu.memory_space<vmem_shared>> -> memref<10240x128xf32, #tpu.memory_space<vmem_shared>>
        tpu.wait_indirect_dma semaphore(%run_scoped3A : memref<!tpu.dma_semaphore, #tpu.memory_space<semaphore_mem>>) src(%arg8 : memref<125x128xf32, #tpu.memory_space<vmem>>) dst(%dma_wait3A_552 : memref<10240x128xf32, #tpu.memory_space<vmem_shared>>)
        tpu.yield
      }) : () -> ()
      %add3A_96 = arith.constant 1 : i32
      %add3A_97 = arith.addi %mul3A_41, %add3A_96 : i32
      %add3A_98 = arith.constant 1 : i32
      %add3A_99 = arith.addi %add3A_97, %add3A_98 : i32
      %dma_start3A_100 = arith.constant 0 : i32
      %dma_start3A_101 = tpu.memref_slice %arg6[%add3A_99, %dma_start3A_100] : memref<80x125xi32, #tpu.memory_space<vmem>> -> memref<1x125xi32, #tpu.memory_space<vmem>>
      %dma_start3A_102 = tpu.memref_squeeze %dma_start3A_101 : memref<1x125xi32, #tpu.memory_space<vmem>> -> memref<125xi32, #tpu.memory_space<vmem>>
      %dma_start3A_103 = arith.constant 0 : i32
      %dma_start3A_104 = arith.constant 0 : i32
      %dma_start3A_105 = tpu.memref_slice %arg2[%arg0, %dma_start3A_103, %dma_start3A_104] : memref<2x10240x128xf32, #tpu.memory_space<hbm>> -> memref<1x10240x128xf32, #tpu.memory_space<hbm>>
      %dma_start3A_106 = tpu.memref_squeeze %dma_start3A_105 : memref<1x10240x128xf32, #tpu.memory_space<hbm>> -> memref<10240x128xf32, #tpu.memory_space<hbm>>
      %dma_start3A_107 = arith.constant 0 : i32
      %dma_start3A_108 = arith.constant 0 : i32
      %dma_start3A_109 = tpu.memref_slice %dma_start3A_106[%dma_start3A_107, %dma_start3A_108] : memref<10240x128xf32, #tpu.memory_space<hbm>> -> memref<10240x128xf32, #tpu.memory_space<hbm>>
      tpu.enqueue_indirect_dma source(%dma_start3A_109 : memref<10240x128xf32, #tpu.memory_space<hbm>>) target(%arg8 : memref<125x128xf32, #tpu.memory_space<vmem>>) offsets(%dma_start3A_102 : memref<125xi32, #tpu.memory_space<vmem>>) semaphore(%arg11 : memref<!tpu.dma_semaphore, #tpu.memory_space<semaphore_mem>>)
      %dma_wait3A_110 = arith.constant 0 : i32
      %dma_wait3A_111 = tpu.memref_slice %arg6[%add3A_97, %dma_wait3A_110] : memref<80x125xi32, #tpu.memory_space<vmem>> -> memref<1x125xi32, #tpu.memory_space<vmem>>
      %dma_wait3A_112 = tpu.memref_squeeze %dma_wait3A_111 : memref<1x125xi32, #tpu.memory_space<vmem>> -> memref<125xi32, #tpu.memory_space<vmem>>
      %dma_wait3A_113 = arith.constant 0 : i32
      %dma_wait3A_114 = arith.constant 0 : i32
      %dma_wait3A_115 = tpu.memref_slice %arg2[%arg0, %dma_wait3A_113, %dma_wait3A_114] : memref<2x10240x128xf32, #tpu.memory_space<hbm>> -> memref<1x10240x128xf32, #tpu.memory_space<hbm>>
      %dma_wait3A_116 = tpu.memref_squeeze %dma_wait3A_115 : memref<1x10240x128xf32, #tpu.memory_space<hbm>> -> memref<10240x128xf32, #tpu.memory_space<hbm>>
      %dma_wait3A_117 = arith.constant 0 : i32
      %dma_wait3A_118 = arith.constant 0 : i32
      %dma_wait3A_119 = tpu.memref_slice %dma_wait3A_116[%dma_wait3A_117, %dma_wait3A_118] : memref<10240x128xf32, #tpu.memory_space<hbm>> -> memref<10240x128xf32, #tpu.memory_space<hbm>>
      tpu.wait_indirect_dma semaphore(%arg12 : memref<!tpu.dma_semaphore, #tpu.memory_space<semaphore_mem>>) src(%dma_wait3A_119 : memref<10240x128xf32, #tpu.memory_space<hbm>>) dst(%arg9 : memref<125x128xf32, #tpu.memory_space<vmem>>)
      %rem3A_120 = arith.constant 2 : i32
      %rem3A_121 = arith.remsi %scan3A_39, %rem3A_120 : i32
      %mul3A_122 = arith.constant 16 : i32
      %mul3A_123 = arith.muli %rem3A_121, %mul3A_122 : i32
      %add3A_124 = arith.constant 1 : i32
      %add3A_125 = arith.addi %mul3A_123, %add3A_124 : i32
      "tpu.region"() ({
        %run_scoped3A = tpu.sem_alloc : memref<!tpu.dma_semaphore, #tpu.memory_space<semaphore_mem>>
        %dma_start3A_541 = arith.constant 0 : i32
        %dma_start3A_542 = tpu.memref_slice %arg7[%add3A_125, %dma_start3A_541] : memref<32x125xi32, #tpu.memory_space<vmem>> -> memref<1x125xi32, #tpu.memory_space<vmem>>
        %dma_start3A_543 = tpu.memref_squeeze %dma_start3A_542 : memref<1x125xi32, #tpu.memory_space<vmem>> -> memref<125xi32, #tpu.memory_space<vmem>>
        %dma_start3A_544 = arith.constant 0 : i32
        %dma_start3A_545 = arith.constant 0 : i32
        %dma_start3A_546 = tpu.memref_slice %arg10[%dma_start3A_544, %dma_start3A_545] : memref<10240x128xf32, #tpu.memory_space<vmem_shared>> -> memref<10240x128xf32, #tpu.memory_space<vmem_shared>>
        tpu.enqueue_indirect_dma source(%arg9 : memref<125x128xf32, #tpu.memory_space<vmem>>) target(%dma_start3A_546 : memref<10240x128xf32, #tpu.memory_space<vmem_shared>>) offsets(%dma_start3A_543 : memref<125xi32, #tpu.memory_space<vmem>>) semaphore(%run_scoped3A : memref<!tpu.dma_semaphore, #tpu.memory_space<semaphore_mem>>) {add = true}
        %dma_wait3A_547 = arith.constant 0 : i32
        %dma_wait3A_548 = tpu.memref_slice %arg7[%add3A_125, %dma_wait3A_547] : memref<32x125xi32, #tpu.memory_space<vmem>> -> memref<1x125xi32, #tpu.memory_space<vmem>>
        %dma_wait3A_549 = tpu.memref_squeeze %dma_wait3A_548 : memref<1x125xi32, #tpu.memory_space<vmem>> -> memref<125xi32, #tpu.memory_space<vmem>>
        %dma_wait3A_550 = arith.constant 0 : i32
        %dma_wait3A_551 = arith.constant 0 : i32
        %dma_wait3A_552 = tpu.memref_slice %arg10[%dma_wait3A_550, %dma_wait3A_551] : memref<10240x128xf32, #tpu.memory_space<vmem_shared>> -> memref<10240x128xf32, #tpu.memory_space<vmem_shared>>
        tpu.wait_indirect_dma semaphore(%run_scoped3A : memref<!tpu.dma_semaphore, #tpu.memory_space<semaphore_mem>>) src(%arg9 : memref<125x128xf32, #tpu.memory_space<vmem>>) dst(%dma_wait3A_552 : memref<10240x128xf32, #tpu.memory_space<vmem_shared>>)
        tpu.yield
      }) : () -> ()
      %add3A_126 = arith.constant 2 : i32
      %add3A_127 = arith.addi %mul3A_41, %add3A_126 : i32
      %add3A_128 = arith.constant 1 : i32
      %add3A_129 = arith.addi %add3A_127, %add3A_128 : i32
      %dma_start3A_130 = arith.constant 0 : i32
      %dma_start3A_131 = tpu.memref_slice %arg6[%add3A_129, %dma_start3A_130] : memref<80x125xi32, #tpu.memory_space<vmem>> -> memref<1x125xi32, #tpu.memory_space<vmem>>
      %dma_start3A_132 = tpu.memref_squeeze %dma_start3A_131 : memref<1x125xi32, #tpu.memory_space<vmem>> -> memref<125xi32, #tpu.memory_space<vmem>>
      %dma_start3A_133 = arith.constant 0 : i32
      %dma_start3A_134 = arith.constant 0 : i32
      %dma_start3A_135 = tpu.memref_slice %arg2[%arg0, %dma_start3A_133, %dma_start3A_134] : memref<2x10240x128xf32, #tpu.memory_space<hbm>> -> memref<1x10240x128xf32, #tpu.memory_space<hbm>>
      %dma_start3A_136 = tpu.memref_squeeze %dma_start3A_135 : memref<1x10240x128xf32, #tpu.memory_space<hbm>> -> memref<10240x128xf32, #tpu.memory_space<hbm>>
      %dma_start3A_137 = arith.constant 0 : i32
      %dma_start3A_138 = arith.constant 0 : i32
      %dma_start3A_139 = tpu.memref_slice %dma_start3A_136[%dma_start3A_137, %dma_start3A_138] : memref<10240x128xf32, #tpu.memory_space<hbm>> -> memref<10240x128xf32, #tpu.memory_space<hbm>>
      tpu.enqueue_indirect_dma source(%dma_start3A_139 : memref<10240x128xf32, #tpu.memory_space<hbm>>) target(%arg9 : memref<125x128xf32, #tpu.memory_space<vmem>>) offsets(%dma_start3A_132 : memref<125xi32, #tpu.memory_space<vmem>>) semaphore(%arg12 : memref<!tpu.dma_semaphore, #tpu.memory_space<semaphore_mem>>)
      %dma_wait3A_140 = arith.constant 0 : i32
      %dma_wait3A_141 = tpu.memref_slice %arg6[%add3A_127, %dma_wait3A_140] : memref<80x125xi32, #tpu.memory_space<vmem>> -> memref<1x125xi32, #tpu.memory_space<vmem>>
      %dma_wait3A_142 = tpu.memref_squeeze %dma_wait3A_141 : memref<1x125xi32, #tpu.memory_space<vmem>> -> memref<125xi32, #tpu.memory_space<vmem>>
      %dma_wait3A_143 = arith.constant 0 : i32
      %dma_wait3A_144 = arith.constant 0 : i32
      %dma_wait3A_145 = tpu.memref_slice %arg2[%arg0, %dma_wait3A_143, %dma_wait3A_144] : memref<2x10240x128xf32, #tpu.memory_space<hbm>> -> memref<1x10240x128xf32, #tpu.memory_space<hbm>>
      %dma_wait3A_146 = tpu.memref_squeeze %dma_wait3A_145 : memref<1x10240x128xf32, #tpu.memory_space<hbm>> -> memref<10240x128xf32, #tpu.memory_space<hbm>>
      %dma_wait3A_147 = arith.constant 0 : i32
      %dma_wait3A_148 = arith.constant 0 : i32
      %dma_wait3A_149 = tpu.memref_slice %dma_wait3A_146[%dma_wait3A_147, %dma_wait3A_148] : memref<10240x128xf32, #tpu.memory_space<hbm>> -> memref<10240x128xf32, #tpu.memory_space<hbm>>
      tpu.wait_indirect_dma semaphore(%arg11 : memref<!tpu.dma_semaphore, #tpu.memory_space<semaphore_mem>>) src(%dma_wait3A_149 : memref<10240x128xf32, #tpu.memory_space<hbm>>) dst(%arg8 : memref<125x128xf32, #tpu.memory_space<vmem>>)
      %rem3A_150 = arith.constant 2 : i32
      %rem3A_151 = arith.remsi %scan3A_39, %rem3A_150 : i32
      %mul3A_152 = arith.constant 16 : i32
      %mul3A_153 = arith.muli %rem3A_151, %mul3A_152 : i32
      %add3A_154 = arith.constant 2 : i32
      %add3A_155 = arith.addi %mul3A_153, %add3A_154 : i32
      "tpu.region"() ({
        %run_scoped3A = tpu.sem_alloc : memref<!tpu.dma_semaphore, #tpu.memory_space<semaphore_mem>>
        %dma_start3A_541 = arith.constant 0 : i32
        %dma_start3A_542 = tpu.memref_slice %arg7[%add3A_155, %dma_start3A_541] : memref<32x125xi32, #tpu.memory_space<vmem>> -> memref<1x125xi32, #tpu.memory_space<vmem>>
        %dma_start3A_543 = tpu.memref_squeeze %dma_start3A_542 : memref<1x125xi32, #tpu.memory_space<vmem>> -> memref<125xi32, #tpu.memory_space<vmem>>
        %dma_start3A_544 = arith.constant 0 : i32
        %dma_start3A_545 = arith.constant 0 : i32
        %dma_start3A_546 = tpu.memref_slice %arg10[%dma_start3A_544, %dma_start3A_545] : memref<10240x128xf32, #tpu.memory_space<vmem_shared>> -> memref<10240x128xf32, #tpu.memory_space<vmem_shared>>
        tpu.enqueue_indirect_dma source(%arg8 : memref<125x128xf32, #tpu.memory_space<vmem>>) target(%dma_start3A_546 : memref<10240x128xf32, #tpu.memory_space<vmem_shared>>) offsets(%dma_start3A_543 : memref<125xi32, #tpu.memory_space<vmem>>) semaphore(%run_scoped3A : memref<!tpu.dma_semaphore, #tpu.memory_space<semaphore_mem>>) {add = true}
        %dma_wait3A_547 = arith.constant 0 : i32
        %dma_wait3A_548 = tpu.memref_slice %arg7[%add3A_155, %dma_wait3A_547] : memref<32x125xi32, #tpu.memory_space<vmem>> -> memref<1x125xi32, #tpu.memory_space<vmem>>
        %dma_wait3A_549 = tpu.memref_squeeze %dma_wait3A_548 : memref<1x125xi32, #tpu.memory_space<vmem>> -> memref<125xi32, #tpu.memory_space<vmem>>
        %dma_wait3A_550 = arith.constant 0 : i32
        %dma_wait3A_551 = arith.constant 0 : i32
        %dma_wait3A_552 = tpu.memref_slice %arg10[%dma_wait3A_550, %dma_wait3A_551] : memref<10240x128xf32, #tpu.memory_space<vmem_shared>> -> memref<10240x128xf32, #tpu.memory_space<vmem_shared>>
        tpu.wait_indirect_dma semaphore(%run_scoped3A : memref<!tpu.dma_semaphore, #tpu.memory_space<semaphore_mem>>) src(%arg8 : memref<125x128xf32, #tpu.memory_space<vmem>>) dst(%dma_wait3A_552 : memref<10240x128xf32, #tpu.memory_space<vmem_shared>>)
        tpu.yield
      }) : () -> ()
      %add3A_156 = arith.constant 3 : i32
      %add3A_157 = arith.addi %mul3A_41, %add3A_156 : i32
      %add3A_158 = arith.constant 1 : i32
      %add3A_159 = arith.addi %add3A_157, %add3A_158 : i32
      %dma_start3A_160 = arith.constant 0 : i32
      %dma_start3A_161 = tpu.memref_slice %arg6[%add3A_159, %dma_start3A_160] : memref<80x125xi32, #tpu.memory_space<vmem>> -> memref<1x125xi32, #tpu.memory_space<vmem>>
      %dma_start3A_162 = tpu.memref_squeeze %dma_start3A_161 : memref<1x125xi32, #tpu.memory_space<vmem>> -> memref<125xi32, #tpu.memory_space<vmem>>
      %dma_start3A_163 = arith.constant 0 : i32
      %dma_start3A_164 = arith.constant 0 : i32
      %dma_start3A_165 = tpu.memref_slice %arg2[%arg0, %dma_start3A_163, %dma_start3A_164] : memref<2x10240x128xf32, #tpu.memory_space<hbm>> -> memref<1x10240x128xf32, #tpu.memory_space<hbm>>
      %dma_start3A_166 = tpu.memref_squeeze %dma_start3A_165 : memref<1x10240x128xf32, #tpu.memory_space<hbm>> -> memref<10240x128xf32, #tpu.memory_space<hbm>>
      %dma_start3A_167 = arith.constant 0 : i32
      %dma_start3A_168 = arith.constant 0 : i32
      %dma_start3A_169 = tpu.memref_slice %dma_start3A_166[%dma_start3A_167, %dma_start3A_168] : memref<10240x128xf32, #tpu.memory_space<hbm>> -> memref<10240x128xf32, #tpu.memory_space<hbm>>
      tpu.enqueue_indirect_dma source(%dma_start3A_169 : memref<10240x128xf32, #tpu.memory_space<hbm>>) target(%arg8 : memref<125x128xf32, #tpu.memory_space<vmem>>) offsets(%dma_start3A_162 : memref<125xi32, #tpu.memory_space<vmem>>) semaphore(%arg11 : memref<!tpu.dma_semaphore, #tpu.memory_space<semaphore_mem>>)
      %dma_wait3A_170 = arith.constant 0 : i32
      %dma_wait3A_171 = tpu.memref_slice %arg6[%add3A_157, %dma_wait3A_170] : memref<80x125xi32, #tpu.memory_space<vmem>> -> memref<1x125xi32, #tpu.memory_space<vmem>>
      %dma_wait3A_172 = tpu.memref_squeeze %dma_wait3A_171 : memref<1x125xi32, #tpu.memory_space<vmem>> -> memref<125xi32, #tpu.memory_space<vmem>>
      %dma_wait3A_173 = arith.constant 0 : i32
      %dma_wait3A_174 = arith.constant 0 : i32
      %dma_wait3A_175 = tpu.memref_slice %arg2[%arg0, %dma_wait3A_173, %dma_wait3A_174] : memref<2x10240x128xf32, #tpu.memory_space<hbm>> -> memref<1x10240x128xf32, #tpu.memory_space<hbm>>
      %dma_wait3A_176 = tpu.memref_squeeze %dma_wait3A_175 : memref<1x10240x128xf32, #tpu.memory_space<hbm>> -> memref<10240x128xf32, #tpu.memory_space<hbm>>
      %dma_wait3A_177 = arith.constant 0 : i32
      %dma_wait3A_178 = arith.constant 0 : i32
      %dma_wait3A_179 = tpu.memref_slice %dma_wait3A_176[%dma_wait3A_177, %dma_wait3A_178] : memref<10240x128xf32, #tpu.memory_space<hbm>> -> memref<10240x128xf32, #tpu.memory_space<hbm>>
      tpu.wait_indirect_dma semaphore(%arg12 : memref<!tpu.dma_semaphore, #tpu.memory_space<semaphore_mem>>) src(%dma_wait3A_179 : memref<10240x128xf32, #tpu.memory_space<hbm>>) dst(%arg9 : memref<125x128xf32, #tpu.memory_space<vmem>>)
      %rem3A_180 = arith.constant 2 : i32
      %rem3A_181 = arith.remsi %scan3A_39, %rem3A_180 : i32
      %mul3A_182 = arith.constant 16 : i32
      %mul3A_183 = arith.muli %rem3A_181, %mul3A_182 : i32
      %add3A_184 = arith.constant 3 : i32
      %add3A_185 = arith.addi %mul3A_183, %add3A_184 : i32
      "tpu.region"() ({
        %run_scoped3A = tpu.sem_alloc : memref<!tpu.dma_semaphore, #tpu.memory_space<semaphore_mem>>
        %dma_start3A_541 = arith.constant 0 : i32
        %dma_start3A_542 = tpu.memref_slice %arg7[%add3A_185, %dma_start3A_541] : memref<32x125xi32, #tpu.memory_space<vmem>> -> memref<1x125xi32, #tpu.memory_space<vmem>>
        %dma_start3A_543 = tpu.memref_squeeze %dma_start3A_542 : memref<1x125xi32, #tpu.memory_space<vmem>> -> memref<125xi32, #tpu.memory_space<vmem>>
        %dma_start3A_544 = arith.constant 0 : i32
        %dma_start3A_545 = arith.constant 0 : i32
        %dma_start3A_546 = tpu.memref_slice %arg10[%dma_start3A_544, %dma_start3A_545] : memref<10240x128xf32, #tpu.memory_space<vmem_shared>> -> memref<10240x128xf32, #tpu.memory_space<vmem_shared>>
        tpu.enqueue_indirect_dma source(%arg9 : memref<125x128xf32, #tpu.memory_space<vmem>>) target(%dma_start3A_546 : memref<10240x128xf32, #tpu.memory_space<vmem_shared>>) offsets(%dma_start3A_543 : memref<125xi32, #tpu.memory_space<vmem>>) semaphore(%run_scoped3A : memref<!tpu.dma_semaphore, #tpu.memory_space<semaphore_mem>>) {add = true}
        %dma_wait3A_547 = arith.constant 0 : i32
        %dma_wait3A_548 = tpu.memref_slice %arg7[%add3A_185, %dma_wait3A_547] : memref<32x125xi32, #tpu.memory_space<vmem>> -> memref<1x125xi32, #tpu.memory_space<vmem>>
        %dma_wait3A_549 = tpu.memref_squeeze %dma_wait3A_548 : memref<1x125xi32, #tpu.memory_space<vmem>> -> memref<125xi32, #tpu.memory_space<vmem>>
        %dma_wait3A_550 = arith.constant 0 : i32
        %dma_wait3A_551 = arith.constant 0 : i32
        %dma_wait3A_552 = tpu.memref_slice %arg10[%dma_wait3A_550, %dma_wait3A_551] : memref<10240x128xf32, #tpu.memory_space<vmem_shared>> -> memref<10240x128xf32, #tpu.memory_space<vmem_shared>>
        tpu.wait_indirect_dma semaphore(%run_scoped3A : memref<!tpu.dma_semaphore, #tpu.memory_space<semaphore_mem>>) src(%arg9 : memref<125x128xf32, #tpu.memory_space<vmem>>) dst(%dma_wait3A_552 : memref<10240x128xf32, #tpu.memory_space<vmem_shared>>)
        tpu.yield
      }) : () -> ()
      %add3A_186 = arith.constant 4 : i32
      %add3A_187 = arith.addi %mul3A_41, %add3A_186 : i32
      %add3A_188 = arith.constant 1 : i32
      %add3A_189 = arith.addi %add3A_187, %add3A_188 : i32
      %dma_start3A_190 = arith.constant 0 : i32
      %dma_start3A_191 = tpu.memref_slice %arg6[%add3A_189, %dma_start3A_190] : memref<80x125xi32, #tpu.memory_space<vmem>> -> memref<1x125xi32, #tpu.memory_space<vmem>>
      %dma_start3A_192 = tpu.memref_squeeze %dma_start3A_191 : memref<1x125xi32, #tpu.memory_space<vmem>> -> memref<125xi32, #tpu.memory_space<vmem>>
      %dma_start3A_193 = arith.constant 0 : i32
      %dma_start3A_194 = arith.constant 0 : i32
      %dma_start3A_195 = tpu.memref_slice %arg2[%arg0, %dma_start3A_193, %dma_start3A_194] : memref<2x10240x128xf32, #tpu.memory_space<hbm>> -> memref<1x10240x128xf32, #tpu.memory_space<hbm>>
      %dma_start3A_196 = tpu.memref_squeeze %dma_start3A_195 : memref<1x10240x128xf32, #tpu.memory_space<hbm>> -> memref<10240x128xf32, #tpu.memory_space<hbm>>
      %dma_start3A_197 = arith.constant 0 : i32
      %dma_start3A_198 = arith.constant 0 : i32
      %dma_start3A_199 = tpu.memref_slice %dma_start3A_196[%dma_start3A_197, %dma_start3A_198] : memref<10240x128xf32, #tpu.memory_space<hbm>> -> memref<10240x128xf32, #tpu.memory_space<hbm>>
      tpu.enqueue_indirect_dma source(%dma_start3A_199 : memref<10240x128xf32, #tpu.memory_space<hbm>>) target(%arg9 : memref<125x128xf32, #tpu.memory_space<vmem>>) offsets(%dma_start3A_192 : memref<125xi32, #tpu.memory_space<vmem>>) semaphore(%arg12 : memref<!tpu.dma_semaphore, #tpu.memory_space<semaphore_mem>>)
      %dma_wait3A_200 = arith.constant 0 : i32
      %dma_wait3A_201 = tpu.memref_slice %arg6[%add3A_187, %dma_wait3A_200] : memref<80x125xi32, #tpu.memory_space<vmem>> -> memref<1x125xi32, #tpu.memory_space<vmem>>
      %dma_wait3A_202 = tpu.memref_squeeze %dma_wait3A_201 : memref<1x125xi32, #tpu.memory_space<vmem>> -> memref<125xi32, #tpu.memory_space<vmem>>
      %dma_wait3A_203 = arith.constant 0 : i32
      %dma_wait3A_204 = arith.constant 0 : i32
      %dma_wait3A_205 = tpu.memref_slice %arg2[%arg0, %dma_wait3A_203, %dma_wait3A_204] : memref<2x10240x128xf32, #tpu.memory_space<hbm>> -> memref<1x10240x128xf32, #tpu.memory_space<hbm>>
      %dma_wait3A_206 = tpu.memref_squeeze %dma_wait3A_205 : memref<1x10240x128xf32, #tpu.memory_space<hbm>> -> memref<10240x128xf32, #tpu.memory_space<hbm>>
      %dma_wait3A_207 = arith.constant 0 : i32
      %dma_wait3A_208 = arith.constant 0 : i32
      %dma_wait3A_209 = tpu.memref_slice %dma_wait3A_206[%dma_wait3A_207, %dma_wait3A_208] : memref<10240x128xf32, #tpu.memory_space<hbm>> -> memref<10240x128xf32, #tpu.memory_space<hbm>>
      tpu.wait_indirect_dma semaphore(%arg11 : memref<!tpu.dma_semaphore, #tpu.memory_space<semaphore_mem>>) src(%dma_wait3A_209 : memref<10240x128xf32, #tpu.memory_space<hbm>>) dst(%arg8 : memref<125x128xf32, #tpu.memory_space<vmem>>)
      %rem3A_210 = arith.constant 2 : i32
      %rem3A_211 = arith.remsi %scan3A_39, %rem3A_210 : i32
      %mul3A_212 = arith.constant 16 : i32
      %mul3A_213 = arith.muli %rem3A_211, %mul3A_212 : i32
      %add3A_214 = arith.constant 4 : i32
      %add3A_215 = arith.addi %mul3A_213, %add3A_214 : i32
      "tpu.region"() ({
        %run_scoped3A = tpu.sem_alloc : memref<!tpu.dma_semaphore, #tpu.memory_space<semaphore_mem>>
        %dma_start3A_541 = arith.constant 0 : i32
        %dma_start3A_542 = tpu.memref_slice %arg7[%add3A_215, %dma_start3A_541] : memref<32x125xi32, #tpu.memory_space<vmem>> -> memref<1x125xi32, #tpu.memory_space<vmem>>
        %dma_start3A_543 = tpu.memref_squeeze %dma_start3A_542 : memref<1x125xi32, #tpu.memory_space<vmem>> -> memref<125xi32, #tpu.memory_space<vmem>>
        %dma_start3A_544 = arith.constant 0 : i32
        %dma_start3A_545 = arith.constant 0 : i32
        %dma_start3A_546 = tpu.memref_slice %arg10[%dma_start3A_544, %dma_start3A_545] : memref<10240x128xf32, #tpu.memory_space<vmem_shared>> -> memref<10240x128xf32, #tpu.memory_space<vmem_shared>>
        tpu.enqueue_indirect_dma source(%arg8 : memref<125x128xf32, #tpu.memory_space<vmem>>) target(%dma_start3A_546 : memref<10240x128xf32, #tpu.memory_space<vmem_shared>>) offsets(%dma_start3A_543 : memref<125xi32, #tpu.memory_space<vmem>>) semaphore(%run_scoped3A : memref<!tpu.dma_semaphore, #tpu.memory_space<semaphore_mem>>) {add = true}
        %dma_wait3A_547 = arith.constant 0 : i32
        %dma_wait3A_548 = tpu.memref_slice %arg7[%add3A_215, %dma_wait3A_547] : memref<32x125xi32, #tpu.memory_space<vmem>> -> memref<1x125xi32, #tpu.memory_space<vmem>>
        %dma_wait3A_549 = tpu.memref_squeeze %dma_wait3A_548 : memref<1x125xi32, #tpu.memory_space<vmem>> -> memref<125xi32, #tpu.memory_space<vmem>>
        %dma_wait3A_550 = arith.constant 0 : i32
        %dma_wait3A_551 = arith.constant 0 : i32
        %dma_wait3A_552 = tpu.memref_slice %arg10[%dma_wait3A_550, %dma_wait3A_551] : memref<10240x128xf32, #tpu.memory_space<vmem_shared>> -> memref<10240x128xf32, #tpu.memory_space<vmem_shared>>
        tpu.wait_indirect_dma semaphore(%run_scoped3A : memref<!tpu.dma_semaphore, #tpu.memory_space<semaphore_mem>>) src(%arg8 : memref<125x128xf32, #tpu.memory_space<vmem>>) dst(%dma_wait3A_552 : memref<10240x128xf32, #tpu.memory_space<vmem_shared>>)
        tpu.yield
      }) : () -> ()
      %add3A_216 = arith.constant 5 : i32
      %add3A_217 = arith.addi %mul3A_41, %add3A_216 : i32
      %add3A_218 = arith.constant 1 : i32
      %add3A_219 = arith.addi %add3A_217, %add3A_218 : i32
      %dma_start3A_220 = arith.constant 0 : i32
      %dma_start3A_221 = tpu.memref_slice %arg6[%add3A_219, %dma_start3A_220] : memref<80x125xi32, #tpu.memory_space<vmem>> -> memref<1x125xi32, #tpu.memory_space<vmem>>
      %dma_start3A_222 = tpu.memref_squeeze %dma_start3A_221 : memref<1x125xi32, #tpu.memory_space<vmem>> -> memref<125xi32, #tpu.memory_space<vmem>>
      %dma_start3A_223 = arith.constant 0 : i32
      %dma_start3A_224 = arith.constant 0 : i32
      %dma_start3A_225 = tpu.memref_slice %arg2[%arg0, %dma_start3A_223, %dma_start3A_224] : memref<2x10240x128xf32, #tpu.memory_space<hbm>> -> memref<1x10240x128xf32, #tpu.memory_space<hbm>>
      %dma_start3A_226 = tpu.memref_squeeze %dma_start3A_225 : memref<1x10240x128xf32, #tpu.memory_space<hbm>> -> memref<10240x128xf32, #tpu.memory_space<hbm>>
      %dma_start3A_227 = arith.constant 0 : i32
      %dma_start3A_228 = arith.constant 0 : i32
      %dma_start3A_229 = tpu.memref_slice %dma_start3A_226[%dma_start3A_227, %dma_start3A_228] : memref<10240x128xf32, #tpu.memory_space<hbm>> -> memref<10240x128xf32, #tpu.memory_space<hbm>>
      tpu.enqueue_indirect_dma source(%dma_start3A_229 : memref<10240x128xf32, #tpu.memory_space<hbm>>) target(%arg8 : memref<125x128xf32, #tpu.memory_space<vmem>>) offsets(%dma_start3A_222 : memref<125xi32, #tpu.memory_space<vmem>>) semaphore(%arg11 : memref<!tpu.dma_semaphore, #tpu.memory_space<semaphore_mem>>)
      %dma_wait3A_230 = arith.constant 0 : i32
      %dma_wait3A_231 = tpu.memref_slice %arg6[%add3A_217, %dma_wait3A_230] : memref<80x125xi32, #tpu.memory_space<vmem>> -> memref<1x125xi32, #tpu.memory_space<vmem>>
      %dma_wait3A_232 = tpu.memref_squeeze %dma_wait3A_231 : memref<1x125xi32, #tpu.memory_space<vmem>> -> memref<125xi32, #tpu.memory_space<vmem>>
      %dma_wait3A_233 = arith.constant 0 : i32
      %dma_wait3A_234 = arith.constant 0 : i32
      %dma_wait3A_235 = tpu.memref_slice %arg2[%arg0, %dma_wait3A_233, %dma_wait3A_234] : memref<2x10240x128xf32, #tpu.memory_space<hbm>> -> memref<1x10240x128xf32, #tpu.memory_space<hbm>>
      %dma_wait3A_236 = tpu.memref_squeeze %dma_wait3A_235 : memref<1x10240x128xf32, #tpu.memory_space<hbm>> -> memref<10240x128xf32, #tpu.memory_space<hbm>>
      %dma_wait3A_237 = arith.constant 0 : i32
      %dma_wait3A_238 = arith.constant 0 : i32
      %dma_wait3A_239 = tpu.memref_slice %dma_wait3A_236[%dma_wait3A_237, %dma_wait3A_238] : memref<10240x128xf32, #tpu.memory_space<hbm>> -> memref<10240x128xf32, #tpu.memory_space<hbm>>
      tpu.wait_indirect_dma semaphore(%arg12 : memref<!tpu.dma_semaphore, #tpu.memory_space<semaphore_mem>>) src(%dma_wait3A_239 : memref<10240x128xf32, #tpu.memory_space<hbm>>) dst(%arg9 : memref<125x128xf32, #tpu.memory_space<vmem>>)
      %rem3A_240 = arith.constant 2 : i32
      %rem3A_241 = arith.remsi %scan3A_39, %rem3A_240 : i32
      %mul3A_242 = arith.constant 16 : i32
      %mul3A_243 = arith.muli %rem3A_241, %mul3A_242 : i32
      %add3A_244 = arith.constant 5 : i32
      %add3A_245 = arith.addi %mul3A_243, %add3A_244 : i32
      "tpu.region"() ({
        %run_scoped3A = tpu.sem_alloc : memref<!tpu.dma_semaphore, #tpu.memory_space<semaphore_mem>>
        %dma_start3A_541 = arith.constant 0 : i32
        %dma_start3A_542 = tpu.memref_slice %arg7[%add3A_245, %dma_start3A_541] : memref<32x125xi32, #tpu.memory_space<vmem>> -> memref<1x125xi32, #tpu.memory_space<vmem>>
        %dma_start3A_543 = tpu.memref_squeeze %dma_start3A_542 : memref<1x125xi32, #tpu.memory_space<vmem>> -> memref<125xi32, #tpu.memory_space<vmem>>
        %dma_start3A_544 = arith.constant 0 : i32
        %dma_start3A_545 = arith.constant 0 : i32
        %dma_start3A_546 = tpu.memref_slice %arg10[%dma_start3A_544, %dma_start3A_545] : memref<10240x128xf32, #tpu.memory_space<vmem_shared>> -> memref<10240x128xf32, #tpu.memory_space<vmem_shared>>
        tpu.enqueue_indirect_dma source(%arg9 : memref<125x128xf32, #tpu.memory_space<vmem>>) target(%dma_start3A_546 : memref<10240x128xf32, #tpu.memory_space<vmem_shared>>) offsets(%dma_start3A_543 : memref<125xi32, #tpu.memory_space<vmem>>) semaphore(%run_scoped3A : memref<!tpu.dma_semaphore, #tpu.memory_space<semaphore_mem>>) {add = true}
        %dma_wait3A_547 = arith.constant 0 : i32
        %dma_wait3A_548 = tpu.memref_slice %arg7[%add3A_245, %dma_wait3A_547] : memref<32x125xi32, #tpu.memory_space<vmem>> -> memref<1x125xi32, #tpu.memory_space<vmem>>
        %dma_wait3A_549 = tpu.memref_squeeze %dma_wait3A_548 : memref<1x125xi32, #tpu.memory_space<vmem>> -> memref<125xi32, #tpu.memory_space<vmem>>
        %dma_wait3A_550 = arith.constant 0 : i32
        %dma_wait3A_551 = arith.constant 0 : i32
        %dma_wait3A_552 = tpu.memref_slice %arg10[%dma_wait3A_550, %dma_wait3A_551] : memref<10240x128xf32, #tpu.memory_space<vmem_shared>> -> memref<10240x128xf32, #tpu.memory_space<vmem_shared>>
        tpu.wait_indirect_dma semaphore(%run_scoped3A : memref<!tpu.dma_semaphore, #tpu.memory_space<semaphore_mem>>) src(%arg9 : memref<125x128xf32, #tpu.memory_space<vmem>>) dst(%dma_wait3A_552 : memref<10240x128xf32, #tpu.memory_space<vmem_shared>>)
        tpu.yield
      }) : () -> ()
      %add3A_246 = arith.constant 6 : i32
      %add3A_247 = arith.addi %mul3A_41, %add3A_246 : i32
      %add3A_248 = arith.constant 1 : i32
      %add3A_249 = arith.addi %add3A_247, %add3A_248 : i32
      %dma_start3A_250 = arith.constant 0 : i32
      %dma_start3A_251 = tpu.memref_slice %arg6[%add3A_249, %dma_start3A_250] : memref<80x125xi32, #tpu.memory_space<vmem>> -> memref<1x125xi32, #tpu.memory_space<vmem>>
      %dma_start3A_252 = tpu.memref_squeeze %dma_start3A_251 : memref<1x125xi32, #tpu.memory_space<vmem>> -> memref<125xi32, #tpu.memory_space<vmem>>
      %dma_start3A_253 = arith.constant 0 : i32
      %dma_start3A_254 = arith.constant 0 : i32
      %dma_start3A_255 = tpu.memref_slice %arg2[%arg0, %dma_start3A_253, %dma_start3A_254] : memref<2x10240x128xf32, #tpu.memory_space<hbm>> -> memref<1x10240x128xf32, #tpu.memory_space<hbm>>
      %dma_start3A_256 = tpu.memref_squeeze %dma_start3A_255 : memref<1x10240x128xf32, #tpu.memory_space<hbm>> -> memref<10240x128xf32, #tpu.memory_space<hbm>>
      %dma_start3A_257 = arith.constant 0 : i32
      %dma_start3A_258 = arith.constant 0 : i32
      %dma_start3A_259 = tpu.memref_slice %dma_start3A_256[%dma_start3A_257, %dma_start3A_258] : memref<10240x128xf32, #tpu.memory_space<hbm>> -> memref<10240x128xf32, #tpu.memory_space<hbm>>
      tpu.enqueue_indirect_dma source(%dma_start3A_259 : memref<10240x128xf32, #tpu.memory_space<hbm>>) target(%arg9 : memref<125x128xf32, #tpu.memory_space<vmem>>) offsets(%dma_start3A_252 : memref<125xi32, #tpu.memory_space<vmem>>) semaphore(%arg12 : memref<!tpu.dma_semaphore, #tpu.memory_space<semaphore_mem>>)
      %dma_wait3A_260 = arith.constant 0 : i32
      %dma_wait3A_261 = tpu.memref_slice %arg6[%add3A_247, %dma_wait3A_260] : memref<80x125xi32, #tpu.memory_space<vmem>> -> memref<1x125xi32, #tpu.memory_space<vmem>>
      %dma_wait3A_262 = tpu.memref_squeeze %dma_wait3A_261 : memref<1x125xi32, #tpu.memory_space<vmem>> -> memref<125xi32, #tpu.memory_space<vmem>>
      %dma_wait3A_263 = arith.constant 0 : i32
      %dma_wait3A_264 = arith.constant 0 : i32
      %dma_wait3A_265 = tpu.memref_slice %arg2[%arg0, %dma_wait3A_263, %dma_wait3A_264] : memref<2x10240x128xf32, #tpu.memory_space<hbm>> -> memref<1x10240x128xf32, #tpu.memory_space<hbm>>
      %dma_wait3A_266 = tpu.memref_squeeze %dma_wait3A_265 : memref<1x10240x128xf32, #tpu.memory_space<hbm>> -> memref<10240x128xf32, #tpu.memory_space<hbm>>
      %dma_wait3A_267 = arith.constant 0 : i32
      %dma_wait3A_268 = arith.constant 0 : i32
      %dma_wait3A_269 = tpu.memref_slice %dma_wait3A_266[%dma_wait3A_267, %dma_wait3A_268] : memref<10240x128xf32, #tpu.memory_space<hbm>> -> memref<10240x128xf32, #tpu.memory_space<hbm>>
      tpu.wait_indirect_dma semaphore(%arg11 : memref<!tpu.dma_semaphore, #tpu.memory_space<semaphore_mem>>) src(%dma_wait3A_269 : memref<10240x128xf32, #tpu.memory_space<hbm>>) dst(%arg8 : memref<125x128xf32, #tpu.memory_space<vmem>>)
      %rem3A_270 = arith.constant 2 : i32
      %rem3A_271 = arith.remsi %scan3A_39, %rem3A_270 : i32
      %mul3A_272 = arith.constant 16 : i32
      %mul3A_273 = arith.muli %rem3A_271, %mul3A_272 : i32
      %add3A_274 = arith.constant 6 : i32
      %add3A_275 = arith.addi %mul3A_273, %add3A_274 : i32
      "tpu.region"() ({
        %run_scoped3A = tpu.sem_alloc : memref<!tpu.dma_semaphore, #tpu.memory_space<semaphore_mem>>
        %dma_start3A_541 = arith.constant 0 : i32
        %dma_start3A_542 = tpu.memref_slice %arg7[%add3A_275, %dma_start3A_541] : memref<32x125xi32, #tpu.memory_space<vmem>> -> memref<1x125xi32, #tpu.memory_space<vmem>>
        %dma_start3A_543 = tpu.memref_squeeze %dma_start3A_542 : memref<1x125xi32, #tpu.memory_space<vmem>> -> memref<125xi32, #tpu.memory_space<vmem>>
        %dma_start3A_544 = arith.constant 0 : i32
        %dma_start3A_545 = arith.constant 0 : i32
        %dma_start3A_546 = tpu.memref_slice %arg10[%dma_start3A_544, %dma_start3A_545] : memref<10240x128xf32, #tpu.memory_space<vmem_shared>> -> memref<10240x128xf32, #tpu.memory_space<vmem_shared>>
        tpu.enqueue_indirect_dma source(%arg8 : memref<125x128xf32, #tpu.memory_space<vmem>>) target(%dma_start3A_546 : memref<10240x128xf32, #tpu.memory_space<vmem_shared>>) offsets(%dma_start3A_543 : memref<125xi32, #tpu.memory_space<vmem>>) semaphore(%run_scoped3A : memref<!tpu.dma_semaphore, #tpu.memory_space<semaphore_mem>>) {add = true}
        %dma_wait3A_547 = arith.constant 0 : i32
        %dma_wait3A_548 = tpu.memref_slice %arg7[%add3A_275, %dma_wait3A_547] : memref<32x125xi32, #tpu.memory_space<vmem>> -> memref<1x125xi32, #tpu.memory_space<vmem>>
        %dma_wait3A_549 = tpu.memref_squeeze %dma_wait3A_548 : memref<1x125xi32, #tpu.memory_space<vmem>> -> memref<125xi32, #tpu.memory_space<vmem>>
        %dma_wait3A_550 = arith.constant 0 : i32
        %dma_wait3A_551 = arith.constant 0 : i32
        %dma_wait3A_552 = tpu.memref_slice %arg10[%dma_wait3A_550, %dma_wait3A_551] : memref<10240x128xf32, #tpu.memory_space<vmem_shared>> -> memref<10240x128xf32, #tpu.memory_space<vmem_shared>>
        tpu.wait_indirect_dma semaphore(%run_scoped3A : memref<!tpu.dma_semaphore, #tpu.memory_space<semaphore_mem>>) src(%arg8 : memref<125x128xf32, #tpu.memory_space<vmem>>) dst(%dma_wait3A_552 : memref<10240x128xf32, #tpu.memory_space<vmem_shared>>)
        tpu.yield
      }) : () -> ()
      %add3A_276 = arith.constant 7 : i32
      %add3A_277 = arith.addi %mul3A_41, %add3A_276 : i32
      %add3A_278 = arith.constant 1 : i32
      %add3A_279 = arith.addi %add3A_277, %add3A_278 : i32
      %dma_start3A_280 = arith.constant 0 : i32
      %dma_start3A_281 = tpu.memref_slice %arg6[%add3A_279, %dma_start3A_280] : memref<80x125xi32, #tpu.memory_space<vmem>> -> memref<1x125xi32, #tpu.memory_space<vmem>>
      %dma_start3A_282 = tpu.memref_squeeze %dma_start3A_281 : memref<1x125xi32, #tpu.memory_space<vmem>> -> memref<125xi32, #tpu.memory_space<vmem>>
      %dma_start3A_283 = arith.constant 0 : i32
      %dma_start3A_284 = arith.constant 0 : i32
      %dma_start3A_285 = tpu.memref_slice %arg2[%arg0, %dma_start3A_283, %dma_start3A_284] : memref<2x10240x128xf32, #tpu.memory_space<hbm>> -> memref<1x10240x128xf32, #tpu.memory_space<hbm>>
      %dma_start3A_286 = tpu.memref_squeeze %dma_start3A_285 : memref<1x10240x128xf32, #tpu.memory_space<hbm>> -> memref<10240x128xf32, #tpu.memory_space<hbm>>
      %dma_start3A_287 = arith.constant 0 : i32
      %dma_start3A_288 = arith.constant 0 : i32
      %dma_start3A_289 = tpu.memref_slice %dma_start3A_286[%dma_start3A_287, %dma_start3A_288] : memref<10240x128xf32, #tpu.memory_space<hbm>> -> memref<10240x128xf32, #tpu.memory_space<hbm>>
      tpu.enqueue_indirect_dma source(%dma_start3A_289 : memref<10240x128xf32, #tpu.memory_space<hbm>>) target(%arg8 : memref<125x128xf32, #tpu.memory_space<vmem>>) offsets(%dma_start3A_282 : memref<125xi32, #tpu.memory_space<vmem>>) semaphore(%arg11 : memref<!tpu.dma_semaphore, #tpu.memory_space<semaphore_mem>>)
      %dma_wait3A_290 = arith.constant 0 : i32
      %dma_wait3A_291 = tpu.memref_slice %arg6[%add3A_277, %dma_wait3A_290] : memref<80x125xi32, #tpu.memory_space<vmem>> -> memref<1x125xi32, #tpu.memory_space<vmem>>
      %dma_wait3A_292 = tpu.memref_squeeze %dma_wait3A_291 : memref<1x125xi32, #tpu.memory_space<vmem>> -> memref<125xi32, #tpu.memory_space<vmem>>
      %dma_wait3A_293 = arith.constant 0 : i32
      %dma_wait3A_294 = arith.constant 0 : i32
      %dma_wait3A_295 = tpu.memref_slice %arg2[%arg0, %dma_wait3A_293, %dma_wait3A_294] : memref<2x10240x128xf32, #tpu.memory_space<hbm>> -> memref<1x10240x128xf32, #tpu.memory_space<hbm>>
      %dma_wait3A_296 = tpu.memref_squeeze %dma_wait3A_295 : memref<1x10240x128xf32, #tpu.memory_space<hbm>> -> memref<10240x128xf32, #tpu.memory_space<hbm>>
      %dma_wait3A_297 = arith.constant 0 : i32
      %dma_wait3A_298 = arith.constant 0 : i32
      %dma_wait3A_299 = tpu.memref_slice %dma_wait3A_296[%dma_wait3A_297, %dma_wait3A_298] : memref<10240x128xf32, #tpu.memory_space<hbm>> -> memref<10240x128xf32, #tpu.memory_space<hbm>>
      tpu.wait_indirect_dma semaphore(%arg12 : memref<!tpu.dma_semaphore, #tpu.memory_space<semaphore_mem>>) src(%dma_wait3A_299 : memref<10240x128xf32, #tpu.memory_space<hbm>>) dst(%arg9 : memref<125x128xf32, #tpu.memory_space<vmem>>)
      %rem3A_300 = arith.constant 2 : i32
      %rem3A_301 = arith.remsi %scan3A_39, %rem3A_300 : i32
      %mul3A_302 = arith.constant 16 : i32
      %mul3A_303 = arith.muli %rem3A_301, %mul3A_302 : i32
      %add3A_304 = arith.constant 7 : i32
      %add3A_305 = arith.addi %mul3A_303, %add3A_304 : i32
      "tpu.region"() ({
        %run_scoped3A = tpu.sem_alloc : memref<!tpu.dma_semaphore, #tpu.memory_space<semaphore_mem>>
        %dma_start3A_541 = arith.constant 0 : i32
        %dma_start3A_542 = tpu.memref_slice %arg7[%add3A_305, %dma_start3A_541] : memref<32x125xi32, #tpu.memory_space<vmem>> -> memref<1x125xi32, #tpu.memory_space<vmem>>
        %dma_start3A_543 = tpu.memref_squeeze %dma_start3A_542 : memref<1x125xi32, #tpu.memory_space<vmem>> -> memref<125xi32, #tpu.memory_space<vmem>>
        %dma_start3A_544 = arith.constant 0 : i32
        %dma_start3A_545 = arith.constant 0 : i32
        %dma_start3A_546 = tpu.memref_slice %arg10[%dma_start3A_544, %dma_start3A_545] : memref<10240x128xf32, #tpu.memory_space<vmem_shared>> -> memref<10240x128xf32, #tpu.memory_space<vmem_shared>>
        tpu.enqueue_indirect_dma source(%arg9 : memref<125x128xf32, #tpu.memory_space<vmem>>) target(%dma_start3A_546 : memref<10240x128xf32, #tpu.memory_space<vmem_shared>>) offsets(%dma_start3A_543 : memref<125xi32, #tpu.memory_space<vmem>>) semaphore(%run_scoped3A : memref<!tpu.dma_semaphore, #tpu.memory_space<semaphore_mem>>) {add = true}
        %dma_wait3A_547 = arith.constant 0 : i32
        %dma_wait3A_548 = tpu.memref_slice %arg7[%add3A_305, %dma_wait3A_547] : memref<32x125xi32, #tpu.memory_space<vmem>> -> memref<1x125xi32, #tpu.memory_space<vmem>>
        %dma_wait3A_549 = tpu.memref_squeeze %dma_wait3A_548 : memref<1x125xi32, #tpu.memory_space<vmem>> -> memref<125xi32, #tpu.memory_space<vmem>>
        %dma_wait3A_550 = arith.constant 0 : i32
        %dma_wait3A_551 = arith.constant 0 : i32
        %dma_wait3A_552 = tpu.memref_slice %arg10[%dma_wait3A_550, %dma_wait3A_551] : memref<10240x128xf32, #tpu.memory_space<vmem_shared>> -> memref<10240x128xf32, #tpu.memory_space<vmem_shared>>
        tpu.wait_indirect_dma semaphore(%run_scoped3A : memref<!tpu.dma_semaphore, #tpu.memory_space<semaphore_mem>>) src(%arg9 : memref<125x128xf32, #tpu.memory_space<vmem>>) dst(%dma_wait3A_552 : memref<10240x128xf32, #tpu.memory_space<vmem_shared>>)
        tpu.yield
      }) : () -> ()
      %add3A_306 = arith.constant 8 : i32
      %add3A_307 = arith.addi %mul3A_41, %add3A_306 : i32
      %add3A_308 = arith.constant 1 : i32
      %add3A_309 = arith.addi %add3A_307, %add3A_308 : i32
      %dma_start3A_310 = arith.constant 0 : i32
      %dma_start3A_311 = tpu.memref_slice %arg6[%add3A_309, %dma_start3A_310] : memref<80x125xi32, #tpu.memory_space<vmem>> -> memref<1x125xi32, #tpu.memory_space<vmem>>
      %dma_start3A_312 = tpu.memref_squeeze %dma_start3A_311 : memref<1x125xi32, #tpu.memory_space<vmem>> -> memref<125xi32, #tpu.memory_space<vmem>>
      %dma_start3A_313 = arith.constant 0 : i32
      %dma_start3A_314 = arith.constant 0 : i32
      %dma_start3A_315 = tpu.memref_slice %arg2[%arg0, %dma_start3A_313, %dma_start3A_314] : memref<2x10240x128xf32, #tpu.memory_space<hbm>> -> memref<1x10240x128xf32, #tpu.memory_space<hbm>>
      %dma_start3A_316 = tpu.memref_squeeze %dma_start3A_315 : memref<1x10240x128xf32, #tpu.memory_space<hbm>> -> memref<10240x128xf32, #tpu.memory_space<hbm>>
      %dma_start3A_317 = arith.constant 0 : i32
      %dma_start3A_318 = arith.constant 0 : i32
      %dma_start3A_319 = tpu.memref_slice %dma_start3A_316[%dma_start3A_317, %dma_start3A_318] : memref<10240x128xf32, #tpu.memory_space<hbm>> -> memref<10240x128xf32, #tpu.memory_space<hbm>>
      tpu.enqueue_indirect_dma source(%dma_start3A_319 : memref<10240x128xf32, #tpu.memory_space<hbm>>) target(%arg9 : memref<125x128xf32, #tpu.memory_space<vmem>>) offsets(%dma_start3A_312 : memref<125xi32, #tpu.memory_space<vmem>>) semaphore(%arg12 : memref<!tpu.dma_semaphore, #tpu.memory_space<semaphore_mem>>)
      %dma_wait3A_320 = arith.constant 0 : i32
      %dma_wait3A_321 = tpu.memref_slice %arg6[%add3A_307, %dma_wait3A_320] : memref<80x125xi32, #tpu.memory_space<vmem>> -> memref<1x125xi32, #tpu.memory_space<vmem>>
      %dma_wait3A_322 = tpu.memref_squeeze %dma_wait3A_321 : memref<1x125xi32, #tpu.memory_space<vmem>> -> memref<125xi32, #tpu.memory_space<vmem>>
      %dma_wait3A_323 = arith.constant 0 : i32
      %dma_wait3A_324 = arith.constant 0 : i32
      %dma_wait3A_325 = tpu.memref_slice %arg2[%arg0, %dma_wait3A_323, %dma_wait3A_324] : memref<2x10240x128xf32, #tpu.memory_space<hbm>> -> memref<1x10240x128xf32, #tpu.memory_space<hbm>>
      %dma_wait3A_326 = tpu.memref_squeeze %dma_wait3A_325 : memref<1x10240x128xf32, #tpu.memory_space<hbm>> -> memref<10240x128xf32, #tpu.memory_space<hbm>>
      %dma_wait3A_327 = arith.constant 0 : i32
      %dma_wait3A_328 = arith.constant 0 : i32
      %dma_wait3A_329 = tpu.memref_slice %dma_wait3A_326[%dma_wait3A_327, %dma_wait3A_328] : memref<10240x128xf32, #tpu.memory_space<hbm>> -> memref<10240x128xf32, #tpu.memory_space<hbm>>
      tpu.wait_indirect_dma semaphore(%arg11 : memref<!tpu.dma_semaphore, #tpu.memory_space<semaphore_mem>>) src(%dma_wait3A_329 : memref<10240x128xf32, #tpu.memory_space<hbm>>) dst(%arg8 : memref<125x128xf32, #tpu.memory_space<vmem>>)
      %rem3A_330 = arith.constant 2 : i32
      %rem3A_331 = arith.remsi %scan3A_39, %rem3A_330 : i32
      %mul3A_332 = arith.constant 16 : i32
      %mul3A_333 = arith.muli %rem3A_331, %mul3A_332 : i32
      %add3A_334 = arith.constant 8 : i32
      %add3A_335 = arith.addi %mul3A_333, %add3A_334 : i32
      "tpu.region"() ({
        %run_scoped3A = tpu.sem_alloc : memref<!tpu.dma_semaphore, #tpu.memory_space<semaphore_mem>>
        %dma_start3A_541 = arith.constant 0 : i32
        %dma_start3A_542 = tpu.memref_slice %arg7[%add3A_335, %dma_start3A_541] : memref<32x125xi32, #tpu.memory_space<vmem>> -> memref<1x125xi32, #tpu.memory_space<vmem>>
        %dma_start3A_543 = tpu.memref_squeeze %dma_start3A_542 : memref<1x125xi32, #tpu.memory_space<vmem>> -> memref<125xi32, #tpu.memory_space<vmem>>
        %dma_start3A_544 = arith.constant 0 : i32
        %dma_start3A_545 = arith.constant 0 : i32
        %dma_start3A_546 = tpu.memref_slice %arg10[%dma_start3A_544, %dma_start3A_545] : memref<10240x128xf32, #tpu.memory_space<vmem_shared>> -> memref<10240x128xf32, #tpu.memory_space<vmem_shared>>
        tpu.enqueue_indirect_dma source(%arg8 : memref<125x128xf32, #tpu.memory_space<vmem>>) target(%dma_start3A_546 : memref<10240x128xf32, #tpu.memory_space<vmem_shared>>) offsets(%dma_start3A_543 : memref<125xi32, #tpu.memory_space<vmem>>) semaphore(%run_scoped3A : memref<!tpu.dma_semaphore, #tpu.memory_space<semaphore_mem>>) {add = true}
        %dma_wait3A_547 = arith.constant 0 : i32
        %dma_wait3A_548 = tpu.memref_slice %arg7[%add3A_335, %dma_wait3A_547] : memref<32x125xi32, #tpu.memory_space<vmem>> -> memref<1x125xi32, #tpu.memory_space<vmem>>
        %dma_wait3A_549 = tpu.memref_squeeze %dma_wait3A_548 : memref<1x125xi32, #tpu.memory_space<vmem>> -> memref<125xi32, #tpu.memory_space<vmem>>
        %dma_wait3A_550 = arith.constant 0 : i32
        %dma_wait3A_551 = arith.constant 0 : i32
        %dma_wait3A_552 = tpu.memref_slice %arg10[%dma_wait3A_550, %dma_wait3A_551] : memref<10240x128xf32, #tpu.memory_space<vmem_shared>> -> memref<10240x128xf32, #tpu.memory_space<vmem_shared>>
        tpu.wait_indirect_dma semaphore(%run_scoped3A : memref<!tpu.dma_semaphore, #tpu.memory_space<semaphore_mem>>) src(%arg8 : memref<125x128xf32, #tpu.memory_space<vmem>>) dst(%dma_wait3A_552 : memref<10240x128xf32, #tpu.memory_space<vmem_shared>>)
        tpu.yield
      }) : () -> ()
      %add3A_336 = arith.constant 9 : i32
      %add3A_337 = arith.addi %mul3A_41, %add3A_336 : i32
      %add3A_338 = arith.constant 1 : i32
      %add3A_339 = arith.addi %add3A_337, %add3A_338 : i32
      %dma_start3A_340 = arith.constant 0 : i32
      %dma_start3A_341 = tpu.memref_slice %arg6[%add3A_339, %dma_start3A_340] : memref<80x125xi32, #tpu.memory_space<vmem>> -> memref<1x125xi32, #tpu.memory_space<vmem>>
      %dma_start3A_342 = tpu.memref_squeeze %dma_start3A_341 : memref<1x125xi32, #tpu.memory_space<vmem>> -> memref<125xi32, #tpu.memory_space<vmem>>
      %dma_start3A_343 = arith.constant 0 : i32
      %dma_start3A_344 = arith.constant 0 : i32
      %dma_start3A_345 = tpu.memref_slice %arg2[%arg0, %dma_start3A_343, %dma_start3A_344] : memref<2x10240x128xf32, #tpu.memory_space<hbm>> -> memref<1x10240x128xf32, #tpu.memory_space<hbm>>
      %dma_start3A_346 = tpu.memref_squeeze %dma_start3A_345 : memref<1x10240x128xf32, #tpu.memory_space<hbm>> -> memref<10240x128xf32, #tpu.memory_space<hbm>>
      %dma_start3A_347 = arith.constant 0 : i32
      %dma_start3A_348 = arith.constant 0 : i32
      %dma_start3A_349 = tpu.memref_slice %dma_start3A_346[%dma_start3A_347, %dma_start3A_348] : memref<10240x128xf32, #tpu.memory_space<hbm>> -> memref<10240x128xf32, #tpu.memory_space<hbm>>
      tpu.enqueue_indirect_dma source(%dma_start3A_349 : memref<10240x128xf32, #tpu.memory_space<hbm>>) target(%arg8 : memref<125x128xf32, #tpu.memory_space<vmem>>) offsets(%dma_start3A_342 : memref<125xi32, #tpu.memory_space<vmem>>) semaphore(%arg11 : memref<!tpu.dma_semaphore, #tpu.memory_space<semaphore_mem>>)
      %dma_wait3A_350 = arith.constant 0 : i32
      %dma_wait3A_351 = tpu.memref_slice %arg6[%add3A_337, %dma_wait3A_350] : memref<80x125xi32, #tpu.memory_space<vmem>> -> memref<1x125xi32, #tpu.memory_space<vmem>>
      %dma_wait3A_352 = tpu.memref_squeeze %dma_wait3A_351 : memref<1x125xi32, #tpu.memory_space<vmem>> -> memref<125xi32, #tpu.memory_space<vmem>>
      %dma_wait3A_353 = arith.constant 0 : i32
      %dma_wait3A_354 = arith.constant 0 : i32
      %dma_wait3A_355 = tpu.memref_slice %arg2[%arg0, %dma_wait3A_353, %dma_wait3A_354] : memref<2x10240x128xf32, #tpu.memory_space<hbm>> -> memref<1x10240x128xf32, #tpu.memory_space<hbm>>
      %dma_wait3A_356 = tpu.memref_squeeze %dma_wait3A_355 : memref<1x10240x128xf32, #tpu.memory_space<hbm>> -> memref<10240x128xf32, #tpu.memory_space<hbm>>
      %dma_wait3A_357 = arith.constant 0 : i32
      %dma_wait3A_358 = arith.constant 0 : i32
      %dma_wait3A_359 = tpu.memref_slice %dma_wait3A_356[%dma_wait3A_357, %dma_wait3A_358] : memref<10240x128xf32, #tpu.memory_space<hbm>> -> memref<10240x128xf32, #tpu.memory_space<hbm>>
      tpu.wait_indirect_dma semaphore(%arg12 : memref<!tpu.dma_semaphore, #tpu.memory_space<semaphore_mem>>) src(%dma_wait3A_359 : memref<10240x128xf32, #tpu.memory_space<hbm>>) dst(%arg9 : memref<125x128xf32, #tpu.memory_space<vmem>>)
      %rem3A_360 = arith.constant 2 : i32
      %rem3A_361 = arith.remsi %scan3A_39, %rem3A_360 : i32
      %mul3A_362 = arith.constant 16 : i32
      %mul3A_363 = arith.muli %rem3A_361, %mul3A_362 : i32
      %add3A_364 = arith.constant 9 : i32
      %add3A_365 = arith.addi %mul3A_363, %add3A_364 : i32
      "tpu.region"() ({
        %run_scoped3A = tpu.sem_alloc : memref<!tpu.dma_semaphore, #tpu.memory_space<semaphore_mem>>
        %dma_start3A_541 = arith.constant 0 : i32
        %dma_start3A_542 = tpu.memref_slice %arg7[%add3A_365, %dma_start3A_541] : memref<32x125xi32, #tpu.memory_space<vmem>> -> memref<1x125xi32, #tpu.memory_space<vmem>>
        %dma_start3A_543 = tpu.memref_squeeze %dma_start3A_542 : memref<1x125xi32, #tpu.memory_space<vmem>> -> memref<125xi32, #tpu.memory_space<vmem>>
        %dma_start3A_544 = arith.constant 0 : i32
        %dma_start3A_545 = arith.constant 0 : i32
        %dma_start3A_546 = tpu.memref_slice %arg10[%dma_start3A_544, %dma_start3A_545] : memref<10240x128xf32, #tpu.memory_space<vmem_shared>> -> memref<10240x128xf32, #tpu.memory_space<vmem_shared>>
        tpu.enqueue_indirect_dma source(%arg9 : memref<125x128xf32, #tpu.memory_space<vmem>>) target(%dma_start3A_546 : memref<10240x128xf32, #tpu.memory_space<vmem_shared>>) offsets(%dma_start3A_543 : memref<125xi32, #tpu.memory_space<vmem>>) semaphore(%run_scoped3A : memref<!tpu.dma_semaphore, #tpu.memory_space<semaphore_mem>>) {add = true}
        %dma_wait3A_547 = arith.constant 0 : i32
        %dma_wait3A_548 = tpu.memref_slice %arg7[%add3A_365, %dma_wait3A_547] : memref<32x125xi32, #tpu.memory_space<vmem>> -> memref<1x125xi32, #tpu.memory_space<vmem>>
        %dma_wait3A_549 = tpu.memref_squeeze %dma_wait3A_548 : memref<1x125xi32, #tpu.memory_space<vmem>> -> memref<125xi32, #tpu.memory_space<vmem>>
        %dma_wait3A_550 = arith.constant 0 : i32
        %dma_wait3A_551 = arith.constant 0 : i32
        %dma_wait3A_552 = tpu.memref_slice %arg10[%dma_wait3A_550, %dma_wait3A_551] : memref<10240x128xf32, #tpu.memory_space<vmem_shared>> -> memref<10240x128xf32, #tpu.memory_space<vmem_shared>>
        tpu.wait_indirect_dma semaphore(%run_scoped3A : memref<!tpu.dma_semaphore, #tpu.memory_space<semaphore_mem>>) src(%arg9 : memref<125x128xf32, #tpu.memory_space<vmem>>) dst(%dma_wait3A_552 : memref<10240x128xf32, #tpu.memory_space<vmem_shared>>)
        tpu.yield
      }) : () -> ()
      %add3A_366 = arith.constant 10 : i32
      %add3A_367 = arith.addi %mul3A_41, %add3A_366 : i32
      %add3A_368 = arith.constant 1 : i32
      %add3A_369 = arith.addi %add3A_367, %add3A_368 : i32
      %dma_start3A_370 = arith.constant 0 : i32
      %dma_start3A_371 = tpu.memref_slice %arg6[%add3A_369, %dma_start3A_370] : memref<80x125xi32, #tpu.memory_space<vmem>> -> memref<1x125xi32, #tpu.memory_space<vmem>>
      %dma_start3A_372 = tpu.memref_squeeze %dma_start3A_371 : memref<1x125xi32, #tpu.memory_space<vmem>> -> memref<125xi32, #tpu.memory_space<vmem>>
      %dma_start3A_373 = arith.constant 0 : i32
      %dma_start3A_374 = arith.constant 0 : i32
      %dma_start3A_375 = tpu.memref_slice %arg2[%arg0, %dma_start3A_373, %dma_start3A_374] : memref<2x10240x128xf32, #tpu.memory_space<hbm>> -> memref<1x10240x128xf32, #tpu.memory_space<hbm>>
      %dma_start3A_376 = tpu.memref_squeeze %dma_start3A_375 : memref<1x10240x128xf32, #tpu.memory_space<hbm>> -> memref<10240x128xf32, #tpu.memory_space<hbm>>
      %dma_start3A_377 = arith.constant 0 : i32
      %dma_start3A_378 = arith.constant 0 : i32
      %dma_start3A_379 = tpu.memref_slice %dma_start3A_376[%dma_start3A_377, %dma_start3A_378] : memref<10240x128xf32, #tpu.memory_space<hbm>> -> memref<10240x128xf32, #tpu.memory_space<hbm>>
      tpu.enqueue_indirect_dma source(%dma_start3A_379 : memref<10240x128xf32, #tpu.memory_space<hbm>>) target(%arg9 : memref<125x128xf32, #tpu.memory_space<vmem>>) offsets(%dma_start3A_372 : memref<125xi32, #tpu.memory_space<vmem>>) semaphore(%arg12 : memref<!tpu.dma_semaphore, #tpu.memory_space<semaphore_mem>>)
      %dma_wait3A_380 = arith.constant 0 : i32
      %dma_wait3A_381 = tpu.memref_slice %arg6[%add3A_367, %dma_wait3A_380] : memref<80x125xi32, #tpu.memory_space<vmem>> -> memref<1x125xi32, #tpu.memory_space<vmem>>
      %dma_wait3A_382 = tpu.memref_squeeze %dma_wait3A_381 : memref<1x125xi32, #tpu.memory_space<vmem>> -> memref<125xi32, #tpu.memory_space<vmem>>
      %dma_wait3A_383 = arith.constant 0 : i32
      %dma_wait3A_384 = arith.constant 0 : i32
      %dma_wait3A_385 = tpu.memref_slice %arg2[%arg0, %dma_wait3A_383, %dma_wait3A_384] : memref<2x10240x128xf32, #tpu.memory_space<hbm>> -> memref<1x10240x128xf32, #tpu.memory_space<hbm>>
      %dma_wait3A_386 = tpu.memref_squeeze %dma_wait3A_385 : memref<1x10240x128xf32, #tpu.memory_space<hbm>> -> memref<10240x128xf32, #tpu.memory_space<hbm>>
      %dma_wait3A_387 = arith.constant 0 : i32
      %dma_wait3A_388 = arith.constant 0 : i32
      %dma_wait3A_389 = tpu.memref_slice %dma_wait3A_386[%dma_wait3A_387, %dma_wait3A_388] : memref<10240x128xf32, #tpu.memory_space<hbm>> -> memref<10240x128xf32, #tpu.memory_space<hbm>>
      tpu.wait_indirect_dma semaphore(%arg11 : memref<!tpu.dma_semaphore, #tpu.memory_space<semaphore_mem>>) src(%dma_wait3A_389 : memref<10240x128xf32, #tpu.memory_space<hbm>>) dst(%arg8 : memref<125x128xf32, #tpu.memory_space<vmem>>)
      %rem3A_390 = arith.constant 2 : i32
      %rem3A_391 = arith.remsi %scan3A_39, %rem3A_390 : i32
      %mul3A_392 = arith.constant 16 : i32
      %mul3A_393 = arith.muli %rem3A_391, %mul3A_392 : i32
      %add3A_394 = arith.constant 10 : i32
      %add3A_395 = arith.addi %mul3A_393, %add3A_394 : i32
      "tpu.region"() ({
        %run_scoped3A = tpu.sem_alloc : memref<!tpu.dma_semaphore, #tpu.memory_space<semaphore_mem>>
        %dma_start3A_541 = arith.constant 0 : i32
        %dma_start3A_542 = tpu.memref_slice %arg7[%add3A_395, %dma_start3A_541] : memref<32x125xi32, #tpu.memory_space<vmem>> -> memref<1x125xi32, #tpu.memory_space<vmem>>
        %dma_start3A_543 = tpu.memref_squeeze %dma_start3A_542 : memref<1x125xi32, #tpu.memory_space<vmem>> -> memref<125xi32, #tpu.memory_space<vmem>>
        %dma_start3A_544 = arith.constant 0 : i32
        %dma_start3A_545 = arith.constant 0 : i32
        %dma_start3A_546 = tpu.memref_slice %arg10[%dma_start3A_544, %dma_start3A_545] : memref<10240x128xf32, #tpu.memory_space<vmem_shared>> -> memref<10240x128xf32, #tpu.memory_space<vmem_shared>>
        tpu.enqueue_indirect_dma source(%arg8 : memref<125x128xf32, #tpu.memory_space<vmem>>) target(%dma_start3A_546 : memref<10240x128xf32, #tpu.memory_space<vmem_shared>>) offsets(%dma_start3A_543 : memref<125xi32, #tpu.memory_space<vmem>>) semaphore(%run_scoped3A : memref<!tpu.dma_semaphore, #tpu.memory_space<semaphore_mem>>) {add = true}
        %dma_wait3A_547 = arith.constant 0 : i32
        %dma_wait3A_548 = tpu.memref_slice %arg7[%add3A_395, %dma_wait3A_547] : memref<32x125xi32, #tpu.memory_space<vmem>> -> memref<1x125xi32, #tpu.memory_space<vmem>>
        %dma_wait3A_549 = tpu.memref_squeeze %dma_wait3A_548 : memref<1x125xi32, #tpu.memory_space<vmem>> -> memref<125xi32, #tpu.memory_space<vmem>>
        %dma_wait3A_550 = arith.constant 0 : i32
        %dma_wait3A_551 = arith.constant 0 : i32
        %dma_wait3A_552 = tpu.memref_slice %arg10[%dma_wait3A_550, %dma_wait3A_551] : memref<10240x128xf32, #tpu.memory_space<vmem_shared>> -> memref<10240x128xf32, #tpu.memory_space<vmem_shared>>
        tpu.wait_indirect_dma semaphore(%run_scoped3A : memref<!tpu.dma_semaphore, #tpu.memory_space<semaphore_mem>>) src(%arg8 : memref<125x128xf32, #tpu.memory_space<vmem>>) dst(%dma_wait3A_552 : memref<10240x128xf32, #tpu.memory_space<vmem_shared>>)
        tpu.yield
      }) : () -> ()
      %add3A_396 = arith.constant 11 : i32
      %add3A_397 = arith.addi %mul3A_41, %add3A_396 : i32
      %add3A_398 = arith.constant 1 : i32
      %add3A_399 = arith.addi %add3A_397, %add3A_398 : i32
      %dma_start3A_400 = arith.constant 0 : i32
      %dma_start3A_401 = tpu.memref_slice %arg6[%add3A_399, %dma_start3A_400] : memref<80x125xi32, #tpu.memory_space<vmem>> -> memref<1x125xi32, #tpu.memory_space<vmem>>
      %dma_start3A_402 = tpu.memref_squeeze %dma_start3A_401 : memref<1x125xi32, #tpu.memory_space<vmem>> -> memref<125xi32, #tpu.memory_space<vmem>>
      %dma_start3A_403 = arith.constant 0 : i32
      %dma_start3A_404 = arith.constant 0 : i32
      %dma_start3A_405 = tpu.memref_slice %arg2[%arg0, %dma_start3A_403, %dma_start3A_404] : memref<2x10240x128xf32, #tpu.memory_space<hbm>> -> memref<1x10240x128xf32, #tpu.memory_space<hbm>>
      %dma_start3A_406 = tpu.memref_squeeze %dma_start3A_405 : memref<1x10240x128xf32, #tpu.memory_space<hbm>> -> memref<10240x128xf32, #tpu.memory_space<hbm>>
      %dma_start3A_407 = arith.constant 0 : i32
      %dma_start3A_408 = arith.constant 0 : i32
      %dma_start3A_409 = tpu.memref_slice %dma_start3A_406[%dma_start3A_407, %dma_start3A_408] : memref<10240x128xf32, #tpu.memory_space<hbm>> -> memref<10240x128xf32, #tpu.memory_space<hbm>>
      tpu.enqueue_indirect_dma source(%dma_start3A_409 : memref<10240x128xf32, #tpu.memory_space<hbm>>) target(%arg8 : memref<125x128xf32, #tpu.memory_space<vmem>>) offsets(%dma_start3A_402 : memref<125xi32, #tpu.memory_space<vmem>>) semaphore(%arg11 : memref<!tpu.dma_semaphore, #tpu.memory_space<semaphore_mem>>)
      %dma_wait3A_410 = arith.constant 0 : i32
      %dma_wait3A_411 = tpu.memref_slice %arg6[%add3A_397, %dma_wait3A_410] : memref<80x125xi32, #tpu.memory_space<vmem>> -> memref<1x125xi32, #tpu.memory_space<vmem>>
      %dma_wait3A_412 = tpu.memref_squeeze %dma_wait3A_411 : memref<1x125xi32, #tpu.memory_space<vmem>> -> memref<125xi32, #tpu.memory_space<vmem>>
      %dma_wait3A_413 = arith.constant 0 : i32
      %dma_wait3A_414 = arith.constant 0 : i32
      %dma_wait3A_415 = tpu.memref_slice %arg2[%arg0, %dma_wait3A_413, %dma_wait3A_414] : memref<2x10240x128xf32, #tpu.memory_space<hbm>> -> memref<1x10240x128xf32, #tpu.memory_space<hbm>>
      %dma_wait3A_416 = tpu.memref_squeeze %dma_wait3A_415 : memref<1x10240x128xf32, #tpu.memory_space<hbm>> -> memref<10240x128xf32, #tpu.memory_space<hbm>>
      %dma_wait3A_417 = arith.constant 0 : i32
      %dma_wait3A_418 = arith.constant 0 : i32
      %dma_wait3A_419 = tpu.memref_slice %dma_wait3A_416[%dma_wait3A_417, %dma_wait3A_418] : memref<10240x128xf32, #tpu.memory_space<hbm>> -> memref<10240x128xf32, #tpu.memory_space<hbm>>
      tpu.wait_indirect_dma semaphore(%arg12 : memref<!tpu.dma_semaphore, #tpu.memory_space<semaphore_mem>>) src(%dma_wait3A_419 : memref<10240x128xf32, #tpu.memory_space<hbm>>) dst(%arg9 : memref<125x128xf32, #tpu.memory_space<vmem>>)
      %rem3A_420 = arith.constant 2 : i32
      %rem3A_421 = arith.remsi %scan3A_39, %rem3A_420 : i32
      %mul3A_422 = arith.constant 16 : i32
      %mul3A_423 = arith.muli %rem3A_421, %mul3A_422 : i32
      %add3A_424 = arith.constant 11 : i32
      %add3A_425 = arith.addi %mul3A_423, %add3A_424 : i32
      "tpu.region"() ({
        %run_scoped3A = tpu.sem_alloc : memref<!tpu.dma_semaphore, #tpu.memory_space<semaphore_mem>>
        %dma_start3A_541 = arith.constant 0 : i32
        %dma_start3A_542 = tpu.memref_slice %arg7[%add3A_425, %dma_start3A_541] : memref<32x125xi32, #tpu.memory_space<vmem>> -> memref<1x125xi32, #tpu.memory_space<vmem>>
        %dma_start3A_543 = tpu.memref_squeeze %dma_start3A_542 : memref<1x125xi32, #tpu.memory_space<vmem>> -> memref<125xi32, #tpu.memory_space<vmem>>
        %dma_start3A_544 = arith.constant 0 : i32
        %dma_start3A_545 = arith.constant 0 : i32
        %dma_start3A_546 = tpu.memref_slice %arg10[%dma_start3A_544, %dma_start3A_545] : memref<10240x128xf32, #tpu.memory_space<vmem_shared>> -> memref<10240x128xf32, #tpu.memory_space<vmem_shared>>
        tpu.enqueue_indirect_dma source(%arg9 : memref<125x128xf32, #tpu.memory_space<vmem>>) target(%dma_start3A_546 : memref<10240x128xf32, #tpu.memory_space<vmem_shared>>) offsets(%dma_start3A_543 : memref<125xi32, #tpu.memory_space<vmem>>) semaphore(%run_scoped3A : memref<!tpu.dma_semaphore, #tpu.memory_space<semaphore_mem>>) {add = true}
        %dma_wait3A_547 = arith.constant 0 : i32
        %dma_wait3A_548 = tpu.memref_slice %arg7[%add3A_425, %dma_wait3A_547] : memref<32x125xi32, #tpu.memory_space<vmem>> -> memref<1x125xi32, #tpu.memory_space<vmem>>
        %dma_wait3A_549 = tpu.memref_squeeze %dma_wait3A_548 : memref<1x125xi32, #tpu.memory_space<vmem>> -> memref<125xi32, #tpu.memory_space<vmem>>
        %dma_wait3A_550 = arith.constant 0 : i32
        %dma_wait3A_551 = arith.constant 0 : i32
        %dma_wait3A_552 = tpu.memref_slice %arg10[%dma_wait3A_550, %dma_wait3A_551] : memref<10240x128xf32, #tpu.memory_space<vmem_shared>> -> memref<10240x128xf32, #tpu.memory_space<vmem_shared>>
        tpu.wait_indirect_dma semaphore(%run_scoped3A : memref<!tpu.dma_semaphore, #tpu.memory_space<semaphore_mem>>) src(%arg9 : memref<125x128xf32, #tpu.memory_space<vmem>>) dst(%dma_wait3A_552 : memref<10240x128xf32, #tpu.memory_space<vmem_shared>>)
        tpu.yield
      }) : () -> ()
      %add3A_426 = arith.constant 12 : i32
      %add3A_427 = arith.addi %mul3A_41, %add3A_426 : i32
      %add3A_428 = arith.constant 1 : i32
      %add3A_429 = arith.addi %add3A_427, %add3A_428 : i32
      %dma_start3A_430 = arith.constant 0 : i32
      %dma_start3A_431 = tpu.memref_slice %arg6[%add3A_429, %dma_start3A_430] : memref<80x125xi32, #tpu.memory_space<vmem>> -> memref<1x125xi32, #tpu.memory_space<vmem>>
      %dma_start3A_432 = tpu.memref_squeeze %dma_start3A_431 : memref<1x125xi32, #tpu.memory_space<vmem>> -> memref<125xi32, #tpu.memory_space<vmem>>
      %dma_start3A_433 = arith.constant 0 : i32
      %dma_start3A_434 = arith.constant 0 : i32
      %dma_start3A_435 = tpu.memref_slice %arg2[%arg0, %dma_start3A_433, %dma_start3A_434] : memref<2x10240x128xf32, #tpu.memory_space<hbm>> -> memref<1x10240x128xf32, #tpu.memory_space<hbm>>
      %dma_start3A_436 = tpu.memref_squeeze %dma_start3A_435 : memref<1x10240x128xf32, #tpu.memory_space<hbm>> -> memref<10240x128xf32, #tpu.memory_space<hbm>>
      %dma_start3A_437 = arith.constant 0 : i32
      %dma_start3A_438 = arith.constant 0 : i32
      %dma_start3A_439 = tpu.memref_slice %dma_start3A_436[%dma_start3A_437, %dma_start3A_438] : memref<10240x128xf32, #tpu.memory_space<hbm>> -> memref<10240x128xf32, #tpu.memory_space<hbm>>
      tpu.enqueue_indirect_dma source(%dma_start3A_439 : memref<10240x128xf32, #tpu.memory_space<hbm>>) target(%arg9 : memref<125x128xf32, #tpu.memory_space<vmem>>) offsets(%dma_start3A_432 : memref<125xi32, #tpu.memory_space<vmem>>) semaphore(%arg12 : memref<!tpu.dma_semaphore, #tpu.memory_space<semaphore_mem>>)
      %dma_wait3A_440 = arith.constant 0 : i32
      %dma_wait3A_441 = tpu.memref_slice %arg6[%add3A_427, %dma_wait3A_440] : memref<80x125xi32, #tpu.memory_space<vmem>> -> memref<1x125xi32, #tpu.memory_space<vmem>>
      %dma_wait3A_442 = tpu.memref_squeeze %dma_wait3A_441 : memref<1x125xi32, #tpu.memory_space<vmem>> -> memref<125xi32, #tpu.memory_space<vmem>>
      %dma_wait3A_443 = arith.constant 0 : i32
      %dma_wait3A_444 = arith.constant 0 : i32
      %dma_wait3A_445 = tpu.memref_slice %arg2[%arg0, %dma_wait3A_443, %dma_wait3A_444] : memref<2x10240x128xf32, #tpu.memory_space<hbm>> -> memref<1x10240x128xf32, #tpu.memory_space<hbm>>
      %dma_wait3A_446 = tpu.memref_squeeze %dma_wait3A_445 : memref<1x10240x128xf32, #tpu.memory_space<hbm>> -> memref<10240x128xf32, #tpu.memory_space<hbm>>
      %dma_wait3A_447 = arith.constant 0 : i32
      %dma_wait3A_448 = arith.constant 0 : i32
      %dma_wait3A_449 = tpu.memref_slice %dma_wait3A_446[%dma_wait3A_447, %dma_wait3A_448] : memref<10240x128xf32, #tpu.memory_space<hbm>> -> memref<10240x128xf32, #tpu.memory_space<hbm>>
      tpu.wait_indirect_dma semaphore(%arg11 : memref<!tpu.dma_semaphore, #tpu.memory_space<semaphore_mem>>) src(%dma_wait3A_449 : memref<10240x128xf32, #tpu.memory_space<hbm>>) dst(%arg8 : memref<125x128xf32, #tpu.memory_space<vmem>>)
      %rem3A_450 = arith.constant 2 : i32
      %rem3A_451 = arith.remsi %scan3A_39, %rem3A_450 : i32
      %mul3A_452 = arith.constant 16 : i32
      %mul3A_453 = arith.muli %rem3A_451, %mul3A_452 : i32
      %add3A_454 = arith.constant 12 : i32
      %add3A_455 = arith.addi %mul3A_453, %add3A_454 : i32
      "tpu.region"() ({
        %run_scoped3A = tpu.sem_alloc : memref<!tpu.dma_semaphore, #tpu.memory_space<semaphore_mem>>
        %dma_start3A_541 = arith.constant 0 : i32
        %dma_start3A_542 = tpu.memref_slice %arg7[%add3A_455, %dma_start3A_541] : memref<32x125xi32, #tpu.memory_space<vmem>> -> memref<1x125xi32, #tpu.memory_space<vmem>>
        %dma_start3A_543 = tpu.memref_squeeze %dma_start3A_542 : memref<1x125xi32, #tpu.memory_space<vmem>> -> memref<125xi32, #tpu.memory_space<vmem>>
        %dma_start3A_544 = arith.constant 0 : i32
        %dma_start3A_545 = arith.constant 0 : i32
        %dma_start3A_546 = tpu.memref_slice %arg10[%dma_start3A_544, %dma_start3A_545] : memref<10240x128xf32, #tpu.memory_space<vmem_shared>> -> memref<10240x128xf32, #tpu.memory_space<vmem_shared>>
        tpu.enqueue_indirect_dma source(%arg8 : memref<125x128xf32, #tpu.memory_space<vmem>>) target(%dma_start3A_546 : memref<10240x128xf32, #tpu.memory_space<vmem_shared>>) offsets(%dma_start3A_543 : memref<125xi32, #tpu.memory_space<vmem>>) semaphore(%run_scoped3A : memref<!tpu.dma_semaphore, #tpu.memory_space<semaphore_mem>>) {add = true}
        %dma_wait3A_547 = arith.constant 0 : i32
        %dma_wait3A_548 = tpu.memref_slice %arg7[%add3A_455, %dma_wait3A_547] : memref<32x125xi32, #tpu.memory_space<vmem>> -> memref<1x125xi32, #tpu.memory_space<vmem>>
        %dma_wait3A_549 = tpu.memref_squeeze %dma_wait3A_548 : memref<1x125xi32, #tpu.memory_space<vmem>> -> memref<125xi32, #tpu.memory_space<vmem>>
        %dma_wait3A_550 = arith.constant 0 : i32
        %dma_wait3A_551 = arith.constant 0 : i32
        %dma_wait3A_552 = tpu.memref_slice %arg10[%dma_wait3A_550, %dma_wait3A_551] : memref<10240x128xf32, #tpu.memory_space<vmem_shared>> -> memref<10240x128xf32, #tpu.memory_space<vmem_shared>>
        tpu.wait_indirect_dma semaphore(%run_scoped3A : memref<!tpu.dma_semaphore, #tpu.memory_space<semaphore_mem>>) src(%arg8 : memref<125x128xf32, #tpu.memory_space<vmem>>) dst(%dma_wait3A_552 : memref<10240x128xf32, #tpu.memory_space<vmem_shared>>)
        tpu.yield
      }) : () -> ()
      %add3A_456 = arith.constant 13 : i32
      %add3A_457 = arith.addi %mul3A_41, %add3A_456 : i32
      %add3A_458 = arith.constant 1 : i32
      %add3A_459 = arith.addi %add3A_457, %add3A_458 : i32
      %dma_start3A_460 = arith.constant 0 : i32
      %dma_start3A_461 = tpu.memref_slice %arg6[%add3A_459, %dma_start3A_460] : memref<80x125xi32, #tpu.memory_space<vmem>> -> memref<1x125xi32, #tpu.memory_space<vmem>>
      %dma_start3A_462 = tpu.memref_squeeze %dma_start3A_461 : memref<1x125xi32, #tpu.memory_space<vmem>> -> memref<125xi32, #tpu.memory_space<vmem>>
      %dma_start3A_463 = arith.constant 0 : i32
      %dma_start3A_464 = arith.constant 0 : i32
      %dma_start3A_465 = tpu.memref_slice %arg2[%arg0, %dma_start3A_463, %dma_start3A_464] : memref<2x10240x128xf32, #tpu.memory_space<hbm>> -> memref<1x10240x128xf32, #tpu.memory_space<hbm>>
      %dma_start3A_466 = tpu.memref_squeeze %dma_start3A_465 : memref<1x10240x128xf32, #tpu.memory_space<hbm>> -> memref<10240x128xf32, #tpu.memory_space<hbm>>
      %dma_start3A_467 = arith.constant 0 : i32
      %dma_start3A_468 = arith.constant 0 : i32
      %dma_start3A_469 = tpu.memref_slice %dma_start3A_466[%dma_start3A_467, %dma_start3A_468] : memref<10240x128xf32, #tpu.memory_space<hbm>> -> memref<10240x128xf32, #tpu.memory_space<hbm>>
      tpu.enqueue_indirect_dma source(%dma_start3A_469 : memref<10240x128xf32, #tpu.memory_space<hbm>>) target(%arg8 : memref<125x128xf32, #tpu.memory_space<vmem>>) offsets(%dma_start3A_462 : memref<125xi32, #tpu.memory_space<vmem>>) semaphore(%arg11 : memref<!tpu.dma_semaphore, #tpu.memory_space<semaphore_mem>>)
      %dma_wait3A_470 = arith.constant 0 : i32
      %dma_wait3A_471 = tpu.memref_slice %arg6[%add3A_457, %dma_wait3A_470] : memref<80x125xi32, #tpu.memory_space<vmem>> -> memref<1x125xi32, #tpu.memory_space<vmem>>
      %dma_wait3A_472 = tpu.memref_squeeze %dma_wait3A_471 : memref<1x125xi32, #tpu.memory_space<vmem>> -> memref<125xi32, #tpu.memory_space<vmem>>
      %dma_wait3A_473 = arith.constant 0 : i32
      %dma_wait3A_474 = arith.constant 0 : i32
      %dma_wait3A_475 = tpu.memref_slice %arg2[%arg0, %dma_wait3A_473, %dma_wait3A_474] : memref<2x10240x128xf32, #tpu.memory_space<hbm>> -> memref<1x10240x128xf32, #tpu.memory_space<hbm>>
      %dma_wait3A_476 = tpu.memref_squeeze %dma_wait3A_475 : memref<1x10240x128xf32, #tpu.memory_space<hbm>> -> memref<10240x128xf32, #tpu.memory_space<hbm>>
      %dma_wait3A_477 = arith.constant 0 : i32
      %dma_wait3A_478 = arith.constant 0 : i32
      %dma_wait3A_479 = tpu.memref_slice %dma_wait3A_476[%dma_wait3A_477, %dma_wait3A_478] : memref<10240x128xf32, #tpu.memory_space<hbm>> -> memref<10240x128xf32, #tpu.memory_space<hbm>>
      tpu.wait_indirect_dma semaphore(%arg12 : memref<!tpu.dma_semaphore, #tpu.memory_space<semaphore_mem>>) src(%dma_wait3A_479 : memref<10240x128xf32, #tpu.memory_space<hbm>>) dst(%arg9 : memref<125x128xf32, #tpu.memory_space<vmem>>)
      %rem3A_480 = arith.constant 2 : i32
      %rem3A_481 = arith.remsi %scan3A_39, %rem3A_480 : i32
      %mul3A_482 = arith.constant 16 : i32
      %mul3A_483 = arith.muli %rem3A_481, %mul3A_482 : i32
      %add3A_484 = arith.constant 13 : i32
      %add3A_485 = arith.addi %mul3A_483, %add3A_484 : i32
      "tpu.region"() ({
        %run_scoped3A = tpu.sem_alloc : memref<!tpu.dma_semaphore, #tpu.memory_space<semaphore_mem>>
        %dma_start3A_541 = arith.constant 0 : i32
        %dma_start3A_542 = tpu.memref_slice %arg7[%add3A_485, %dma_start3A_541] : memref<32x125xi32, #tpu.memory_space<vmem>> -> memref<1x125xi32, #tpu.memory_space<vmem>>
        %dma_start3A_543 = tpu.memref_squeeze %dma_start3A_542 : memref<1x125xi32, #tpu.memory_space<vmem>> -> memref<125xi32, #tpu.memory_space<vmem>>
        %dma_start3A_544 = arith.constant 0 : i32
        %dma_start3A_545 = arith.constant 0 : i32
        %dma_start3A_546 = tpu.memref_slice %arg10[%dma_start3A_544, %dma_start3A_545] : memref<10240x128xf32, #tpu.memory_space<vmem_shared>> -> memref<10240x128xf32, #tpu.memory_space<vmem_shared>>
        tpu.enqueue_indirect_dma source(%arg9 : memref<125x128xf32, #tpu.memory_space<vmem>>) target(%dma_start3A_546 : memref<10240x128xf32, #tpu.memory_space<vmem_shared>>) offsets(%dma_start3A_543 : memref<125xi32, #tpu.memory_space<vmem>>) semaphore(%run_scoped3A : memref<!tpu.dma_semaphore, #tpu.memory_space<semaphore_mem>>) {add = true}
        %dma_wait3A_547 = arith.constant 0 : i32
        %dma_wait3A_548 = tpu.memref_slice %arg7[%add3A_485, %dma_wait3A_547] : memref<32x125xi32, #tpu.memory_space<vmem>> -> memref<1x125xi32, #tpu.memory_space<vmem>>
        %dma_wait3A_549 = tpu.memref_squeeze %dma_wait3A_548 : memref<1x125xi32, #tpu.memory_space<vmem>> -> memref<125xi32, #tpu.memory_space<vmem>>
        %dma_wait3A_550 = arith.constant 0 : i32
        %dma_wait3A_551 = arith.constant 0 : i32
        %dma_wait3A_552 = tpu.memref_slice %arg10[%dma_wait3A_550, %dma_wait3A_551] : memref<10240x128xf32, #tpu.memory_space<vmem_shared>> -> memref<10240x128xf32, #tpu.memory_space<vmem_shared>>
        tpu.wait_indirect_dma semaphore(%run_scoped3A : memref<!tpu.dma_semaphore, #tpu.memory_space<semaphore_mem>>) src(%arg9 : memref<125x128xf32, #tpu.memory_space<vmem>>) dst(%dma_wait3A_552 : memref<10240x128xf32, #tpu.memory_space<vmem_shared>>)
        tpu.yield
      }) : () -> ()
      %add3A_486 = arith.constant 14 : i32
      %add3A_487 = arith.addi %mul3A_41, %add3A_486 : i32
      %add3A_488 = arith.constant 1 : i32
      %add3A_489 = arith.addi %add3A_487, %add3A_488 : i32
      %dma_start3A_490 = arith.constant 0 : i32
      %dma_start3A_491 = tpu.memref_slice %arg6[%add3A_489, %dma_start3A_490] : memref<80x125xi32, #tpu.memory_space<vmem>> -> memref<1x125xi32, #tpu.memory_space<vmem>>
      %dma_start3A_492 = tpu.memref_squeeze %dma_start3A_491 : memref<1x125xi32, #tpu.memory_space<vmem>> -> memref<125xi32, #tpu.memory_space<vmem>>
      %dma_start3A_493 = arith.constant 0 : i32
      %dma_start3A_494 = arith.constant 0 : i32
      %dma_start3A_495 = tpu.memref_slice %arg2[%arg0, %dma_start3A_493, %dma_start3A_494] : memref<2x10240x128xf32, #tpu.memory_space<hbm>> -> memref<1x10240x128xf32, #tpu.memory_space<hbm>>
      %dma_start3A_496 = tpu.memref_squeeze %dma_start3A_495 : memref<1x10240x128xf32, #tpu.memory_space<hbm>> -> memref<10240x128xf32, #tpu.memory_space<hbm>>
      %dma_start3A_497 = arith.constant 0 : i32
      %dma_start3A_498 = arith.constant 0 : i32
      %dma_start3A_499 = tpu.memref_slice %dma_start3A_496[%dma_start3A_497, %dma_start3A_498] : memref<10240x128xf32, #tpu.memory_space<hbm>> -> memref<10240x128xf32, #tpu.memory_space<hbm>>
      tpu.enqueue_indirect_dma source(%dma_start3A_499 : memref<10240x128xf32, #tpu.memory_space<hbm>>) target(%arg9 : memref<125x128xf32, #tpu.memory_space<vmem>>) offsets(%dma_start3A_492 : memref<125xi32, #tpu.memory_space<vmem>>) semaphore(%arg12 : memref<!tpu.dma_semaphore, #tpu.memory_space<semaphore_mem>>)
      %dma_wait3A_500 = arith.constant 0 : i32
      %dma_wait3A_501 = tpu.memref_slice %arg6[%add3A_487, %dma_wait3A_500] : memref<80x125xi32, #tpu.memory_space<vmem>> -> memref<1x125xi32, #tpu.memory_space<vmem>>
      %dma_wait3A_502 = tpu.memref_squeeze %dma_wait3A_501 : memref<1x125xi32, #tpu.memory_space<vmem>> -> memref<125xi32, #tpu.memory_space<vmem>>
      %dma_wait3A_503 = arith.constant 0 : i32
      %dma_wait3A_504 = arith.constant 0 : i32
      %dma_wait3A_505 = tpu.memref_slice %arg2[%arg0, %dma_wait3A_503, %dma_wait3A_504] : memref<2x10240x128xf32, #tpu.memory_space<hbm>> -> memref<1x10240x128xf32, #tpu.memory_space<hbm>>
      %dma_wait3A_506 = tpu.memref_squeeze %dma_wait3A_505 : memref<1x10240x128xf32, #tpu.memory_space<hbm>> -> memref<10240x128xf32, #tpu.memory_space<hbm>>
      %dma_wait3A_507 = arith.constant 0 : i32
      %dma_wait3A_508 = arith.constant 0 : i32
      %dma_wait3A_509 = tpu.memref_slice %dma_wait3A_506[%dma_wait3A_507, %dma_wait3A_508] : memref<10240x128xf32, #tpu.memory_space<hbm>> -> memref<10240x128xf32, #tpu.memory_space<hbm>>
      tpu.wait_indirect_dma semaphore(%arg11 : memref<!tpu.dma_semaphore, #tpu.memory_space<semaphore_mem>>) src(%dma_wait3A_509 : memref<10240x128xf32, #tpu.memory_space<hbm>>) dst(%arg8 : memref<125x128xf32, #tpu.memory_space<vmem>>)
      %rem3A_510 = arith.constant 2 : i32
      %rem3A_511 = arith.remsi %scan3A_39, %rem3A_510 : i32
      %mul3A_512 = arith.constant 16 : i32
      %mul3A_513 = arith.muli %rem3A_511, %mul3A_512 : i32
      %add3A_514 = arith.constant 14 : i32
      %add3A_515 = arith.addi %mul3A_513, %add3A_514 : i32
      "tpu.region"() ({
        %run_scoped3A = tpu.sem_alloc : memref<!tpu.dma_semaphore, #tpu.memory_space<semaphore_mem>>
        %dma_start3A_541 = arith.constant 0 : i32
        %dma_start3A_542 = tpu.memref_slice %arg7[%add3A_515, %dma_start3A_541] : memref<32x125xi32, #tpu.memory_space<vmem>> -> memref<1x125xi32, #tpu.memory_space<vmem>>
        %dma_start3A_543 = tpu.memref_squeeze %dma_start3A_542 : memref<1x125xi32, #tpu.memory_space<vmem>> -> memref<125xi32, #tpu.memory_space<vmem>>
        %dma_start3A_544 = arith.constant 0 : i32
        %dma_start3A_545 = arith.constant 0 : i32
        %dma_start3A_546 = tpu.memref_slice %arg10[%dma_start3A_544, %dma_start3A_545] : memref<10240x128xf32, #tpu.memory_space<vmem_shared>> -> memref<10240x128xf32, #tpu.memory_space<vmem_shared>>
        tpu.enqueue_indirect_dma source(%arg8 : memref<125x128xf32, #tpu.memory_space<vmem>>) target(%dma_start3A_546 : memref<10240x128xf32, #tpu.memory_space<vmem_shared>>) offsets(%dma_start3A_543 : memref<125xi32, #tpu.memory_space<vmem>>) semaphore(%run_scoped3A : memref<!tpu.dma_semaphore, #tpu.memory_space<semaphore_mem>>) {add = true}
        %dma_wait3A_547 = arith.constant 0 : i32
        %dma_wait3A_548 = tpu.memref_slice %arg7[%add3A_515, %dma_wait3A_547] : memref<32x125xi32, #tpu.memory_space<vmem>> -> memref<1x125xi32, #tpu.memory_space<vmem>>
        %dma_wait3A_549 = tpu.memref_squeeze %dma_wait3A_548 : memref<1x125xi32, #tpu.memory_space<vmem>> -> memref<125xi32, #tpu.memory_space<vmem>>
        %dma_wait3A_550 = arith.constant 0 : i32
        %dma_wait3A_551 = arith.constant 0 : i32
        %dma_wait3A_552 = tpu.memref_slice %arg10[%dma_wait3A_550, %dma_wait3A_551] : memref<10240x128xf32, #tpu.memory_space<vmem_shared>> -> memref<10240x128xf32, #tpu.memory_space<vmem_shared>>
        tpu.wait_indirect_dma semaphore(%run_scoped3A : memref<!tpu.dma_semaphore, #tpu.memory_space<semaphore_mem>>) src(%arg8 : memref<125x128xf32, #tpu.memory_space<vmem>>) dst(%dma_wait3A_552 : memref<10240x128xf32, #tpu.memory_space<vmem_shared>>)
        tpu.yield
      }) : () -> ()
      %add3A_516 = arith.constant 15 : i32
      %add3A_517 = arith.addi %mul3A_41, %add3A_516 : i32
      %add3A_518 = arith.constant 1 : i32
      %add3A_519 = arith.addi %scan3A_39, %add3A_518 : i32
      %lt3A_520 = arith.constant 5 : i32
      %lt3A_521 = arith.cmpi slt, %add3A_519, %lt3A_520 : i32
      %convert_element_type3A_522 = arith.extui %lt3A_521 : i1 to i32
      %cond3A_523 = arith.constant 0 : i32
      %cond3A_524 = arith.cmpi ne, %convert_element_type3A_522, %cond3A_523 : i32
      scf.if %cond3A_524 {
        %add3A_541 = arith.constant 1 : i32
        %add3A_542 = arith.addi %add3A_517, %add3A_541 : i32
        %dma_start3A_543 = arith.constant 0 : i32
        %dma_start3A_544 = tpu.memref_slice %arg6[%add3A_542, %dma_start3A_543] : memref<80x125xi32, #tpu.memory_space<vmem>> -> memref<1x125xi32, #tpu.memory_space<vmem>>
        %dma_start3A_545 = tpu.memref_squeeze %dma_start3A_544 : memref<1x125xi32, #tpu.memory_space<vmem>> -> memref<125xi32, #tpu.memory_space<vmem>>
        %dma_start3A_546 = arith.constant 0 : i32
        %dma_start3A_547 = arith.constant 0 : i32
        %dma_start3A_548 = tpu.memref_slice %arg2[%arg0, %dma_start3A_546, %dma_start3A_547] : memref<2x10240x128xf32, #tpu.memory_space<hbm>> -> memref<1x10240x128xf32, #tpu.memory_space<hbm>>
        %dma_start3A_549 = tpu.memref_squeeze %dma_start3A_548 : memref<1x10240x128xf32, #tpu.memory_space<hbm>> -> memref<10240x128xf32, #tpu.memory_space<hbm>>
        %dma_start3A_550 = arith.constant 0 : i32
        %dma_start3A_551 = arith.constant 0 : i32
        %dma_start3A_552 = tpu.memref_slice %dma_start3A_549[%dma_start3A_550, %dma_start3A_551] : memref<10240x128xf32, #tpu.memory_space<hbm>> -> memref<10240x128xf32, #tpu.memory_space<hbm>>
        tpu.enqueue_indirect_dma source(%dma_start3A_552 : memref<10240x128xf32, #tpu.memory_space<hbm>>) target(%arg8 : memref<125x128xf32, #tpu.memory_space<vmem>>) offsets(%dma_start3A_545 : memref<125xi32, #tpu.memory_space<vmem>>) semaphore(%arg11 : memref<!tpu.dma_semaphore, #tpu.memory_space<semaphore_mem>>)
      } else {
      }
      %dma_wait3A_525 = arith.constant 0 : i32
      %dma_wait3A_526 = tpu.memref_slice %arg6[%add3A_517, %dma_wait3A_525] : memref<80x125xi32, #tpu.memory_space<vmem>> -> memref<1x125xi32, #tpu.memory_space<vmem>>
      %dma_wait3A_527 = tpu.memref_squeeze %dma_wait3A_526 : memref<1x125xi32, #tpu.memory_space<vmem>> -> memref<125xi32, #tpu.memory_space<vmem>>
      %dma_wait3A_528 = arith.constant 0 : i32
      %dma_wait3A_529 = arith.constant 0 : i32
      %dma_wait3A_530 = tpu.memref_slice %arg2[%arg0, %dma_wait3A_528, %dma_wait3A_529] : memref<2x10240x128xf32, #tpu.memory_space<hbm>> -> memref<1x10240x128xf32, #tpu.memory_space<hbm>>
      %dma_wait3A_531 = tpu.memref_squeeze %dma_wait3A_530 : memref<1x10240x128xf32, #tpu.memory_space<hbm>> -> memref<10240x128xf32, #tpu.memory_space<hbm>>
      %dma_wait3A_532 = arith.constant 0 : i32
      %dma_wait3A_533 = arith.constant 0 : i32
      %dma_wait3A_534 = tpu.memref_slice %dma_wait3A_531[%dma_wait3A_532, %dma_wait3A_533] : memref<10240x128xf32, #tpu.memory_space<hbm>> -> memref<10240x128xf32, #tpu.memory_space<hbm>>
      tpu.wait_indirect_dma semaphore(%arg12 : memref<!tpu.dma_semaphore, #tpu.memory_space<semaphore_mem>>) src(%dma_wait3A_534 : memref<10240x128xf32, #tpu.memory_space<hbm>>) dst(%arg9 : memref<125x128xf32, #tpu.memory_space<vmem>>)
      %rem3A_535 = arith.constant 2 : i32
      %rem3A_536 = arith.remsi %scan3A_39, %rem3A_535 : i32
      %mul3A_537 = arith.constant 16 : i32
      %mul3A_538 = arith.muli %rem3A_536, %mul3A_537 : i32
      %add3A_539 = arith.constant 15 : i32
      %add3A_540 = arith.addi %mul3A_538, %add3A_539 : i32
      "tpu.region"() ({
        %run_scoped3A = tpu.sem_alloc : memref<!tpu.dma_semaphore, #tpu.memory_space<semaphore_mem>>
        %dma_start3A_541 = arith.constant 0 : i32
        %dma_start3A_542 = tpu.memref_slice %arg7[%add3A_540, %dma_start3A_541] : memref<32x125xi32, #tpu.memory_space<vmem>> -> memref<1x125xi32, #tpu.memory_space<vmem>>
        %dma_start3A_543 = tpu.memref_squeeze %dma_start3A_542 : memref<1x125xi32, #tpu.memory_space<vmem>> -> memref<125xi32, #tpu.memory_space<vmem>>
        %dma_start3A_544 = arith.constant 0 : i32
        %dma_start3A_545 = arith.constant 0 : i32
        %dma_start3A_546 = tpu.memref_slice %arg10[%dma_start3A_544, %dma_start3A_545] : memref<10240x128xf32, #tpu.memory_space<vmem_shared>> -> memref<10240x128xf32, #tpu.memory_space<vmem_shared>>
        tpu.enqueue_indirect_dma source(%arg9 : memref<125x128xf32, #tpu.memory_space<vmem>>) target(%dma_start3A_546 : memref<10240x128xf32, #tpu.memory_space<vmem_shared>>) offsets(%dma_start3A_543 : memref<125xi32, #tpu.memory_space<vmem>>) semaphore(%run_scoped3A : memref<!tpu.dma_semaphore, #tpu.memory_space<semaphore_mem>>) {add = true}
        %dma_wait3A_547 = arith.constant 0 : i32
        %dma_wait3A_548 = tpu.memref_slice %arg7[%add3A_540, %dma_wait3A_547] : memref<32x125xi32, #tpu.memory_space<vmem>> -> memref<1x125xi32, #tpu.memory_space<vmem>>
        %dma_wait3A_549 = tpu.memref_squeeze %dma_wait3A_548 : memref<1x125xi32, #tpu.memory_space<vmem>> -> memref<125xi32, #tpu.memory_space<vmem>>
        %dma_wait3A_550 = arith.constant 0 : i32
        %dma_wait3A_551 = arith.constant 0 : i32
        %dma_wait3A_552 = tpu.memref_slice %arg10[%dma_wait3A_550, %dma_wait3A_551] : memref<10240x128xf32, #tpu.memory_space<vmem_shared>> -> memref<10240x128xf32, #tpu.memory_space<vmem_shared>>
        tpu.wait_indirect_dma semaphore(%run_scoped3A : memref<!tpu.dma_semaphore, #tpu.memory_space<semaphore_mem>>) src(%arg9 : memref<125x128xf32, #tpu.memory_space<vmem>>) dst(%dma_wait3A_552 : memref<10240x128xf32, #tpu.memory_space<vmem_shared>>)
        tpu.yield
      }) : () -> ()
    }
    %scan3A_37 = arith.constant 5 : i32
    %barrier3A_38 = arith.constant 0 : index
    tpu.barrier barrier_id(%barrier3A_38)
    "tpu.region"() ({
      %run_scoped3A = tpu.sem_alloc : memref<!tpu.dma_semaphore, #tpu.memory_space<semaphore_mem>>
      %dma_start3A_39 = arith.constant 0 : i32
      %dma_start3A_40 = arith.constant 0 : i32
      %dma_start3A_41 = tpu.memref_slice %arg5[%arg0, %dma_start3A_39, %dma_start3A_40] : memref<2x10240x128xf32, #tpu.memory_space<hbm>> -> memref<1x10240x128xf32, #tpu.memory_space<hbm>>
      %dma_start3A_42 = tpu.memref_squeeze %dma_start3A_41 : memref<1x10240x128xf32, #tpu.memory_space<hbm>> -> memref<10240x128xf32, #tpu.memory_space<hbm>>
      %dma_start3A_43 = arith.constant 0 : i32
      %dma_start3A_44 = tpu.memref_slice %dma_start3A_42[%mul3A_0, %dma_start3A_43] : memref<10240x128xf32, #tpu.memory_space<hbm>> -> memref<640x128xf32, #tpu.memory_space<hbm>>
      %dma_start3A_45 = arith.constant 0 : i32
      %dma_start3A_46 = tpu.memref_slice %arg10[%mul3A_0, %dma_start3A_45] : memref<10240x128xf32, #tpu.memory_space<vmem_shared>> -> memref<640x128xf32, #tpu.memory_space<vmem_shared>>
      tpu.enqueue_dma source(%dma_start3A_46 : memref<640x128xf32, #tpu.memory_space<vmem_shared>>) target(%dma_start3A_44 : memref<640x128xf32, #tpu.memory_space<hbm>>) target_semaphore(%run_scoped3A : memref<!tpu.dma_semaphore, #tpu.memory_space<semaphore_mem>>)
      %dma_wait3A = arith.constant 0 : i32
      %dma_wait3A_47 = arith.constant 0 : i32
      %dma_wait3A_48 = tpu.memref_slice %arg5[%arg0, %dma_wait3A, %dma_wait3A_47] : memref<2x10240x128xf32, #tpu.memory_space<hbm>> -> memref<1x10240x128xf32, #tpu.memory_space<hbm>>
      %dma_wait3A_49 = tpu.memref_squeeze %dma_wait3A_48 : memref<1x10240x128xf32, #tpu.memory_space<hbm>> -> memref<10240x128xf32, #tpu.memory_space<hbm>>
      %dma_wait3A_50 = arith.constant 0 : i32
      %dma_wait3A_51 = tpu.memref_slice %dma_wait3A_49[%mul3A_0, %dma_wait3A_50] : memref<10240x128xf32, #tpu.memory_space<hbm>> -> memref<640x128xf32, #tpu.memory_space<hbm>>
      %dma_wait3A_52 = arith.constant 0 : i32
      %dma_wait3A_53 = tpu.memref_slice %arg10[%mul3A_0, %dma_wait3A_52] : memref<10240x128xf32, #tpu.memory_space<vmem_shared>> -> memref<640x128xf32, #tpu.memory_space<vmem_shared>>
      tpu.wait_dma2 semaphore(%run_scoped3A : memref<!tpu.dma_semaphore, #tpu.memory_space<semaphore_mem>>) src(%dma_wait3A_53 : memref<640x128xf32, #tpu.memory_space<vmem_shared>>) dst(%dma_wait3A_51 : memref<640x128xf32, #tpu.memory_space<hbm>>)
      tpu.yield
    }) : () -> ()
    return
  }
}

module attributes {stable_mosaic.version = 14 : i64} {
  func.func @_mm1_body(%arg0: i32, %arg1: i32, %arg2: memref<1024x256xf32, #tpu.memory_space<vmem>>, %arg3: memref<256x128xf32, #tpu.memory_space<vmem>>, %arg4: memref<1x1024x128xf32, #tpu.memory_space<vmem>>) attributes {dimension_semantics = [#tpu.dimension_semantics<arbitrary>, #tpu.dimension_semantics<arbitrary>], iteration_bounds = array<i64: 10, 2>, scalar_prefetch = 0 : i64, scratch_operands = 0 : i64, tpu.core_type = #tpu.core_type<tc>, window_params = [{transform_indices = @transform_0, window_bounds = array<i64: 1024, 256>}, {transform_indices = @transform_1, window_bounds = array<i64: 256, 128>}, {transform_indices = @transform_2, window_bounds = array<i64: 1, 1024, 128>}]} {
    %get3A = arith.constant 0 : index
    %get3A_0 = arith.constant 0 : index
    %get3A_1 = vector.load %arg2[%get3A, %get3A_0] : memref<1024x256xf32, #tpu.memory_space<vmem>>, vector<1024x256xf32>
    %get3A_2 = arith.constant 0 : index
    %get3A_3 = arith.constant 0 : index
    %get3A_4 = vector.load %arg3[%get3A_2, %get3A_3] : memref<256x128xf32, #tpu.memory_space<vmem>>, vector<256x128xf32>
    %dot_general3A = arith.constant dense<0.000000e+00> : vector<1024x128xf32>
    %dot_general3A_5 = tpu.matmul %get3A_1, %get3A_4, %dot_general3A {dimension_numbers = #tpu.dot_dimension_numbers<[1], [0], [0], [1], [0, 0, 1, 1], [], []>, transpose_lhs_hint = false} : vector<1024x256xf32>, vector<256x128xf32>, vector<1024x128xf32> -> vector<1024x128xf32>
    %swap3A = arith.constant 0 : index
    %swap3A_6 = arith.constant 0 : index
    %swap3A_7 = arith.constant 0 : index
    %swap3A_8 = vector.load %arg4[%swap3A, %swap3A_6, %swap3A_7] : memref<1x1024x128xf32, #tpu.memory_space<vmem>>, vector<1x1024x128xf32>
    %swap3A_9 = vector.shape_cast %swap3A_8 : vector<1x1024x128xf32> to vector<1024x128xf32>
    %swap3A_10 = vector.shape_cast %dot_general3A_5 : vector<1024x128xf32> to vector<1x1024x128xf32>
    tpu.vector_store %arg4[%swap3A, %swap3A_6, %swap3A_7], %swap3A_10 {strides = array<i32>} : memref<1x1024x128xf32, #tpu.memory_space<vmem>>, vector<1x1024x128xf32>,
    return
  }
  func.func @transform_0(%arg0: i32, %arg1: i32) -> (i32, i32) {
    %c0_i32 = arith.constant 0 : i32
    %c0_i32_0 = arith.constant 0 : i32
    return %arg0, %c0_i32 : i32, i32
  }
  func.func @transform_1(%arg0: i32, %arg1: i32) -> (i32, i32) {
    %c0_i32 = arith.constant 0 : i32
    %c0_i32_0 = arith.constant 0 : i32
    return %c0_i32, %arg1 : i32, i32
  }
  func.func @transform_2(%arg0: i32, %arg1: i32) -> (i32, i32, i32) {
    %c0_i32 = arith.constant 0 : i32
    %c0_i32_0 = arith.constant 0 : i32
    return %arg1, %arg0, %c0_i32 : i32, i32, i32
  }
}

module attributes {stable_mosaic.version = 14 : i64} {
  func.func @_scale_body(%arg0: i32, %arg1: i32, %arg2: memref<1x1024x128xf32, #tpu.memory_space<vmem>>, %arg3: memref<2x1024x16xf32, #tpu.memory_space<vmem>>, %arg4: memref<1x1024x128xf32, #tpu.memory_space<vmem>>) attributes {dimension_semantics = [#tpu.dimension_semantics<arbitrary>, #tpu.dimension_semantics<arbitrary>], iteration_bounds = array<i64: 10, 2>, scalar_prefetch = 0 : i64, scratch_operands = 0 : i64, tpu.core_type = #tpu.core_type<tc>, window_params = [{transform_indices = @transform_0, window_bounds = array<i64: 1, 1024, 128>}, {transform_indices = @transform_1, window_bounds = array<i64: 2, 1024, 16>}, {transform_indices = @transform_2, window_bounds = array<i64: 1, 1024, 128>}]} {
    %get3A = arith.constant 0 : index
    %get3A_0 = arith.constant 0 : index
    %get3A_1 = arith.constant 0 : index
    %get3A_2 = vector.load %arg3[%get3A, %get3A_0, %get3A_1] : memref<2x1024x16xf32, #tpu.memory_space<vmem>>, vector<1x1024x1xf32>
    %get3A_3 = vector.shape_cast %get3A_2 : vector<1x1024x1xf32> to vector<1024x1xf32>
    %get3A_4 = arith.constant 1 : index
    %get3A_5 = arith.constant 0 : index
    %get3A_6 = arith.constant 0 : index
    %get3A_7 = vector.load %arg3[%get3A_4, %get3A_5, %get3A_6] : memref<2x1024x16xf32, #tpu.memory_space<vmem>>, vector<1x1024x1xf32>
    %get3A_8 = vector.shape_cast %get3A_7 : vector<1x1024x1xf32> to vector<1024x1xf32>
    %add3A = arith.addf %get3A_3, %get3A_8 : vector<1024x1xf32>
    %rsqrt3A = math.rsqrt %add3A : vector<1024x1xf32>
    %get3A_9 = arith.constant 0 : index
    %get3A_10 = arith.constant 0 : index
    %get3A_11 = arith.constant 0 : index
    %get3A_12 = vector.load %arg2[%get3A_9, %get3A_10, %get3A_11] : memref<1x1024x128xf32, #tpu.memory_space<vmem>>, vector<1x1024x128xf32>
    %broadcast_in_dim3A = vector.shape_cast %rsqrt3A : vector<1024x1xf32> to vector<1x1024x1xf32>
    %mul3A = vector.broadcast %broadcast_in_dim3A : vector<1x1024x1xf32> to vector<1x1024x128xf32>
    %mul3A_13 = arith.mulf %mul3A, %get3A_12 : vector<1x1024x128xf32>
    %swap3A = arith.constant 0 : index
    %swap3A_14 = arith.constant 0 : index
    %swap3A_15 = arith.constant 0 : index
    %swap3A_16 = vector.load %arg4[%swap3A, %swap3A_14, %swap3A_15] : memref<1x1024x128xf32, #tpu.memory_space<vmem>>, vector<1x1024x128xf32>
    tpu.vector_store %arg4[%swap3A, %swap3A_14, %swap3A_15], %mul3A_13 {strides = array<i32>} : memref<1x1024x128xf32, #tpu.memory_space<vmem>>, vector<1x1024x128xf32>,
    return
  }
  func.func @transform_0(%arg0: i32, %arg1: i32) -> (i32, i32, i32) {
    %c0_i32 = arith.constant 0 : i32
    %c0_i32_0 = arith.constant 0 : i32
    return %arg1, %arg0, %c0_i32 : i32, i32, i32
  }
  func.func @transform_1(%arg0: i32, %arg1: i32) -> (i32, i32, i32) {
    %c0_i32 = arith.constant 0 : i32
    %c0_i32_0 = arith.constant 0 : i32
    %c0_i32_1 = arith.constant 0 : i32
    return %c0_i32, %arg0, %c0_i32_0 : i32, i32, i32
  }
  func.func @transform_2(%arg0: i32, %arg1: i32) -> (i32, i32, i32) {
    %c0_i32 = arith.constant 0 : i32
    %c0_i32_0 = arith.constant 0 : i32
    return %arg1, %arg0, %c0_i32 : i32, i32, i32
  }
}

module attributes {stable_mosaic.version = 14 : i64} {
  func.func @_mm_fused_body(%arg0: i32, %arg1: i32, %arg2: memref<2x1024x128xf32, #tpu.memory_space<vmem>>, %arg3: memref<256x128xf32, #tpu.memory_space<vmem>>, %arg4: memref<2x1024x16xf32, #tpu.memory_space<vmem>>, %arg5: memref<1x256xf32, #tpu.memory_space<vmem>>, %arg6: memref<1x1024x128xf32, #tpu.memory_space<vmem>>) attributes {dimension_semantics = [#tpu.dimension_semantics<arbitrary>, #tpu.dimension_semantics<arbitrary>], iteration_bounds = array<i64: 10, 2>, scalar_prefetch = 0 : i64, scratch_operands = 0 : i64, tpu.core_type = #tpu.core_type<tc>, window_params = [{transform_indices = @transform_0, window_bounds = array<i64: 2, 1024, 128>}, {transform_indices = @transform_1, window_bounds = array<i64: 256, 128>}, {transform_indices = @transform_2, window_bounds = array<i64: 2, 1024, 16>}, {pipeline_mode = #tpu.pipeline_mode<synchronous>, transform_indices = @transform_3, window_bounds = array<i64: 1, 256>}, {transform_indices = @transform_4, window_bounds = array<i64: 1, 1024, 128>}]} {
    %get3A = arith.constant 0 : index
    %get3A_0 = arith.constant 0 : index
    %get3A_1 = arith.constant 0 : index
    %get3A_2 = vector.load %arg4[%get3A, %get3A_0, %get3A_1] : memref<2x1024x16xf32, #tpu.memory_space<vmem>>, vector<1x1024x1xf32>
    %get3A_3 = vector.shape_cast %get3A_2 : vector<1x1024x1xf32> to vector<1024x1xf32>
    %get3A_4 = arith.constant 1 : index
    %get3A_5 = arith.constant 0 : index
    %get3A_6 = arith.constant 0 : index
    %get3A_7 = vector.load %arg4[%get3A_4, %get3A_5, %get3A_6] : memref<2x1024x16xf32, #tpu.memory_space<vmem>>, vector<1x1024x1xf32>
    %get3A_8 = vector.shape_cast %get3A_7 : vector<1x1024x1xf32> to vector<1024x1xf32>
    %add3A = arith.addf %get3A_3, %get3A_8 : vector<1024x1xf32>
    %rsqrt3A = math.rsqrt %add3A : vector<1024x1xf32>
    %get3A_9 = arith.constant 0 : index
    %get3A_10 = arith.constant 0 : index
    %get3A_11 = arith.constant 0 : index
    %get3A_12 = vector.load %arg2[%get3A_9, %get3A_10, %get3A_11] : memref<2x1024x128xf32, #tpu.memory_space<vmem>>, vector<1x1024x128xf32>
    %get3A_13 = vector.shape_cast %get3A_12 : vector<1x1024x128xf32> to vector<1024x128xf32>
    %get3A_14 = arith.constant 1 : index
    %get3A_15 = arith.constant 0 : index
    %get3A_16 = arith.constant 0 : index
    %get3A_17 = vector.load %arg2[%get3A_14, %get3A_15, %get3A_16] : memref<2x1024x128xf32, #tpu.memory_space<vmem>>, vector<1x1024x128xf32>
    %get3A_18 = vector.shape_cast %get3A_17 : vector<1x1024x128xf32> to vector<1024x128xf32>
    %concatenate3A = tpu.concatenate %get3A_13, %get3A_18 in 1 : vector<1024x128xf32>, vector<1024x128xf32> -> vector<1024x256xf32>
    %mul3A = vector.broadcast %rsqrt3A : vector<1024x1xf32> to vector<1024x256xf32>
    %mul3A_19 = arith.mulf %mul3A, %concatenate3A : vector<1024x256xf32>
    %get3A_20 = arith.constant 0 : index
    %get3A_21 = arith.constant 0 : index
    %get3A_22 = vector.load %arg5[%get3A_20, %get3A_21] : memref<1x256xf32, #tpu.memory_space<vmem>>, vector<1x256xf32>
    %add3A_23 = vector.broadcast %get3A_22 : vector<1x256xf32> to vector<1024x256xf32>
    %add3A_24 = arith.addf %mul3A_19, %add3A_23 : vector<1024x256xf32>
    %max3A = arith.constant 0.000000e+00 : f32
    %max3A_25 = vector.broadcast %max3A : f32 to vector<1024x256xf32>
    %max3A_26 = arith.maximumf %add3A_24, %max3A_25 : vector<1024x256xf32>
    %get3A_27 = arith.constant 0 : index
    %get3A_28 = arith.constant 0 : index
    %get3A_29 = vector.load %arg3[%get3A_27, %get3A_28] : memref<256x128xf32, #tpu.memory_space<vmem>>, vector<256x128xf32>
    %dot_general3A = arith.constant dense<0.000000e+00> : vector<1024x128xf32>
    %dot_general3A_30 = tpu.matmul %max3A_26, %get3A_29, %dot_general3A {dimension_numbers = #tpu.dot_dimension_numbers<[1], [0], [0], [1], [0, 0, 1, 1], [], []>, transpose_lhs_hint = false} : vector<1024x256xf32>, vector<256x128xf32>, vector<1024x128xf32> -> vector<1024x128xf32>
    %mul3A_31 = vector.broadcast %rsqrt3A : vector<1024x1xf32> to vector<1024x128xf32>
    %mul3A_32 = arith.mulf %mul3A_31, %dot_general3A_30 : vector<1024x128xf32>
    %swap3A = arith.constant 0 : index
    %swap3A_33 = arith.constant 0 : index
    %swap3A_34 = arith.constant 0 : index
    %swap3A_35 = vector.load %arg6[%swap3A, %swap3A_33, %swap3A_34] : memref<1x1024x128xf32, #tpu.memory_space<vmem>>, vector<1x1024x128xf32>
    %swap3A_36 = vector.shape_cast %swap3A_35 : vector<1x1024x128xf32> to vector<1024x128xf32>
    %swap3A_37 = vector.shape_cast %mul3A_32 : vector<1024x128xf32> to vector<1x1024x128xf32>
    tpu.vector_store %arg6[%swap3A, %swap3A_33, %swap3A_34], %swap3A_37 {strides = array<i32>} : memref<1x1024x128xf32, #tpu.memory_space<vmem>>, vector<1x1024x128xf32>,
    return
  }
  func.func @transform_0(%arg0: i32, %arg1: i32) -> (i32, i32, i32) {
    %c0_i32 = arith.constant 0 : i32
    %c0_i32_0 = arith.constant 0 : i32
    %c0_i32_1 = arith.constant 0 : i32
    return %c0_i32, %arg0, %c0_i32_0 : i32, i32, i32
  }
  func.func @transform_1(%arg0: i32, %arg1: i32) -> (i32, i32) {
    %c0_i32 = arith.constant 0 : i32
    %c0_i32_0 = arith.constant 0 : i32
    return %c0_i32, %arg1 : i32, i32
  }
  func.func @transform_2(%arg0: i32, %arg1: i32) -> (i32, i32, i32) {
    %c0_i32 = arith.constant 0 : i32
    %c0_i32_0 = arith.constant 0 : i32
    %c0_i32_1 = arith.constant 0 : i32
    return %c0_i32, %arg0, %c0_i32_0 : i32, i32, i32
  }
  func.func @transform_3(%arg0: i32, %arg1: i32) -> (i32, i32) {
    %c0_i32 = arith.constant 0 : i32
    %c0_i32_0 = arith.constant 0 : i32
    %c0_i32_1 = arith.constant 0 : i32
    return %c0_i32, %c0_i32_0 : i32, i32
  }
  func.func @transform_4(%arg0: i32, %arg1: i32) -> (i32, i32, i32) {
    %c0_i32 = arith.constant 0 : i32
    %c0_i32_0 = arith.constant 0 : i32
    return %arg1, %arg0, %c0_i32 : i32, i32, i32
  }
}

module attributes {stable_mosaic.version = 14 : i64} {
  func.func @_final_body(%arg0: i32, %arg1: memref<2x1024x128xf32, #tpu.memory_space<vmem>>, %arg2: memref<2x1024x16xf32, #tpu.memory_space<vmem>>, %arg3: memref<1x256xf32, #tpu.memory_space<vmem>>, %arg4: memref<1024x256xf32, #tpu.memory_space<vmem>>) attributes {dimension_semantics = [#tpu.dimension_semantics<arbitrary>], iteration_bounds = array<i64: 10>, scalar_prefetch = 0 : i64, scratch_operands = 0 : i64, tpu.core_type = #tpu.core_type<tc>, window_params = [{transform_indices = @transform_0, window_bounds = array<i64: 2, 1024, 128>}, {transform_indices = @transform_1, window_bounds = array<i64: 2, 1024, 16>}, {pipeline_mode = #tpu.pipeline_mode<synchronous>, transform_indices = @transform_2, window_bounds = array<i64: 1, 256>}, {transform_indices = @transform_3, window_bounds = array<i64: 1024, 256>}]} {
    %get3A = arith.constant 0 : index
    %get3A_0 = arith.constant 0 : index
    %get3A_1 = arith.constant 0 : index
    %get3A_2 = vector.load %arg2[%get3A, %get3A_0, %get3A_1] : memref<2x1024x16xf32, #tpu.memory_space<vmem>>, vector<1x1024x1xf32>
    %get3A_3 = vector.shape_cast %get3A_2 : vector<1x1024x1xf32> to vector<1024x1xf32>
    %get3A_4 = arith.constant 1 : index
    %get3A_5 = arith.constant 0 : index
    %get3A_6 = arith.constant 0 : index
    %get3A_7 = vector.load %arg2[%get3A_4, %get3A_5, %get3A_6] : memref<2x1024x16xf32, #tpu.memory_space<vmem>>, vector<1x1024x1xf32>
    %get3A_8 = vector.shape_cast %get3A_7 : vector<1x1024x1xf32> to vector<1024x1xf32>
    %add3A = arith.addf %get3A_3, %get3A_8 : vector<1024x1xf32>
    %rsqrt3A = math.rsqrt %add3A : vector<1024x1xf32>
    %get3A_9 = arith.constant 0 : index
    %get3A_10 = arith.constant 0 : index
    %get3A_11 = arith.constant 0 : index
    %get3A_12 = vector.load %arg1[%get3A_9, %get3A_10, %get3A_11] : memref<2x1024x128xf32, #tpu.memory_space<vmem>>, vector<1x1024x128xf32>
    %get3A_13 = vector.shape_cast %get3A_12 : vector<1x1024x128xf32> to vector<1024x128xf32>
    %get3A_14 = arith.constant 1 : index
    %get3A_15 = arith.constant 0 : index
    %get3A_16 = arith.constant 0 : index
    %get3A_17 = vector.load %arg1[%get3A_14, %get3A_15, %get3A_16] : memref<2x1024x128xf32, #tpu.memory_space<vmem>>, vector<1x1024x128xf32>
    %get3A_18 = vector.shape_cast %get3A_17 : vector<1x1024x128xf32> to vector<1024x128xf32>
    %concatenate3A = tpu.concatenate %get3A_13, %get3A_18 in 1 : vector<1024x128xf32>, vector<1024x128xf32> -> vector<1024x256xf32>
    %mul3A = vector.broadcast %rsqrt3A : vector<1024x1xf32> to vector<1024x256xf32>
    %mul3A_19 = arith.mulf %mul3A, %concatenate3A : vector<1024x256xf32>
    %get3A_20 = arith.constant 0 : index
    %get3A_21 = arith.constant 0 : index
    %get3A_22 = vector.load %arg3[%get3A_20, %get3A_21] : memref<1x256xf32, #tpu.memory_space<vmem>>, vector<1x256xf32>
    %add3A_23 = vector.broadcast %get3A_22 : vector<1x256xf32> to vector<1024x256xf32>
    %add3A_24 = arith.addf %mul3A_19, %add3A_23 : vector<1024x256xf32>
    %reduce_max3A = arith.constant dense<0xFF800000> : vector<1024xf32>
    %reduce_max3A_25 = vector.multi_reduction <maximumf>, %add3A_24, %reduce_max3A [1] : vector<1024x256xf32> to vector<1024xf32>
    %broadcast_in_dim3A = vector.shape_cast %reduce_max3A_25 : vector<1024xf32> to vector<1024x1xf32>
    %sub3A = vector.broadcast %broadcast_in_dim3A : vector<1024x1xf32> to vector<1024x256xf32>
    %sub3A_26 = arith.subf %add3A_24, %sub3A : vector<1024x256xf32>
    %exp3A = math.exp %sub3A_26 : vector<1024x256xf32>
    %reduce_sum3A = arith.constant dense<0.000000e+00> : vector<1024xf32>
    %reduce_sum3A_27 = vector.multi_reduction <add>, %exp3A, %reduce_sum3A [1] : vector<1024x256xf32> to vector<1024xf32>
    %broadcast_in_dim3A_28 = vector.shape_cast %reduce_sum3A_27 : vector<1024xf32> to vector<1024x1xf32>
    %log3A = math.log %broadcast_in_dim3A_28 : vector<1024x1xf32>
    %add3A_29 = arith.addf %broadcast_in_dim3A, %log3A : vector<1024x1xf32>
    %sub3A_30 = vector.broadcast %add3A_29 : vector<1024x1xf32> to vector<1024x256xf32>
    %sub3A_31 = arith.subf %add3A_24, %sub3A_30 : vector<1024x256xf32>
    %swap3A = arith.constant 0 : index
    %swap3A_32 = arith.constant 0 : index
    %swap3A_33 = vector.load %arg4[%swap3A, %swap3A_32] : memref<1024x256xf32, #tpu.memory_space<vmem>>, vector<1024x256xf32>
    tpu.vector_store %arg4[%swap3A, %swap3A_32], %sub3A_31 {strides = array<i32>} : memref<1024x256xf32, #tpu.memory_space<vmem>>, vector<1024x256xf32>,
    return
  }
  func.func @transform_0(%arg0: i32) -> (i32, i32, i32) {
    %c0_i32 = arith.constant 0 : i32
    %c0_i32_0 = arith.constant 0 : i32
    %c0_i32_1 = arith.constant 0 : i32
    return %c0_i32, %arg0, %c0_i32_0 : i32, i32, i32
  }
  func.func @transform_1(%arg0: i32) -> (i32, i32, i32) {
    %c0_i32 = arith.constant 0 : i32
    %c0_i32_0 = arith.constant 0 : i32
    %c0_i32_1 = arith.constant 0 : i32
    return %c0_i32, %arg0, %c0_i32_0 : i32, i32, i32
  }
  func.func @transform_2(%arg0: i32) -> (i32, i32) {
    %c0_i32 = arith.constant 0 : i32
    %c0_i32_0 = arith.constant 0 : i32
    %c0_i32_1 = arith.constant 0 : i32
    return %c0_i32, %c0_i32_0 : i32, i32
  }
  func.func @transform_3(%arg0: i32) -> (i32, i32) {
    %c0_i32 = arith.constant 0 : i32
    %c0_i32_0 = arith.constant 0 : i32
    return %arg0, %c0_i32 : i32, i32
  }
}

</mosaic_0001>

<sc_bundles>
// kernel: kernel.11.cloned.1.call-start
scs
__scs_entry_jumppad:
0x0: {  	(pc) =	sbr.rel $0x88, $3  }
0x1: {  	(tag) =	ssettag $0x0;
	lr =	simm.s32 $0x1  }
0x2: {  	[smem:$0x3F99] =	sst lr;
	_ =	strace $0xD0000000  }
0x3: {  	_ = 	snop  }
0x4: {  	_ = 	snop  }
0x5: {  	_ = 	snop  }
0x6: {  	_ = 	snop  }
0x7: {  	_ = 	snop  }
__scs_overlays_trampoline_lowered:
0x8: {  	[smem:$0x3FA8] =	sst s0  }
0x9: {  	[smem:$0x3FA9] =	sst s1  }
0xa: {  	[smem:$0x3FAA] =	sst s2  }
0xb: {  	[smem:$0x3FAB] =	sst s3  }
0xc: {  	[smem:$0x3FAC] =	sst s4  }
0xd: {  	[smem:$0x3FAD] =	sst s5  }
0xe: {  	[smem:$0x3FAE] =	sst s6  }
0xf: {  	[smem:$0x3FAF] =	sst s7  }
0x10: {  	[smem:$0x3FB0] =	sst s8  }
0x11: {  	[smem:$0x3FB1] =	sst s9;
	s0 =	simm.s32 @!p0 $0x0  }
0x12: {  	s1 =	sld [smem:$0x3F97];
	s0 =	simm.s32 @p0 $0x1  }
0x13: {  	[smem:$0x3FB2] =	sst s0;
	s0 =	simm.s32 @!p1 $0x0  }
0x14: {  	s2 =	sld [smem:$0x3F96];
	s0 =	simm.s32 @p1 $0x1  }
0x15: {  	[smem:$0x3FB3] =	sst s0;
	s0 =	simm.s32 @!p2 $0x0  }
0x16: {  	s3 =	sld [smem:$0x3FDB];
	s0 =	simm.s32 @p2 $0x1  }
0x17: {  	s4 =	simm.s32 $0x1BF5;
	[smem:$0x3FB5] =	sst s0  }
0x18: {  	s0 =	sld [smem:$0x3F98];
	_ =	swait.ge [sflag:s4], $0x0  }
0x19: {  	s7 =	sld [smem:$0x3F99]  }
0x1a: {  	s8 =	sadd.s32 $0xFFFFE003, lr  }
0x1b: {  	s9 =	sadd.s32 $0xFFFFFEF7, lr;
	s5 =	simm.s32 $0xFFFFFFFF;
	p2 =	slt.u32 s8, $0xFFFFF086  }
0x1c: {  	p1 =	slt.u32 s9, $0xF7A;
	s5 =	simm.s32 @!p2 $0x0  }
0x1d: {  	s5 =	simm.s32 @p1 $0x1;
	p0 =	seq.s32 s7, s2  }
0x1e: {  	s7 =	smul.u32 @!p0 $0xF7A, s2;
	p2 =	seq.s32 @!p0 s5, $0x0  }
0x1f: {  	s9 =	smul.u32 $0xF7A, s1;
	s8 =	simm.s32 @!p0 $0x1BF5;
	p2 =	por !p2, p0  }
0x20: {  	[sflag:s8] =	ssyncset.s32 @!p0 $0xFFFFF086;
	s6 =	sadd.s32 @!p0 s3, s7;
	s7 =	simm.s32 @!p0 $0x108  }
0x21: {  	s3 =	sadd.s32 s3, s9;
	s6 =	sadd.s32 @!p0 $0x88, s6;
	s7 =	simm.s32 @p2 $0x1082  }
0x22: {  	[simem:s7], [sflag:s8] =	dma.local @!p0 [hbm:s6], $0xF7A  }
0x23: {  	s9 =	sor.u32 $0xD0000000, s2;
	s6 =	simm.s32 $0x108;
	_ =	swait.ge @!p0 [sflag:s8], $0x0  }
0x24: {  	s3 =	sadd.s32 $0x88, s3;
	s6 =	simm.s32 @!p1 $0x1082;
	[sflag:s4] =	ssyncset.s32 $0xFFFFF086  }
0x25: {  	[simem:s6], [sflag:s4] =	dma.local [hbm:s3], $0xF7A  }
0x26: {  	[smem:$0x3F99] =	sst s1;
	(tag) =	ssettag s2;
	_ =	strace s9  }
0x27: {  	s1 =	sld [smem:$0x3FA9]  }
0x28: {  	s2 =	sld [smem:$0x3FAA]  }
0x29: {  	s4 =	sld [smem:$0x3FAC]  }
0x2a: {  	p0 =	seq.s32 s5, $0x0;
	s5 =	sld [smem:$0x3FAD]  }
0x2b: {  	s6 =	sld [smem:$0x3FAE]  }
0x2c: {  	s7 =	sld [smem:$0x3FAF]  }
0x2d: {  	s3 =	simm.s32 $0x108;
	s8 =	sld [smem:$0x3FB0]  }
0x2e: {  	s3 =	simm.s32 @!p0 $0x1082;
	s9 =	sld [smem:$0x3FB1]  }
0x2f: {  	lr =	sadd.s32 s0, s3;
	s0 =	sld [smem:$0x3FA8]  }
0x30: {  	s3 =	sld [smem:$0x3FAB]  }
0x31: {  	[smem:$0x3FB4] =	sst s10  }
0x32: {  	s10 =	sld [smem:$0x3FB2];
	_ =	sdelay $0x3  }
0x33: {  	p0 =	seq.s32 s10, $0x1;
	s10 =	sld [smem:$0x3FB4];
	_ =	sdelay $0x3  }
0x34: {  	[smem:$0x3FB4] =	sst s10  }
0x35: {  	s10 =	sld [smem:$0x3FB3];
	_ =	sdelay $0x3  }
0x36: {  	p1 =	seq.s32 s10, $0x1;
	s10 =	sld [smem:$0x3FB4];
	_ =	sdelay $0x3  }
0x37: {  	[smem:$0x3FB4] =	sst s10  }
0x38: {  	s10 =	sld [smem:$0x3FB5]  }
0x39: {  	_ = 	snop;
	(pc) =	sbr.ind lr, $3  }
0x3a: {  	_ = 	snop  }
0x3b: {  	_ = 	snop  }
0x3c: {  	p2 =	seq.s32 s10, $0x1;
	s10 =	sld [smem:$0x3FB4]  }
0x3d: {  	_ =	shalt  }
0x3e: {  	_ =	shalt  }
0x3f: {  	_ =	shalt  }
0x40: {  	_ =	shalt  }
0x41: {  	_ =	shalt  }
0x42: {  	_ =	shalt  }
0x43: {  	_ =	shalt  }
0x44: {  	_ =	shalt  }
0x45: {  	_ =	shalt  }
0x46: {  	_ =	shalt  }
0x47: {  	_ =	shalt  }
0x48: {  	_ =	shalt  }
0x49: {  	_ =	shalt  }
0x4a: {  	_ =	shalt  }
0x4b: {  	_ =	shalt  }
0x4c: {  	_ =	shalt  }
0x4d: {  	_ =	shalt  }
0x4e: {  	_ =	shalt  }
0x4f: {  	_ =	shalt  }
0x50: {  	_ =	shalt  }
0x51: {  	_ =	shalt  }
0x52: {  	_ =	shalt  }
0x53: {  	_ =	shalt  }
0x54: {  	_ =	shalt  }
0x55: {  	_ =	shalt  }
0x56: {  	_ =	shalt  }
0x57: {  	_ =	shalt  }
0x58: {  	_ =	shalt  }
0x59: {  	_ =	shalt  }
0x5a: {  	_ =	shalt  }
0x5b: {  	_ =	shalt  }
0x5c: {  	_ =	shalt  }
0x5d: {  	_ =	shalt  }
0x5e: {  	_ =	shalt  }
0x5f: {  	_ =	shalt  }
0x60: {  	_ =	shalt  }
0x61: {  	_ =	shalt  }
0x62: {  	_ =	shalt  }
0x63: {  	_ =	shalt  }
0x64: {  	_ =	shalt  }
0x65: {  	_ =	shalt  }
0x66: {  	_ =	shalt  }
0x67: {  	_ =	shalt  }
0x68: {  	_ =	shalt  }
0x69: {  	_ =	shalt  }
0x6a: {  	_ =	shalt  }
0x6b: {  	_ =	shalt  }
0x6c: {  	_ =	shalt  }
0x6d: {  	_ =	shalt  }
0x6e: {  	_ =	shalt  }
0x6f: {  	_ =	shalt  }
0x70: {  	_ =	shalt  }
0x71: {  	_ =	shalt  }
0x72: {  	_ =	shalt  }
0x73: {  	_ =	shalt  }
0x74: {  	_ =	shalt  }
0x75: {  	_ =	shalt  }
0x76: {  	_ =	shalt  }
0x77: {  	_ =	shalt  }
0x78: {  	_ =	shalt  }
0x79: {  	_ =	shalt  }
0x7a: {  	_ =	shalt  }
0x7b: {  	_ =	shalt  }
0x7c: {  	_ =	shalt  }
0x7d: {  	_ =	shalt  }
0x7e: {  	_ =	shalt  }
0x7f: {  	_ =	shalt  }
0x80: {  	_ =	shalt  }
0x81: {  	_ =	shalt  }
0x82: {  	_ =	shalt  }
0x83: {  	_ =	shalt  }
0x84: {  	_ =	shalt  }
0x85: {  	_ =	shalt  }
0x86: {  	_ =	shalt  }
0x87: {  	_ =	shalt  }
.Lfunc_end0:
.L_simem_size_0:
called_computation_lowered:
.L_overlay_start_0:
0x88: {  	s2 =	sld [smem:$0x3FD9]  }
0x89: {  	s3 =	sld [smem:$0x3FFE];
	_ =	sdelay $0x1  }
0x8a: {  	s1 =	srdreg.scid  }
0x8b: {  	s0 =	sand.u32 $0x1, s1  }
0x8c: {  	s17 =	sshll.u32 s0, $0xA;
	s2 =	sadd.s32 s3, s2  }
0x8d: {  	s2 =	sadd.s32 s2, s17  }
0x8e: {  	[smem:$0x3FC0] =	sst s2  }
0x8f: {  	_ = 	snop  }
0x90: {  	s2 =	sld [smem:$0x3FD0];
	(tm) =	ssettm $0x1  }
0x91: {  	s18 =	sld [smem:$0x3FFB];
	_ =	sdelay $0x3  }
0x92: {  	_ =	strace s18  }
0x93: {  	s3 =	sld [smem:$0x3FFC];
	_ =	sdelay $0x3  }
0x94: {  	_ =	strace s3  }
0x95: {  	s3 =	sld [smem:$0x3FFD];
	_ =	sdelay $0x3  }
0x96: {  	_ =	strace s3  }
0x97: {  	_ =	strace $0x8FFFFFFF  }
0x98: {  	s19 =	sld [smem:$0x3FDB];
	_ =	sdelay $0x1  }
0x99: {  	s4 =	simm.s32 $_scs_section_size  }
0x9a: {  	s5 =	simm.s32 $_size__tile_overlayer_lowered;
	s6 =	simm.s32 $_tile_overlayer_lowered  }
0x9b: {  	s22 =	simm.s32 $0x1BFF;
	s21 =	sshll.u32 s6, $0x1;
	s3 =	sadd.s32 s4, s19  }
0x9c: {  	s7 =	simm.s32 $0x0;
	s20 =	sshll.u32 s5, $0x1;
	s5 =	sadd.s32 s21, s3  }
0x9d: {  	[timem:s7], [sflag:s22] =	dma.local [hbm:s5], s20  }
0x9e: {  	_ =	swait.ge [sflag:s22], s20  }
0x9f: {  	s4 =	ssub.s32 $0x0, s20;
	[sflag:s22] =	ssyncset.done $0x0  }
0xa0: {  	[sflag:s22] =	ssyncadd.s32 s4;
	_ =	sdelay $0x1  }
0xa1: {  	s23 =	simm.s32 $0x1B8B  }
0xa2: {  	_ =	swait.ge [sflag:s23], $0x1  }
0xa3: {  	[sflag:s23] =	ssyncset.done $0x0  }
0xa4: {  	s25 =	simm.s32 $0x1B8E;
	s24 =	sld [smem:$0x3FFE];
	[sflag:s23] =	ssyncadd.s32 $0xFFFFFFFF  }
0xa5: {  	s26 =	simm.s32 $execute0_lowered;
	[smem:$0x3FD2] =	sst s25  }
0xa6: {  	s5 =	sshll.u32 s26, $0x1;
	_ =	strace $0x80000046;
	[dreg:$0x1] =	wrdreg $0xFFFFFFFF  }
0xa7: {  	s28 =	simm.s32 $_size_execute0_lowered;
	s3 =	sadd.s32 s3, s5;
	[dreg:$0x0] =	wrdreg $0x0  }
0xa8: {  	s5 =	sshll.u32 s28, $0x1;
	[dreg:$0x2] =	wrdreg s3  }
0xa9: {  	[dreg:$0x3] =	wrdreg s5  }
0xaa: {  	[dreg:$0x4] =	wrdreg $0xC0  }
0xab: {  	_ =	task [dreg:s7], $0x5FFFF  }
0xac: {  	[dreg:$0x1] =	wrdreg $0xFFFFFFFF  }
0xad: {  	[dreg:$0x0] =	wrdreg $0x60  }
0xae: {  	[dreg:$0x2] =	wrdreg s2  }
0xaf: {  	[dreg:$0x3] =	wrdreg s24  }
0xb0: {  	[dreg:$0x4] =	wrdreg $0x54000  }
0xb1: {  	[dreg:$0x5] =	wrdreg $0x9  }
0xb2: {  	_ =	task.clear_ibuf [dreg:s7], $0x6FFFF;
	_ =	strace $0x90000046  }
0xb3: {  	s29 =	simm.s32 $0x9;
	_ =	strace $0x80000048  }
0xb4: {  	_ =	swait.ge [sflag:s29], $0x1  }
0xb5: {  	[sflag:s29] =	ssyncadd.s32 $0xFFFFFFFF  }
0xb6: {  	_ =	strace $0x90000048  }
0xb7: {  	_ =	sfence  }
0xb8: {  	s30 =	sld [smem:$0x0];
	_ =	sdelay $0x2  }
0xb9: {  	s31 =	sshll.u32 s1, $0xD;
	s1 =	sshrl.u32 s1, $0x2  }
0xba: {  	s3 =	sand.u32 $0x4000, s31;
	s1 =	sadd.s32 s1, s30  }
0xbb: {  	s0 =	sor.u32 s3, s0;
	s1 =	sshll.u32 s1, $0x11  }
0xbc: {  	s0 =	sor.u32 s1, s0  }
0xbd: {  	s0 =	sadd.s32 $0x8F2B, s0  }
0xbe: {  	[sflag:s0] =	ssyncadd.remote.s32 $0x1  }
0xbf: {  	_ =	sfence.sel $0xFFFF  }
0xc0: {  	[dreg:$0x0] =	wrdreg $0xFFFFFFFF;
	(pc) =	sbr.abs _section_cstart, $3  }
0xc1: {  	[dreg:$0x1] =	wrdreg $0xFFFFFFFF  }
0xc2: {  	_ =	task.clear_ibuf [dreg:s7], $0x2FFFF;
	_ =	strace $0x9FFFFFFF  }
0xc3: {  	(tm) =	ssettm $0x7FFFFFFF  }
tec
execute0_lowered:
.L_overlay_start_1:
0x0: {  	(tag) =	ssettag $0x1  }
0x1: {  	s7 =	rddreg [dreg:$0x0]  }
0x2: {  	s6 =	rddreg [dreg:$0x1]  }
0x3: {  	s1 =	rddreg [dreg:$0x2]  }
0x4: {  	s0 =	rddreg [dreg:$0x3];
	s2 =	simm.s32 $0x0  }
0x5: {  	s3 =	srdreg.scid;
	[smem:$0x7FF] =	sst s2;
	s4 =	sadd.s32 $0x3800, s6  }
0x6: {  	s5 =	sadd.s32 $0x4000, s6;
	s8 =	sand.u32 $0x1, s3;
	s3 =	stileid.u32  }
0x7: {  	_ =	strace $0x80000047;
	s9 =	smul.u32 $0x28000, s8;
	s10 =	sshll.u32 s8, $0x4  }
0x8: {  	s8 =	ssub.s32 $0x2, s8;
	s11 =	smul.u32 $0x50000, s3;
	s31 =	sshll.u32 s3, $0x6  }
0x9: {  	s14 =	smul.u32 $0x2800, s3;
	s10 =	sor.u32 s3, s10;
	s29 =	sshrl.u32 s8, $0x1  }
0xa: {  	s9 =	sadd.s32 s9, s6;
	s10 =	smul.u32 $0x280, s10;
	s8 =	ssub.s32 s8, s29  }
0xb: {  	s30 =	sshrl.u32 s11, $0x2;
	s6 =	sor.u32 $0x1C01, s31;
	s11 =	simm.s32 $0x1400  }
0xc: {  	s12 =	sadd.s32 s30, s1;
	s13 =	sadd.s32 $0x6800, s9;
	s8 =	smax.u32 s8, $0x1  }
0xd: {  	s7 =	sadd.s32 s7, s10;
	s9 =	sshrl.u32 s12, $0x3;
	s10 =	simm.s32 $0x1  }
0xe: {  	s12 =	simm.s32 $0x7D;
	s13 =	sadd.s32 s14, s13;
	s14 =	simm.s32 $0x0  }
.LBB2_1:
0xf: {  	[spmem:s9], [sflag:s6] =	dma.local [hbm:s5], $0x2800  }
0x10: {  	_ =	swait.ge [sflag:s10], $0x2800  }
0x11: {  	[sflag:s10] =	ssyncset.done $0x0  }
0x12: {  	[sflag:s10] =	ssyncadd.s32 $0xFFFFD800  }
0x13: {  	[tilespmem:s2], [sflag:$0x1] =	stream.linear.gather [hbm4b:s7+s2], $0x1400, $0x38;
	[tilespmem:$0x7C00] =	vst v63  }
0x14: {  	_ =	swait.ge [sflag:s10], $0x1400  }
0x15: {  	[sflag:s10] =	ssyncset.done $0x0  }
0x16: {  	[sflag:s10] =	ssyncadd.s32 $0xFFFFEC00  }
0x17: {  	[tilespmem:s11], [sflag:$0x1] =	stream.linear.gather [hbm4b:s4+s2], $0x3E80, $0x38;
	[tilespmem:$0x7C00] =	vst v63  }
0x18: {  	_ =	swait.ge [sflag:s10], $0x3E80  }
0x19: {  	[sflag:s10] =	ssyncset.done $0x0  }
0x1a: {  	[sflag:s10] =	ssyncadd.s32 $0xFFFFC180  }
0x1b: {  	s15 =	simm.s32 $0x0;
	[bflag:$0x0] =	sbarrier.arrive $0xFFFF  }
0x1c: {  	[spmem:s1] =	stream.indirect.scatter.add.f32 [tilespmem:s11], [sflag:$0x1], $0x10, s15, s12, $0xb8;
	[tilespmem:$0x7C00] =	vst v63  }
0x1d: {  	_ =	swait.ge [sflag:s10], $0x7D0  }
0x1e: {  	s15 =	simm.s32 $0x200;
	[sflag:s10] =	ssyncset.done $0x0  }
.LBB2_2:
0x1f: {  	s16 =	sshra.s32 s15, $0x2;
	[sflag:s10] =	ssyncadd.s32 $0xFFFFF830;
	p0 =	sne.s32 s15, $0x4E00  }
0x20: {  	[spmem:s1] =	stream.indirect.scatter.add.f32 [tilespmem:s11], [sflag:$0x1], $0x10, s16, s12, $0xb8;
	[tilespmem:$0x7C00] =	vst v63  }
.Ltmp0:
0x21: {  	_ = 	snop;
	(pc) =	sbr.rel @p0 .LBB2_2-.Ltmp0, $4  }
0x22: {  	_ = 	snop  }
0x23: {  	s15 =	sadd.s32 $0x200, s15  }
0x24: {  	_ =	swait.ge [sflag:s10], $0x7D0  }
0x25: {  	[sflag:s10] =	ssyncset.done $0x0  }
0x26: {  	s14 =	sadd.s32 $0x1, s14  }
0x27: {  	[sflag:s10] =	ssyncadd.s32 $0xFFFFF830;
	p0 =	sne.s32 s14, s8  }
.Ltmp1:
0x28: {  	[bflag:$0x0] =	sbarrier.arrive $0xFFFF;
	(pc) =	sbr.rel @p0 .LBB2_1-.Ltmp1, $4  }
0x29: {  	[hbm:s13], [sflag:s6] =	dma.local [spmem:s9], $0x2800  }
0x2a: {  	_ =	swait.ge [sflag:s10], $0x2800  }
0x2b: {  	[sflag:s10] =	ssyncset.done $0x0  }
0x2c: {  	[sflag:s10] =	ssyncadd.s32 $0xFFFFD800  }
0x2d: {  	_ =	sfence.sel $0x180000  }
0x2e: {  	[bflag:$0x0] =	sbarrier.arrive $0xFFFF  }
0x2f: {  	p0 =	sne.s32 s3, $0x0;
	_ =	strace $0x90000047  }
0x30: {  	s0 =	sadd.s32 @!p0 $0x100000, s0;
	[bflag:$0x2] =	sbarrier.arrive $0xFFFF  }
0x31: {  	[sflag:s0] =	ssyncadd.tile.s32 @!p0 $0x1;
	_ =	shalt  }
.Lfunc_end2:
_tile_overlayer_lowered:
.L_overlay_start_2:
0x32: {  	(tag) =	ssettag $0x2  }
0x33: {  	s0 =	rddreg [dreg:$0x0];
	s2 =	stileid.u32  }
0x34: {  	s1 =	rddreg [dreg:$0x1];
	p0 =	sne.s32 s2, $0x0  }
0x35: {  	s3 =	rddreg [dreg:$0x2];
	[bflag:$0x3] =	sbarrier.arrive $0xFFFF;
	s2 =	simm.s32 @!p0 $0x1C01  }
0x36: {  	[timem:s3], [sflag:s2] =	dma.local @!p0 [hbm:s0], s1  }
0x37: {  	s0 =	simm.s32 @!p0 $0x1  }
0x38: {  	_ =	swait.ge @!p0 [sflag:s0], s1  }
0x39: {  	s1 =	ssub.s32 @!p0 $0x0, s1;
	[sflag:s0] =	ssyncset.done @!p0 $0x0  }
0x3a: {  	[sflag:s0] =	ssyncadd.s32 @!p0 s1  }
0x3b: {  	[bflag:$0x3] =	sbarrier.arrive $0xFFFF  }
0x3c: {  	_ =	shalt  }

// kernel: kernel.14.cloned.1.call-start
scs
__scs_entry_jumppad:
0x0: {  	(pc) =	sbr.rel $0x88, $3  }
0x1: {  	(tag) =	ssettag $0x0;
	lr =	simm.s32 $0x1  }
0x2: {  	[smem:$0x3F99] =	sst lr;
	_ =	strace $0xD0000000  }
0x3: {  	_ = 	snop  }
0x4: {  	_ = 	snop  }
0x5: {  	_ = 	snop  }
0x6: {  	_ = 	snop  }
0x7: {  	_ = 	snop  }
__scs_overlays_trampoline_lowered:
0x8: {  	[smem:$0x3FA8] =	sst s0  }
0x9: {  	[smem:$0x3FA9] =	sst s1  }
0xa: {  	[smem:$0x3FAA] =	sst s2  }
0xb: {  	[smem:$0x3FAB] =	sst s3  }
0xc: {  	[smem:$0x3FAC] =	sst s4  }
0xd: {  	[smem:$0x3FAD] =	sst s5  }
0xe: {  	[smem:$0x3FAE] =	sst s6  }
0xf: {  	[smem:$0x3FAF] =	sst s7  }
0x10: {  	[smem:$0x3FB0] =	sst s8  }
0x11: {  	[smem:$0x3FB1] =	sst s9;
	s0 =	simm.s32 @!p0 $0x0  }
0x12: {  	s1 =	sld [smem:$0x3F97];
	s0 =	simm.s32 @p0 $0x1  }
0x13: {  	[smem:$0x3FB2] =	sst s0;
	s0 =	simm.s32 @!p1 $0x0  }
0x14: {  	s2 =	sld [smem:$0x3F96];
	s0 =	simm.s32 @p1 $0x1  }
0x15: {  	[smem:$0x3FB3] =	sst s0;
	s0 =	simm.s32 @!p2 $0x0  }
0x16: {  	s3 =	sld [smem:$0x3FDB];
	s0 =	simm.s32 @p2 $0x1  }
0x17: {  	s4 =	simm.s32 $0x1BF5;
	[smem:$0x3FB5] =	sst s0  }
0x18: {  	s0 =	sld [smem:$0x3F98];
	_ =	swait.ge [sflag:s4], $0x0  }
0x19: {  	s7 =	sld [smem:$0x3F99]  }
0x1a: {  	s8 =	sadd.s32 $0xFFFFE003, lr  }
0x1b: {  	s9 =	sadd.s32 $0xFFFFFEF7, lr;
	s5 =	simm.s32 $0xFFFFFFFF;
	p2 =	slt.u32 s8, $0xFFFFF086  }
0x1c: {  	p1 =	slt.u32 s9, $0xF7A;
	s5 =	simm.s32 @!p2 $0x0  }
0x1d: {  	s5 =	simm.s32 @p1 $0x1;
	p0 =	seq.s32 s7, s2  }
0x1e: {  	s7 =	smul.u32 @!p0 $0xF7A, s2;
	p2 =	seq.s32 @!p0 s5, $0x0  }
0x1f: {  	s9 =	smul.u32 $0xF7A, s1;
	s8 =	simm.s32 @!p0 $0x1BF5;
	p2 =	por !p2, p0  }
0x20: {  	[sflag:s8] =	ssyncset.s32 @!p0 $0xFFFFF086;
	s6 =	sadd.s32 @!p0 s3, s7;
	s7 =	simm.s32 @!p0 $0x108  }
0x21: {  	s3 =	sadd.s32 s3, s9;
	s6 =	sadd.s32 @!p0 $0x88, s6;
	s7 =	simm.s32 @p2 $0x1082  }
0x22: {  	[simem:s7], [sflag:s8] =	dma.local @!p0 [hbm:s6], $0xF7A  }
0x23: {  	s9 =	sor.u32 $0xD0000000, s2;
	s6 =	simm.s32 $0x108;
	_ =	swait.ge @!p0 [sflag:s8], $0x0  }
0x24: {  	s3 =	sadd.s32 $0x88, s3;
	s6 =	simm.s32 @!p1 $0x1082;
	[sflag:s4] =	ssyncset.s32 $0xFFFFF086  }
0x25: {  	[simem:s6], [sflag:s4] =	dma.local [hbm:s3], $0xF7A  }
0x26: {  	[smem:$0x3F99] =	sst s1;
	(tag) =	ssettag s2;
	_ =	strace s9  }
0x27: {  	s1 =	sld [smem:$0x3FA9]  }
0x28: {  	s2 =	sld [smem:$0x3FAA]  }
0x29: {  	s4 =	sld [smem:$0x3FAC]  }
0x2a: {  	p0 =	seq.s32 s5, $0x0;
	s5 =	sld [smem:$0x3FAD]  }
0x2b: {  	s6 =	sld [smem:$0x3FAE]  }
0x2c: {  	s7 =	sld [smem:$0x3FAF]  }
0x2d: {  	s3 =	simm.s32 $0x108;
	s8 =	sld [smem:$0x3FB0]  }
0x2e: {  	s3 =	simm.s32 @!p0 $0x1082;
	s9 =	sld [smem:$0x3FB1]  }
0x2f: {  	lr =	sadd.s32 s0, s3;
	s0 =	sld [smem:$0x3FA8]  }
0x30: {  	s3 =	sld [smem:$0x3FAB]  }
0x31: {  	[smem:$0x3FB4] =	sst s10  }
0x32: {  	s10 =	sld [smem:$0x3FB2];
	_ =	sdelay $0x3  }
0x33: {  	p0 =	seq.s32 s10, $0x1;
	s10 =	sld [smem:$0x3FB4];
	_ =	sdelay $0x3  }
0x34: {  	[smem:$0x3FB4] =	sst s10  }
0x35: {  	s10 =	sld [smem:$0x3FB3];
	_ =	sdelay $0x3  }
0x36: {  	p1 =	seq.s32 s10, $0x1;
	s10 =	sld [smem:$0x3FB4];
	_ =	sdelay $0x3  }
0x37: {  	[smem:$0x3FB4] =	sst s10  }
0x38: {  	s10 =	sld [smem:$0x3FB5]  }
0x39: {  	_ = 	snop;
	(pc) =	sbr.ind lr, $3  }
0x3a: {  	_ = 	snop  }
0x3b: {  	_ = 	snop  }
0x3c: {  	p2 =	seq.s32 s10, $0x1;
	s10 =	sld [smem:$0x3FB4]  }
0x3d: {  	_ =	shalt  }
0x3e: {  	_ =	shalt  }
0x3f: {  	_ =	shalt  }
0x40: {  	_ =	shalt  }
0x41: {  	_ =	shalt  }
0x42: {  	_ =	shalt  }
0x43: {  	_ =	shalt  }
0x44: {  	_ =	shalt  }
0x45: {  	_ =	shalt  }
0x46: {  	_ =	shalt  }
0x47: {  	_ =	shalt  }
0x48: {  	_ =	shalt  }
0x49: {  	_ =	shalt  }
0x4a: {  	_ =	shalt  }
0x4b: {  	_ =	shalt  }
0x4c: {  	_ =	shalt  }
0x4d: {  	_ =	shalt  }
0x4e: {  	_ =	shalt  }
0x4f: {  	_ =	shalt  }
0x50: {  	_ =	shalt  }
0x51: {  	_ =	shalt  }
0x52: {  	_ =	shalt  }
0x53: {  	_ =	shalt  }
0x54: {  	_ =	shalt  }
0x55: {  	_ =	shalt  }
0x56: {  	_ =	shalt  }
0x57: {  	_ =	shalt  }
0x58: {  	_ =	shalt  }
0x59: {  	_ =	shalt  }
0x5a: {  	_ =	shalt  }
0x5b: {  	_ =	shalt  }
0x5c: {  	_ =	shalt  }
0x5d: {  	_ =	shalt  }
0x5e: {  	_ =	shalt  }
0x5f: {  	_ =	shalt  }
0x60: {  	_ =	shalt  }
0x61: {  	_ =	shalt  }
0x62: {  	_ =	shalt  }
0x63: {  	_ =	shalt  }
0x64: {  	_ =	shalt  }
0x65: {  	_ =	shalt  }
0x66: {  	_ =	shalt  }
0x67: {  	_ =	shalt  }
0x68: {  	_ =	shalt  }
0x69: {  	_ =	shalt  }
0x6a: {  	_ =	shalt  }
0x6b: {  	_ =	shalt  }
0x6c: {  	_ =	shalt  }
0x6d: {  	_ =	shalt  }
0x6e: {  	_ =	shalt  }
0x6f: {  	_ =	shalt  }
0x70: {  	_ =	shalt  }
0x71: {  	_ =	shalt  }
0x72: {  	_ =	shalt  }
0x73: {  	_ =	shalt  }
0x74: {  	_ =	shalt  }
0x75: {  	_ =	shalt  }
0x76: {  	_ =	shalt  }
0x77: {  	_ =	shalt  }
0x78: {  	_ =	shalt  }
0x79: {  	_ =	shalt  }
0x7a: {  	_ =	shalt  }
0x7b: {  	_ =	shalt  }
0x7c: {  	_ =	shalt  }
0x7d: {  	_ =	shalt  }
0x7e: {  	_ =	shalt  }
0x7f: {  	_ =	shalt  }
0x80: {  	_ =	shalt  }
0x81: {  	_ =	shalt  }
0x82: {  	_ =	shalt  }
0x83: {  	_ =	shalt  }
0x84: {  	_ =	shalt  }
0x85: {  	_ =	shalt  }
0x86: {  	_ =	shalt  }
0x87: {  	_ =	shalt  }
.Lfunc_end0:
.L_simem_size_0:
called_computation.1_lowered:
.L_overlay_start_0:
0x88: {  	s2 =	sld [smem:$0x3FD9]  }
0x89: {  	s3 =	sld [smem:$0x3FFE];
	_ =	sdelay $0x1  }
0x8a: {  	s1 =	srdreg.scid  }
0x8b: {  	s0 =	sand.u32 $0x1, s1  }
0x8c: {  	s16 =	sshll.u32 s0, $0xA;
	s2 =	sadd.s32 s3, s2  }
0x8d: {  	s2 =	sadd.s32 s2, s16  }
0x8e: {  	[smem:$0x3FC0] =	sst s2  }
0x8f: {  	_ = 	snop  }
0x90: {  	(tm) =	ssettm $0x1  }
0x91: {  	s17 =	sld [smem:$0x3FFB];
	_ =	sdelay $0x3  }
0x92: {  	_ =	strace s17  }
0x93: {  	s2 =	sld [smem:$0x3FFC];
	_ =	sdelay $0x3  }
0x94: {  	_ =	strace s2  }
0x95: {  	s2 =	sld [smem:$0x3FFD];
	_ =	sdelay $0x3  }
0x96: {  	_ =	strace s2  }
0x97: {  	_ =	strace $0x8FFFFFFF  }
0x98: {  	s18 =	sld [smem:$0x3FDB];
	_ =	sdelay $0x1  }
0x99: {  	s19 =	simm.s32 $_scs_section_size  }
0x9a: {  	s4 =	simm.s32 $_size__tile_overlayer_lowered;
	s5 =	simm.s32 $_tile_overlayer_lowered  }
0x9b: {  	s22 =	simm.s32 $0x1BFF;
	s21 =	sshll.u32 s5, $0x1;
	s2 =	sadd.s32 s19, s18  }
0x9c: {  	s6 =	simm.s32 $0x0;
	s20 =	sshll.u32 s4, $0x1;
	s4 =	sadd.s32 s21, s2  }
0x9d: {  	[timem:s6], [sflag:s22] =	dma.local [hbm:s4], s20  }
0x9e: {  	_ =	swait.ge [sflag:s22], s20  }
0x9f: {  	s3 =	ssub.s32 $0x0, s20;
	[sflag:s22] =	ssyncset.done $0x0  }
0xa0: {  	[sflag:s22] =	ssyncadd.s32 s3;
	_ =	sdelay $0x1  }
0xa1: {  	s23 =	simm.s32 $0x1B8B  }
0xa2: {  	_ =	swait.ge [sflag:s23], $0x1  }
0xa3: {  	[sflag:s23] =	ssyncset.done $0x0  }
0xa4: {  	s25 =	simm.s32 $0x1B8E;
	s24 =	sld [smem:$0x3FFE];
	[sflag:s23] =	ssyncadd.s32 $0xFFFFFFFF  }
0xa5: {  	s26 =	simm.s32 $execute0_lowered;
	[smem:$0x3FD2] =	sst s25  }
0xa6: {  	s4 =	sshll.u32 s26, $0x1;
	_ =	strace $0x80000049;
	[dreg:$0x1] =	wrdreg $0xFFFFFFFF  }
0xa7: {  	s28 =	simm.s32 $_size_execute0_lowered;
	s2 =	sadd.s32 s2, s4;
	[dreg:$0x0] =	wrdreg $0x0  }
0xa8: {  	s4 =	sshll.u32 s28, $0x1;
	[dreg:$0x2] =	wrdreg s2  }
0xa9: {  	[dreg:$0x3] =	wrdreg s4  }
0xaa: {  	[dreg:$0x4] =	wrdreg $0xC0  }
0xab: {  	_ =	task [dreg:s6], $0x5FFFF  }
0xac: {  	[dreg:$0x1] =	wrdreg $0xFFFFFFFF  }
0xad: {  	[dreg:$0x0] =	wrdreg $0x60  }
0xae: {  	[dreg:$0x2] =	wrdreg s24  }
0xaf: {  	[dreg:$0x3] =	wrdreg $0xB8000  }
0xb0: {  	[dreg:$0x4] =	wrdreg $0x9  }
0xb1: {  	_ =	task.clear_ibuf [dreg:s6], $0x5FFFF;
	_ =	strace $0x90000049  }
0xb2: {  	s29 =	simm.s32 $0x9;
	_ =	strace $0x8000004B  }
0xb3: {  	_ =	swait.ge [sflag:s29], $0x1  }
0xb4: {  	[sflag:s29] =	ssyncadd.s32 $0xFFFFFFFF  }
0xb5: {  	_ =	strace $0x9000004B  }
0xb6: {  	_ =	sfence  }
0xb7: {  	s30 =	sld [smem:$0x0];
	_ =	sdelay $0x2  }
0xb8: {  	s31 =	sshll.u32 s1, $0xD;
	s1 =	sshrl.u32 s1, $0x2  }
0xb9: {  	s3 =	sand.u32 $0x4000, s31;
	s1 =	sadd.s32 s1, s30  }
0xba: {  	s0 =	sor.u32 s3, s0;
	s1 =	sshll.u32 s1, $0x11  }
0xbb: {  	s0 =	sor.u32 s1, s0  }
0xbc: {  	s0 =	sadd.s32 $0x8F2B, s0  }
0xbd: {  	[sflag:s0] =	ssyncadd.remote.s32 $0x1  }
0xbe: {  	_ =	sfence.sel $0xFFFF  }
0xbf: {  	[dreg:$0x0] =	wrdreg $0xFFFFFFFF;
	(pc) =	sbr.abs _section_cstart, $3  }
0xc0: {  	[dreg:$0x1] =	wrdreg $0xFFFFFFFF  }
0xc1: {  	_ =	task.clear_ibuf [dreg:s6], $0x2FFFF;
	_ =	strace $0x9FFFFFFF  }
0xc2: {  	(tm) =	ssettm $0x7FFFFFFF  }
0xc3: {  	_ =	shalt  }
tec
execute0_lowered:
.L_overlay_start_1:
0x0: {  	(tag) =	ssettag $0x1  }
0x1: {  	s4 =	rddreg [dreg:$0x0]  }
0x2: {  	s2 =	rddreg [dreg:$0x1]  }
0x3: {  	s0 =	rddreg [dreg:$0x2];
	s1 =	stileid.u32  }
0x4: {  	s5 =	srdreg.scid;
	s3 =	simm.s32 $0x0;
	s13 =	simm.s32 $0x7D  }
0x5: {  	s14 =	simm.s32 $0x3800;
	s16 =	simm.s32 $0x3;
	s6 =	smul.u32 $0x500, s1  }
0x6: {  	s17 =	simm.s32 $0x7800;
	s18 =	simm.s32 $0x1;
	s8 =	smul.u32 $0x50000, s1  }
0x7: {  	s19 =	simm.s32 $0x2;
	s5 =	sand.u32 $0x1, s5;
	s20 =	smul.u32 $0x2800, s1  }
0x8: {  	[smem:$0x7FF] =	sst s3;
	s31 =	sshll.u32 s1, $0x6;
	s7 =	smul.u32 $0x28000, s5  }
0x9: {  	_ =	strace $0x8000004A;
	s5 =	ssub.s32 $0x2, s5;
	s9 =	sadd.s32 s6, s4  }
0xa: {  	s29 =	sshrl.u32 s5, $0x1;
	s30 =	sshrl.u32 s8, $0x2;
	s6 =	sor.u32 $0x1C04, s31  }
0xb: {  	s10 =	sadd.s32 s7, s4;
	s11 =	ssub.s32 s5, s29;
	s12 =	sadd.s32 s30, s2  }
0xc: {  	s7 =	sadd.s32 $0x5B800, s9;
	s8 =	sadd.s32 $0x56800, s9;
	s4 =	sadd.s32 $0x60800, s10  }
0xd: {  	s21 =	sadd.s32 $0xB0800, s10;
	s9 =	smax.u32 s11, $0x1;
	s10 =	sshrl.u32 s12, $0x3  }
0xe: {  	s11 =	simm.s32 $0x4;
	s12 =	simm.s32 $0x2800;
	s15 =	sadd.s32 $0x100, s8  }
0xf: {  	s5 =	sadd.s32 s20, s4;
	s20 =	sadd.s32 s20, s21;
	s21 =	simm.s32 $0x0  }
.LBB2_1:
0x10: {  	[spmem:s10], [sflag:s6] =	dma.local [hbm:s5], $0x2800  }
0x11: {  	_ =	swait.ge [sflag:s11], $0x2800  }
0x12: {  	[sflag:s11] =	ssyncset.done $0x0  }
0x13: {  	[sflag:s11] =	ssyncadd.s32 $0xFFFFD800  }
0x14: {  	[tilespmem:s3], [sflag:$0x4] =	stream.linear.gather [hbm4b:s7+s3], $0x2800, $0x38;
	[tilespmem:$0x1F800] =	vst v63  }
0x15: {  	_ =	swait.ge [sflag:s11], $0x2800  }
0x16: {  	[sflag:s11] =	ssyncset.done $0x0  }
0x17: {  	[sflag:s11] =	ssyncadd.s32 $0xFFFFD800  }
0x18: {  	p0 =	por $0x0, $0x0;
	[bflag:$0x0] =	sbarrier.arrive $0xFFFF  }
0x19: {  	[tilespmem:s12], [sflag:$0x3] =	stream.linear.gather [hbm4b:s8+s3], $0x800, $0x38;
	[tilespmem:$0x1F800] =	vst v63  }
0x1a: {  	s22 =	sxor.u32 @!p0 $0xFFFFFFFF, s3  }
0x1b: {  	[tilespmem:s14], [sflag:$0x1] =	stream.indirect.gather [hbm4b:s4+s13], $0x80, s3, s13, $0xb8;
	[tilespmem:$0x1F800] =	vst v63  }
0x1c: {  	s22 =	sand.u32 @!p0 $0x2000, s22;
	_ =	swait.ge [sflag:s16], $0x800  }
0x1d: {  	s22 =	sshrl.u32 @!p0 s22, $0x2;
	[sflag:s16] =	ssyncset.done $0x0  }
0x1e: {  	s23 =	simm.s32 @!p0 $0x0;
	s22 =	sadd.s32 @!p0 $0x2800, s22;
	[sflag:s16] =	ssyncadd.s32 $0xFFFFF800  }
0x1f: {  	[tilespmem:s22], [sflag:$0x3] =	stream.linear.gather @!p0 [hbm4b:s15+s23], $0x800, $0x38;
	[tilespmem:$0x1F800] =	vst v63  }
0x20: {  	s29 =	simm.s32 $0x80  }
0x21: {  	[tilespmem:s17], [sflag:$0x2] =	stream.indirect.gather [hbm4b:s4+s13], $0x80, s29, s13, $0xb8;
	[tilespmem:$0x1F800] =	vst v63  }
0x22: {  	s30 =	simm.s32 $0x0;
	_ =	swait.ge [sflag:s18], $0x3E80  }
0x23: {  	s22 =	sand.u32 $0x800, s30;
	[sflag:s18] =	ssyncset.done $0x0  }
0x24: {  	s31 =	sadd.s32 $0x2800, s22;
	[sflag:s18] =	ssyncadd.s32 $0xFFFFC180  }
0x25: {  	[spmem:s2] =	stream.indirect.scatter.add.f32 [tilespmem:s14], [sflag:$0x4], $0x80, s31, s13, $0xb8;
	[tilespmem:$0x1F800] =	vst v63  }
0x26: {  	_ =	swait.ge [sflag:s11], $0x3E80  }
0x27: {  	[sflag:s11] =	ssyncset.done $0x0  }
0x28: {  	s24 =	simm.s32 $0x100;
	[sflag:s11] =	ssyncadd.s32 $0xFFFFC180  }
0x29: {  	[tilespmem:s14], [sflag:$0x1] =	stream.indirect.gather [hbm4b:s4+s13], $0x80, s24, s13, $0xb8;
	[tilespmem:$0x1F800] =	vst v63  }
0x2a: {  	_ =	swait.ge [sflag:s19], $0x3E80  }
0x2b: {  	[sflag:s19] =	ssyncset.done $0x0  }
0x2c: {  	s25 =	sadd.s32 $0x2880, s22;
	[sflag:s19] =	ssyncadd.s32 $0xFFFFC180  }
0x2d: {  	[spmem:s2] =	stream.indirect.scatter.add.f32 [tilespmem:s17], [sflag:$0x4], $0x80, s25, s13, $0xb8;
	[tilespmem:$0x1F800] =	vst v63  }
0x2e: {  	_ =	swait.ge [sflag:s11], $0x3E80  }
0x2f: {  	[sflag:s11] =	ssyncset.done $0x0  }
0x30: {  	s26 =	simm.s32 $0x180;
	[sflag:s11] =	ssyncadd.s32 $0xFFFFC180  }
0x31: {  	[tilespmem:s17], [sflag:$0x2] =	stream.indirect.gather [hbm4b:s4+s13], $0x80, s26, s13, $0xb8;
	[tilespmem:$0x1F800] =	vst v63  }
0x32: {  	_ =	swait.ge [sflag:s18], $0x3E80  }
0x33: {  	[sflag:s18] =	ssyncset.done $0x0  }
0x34: {  	s28 =	sadd.s32 $0x2900, s22;
	[sflag:s18] =	ssyncadd.s32 $0xFFFFC180  }
0x35: {  	[spmem:s2] =	stream.indirect.scatter.add.f32 [tilespmem:s14], [sflag:$0x4], $0x80, s28, s13, $0xb8;
	[tilespmem:$0x1F800] =	vst v63  }
0x36: {  	_ =	swait.ge [sflag:s11], $0x3E80  }
0x37: {  	[sflag:s11] =	ssyncset.done $0x0  }
0x38: {  	s29 =	simm.s32 $0x200;
	[sflag:s11] =	ssyncadd.s32 $0xFFFFC180  }
0x39: {  	[tilespmem:s14], [sflag:$0x1] =	stream.indirect.gather [hbm4b:s4+s13], $0x80, s29, s13, $0xb8;
	[tilespmem:$0x1F800] =	vst v63  }
0x3a: {  	_ =	swait.ge [sflag:s19], $0x3E80  }
0x3b: {  	[sflag:s19] =	ssyncset.done $0x0  }
0x3c: {  	s30 =	sadd.s32 $0x2980, s22;
	[sflag:s19] =	ssyncadd.s32 $0xFFFFC180  }
0x3d: {  	[spmem:s2] =	stream.indirect.scatter.add.f32 [tilespmem:s17], [sflag:$0x4], $0x80, s30, s13, $0xb8;
	[tilespmem:$0x1F800] =	vst v63  }
0x3e: {  	_ =	swait.ge [sflag:s11], $0x3E80  }
0x3f: {  	[sflag:s11] =	ssyncset.done $0x0  }
0x40: {  	s31 =	simm.s32 $0x280;
	[sflag:s11] =	ssyncadd.s32 $0xFFFFC180  }
0x41: {  	[tilespmem:s17], [sflag:$0x2] =	stream.indirect.gather [hbm4b:s4+s13], $0x80, s31, s13, $0xb8;
	[tilespmem:$0x1F800] =	vst v63  }
0x42: {  	_ =	swait.ge [sflag:s18], $0x3E80  }
0x43: {  	[sflag:s18] =	ssyncset.done $0x0  }
0x44: {  	s24 =	sadd.s32 $0x2A00, s22;
	[sflag:s18] =	ssyncadd.s32 $0xFFFFC180  }
0x45: {  	[spmem:s2] =	stream.indirect.scatter.add.f32 [tilespmem:s14], [sflag:$0x4], $0x80, s24, s13, $0xb8;
	[tilespmem:$0x1F800] =	vst v63  }
0x46: {  	_ =	swait.ge [sflag:s11], $0x3E80  }
0x47: {  	[sflag:s11] =	ssyncset.done $0x0  }
0x48: {  	s25 =	simm.s32 $0x300;
	[sflag:s11] =	ssyncadd.s32 $0xFFFFC180  }
0x49: {  	[tilespmem:s14], [sflag:$0x1] =	stream.indirect.gather [hbm4b:s4+s13], $0x80, s25, s13, $0xb8;
	[tilespmem:$0x1F800] =	vst v63  }
0x4a: {  	_ =	swait.ge [sflag:s19], $0x3E80  }
0x4b: {  	[sflag:s19] =	ssyncset.done $0x0  }
0x4c: {  	s26 =	sadd.s32 $0x2A80, s22;
	[sflag:s19] =	ssyncadd.s32 $0xFFFFC180  }
0x4d: {  	[spmem:s2] =	stream.indirect.scatter.add.f32 [tilespmem:s17], [sflag:$0x4], $0x80, s26, s13, $0xb8;
	[tilespmem:$0x1F800] =	vst v63  }
0x4e: {  	_ =	swait.ge [sflag:s11], $0x3E80  }
0x4f: {  	[sflag:s11] =	ssyncset.done $0x0  }
0x50: {  	s28 =	simm.s32 $0x380;
	[sflag:s11] =	ssyncadd.s32 $0xFFFFC180  }
0x51: {  	[tilespmem:s17], [sflag:$0x2] =	stream.indirect.gather [hbm4b:s4+s13], $0x80, s28, s13, $0xb8;
	[tilespmem:$0x1F800] =	vst v63  }
0x52: {  	_ =	swait.ge [sflag:s18], $0x3E80  }
0x53: {  	[sflag:s18] =	ssyncset.done $0x0  }
0x54: {  	s29 =	sadd.s32 $0x2B00, s22;
	[sflag:s18] =	ssyncadd.s32 $0xFFFFC180  }
0x55: {  	[spmem:s2] =	stream.indirect.scatter.add.f32 [tilespmem:s14], [sflag:$0x4], $0x80, s29, s13, $0xb8;
	[tilespmem:$0x1F800] =	vst v63  }
0x56: {  	_ =	swait.ge [sflag:s11], $0x3E80  }
0x57: {  	[sflag:s11] =	ssyncset.done $0x0  }
0x58: {  	s30 =	simm.s32 $0x400;
	[sflag:s11] =	ssyncadd.s32 $0xFFFFC180  }
0x59: {  	[tilespmem:s14], [sflag:$0x1] =	stream.indirect.gather [hbm4b:s4+s13], $0x80, s30, s13, $0xb8;
	[tilespmem:$0x1F800] =	vst v63  }
0x5a: {  	_ =	swait.ge [sflag:s19], $0x3E80  }
0x5b: {  	[sflag:s19] =	ssyncset.done $0x0  }
0x5c: {  	s31 =	sadd.s32 $0x2B80, s22;
	[sflag:s19] =	ssyncadd.s32 $0xFFFFC180  }
0x5d: {  	[spmem:s2] =	stream.indirect.scatter.add.f32 [tilespmem:s17], [sflag:$0x4], $0x80, s31, s13, $0xb8;
	[tilespmem:$0x1F800] =	vst v63  }
0x5e: {  	_ =	swait.ge [sflag:s11], $0x3E80  }
0x5f: {  	[sflag:s11] =	ssyncset.done $0x0  }
0x60: {  	s24 =	simm.s32 $0x480;
	[sflag:s11] =	ssyncadd.s32 $0xFFFFC180  }
0x61: {  	[tilespmem:s17], [sflag:$0x2] =	stream.indirect.gather [hbm4b:s4+s13], $0x80, s24, s13, $0xb8;
	[tilespmem:$0x1F800] =	vst v63  }
0x62: {  	_ =	swait.ge [sflag:s18], $0x3E80  }
0x63: {  	[sflag:s18] =	ssyncset.done $0x0  }
0x64: {  	s25 =	sadd.s32 $0x2C00, s22;
	[sflag:s18] =	ssyncadd.s32 $0xFFFFC180  }
0x65: {  	[spmem:s2] =	stream.indirect.scatter.add.f32 [tilespmem:s14], [sflag:$0x4], $0x80, s25, s13, $0xb8;
	[tilespmem:$0x1F800] =	vst v63  }
0x66: {  	_ =	swait.ge [sflag:s11], $0x3E80  }
0x67: {  	[sflag:s11] =	ssyncset.done $0x0  }
0x68: {  	s26 =	simm.s32 $0x500;
	[sflag:s11] =	ssyncadd.s32 $0xFFFFC180  }
0x69: {  	[tilespmem:s14], [sflag:$0x1] =	stream.indirect.gather [hbm4b:s4+s13], $0x80, s26, s13, $0xb8;
	[tilespmem:$0x1F800] =	vst v63  }
0x6a: {  	_ =	swait.ge [sflag:s19], $0x3E80  }
0x6b: {  	[sflag:s19] =	ssyncset.done $0x0  }
0x6c: {  	s28 =	sadd.s32 $0x2C80, s22;
	[sflag:s19] =	ssyncadd.s32 $0xFFFFC180  }
0x6d: {  	[spmem:s2] =	stream.indirect.scatter.add.f32 [tilespmem:s17], [sflag:$0x4], $0x80, s28, s13, $0xb8;
	[tilespmem:$0x1F800] =	vst v63  }
0x6e: {  	_ =	swait.ge [sflag:s11], $0x3E80  }
0x6f: {  	[sflag:s11] =	ssyncset.done $0x0  }
0x70: {  	s29 =	simm.s32 $0x580;
	[sflag:s11] =	ssyncadd.s32 $0xFFFFC180  }
0x71: {  	[tilespmem:s17], [sflag:$0x2] =	stream.indirect.gather [hbm4b:s4+s13], $0x80, s29, s13, $0xb8;
	[tilespmem:$0x1F800] =	vst v63  }
0x72: {  	_ =	swait.ge [sflag:s18], $0x3E80  }
0x73: {  	[sflag:s18] =	ssyncset.done $0x0  }
0x74: {  	s30 =	sadd.s32 $0x2D00, s22;
	[sflag:s18] =	ssyncadd.s32 $0xFFFFC180  }
0x75: {  	[spmem:s2] =	stream.indirect.scatter.add.f32 [tilespmem:s14], [sflag:$0x4], $0x80, s30, s13, $0xb8;
	[tilespmem:$0x1F800] =	vst v63  }
0x76: {  	_ =	swait.ge [sflag:s11], $0x3E80  }
0x77: {  	[sflag:s11] =	ssyncset.done $0x0  }
0x78: {  	s31 =	simm.s32 $0x600;
	[sflag:s11] =	ssyncadd.s32 $0xFFFFC180  }
0x79: {  	[tilespmem:s14], [sflag:$0x1] =	stream.indirect.gather [hbm4b:s4+s13], $0x80, s31, s13, $0xb8;
	[tilespmem:$0x1F800] =	vst v63  }
0x7a: {  	_ =	swait.ge [sflag:s19], $0x3E80  }
0x7b: {  	[sflag:s19] =	ssyncset.done $0x0  }
0x7c: {  	s24 =	sadd.s32 $0x2D80, s22;
	[sflag:s19] =	ssyncadd.s32 $0xFFFFC180  }
0x7d: {  	[spmem:s2] =	stream.indirect.scatter.add.f32 [tilespmem:s17], [sflag:$0x4], $0x80, s24, s13, $0xb8;
	[tilespmem:$0x1F800] =	vst v63  }
0x7e: {  	_ =	swait.ge [sflag:s11], $0x3E80  }
0x7f: {  	[sflag:s11] =	ssyncset.done $0x0  }
0x80: {  	s25 =	simm.s32 $0x680;
	[sflag:s11] =	ssyncadd.s32 $0xFFFFC180  }
0x81: {  	[tilespmem:s17], [sflag:$0x2] =	stream.indirect.gather [hbm4b:s4+s13], $0x80, s25, s13, $0xb8;
	[tilespmem:$0x1F800] =	vst v63  }
0x82: {  	_ =	swait.ge [sflag:s18], $0x3E80  }
0x83: {  	[sflag:s18] =	ssyncset.done $0x0  }
0x84: {  	s26 =	sadd.s32 $0x2E00, s22;
	[sflag:s18] =	ssyncadd.s32 $0xFFFFC180  }
0x85: {  	[spmem:s2] =	stream.indirect.scatter.add.f32 [tilespmem:s14], [sflag:$0x4], $0x80, s26, s13, $0xb8;
	[tilespmem:$0x1F800] =	vst v63  }
0x86: {  	_ =	swait.ge [sflag:s11], $0x3E80  }
0x87: {  	[sflag:s11] =	ssyncset.done $0x0  }
0x88: {  	s28 =	simm.s32 $0x700;
	[sflag:s11] =	ssyncadd.s32 $0xFFFFC180  }
0x89: {  	[tilespmem:s14], [sflag:$0x1] =	stream.indirect.gather [hbm4b:s4+s13], $0x80, s28, s13, $0xb8;
	[tilespmem:$0x1F800] =	vst v63  }
0x8a: {  	_ =	swait.ge [sflag:s19], $0x3E80  }
0x8b: {  	[sflag:s19] =	ssyncset.done $0x0  }
0x8c: {  	s29 =	sadd.s32 $0x2E80, s22;
	[sflag:s19] =	ssyncadd.s32 $0xFFFFC180  }
0x8d: {  	[spmem:s2] =	stream.indirect.scatter.add.f32 [tilespmem:s17], [sflag:$0x4], $0x80, s29, s13, $0xb8;
	[tilespmem:$0x1F800] =	vst v63  }
0x8e: {  	_ =	swait.ge [sflag:s11], $0x3E80  }
0x8f: {  	[sflag:s11] =	ssyncset.done $0x0  }
0x90: {  	s30 =	simm.s32 $0x780;
	[sflag:s11] =	ssyncadd.s32 $0xFFFFC180  }
0x91: {  	[tilespmem:s17], [sflag:$0x2] =	stream.indirect.gather [hbm4b:s4+s13], $0x80, s30, s13, $0xb8;
	[tilespmem:$0x1F800] =	vst v63  }
0x92: {  	_ =	swait.ge [sflag:s18], $0x3E80  }
0x93: {  	[sflag:s18] =	ssyncset.done $0x0  }
0x94: {  	s31 =	sadd.s32 $0x2F00, s22;
	[sflag:s18] =	ssyncadd.s32 $0xFFFFC180  }
0x95: {  	[spmem:s2] =	stream.indirect.scatter.add.f32 [tilespmem:s14], [sflag:$0x4], $0x80, s31, s13, $0xb8;
	[tilespmem:$0x1F800] =	vst v63  }
0x96: {  	_ =	swait.ge [sflag:s11], $0x3E80  }
0x97: {  	s23 =	simm.s32 @!p0 $0x3800;
	[sflag:s11] =	ssyncset.done $0x0  }
0x98: {  	s24 =	simm.s32 @!p0 $0x800;
	s25 =	simm.s32 @!p0 $0x7D;
	[sflag:s11] =	ssyncadd.s32 $0xFFFFC180  }
0x99: {  	[tilespmem:s23], [sflag:$0x1] =	stream.indirect.gather @!p0 [hbm4b:s4+s25], $0x80, s24, s25, $0xb8;
	[tilespmem:$0x1F800] =	vst v63  }
0x9a: {  	_ =	swait.ge [sflag:s19], $0x3E80  }
0x9b: {  	[sflag:s19] =	ssyncset.done $0x0  }
0x9c: {  	s22 =	sadd.s32 $0x2F80, s22;
	[sflag:s19] =	ssyncadd.s32 $0xFFFFC180  }
0x9d: {  	[spmem:s2] =	stream.indirect.scatter.add.f32 [tilespmem:s17], [sflag:$0x4], $0x80, s22, s13, $0xb8;
	[tilespmem:$0x1F800] =	vst v63  }
0x9e: {  	s24 =	simm.s32 $0x4000;
	p0 =	por $0x0, $0x0;
	_ =	swait.ge [sflag:s11], $0x3E80  }
0x9f: {  	s23 =	sadd.s32 $0x100, s15;
	s22 =	simm.s32 $0x2000;
	[sflag:s11] =	ssyncset.done $0x0  }
.LBB2_2:
0xa0: {  	s26 =	sxor.u32 @!p0 $0xFFFFFFFF, s22  }
0xa1: {  	[sflag:s11] =	ssyncadd.s32 $0xFFFFC180;
	s25 =	smov.u32 s24;
	s24 =	sadd.s32 $0x2000, s24  }
0xa2: {  	p1 =	sne.s32 s24, $0xA000;
	_ =	swait.ge [sflag:s16], $0x800;
	s26 =	sand.u32 @!p0 $0x2000, s26  }
0xa3: {  	s28 =	sshra.s32 s22, $0x2;
	[sflag:s16] =	ssyncset.done $0x0;
	s26 =	sshrl.u32 @!p0 s26, $0x2  }
0xa4: {  	s29 =	simm.s32 @!p0 $0x0;
	[sflag:s16] =	ssyncadd.s32 $0xFFFFF800;
	s26 =	sadd.s32 @!p0 $0x2800, s26  }
0xa5: {  	[tilespmem:s26], [sflag:$0x3] =	stream.linear.gather @!p0 [hbm4b:s23+s29], $0x800, $0x38;
	[tilespmem:$0x1F800] =	vst v63  }
0xa6: {  	s26 =	sadd.s32 $0x80, s28  }
0xa7: {  	[tilespmem:s17], [sflag:$0x2] =	stream.indirect.gather [hbm4b:s4+s13], $0x80, s26, s13, $0xb8;
	[tilespmem:$0x1F800] =	vst v63  }
0xa8: {  	s26 =	sshrl.u32 s22, $0x2;
	_ =	swait.ge [sflag:s18], $0x3E80  }
0xa9: {  	s26 =	sand.u32 $0x800, s26;
	[sflag:s18] =	ssyncset.done $0x0  }
0xaa: {  	s29 =	sadd.s32 $0x2800, s26;
	[sflag:s18] =	ssyncadd.s32 $0xFFFFC180  }
0xab: {  	[spmem:s2] =	stream.indirect.scatter.add.f32 [tilespmem:s14], [sflag:$0x4], $0x80, s29, s13, $0xb8;
	[tilespmem:$0x1F800] =	vst v63  }
0xac: {  	_ =	swait.ge [sflag:s11], $0x3E80  }
0xad: {  	[sflag:s11] =	ssyncset.done $0x0  }
0xae: {  	s29 =	sadd.s32 $0x100, s28;
	[sflag:s11] =	ssyncadd.s32 $0xFFFFC180  }
0xaf: {  	[tilespmem:s14], [sflag:$0x1] =	stream.indirect.gather [hbm4b:s4+s13], $0x80, s29, s13, $0xb8;
	[tilespmem:$0x1F800] =	vst v63  }
0xb0: {  	_ =	swait.ge [sflag:s19], $0x3E80  }
0xb1: {  	[sflag:s19] =	ssyncset.done $0x0  }
0xb2: {  	s29 =	sadd.s32 $0x2880, s26;
	[sflag:s19] =	ssyncadd.s32 $0xFFFFC180  }
0xb3: {  	[spmem:s2] =	stream.indirect.scatter.add.f32 [tilespmem:s17], [sflag:$0x4], $0x80, s29, s13, $0xb8;
	[tilespmem:$0x1F800] =	vst v63  }
0xb4: {  	_ =	swait.ge [sflag:s11], $0x3E80  }
0xb5: {  	[sflag:s11] =	ssyncset.done $0x0  }
0xb6: {  	s29 =	sadd.s32 $0x180, s28;
	[sflag:s11] =	ssyncadd.s32 $0xFFFFC180  }
0xb7: {  	[tilespmem:s17], [sflag:$0x2] =	stream.indirect.gather [hbm4b:s4+s13], $0x80, s29, s13, $0xb8;
	[tilespmem:$0x1F800] =	vst v63  }
0xb8: {  	_ =	swait.ge [sflag:s18], $0x3E80  }
0xb9: {  	[sflag:s18] =	ssyncset.done $0x0  }
0xba: {  	s29 =	sadd.s32 $0x2900, s26;
	[sflag:s18] =	ssyncadd.s32 $0xFFFFC180  }
0xbb: {  	[spmem:s2] =	stream.indirect.scatter.add.f32 [tilespmem:s14], [sflag:$0x4], $0x80, s29, s13, $0xb8;
	[tilespmem:$0x1F800] =	vst v63  }
0xbc: {  	_ =	swait.ge [sflag:s11], $0x3E80  }
0xbd: {  	[sflag:s11] =	ssyncset.done $0x0  }
0xbe: {  	s29 =	sadd.s32 $0x200, s28;
	[sflag:s11] =	ssyncadd.s32 $0xFFFFC180  }
0xbf: {  	[tilespmem:s14], [sflag:$0x1] =	stream.indirect.gather [hbm4b:s4+s13], $0x80, s29, s13, $0xb8;
	[tilespmem:$0x1F800] =	vst v63  }
0xc0: {  	_ =	swait.ge [sflag:s19], $0x3E80  }
0xc1: {  	[sflag:s19] =	ssyncset.done $0x0  }
0xc2: {  	s29 =	sadd.s32 $0x2980, s26;
	[sflag:s19] =	ssyncadd.s32 $0xFFFFC180  }
0xc3: {  	[spmem:s2] =	stream.indirect.scatter.add.f32 [tilespmem:s17], [sflag:$0x4], $0x80, s29, s13, $0xb8;
	[tilespmem:$0x1F800] =	vst v63  }
0xc4: {  	_ =	swait.ge [sflag:s11], $0x3E80  }
0xc5: {  	[sflag:s11] =	ssyncset.done $0x0  }
0xc6: {  	s29 =	sadd.s32 $0x280, s28;
	[sflag:s11] =	ssyncadd.s32 $0xFFFFC180  }
0xc7: {  	[tilespmem:s17], [sflag:$0x2] =	stream.indirect.gather [hbm4b:s4+s13], $0x80, s29, s13, $0xb8;
	[tilespmem:$0x1F800] =	vst v63  }
0xc8: {  	_ =	swait.ge [sflag:s18], $0x3E80  }
0xc9: {  	[sflag:s18] =	ssyncset.done $0x0  }
0xca: {  	s29 =	sadd.s32 $0x2A00, s26;
	[sflag:s18] =	ssyncadd.s32 $0xFFFFC180  }
0xcb: {  	[spmem:s2] =	stream.indirect.scatter.add.f32 [tilespmem:s14], [sflag:$0x4], $0x80, s29, s13, $0xb8;
	[tilespmem:$0x1F800] =	vst v63  }
0xcc: {  	_ =	swait.ge [sflag:s11], $0x3E80  }
0xcd: {  	[sflag:s11] =	ssyncset.done $0x0  }
0xce: {  	s29 =	sadd.s32 $0x300, s28;
	[sflag:s11] =	ssyncadd.s32 $0xFFFFC180  }
0xcf: {  	[tilespmem:s14], [sflag:$0x1] =	stream.indirect.gather [hbm4b:s4+s13], $0x80, s29, s13, $0xb8;
	[tilespmem:$0x1F800] =	vst v63  }
0xd0: {  	_ =	swait.ge [sflag:s19], $0x3E80  }
0xd1: {  	[sflag:s19] =	ssyncset.done $0x0  }
0xd2: {  	s29 =	sadd.s32 $0x2A80, s26;
	[sflag:s19] =	ssyncadd.s32 $0xFFFFC180  }
0xd3: {  	[spmem:s2] =	stream.indirect.scatter.add.f32 [tilespmem:s17], [sflag:$0x4], $0x80, s29, s13, $0xb8;
	[tilespmem:$0x1F800] =	vst v63  }
0xd4: {  	_ =	swait.ge [sflag:s11], $0x3E80  }
0xd5: {  	[sflag:s11] =	ssyncset.done $0x0  }
0xd6: {  	s29 =	sadd.s32 $0x380, s28;
	[sflag:s11] =	ssyncadd.s32 $0xFFFFC180  }
0xd7: {  	[tilespmem:s17], [sflag:$0x2] =	stream.indirect.gather [hbm4b:s4+s13], $0x80, s29, s13, $0xb8;
	[tilespmem:$0x1F800] =	vst v63  }
0xd8: {  	_ =	swait.ge [sflag:s18], $0x3E80  }
0xd9: {  	[sflag:s18] =	ssyncset.done $0x0  }
0xda: {  	s29 =	sadd.s32 $0x2B00, s26;
	[sflag:s18] =	ssyncadd.s32 $0xFFFFC180  }
0xdb: {  	[spmem:s2] =	stream.indirect.scatter.add.f32 [tilespmem:s14], [sflag:$0x4], $0x80, s29, s13, $0xb8;
	[tilespmem:$0x1F800] =	vst v63  }
0xdc: {  	_ =	swait.ge [sflag:s11], $0x3E80  }
0xdd: {  	[sflag:s11] =	ssyncset.done $0x0  }
0xde: {  	s29 =	sadd.s32 $0x400, s28;
	[sflag:s11] =	ssyncadd.s32 $0xFFFFC180  }
0xdf: {  	[tilespmem:s14], [sflag:$0x1] =	stream.indirect.gather [hbm4b:s4+s13], $0x80, s29, s13, $0xb8;
	[tilespmem:$0x1F800] =	vst v63  }
0xe0: {  	_ =	swait.ge [sflag:s19], $0x3E80  }
0xe1: {  	[sflag:s19] =	ssyncset.done $0x0  }
0xe2: {  	s29 =	sadd.s32 $0x2B80, s26;
	[sflag:s19] =	ssyncadd.s32 $0xFFFFC180  }
0xe3: {  	[spmem:s2] =	stream.indirect.scatter.add.f32 [tilespmem:s17], [sflag:$0x4], $0x80, s29, s13, $0xb8;
	[tilespmem:$0x1F800] =	vst v63  }
0xe4: {  	_ =	swait.ge [sflag:s11], $0x3E80  }
0xe5: {  	[sflag:s11] =	ssyncset.done $0x0  }
0xe6: {  	s29 =	sadd.s32 $0x480, s28;
	[sflag:s11] =	ssyncadd.s32 $0xFFFFC180  }
0xe7: {  	[tilespmem:s17], [sflag:$0x2] =	stream.indirect.gather [hbm4b:s4+s13], $0x80, s29, s13, $0xb8;
	[tilespmem:$0x1F800] =	vst v63  }
0xe8: {  	_ =	swait.ge [sflag:s18], $0x3E80  }
0xe9: {  	[sflag:s18] =	ssyncset.done $0x0  }
0xea: {  	s29 =	sadd.s32 $0x2C00, s26;
	[sflag:s18] =	ssyncadd.s32 $0xFFFFC180  }
0xeb: {  	[spmem:s2] =	stream.indirect.scatter.add.f32 [tilespmem:s14], [sflag:$0x4], $0x80, s29, s13, $0xb8;
	[tilespmem:$0x1F800] =	vst v63  }
0xec: {  	_ =	swait.ge [sflag:s11], $0x3E80  }
0xed: {  	[sflag:s11] =	ssyncset.done $0x0  }
0xee: {  	s29 =	sadd.s32 $0x500, s28;
	[sflag:s11] =	ssyncadd.s32 $0xFFFFC180  }
0xef: {  	[tilespmem:s14], [sflag:$0x1] =	stream.indirect.gather [hbm4b:s4+s13], $0x80, s29, s13, $0xb8;
	[tilespmem:$0x1F800] =	vst v63  }
0xf0: {  	_ =	swait.ge [sflag:s19], $0x3E80  }
0xf1: {  	[sflag:s19] =	ssyncset.done $0x0  }
0xf2: {  	s29 =	sadd.s32 $0x2C80, s26;
	[sflag:s19] =	ssyncadd.s32 $0xFFFFC180  }
0xf3: {  	[spmem:s2] =	stream.indirect.scatter.add.f32 [tilespmem:s17], [sflag:$0x4], $0x80, s29, s13, $0xb8;
	[tilespmem:$0x1F800] =	vst v63  }
0xf4: {  	_ =	swait.ge [sflag:s11], $0x3E80  }
0xf5: {  	[sflag:s11] =	ssyncset.done $0x0  }
0xf6: {  	s29 =	sadd.s32 $0x580, s28;
	[sflag:s11] =	ssyncadd.s32 $0xFFFFC180  }
0xf7: {  	[tilespmem:s17], [sflag:$0x2] =	stream.indirect.gather [hbm4b:s4+s13], $0x80, s29, s13, $0xb8;
	[tilespmem:$0x1F800] =	vst v63  }
0xf8: {  	_ =	swait.ge [sflag:s18], $0x3E80  }
0xf9: {  	[sflag:s18] =	ssyncset.done $0x0  }
0xfa: {  	s29 =	sadd.s32 $0x2D00, s26;
	[sflag:s18] =	ssyncadd.s32 $0xFFFFC180  }
0xfb: {  	[spmem:s2] =	stream.indirect.scatter.add.f32 [tilespmem:s14], [sflag:$0x4], $0x80, s29, s13, $0xb8;
	[tilespmem:$0x1F800] =	vst v63  }
0xfc: {  	_ =	swait.ge [sflag:s11], $0x3E80  }
0xfd: {  	[sflag:s11] =	ssyncset.done $0x0  }
0xfe: {  	s29 =	sadd.s32 $0x600, s28;
	[sflag:s11] =	ssyncadd.s32 $0xFFFFC180  }
0xff: {  	[tilespmem:s14], [sflag:$0x1] =	stream.indirect.gather [hbm4b:s4+s13], $0x80, s29, s13, $0xb8;
	[tilespmem:$0x1F800] =	vst v63  }
0x100: {  	_ =	swait.ge [sflag:s19], $0x3E80  }
0x101: {  	[sflag:s19] =	ssyncset.done $0x0  }
0x102: {  	s29 =	sadd.s32 $0x2D80, s26;
	[sflag:s19] =	ssyncadd.s32 $0xFFFFC180  }
0x103: {  	[spmem:s2] =	stream.indirect.scatter.add.f32 [tilespmem:s17], [sflag:$0x4], $0x80, s29, s13, $0xb8;
	[tilespmem:$0x1F800] =	vst v63  }
0x104: {  	_ =	swait.ge [sflag:s11], $0x3E80  }
0x105: {  	[sflag:s11] =	ssyncset.done $0x0  }
0x106: {  	s29 =	sadd.s32 $0x680, s28;
	[sflag:s11] =	ssyncadd.s32 $0xFFFFC180  }
0x107: {  	[tilespmem:s17], [sflag:$0x2] =	stream.indirect.gather [hbm4b:s4+s13], $0x80, s29, s13, $0xb8;
	[tilespmem:$0x1F800] =	vst v63  }
0x108: {  	_ =	swait.ge [sflag:s18], $0x3E80  }
0x109: {  	[sflag:s18] =	ssyncset.done $0x0  }
0x10a: {  	s29 =	sadd.s32 $0x2E00, s26;
	[sflag:s18] =	ssyncadd.s32 $0xFFFFC180  }
0x10b: {  	[spmem:s2] =	stream.indirect.scatter.add.f32 [tilespmem:s14], [sflag:$0x4], $0x80, s29, s13, $0xb8;
	[tilespmem:$0x1F800] =	vst v63  }
0x10c: {  	_ =	swait.ge [sflag:s11], $0x3E80  }
0x10d: {  	[sflag:s11] =	ssyncset.done $0x0  }
0x10e: {  	s29 =	sadd.s32 $0x700, s28;
	[sflag:s11] =	ssyncadd.s32 $0xFFFFC180  }
0x10f: {  	[tilespmem:s14], [sflag:$0x1] =	stream.indirect.gather [hbm4b:s4+s13], $0x80, s29, s13, $0xb8;
	[tilespmem:$0x1F800] =	vst v63  }
0x110: {  	_ =	swait.ge [sflag:s19], $0x3E80  }
0x111: {  	[sflag:s19] =	ssyncset.done $0x0  }
0x112: {  	s29 =	sadd.s32 $0x2E80, s26;
	[sflag:s19] =	ssyncadd.s32 $0xFFFFC180  }
0x113: {  	[spmem:s2] =	stream.indirect.scatter.add.f32 [tilespmem:s17], [sflag:$0x4], $0x80, s29, s13, $0xb8;
	[tilespmem:$0x1F800] =	vst v63  }
0x114: {  	_ =	swait.ge [sflag:s11], $0x3E80  }
0x115: {  	[sflag:s11] =	ssyncset.done $0x0  }
0x116: {  	s28 =	sadd.s32 $0x780, s28;
	[sflag:s11] =	ssyncadd.s32 $0xFFFFC180  }
0x117: {  	[tilespmem:s17], [sflag:$0x2] =	stream.indirect.gather [hbm4b:s4+s13], $0x80, s28, s13, $0xb8;
	[tilespmem:$0x1F800] =	vst v63  }
0x118: {  	_ =	swait.ge [sflag:s18], $0x3E80  }
0x119: {  	[sflag:s18] =	ssyncset.done $0x0  }
0x11a: {  	s28 =	sadd.s32 $0x2F00, s26;
	[sflag:s18] =	ssyncadd.s32 $0xFFFFC180  }
0x11b: {  	[spmem:s2] =	stream.indirect.scatter.add.f32 [tilespmem:s14], [sflag:$0x4], $0x80, s28, s13, $0xb8;
	[tilespmem:$0x1F800] =	vst v63  }
0x11c: {  	_ =	swait.ge [sflag:s11], $0x3E80  }
0x11d: {  	s22 =	sshra.s32 @!p0 s22, $0x2;
	s28 =	simm.s32 @!p0 $0x3800;
	[sflag:s11] =	ssyncset.done $0x0  }
0x11e: {  	s22 =	sadd.s32 @!p0 $0x800, s22;
	s29 =	simm.s32 @!p0 $0x7D;
	[sflag:s11] =	ssyncadd.s32 $0xFFFFC180  }
0x11f: {  	[tilespmem:s28], [sflag:$0x1] =	stream.indirect.gather @!p0 [hbm4b:s4+s29], $0x80, s22, s29, $0xb8;
	[tilespmem:$0x1F800] =	vst v63  }
0x120: {  	s22 =	smov.u32 s25;
	_ =	swait.ge [sflag:s19], $0x3E80  }
.Ltmp0:
0x121: {  	[sflag:s19] =	ssyncset.done $0x0;
	(pc) =	sbr.rel @p1 .LBB2_2-.Ltmp0, $4  }
0x122: {  	s25 =	sadd.s32 $0x2F80, s26;
	[sflag:s19] =	ssyncadd.s32 $0xFFFFC180  }
0x123: {  	[spmem:s2] =	stream.indirect.scatter.add.f32 [tilespmem:s17], [sflag:$0x4], $0x80, s25, s13, $0xb8;
	[tilespmem:$0x1F800] =	vst v63  }
0x124: {  	_ =	swait.ge [sflag:s11], $0x3E80  }
0x125: {  	s23 =	sadd.s32 $0x100, s23;
	p0 =	seq.s32 s22, $0x8000;
	[sflag:s11] =	ssyncset.done $0x0  }
0x126: {  	s24 =	sxor.u32 @!p0 $0xFFFFFFFF, s22;
	[sflag:s11] =	ssyncadd.s32 $0xFFFFC180  }
0x127: {  	_ =	swait.ge [sflag:s16], $0x800;
	s24 =	sand.u32 @!p0 $0x2000, s24  }
0x128: {  	s26 =	simm.s32 @!p0 $0x0;
	[sflag:s16] =	ssyncset.done $0x0;
	s25 =	sshrl.u32 @!p0 s24, $0x2  }
0x129: {  	s24 =	sshra.s32 s22, $0x2;
	[sflag:s16] =	ssyncadd.s32 $0xFFFFF800;
	s25 =	sadd.s32 @!p0 $0x2800, s25  }
0x12a: {  	[tilespmem:s25], [sflag:$0x3] =	stream.linear.gather @!p0 [hbm4b:s23+s26], $0x800, $0x38;
	[tilespmem:$0x1F800] =	vst v63  }
0x12b: {  	s25 =	sadd.s32 $0x80, s24  }
0x12c: {  	[tilespmem:s17], [sflag:$0x2] =	stream.indirect.gather [hbm4b:s4+s13], $0x80, s25, s13, $0xb8;
	[tilespmem:$0x1F800] =	vst v63  }
0x12d: {  	s26 =	sshrl.u32 s22, $0x2;
	_ =	swait.ge [sflag:s18], $0x3E80  }
0x12e: {  	s23 =	sand.u32 $0x800, s26;
	[sflag:s18] =	ssyncset.done $0x0  }
0x12f: {  	s28 =	sadd.s32 $0x2800, s23;
	[sflag:s18] =	ssyncadd.s32 $0xFFFFC180  }
0x130: {  	[spmem:s2] =	stream.indirect.scatter.add.f32 [tilespmem:s14], [sflag:$0x4], $0x80, s28, s13, $0xb8;
	[tilespmem:$0x1F800] =	vst v63  }
0x131: {  	_ =	swait.ge [sflag:s11], $0x3E80  }
0x132: {  	[sflag:s11] =	ssyncset.done $0x0  }
0x133: {  	s29 =	sadd.s32 $0x100, s24;
	[sflag:s11] =	ssyncadd.s32 $0xFFFFC180  }
0x134: {  	[tilespmem:s14], [sflag:$0x1] =	stream.indirect.gather [hbm4b:s4+s13], $0x80, s29, s13, $0xb8;
	[tilespmem:$0x1F800] =	vst v63  }
0x135: {  	_ =	swait.ge [sflag:s19], $0x3E80  }
0x136: {  	[sflag:s19] =	ssyncset.done $0x0  }
0x137: {  	s30 =	sadd.s32 $0x2880, s23;
	[sflag:s19] =	ssyncadd.s32 $0xFFFFC180  }
0x138: {  	[spmem:s2] =	stream.indirect.scatter.add.f32 [tilespmem:s17], [sflag:$0x4], $0x80, s30, s13, $0xb8;
	[tilespmem:$0x1F800] =	vst v63  }
0x139: {  	_ =	swait.ge [sflag:s11], $0x3E80  }
0x13a: {  	[sflag:s11] =	ssyncset.done $0x0  }
0x13b: {  	s31 =	sadd.s32 $0x180, s24;
	[sflag:s11] =	ssyncadd.s32 $0xFFFFC180  }
0x13c: {  	[tilespmem:s17], [sflag:$0x2] =	stream.indirect.gather [hbm4b:s4+s13], $0x80, s31, s13, $0xb8;
	[tilespmem:$0x1F800] =	vst v63  }
0x13d: {  	_ =	swait.ge [sflag:s18], $0x3E80  }
0x13e: {  	[sflag:s18] =	ssyncset.done $0x0  }
0x13f: {  	s26 =	sadd.s32 $0x2900, s23;
	[sflag:s18] =	ssyncadd.s32 $0xFFFFC180  }
0x140: {  	[spmem:s2] =	stream.indirect.scatter.add.f32 [tilespmem:s14], [sflag:$0x4], $0x80, s26, s13, $0xb8;
	[tilespmem:$0x1F800] =	vst v63  }
0x141: {  	_ =	swait.ge [sflag:s11], $0x3E80  }
0x142: {  	[sflag:s11] =	ssyncset.done $0x0  }
0x143: {  	s28 =	sadd.s32 $0x200, s24;
	[sflag:s11] =	ssyncadd.s32 $0xFFFFC180  }
0x144: {  	[tilespmem:s14], [sflag:$0x1] =	stream.indirect.gather [hbm4b:s4+s13], $0x80, s28, s13, $0xb8;
	[tilespmem:$0x1F800] =	vst v63  }
0x145: {  	_ =	swait.ge [sflag:s19], $0x3E80  }
0x146: {  	[sflag:s19] =	ssyncset.done $0x0  }
0x147: {  	s29 =	sadd.s32 $0x2980, s23;
	[sflag:s19] =	ssyncadd.s32 $0xFFFFC180  }
0x148: {  	[spmem:s2] =	stream.indirect.scatter.add.f32 [tilespmem:s17], [sflag:$0x4], $0x80, s29, s13, $0xb8;
	[tilespmem:$0x1F800] =	vst v63  }
0x149: {  	_ =	swait.ge [sflag:s11], $0x3E80  }
0x14a: {  	[sflag:s11] =	ssyncset.done $0x0  }
0x14b: {  	s30 =	sadd.s32 $0x280, s24;
	[sflag:s11] =	ssyncadd.s32 $0xFFFFC180  }
0x14c: {  	[tilespmem:s17], [sflag:$0x2] =	stream.indirect.gather [hbm4b:s4+s13], $0x80, s30, s13, $0xb8;
	[tilespmem:$0x1F800] =	vst v63  }
0x14d: {  	_ =	swait.ge [sflag:s18], $0x3E80  }
0x14e: {  	[sflag:s18] =	ssyncset.done $0x0  }
0x14f: {  	s31 =	sadd.s32 $0x2A00, s23;
	[sflag:s18] =	ssyncadd.s32 $0xFFFFC180  }
0x150: {  	[spmem:s2] =	stream.indirect.scatter.add.f32 [tilespmem:s14], [sflag:$0x4], $0x80, s31, s13, $0xb8;
	[tilespmem:$0x1F800] =	vst v63  }
0x151: {  	_ =	swait.ge [sflag:s11], $0x3E80  }
0x152: {  	[sflag:s11] =	ssyncset.done $0x0  }
0x153: {  	s26 =	sadd.s32 $0x300, s24;
	[sflag:s11] =	ssyncadd.s32 $0xFFFFC180  }
0x154: {  	[tilespmem:s14], [sflag:$0x1] =	stream.indirect.gather [hbm4b:s4+s13], $0x80, s26, s13, $0xb8;
	[tilespmem:$0x1F800] =	vst v63  }
0x155: {  	_ =	swait.ge [sflag:s19], $0x3E80  }
0x156: {  	[sflag:s19] =	ssyncset.done $0x0  }
0x157: {  	s28 =	sadd.s32 $0x2A80, s23;
	[sflag:s19] =	ssyncadd.s32 $0xFFFFC180  }
0x158: {  	[spmem:s2] =	stream.indirect.scatter.add.f32 [tilespmem:s17], [sflag:$0x4], $0x80, s28, s13, $0xb8;
	[tilespmem:$0x1F800] =	vst v63  }
0x159: {  	_ =	swait.ge [sflag:s11], $0x3E80  }
0x15a: {  	[sflag:s11] =	ssyncset.done $0x0  }
0x15b: {  	s29 =	sadd.s32 $0x380, s24;
	[sflag:s11] =	ssyncadd.s32 $0xFFFFC180  }
0x15c: {  	[tilespmem:s17], [sflag:$0x2] =	stream.indirect.gather [hbm4b:s4+s13], $0x80, s29, s13, $0xb8;
	[tilespmem:$0x1F800] =	vst v63  }
0x15d: {  	_ =	swait.ge [sflag:s18], $0x3E80  }
0x15e: {  	[sflag:s18] =	ssyncset.done $0x0  }
0x15f: {  	s30 =	sadd.s32 $0x2B00, s23;
	[sflag:s18] =	ssyncadd.s32 $0xFFFFC180  }
0x160: {  	[spmem:s2] =	stream.indirect.scatter.add.f32 [tilespmem:s14], [sflag:$0x4], $0x80, s30, s13, $0xb8;
	[tilespmem:$0x1F800] =	vst v63  }
0x161: {  	_ =	swait.ge [sflag:s11], $0x3E80  }
0x162: {  	[sflag:s11] =	ssyncset.done $0x0  }
0x163: {  	s31 =	sadd.s32 $0x400, s24;
	[sflag:s11] =	ssyncadd.s32 $0xFFFFC180  }
0x164: {  	[tilespmem:s14], [sflag:$0x1] =	stream.indirect.gather [hbm4b:s4+s13], $0x80, s31, s13, $0xb8;
	[tilespmem:$0x1F800] =	vst v63  }
0x165: {  	_ =	swait.ge [sflag:s19], $0x3E80  }
0x166: {  	[sflag:s19] =	ssyncset.done $0x0  }
0x167: {  	s26 =	sadd.s32 $0x2B80, s23;
	[sflag:s19] =	ssyncadd.s32 $0xFFFFC180  }
0x168: {  	[spmem:s2] =	stream.indirect.scatter.add.f32 [tilespmem:s17], [sflag:$0x4], $0x80, s26, s13, $0xb8;
	[tilespmem:$0x1F800] =	vst v63  }
0x169: {  	_ =	swait.ge [sflag:s11], $0x3E80  }
0x16a: {  	[sflag:s11] =	ssyncset.done $0x0  }
0x16b: {  	s28 =	sadd.s32 $0x480, s24;
	[sflag:s11] =	ssyncadd.s32 $0xFFFFC180  }
0x16c: {  	[tilespmem:s17], [sflag:$0x2] =	stream.indirect.gather [hbm4b:s4+s13], $0x80, s28, s13, $0xb8;
	[tilespmem:$0x1F800] =	vst v63  }
0x16d: {  	_ =	swait.ge [sflag:s18], $0x3E80  }
0x16e: {  	[sflag:s18] =	ssyncset.done $0x0  }
0x16f: {  	s29 =	sadd.s32 $0x2C00, s23;
	[sflag:s18] =	ssyncadd.s32 $0xFFFFC180  }
0x170: {  	[spmem:s2] =	stream.indirect.scatter.add.f32 [tilespmem:s14], [sflag:$0x4], $0x80, s29, s13, $0xb8;
	[tilespmem:$0x1F800] =	vst v63  }
0x171: {  	_ =	swait.ge [sflag:s11], $0x3E80  }
0x172: {  	[sflag:s11] =	ssyncset.done $0x0  }
0x173: {  	s30 =	sadd.s32 $0x500, s24;
	[sflag:s11] =	ssyncadd.s32 $0xFFFFC180  }
0x174: {  	[tilespmem:s14], [sflag:$0x1] =	stream.indirect.gather [hbm4b:s4+s13], $0x80, s30, s13, $0xb8;
	[tilespmem:$0x1F800] =	vst v63  }
0x175: {  	_ =	swait.ge [sflag:s19], $0x3E80  }
0x176: {  	[sflag:s19] =	ssyncset.done $0x0  }
0x177: {  	s31 =	sadd.s32 $0x2C80, s23;
	[sflag:s19] =	ssyncadd.s32 $0xFFFFC180  }
0x178: {  	[spmem:s2] =	stream.indirect.scatter.add.f32 [tilespmem:s17], [sflag:$0x4], $0x80, s31, s13, $0xb8;
	[tilespmem:$0x1F800] =	vst v63  }
0x179: {  	_ =	swait.ge [sflag:s11], $0x3E80  }
0x17a: {  	[sflag:s11] =	ssyncset.done $0x0  }
0x17b: {  	s26 =	sadd.s32 $0x580, s24;
	[sflag:s11] =	ssyncadd.s32 $0xFFFFC180  }
0x17c: {  	[tilespmem:s17], [sflag:$0x2] =	stream.indirect.gather [hbm4b:s4+s13], $0x80, s26, s13, $0xb8;
	[tilespmem:$0x1F800] =	vst v63  }
0x17d: {  	_ =	swait.ge [sflag:s18], $0x3E80  }
0x17e: {  	[sflag:s18] =	ssyncset.done $0x0  }
0x17f: {  	s28 =	sadd.s32 $0x2D00, s23;
	[sflag:s18] =	ssyncadd.s32 $0xFFFFC180  }
0x180: {  	[spmem:s2] =	stream.indirect.scatter.add.f32 [tilespmem:s14], [sflag:$0x4], $0x80, s28, s13, $0xb8;
	[tilespmem:$0x1F800] =	vst v63  }
0x181: {  	_ =	swait.ge [sflag:s11], $0x3E80  }
0x182: {  	[sflag:s11] =	ssyncset.done $0x0  }
0x183: {  	s29 =	sadd.s32 $0x600, s24;
	[sflag:s11] =	ssyncadd.s32 $0xFFFFC180  }
0x184: {  	[tilespmem:s14], [sflag:$0x1] =	stream.indirect.gather [hbm4b:s4+s13], $0x80, s29, s13, $0xb8;
	[tilespmem:$0x1F800] =	vst v63  }
0x185: {  	_ =	swait.ge [sflag:s19], $0x3E80  }
0x186: {  	[sflag:s19] =	ssyncset.done $0x0  }
0x187: {  	s30 =	sadd.s32 $0x2D80, s23;
	[sflag:s19] =	ssyncadd.s32 $0xFFFFC180  }
0x188: {  	[spmem:s2] =	stream.indirect.scatter.add.f32 [tilespmem:s17], [sflag:$0x4], $0x80, s30, s13, $0xb8;
	[tilespmem:$0x1F800] =	vst v63  }
0x189: {  	_ =	swait.ge [sflag:s11], $0x3E80  }
0x18a: {  	[sflag:s11] =	ssyncset.done $0x0  }
0x18b: {  	s31 =	sadd.s32 $0x680, s24;
	[sflag:s11] =	ssyncadd.s32 $0xFFFFC180  }
0x18c: {  	[tilespmem:s17], [sflag:$0x2] =	stream.indirect.gather [hbm4b:s4+s13], $0x80, s31, s13, $0xb8;
	[tilespmem:$0x1F800] =	vst v63  }
0x18d: {  	_ =	swait.ge [sflag:s18], $0x3E80  }
0x18e: {  	[sflag:s18] =	ssyncset.done $0x0  }
0x18f: {  	s26 =	sadd.s32 $0x2E00, s23;
	[sflag:s18] =	ssyncadd.s32 $0xFFFFC180  }
0x190: {  	[spmem:s2] =	stream.indirect.scatter.add.f32 [tilespmem:s14], [sflag:$0x4], $0x80, s26, s13, $0xb8;
	[tilespmem:$0x1F800] =	vst v63  }
0x191: {  	_ =	swait.ge [sflag:s11], $0x3E80  }
0x192: {  	[sflag:s11] =	ssyncset.done $0x0  }
0x193: {  	s28 =	sadd.s32 $0x700, s24;
	[sflag:s11] =	ssyncadd.s32 $0xFFFFC180  }
0x194: {  	[tilespmem:s14], [sflag:$0x1] =	stream.indirect.gather [hbm4b:s4+s13], $0x80, s28, s13, $0xb8;
	[tilespmem:$0x1F800] =	vst v63  }
0x195: {  	_ =	swait.ge [sflag:s19], $0x3E80  }
0x196: {  	[sflag:s19] =	ssyncset.done $0x0  }
0x197: {  	s29 =	sadd.s32 $0x2E80, s23;
	[sflag:s19] =	ssyncadd.s32 $0xFFFFC180  }
0x198: {  	[spmem:s2] =	stream.indirect.scatter.add.f32 [tilespmem:s17], [sflag:$0x4], $0x80, s29, s13, $0xb8;
	[tilespmem:$0x1F800] =	vst v63  }
0x199: {  	_ =	swait.ge [sflag:s11], $0x3E80  }
0x19a: {  	[sflag:s11] =	ssyncset.done $0x0  }
0x19b: {  	s24 =	sadd.s32 $0x780, s24;
	[sflag:s11] =	ssyncadd.s32 $0xFFFFC180  }
0x19c: {  	[tilespmem:s17], [sflag:$0x2] =	stream.indirect.gather [hbm4b:s4+s13], $0x80, s24, s13, $0xb8;
	[tilespmem:$0x1F800] =	vst v63  }
0x19d: {  	_ =	swait.ge [sflag:s18], $0x3E80  }
0x19e: {  	[sflag:s18] =	ssyncset.done $0x0  }
0x19f: {  	s30 =	sadd.s32 $0x2F00, s23;
	[sflag:s18] =	ssyncadd.s32 $0xFFFFC180  }
0x1a0: {  	[spmem:s2] =	stream.indirect.scatter.add.f32 [tilespmem:s14], [sflag:$0x4], $0x80, s30, s13, $0xb8;
	[tilespmem:$0x1F800] =	vst v63  }
0x1a1: {  	s22 =	sshra.s32 @!p0 s22, $0x2;
	_ =	swait.ge [sflag:s11], $0x3E80  }
0x1a2: {  	s22 =	sadd.s32 @!p0 $0x800, s22;
	[sflag:s11] =	ssyncset.done $0x0  }
0x1a3: {  	s25 =	simm.s32 @!p0 $0x7D;
	s24 =	simm.s32 @!p0 $0x3800;
	[sflag:s11] =	ssyncadd.s32 $0xFFFFC180  }
0x1a4: {  	[tilespmem:s24], [sflag:$0x1] =	stream.indirect.gather @!p0 [hbm4b:s4+s25], $0x80, s22, s25, $0xb8;
	[tilespmem:$0x1F800] =	vst v63  }
0x1a5: {  	_ =	swait.ge [sflag:s19], $0x3E80  }
0x1a6: {  	[sflag:s19] =	ssyncset.done $0x0  }
0x1a7: {  	s31 =	sadd.s32 $0x2F80, s23;
	[sflag:s19] =	ssyncadd.s32 $0xFFFFC180  }
0x1a8: {  	[spmem:s2] =	stream.indirect.scatter.add.f32 [tilespmem:s17], [sflag:$0x4], $0x80, s31, s13, $0xb8;
	[tilespmem:$0x1F800] =	vst v63  }
0x1a9: {  	_ =	swait.ge [sflag:s11], $0x3E80  }
0x1aa: {  	s21 =	sadd.s32 $0x1, s21;
	[sflag:s11] =	ssyncset.done $0x0  }
0x1ab: {  	p0 =	sne.s32 s21, s9;
	[sflag:s11] =	ssyncadd.s32 $0xFFFFC180  }
.Ltmp1:
0x1ac: {  	[bflag:$0x0] =	sbarrier.arrive $0xFFFF;
	(pc) =	sbr.rel @p0 .LBB2_1-.Ltmp1, $4  }
0x1ad: {  	[hbm:s20], [sflag:s6] =	dma.local [spmem:s10], $0x2800  }
0x1ae: {  	_ =	swait.ge [sflag:s11], $0x2800  }
0x1af: {  	[sflag:s11] =	ssyncset.done $0x0  }
0x1b0: {  	[sflag:s11] =	ssyncadd.s32 $0xFFFFD800  }
0x1b1: {  	_ =	sfence.sel $0x180000  }
0x1b2: {  	[bflag:$0x0] =	sbarrier.arrive $0xFFFF  }
0x1b3: {  	p0 =	sne.s32 s1, $0x0;
	_ =	strace $0x9000004A  }
0x1b4: {  	s0 =	sadd.s32 @!p0 $0x100000, s0;
	[bflag:$0x2] =	sbarrier.arrive $0xFFFF  }
0x1b5: {  	[sflag:s0] =	ssyncadd.tile.s32 @!p0 $0x1;
	_ =	shalt  }
.Lfunc_end2:
_tile_overlayer_lowered:
.L_overlay_start_2:
0x1b6: {  	(tag) =	ssettag $0x2  }
0x1b7: {  	s0 =	rddreg [dreg:$0x0];
	s2 =	stileid.u32  }
0x1b8: {  	s1 =	rddreg [dreg:$0x1];
	p0 =	sne.s32 s2, $0x0  }
0x1b9: {  	s3 =	rddreg [dreg:$0x2];
	[bflag:$0x3] =	sbarrier.arrive $0xFFFF;
	s2 =	simm.s32 @!p0 $0x1C04  }
0x1ba: {  	[timem:s3], [sflag:s2] =	dma.local @!p0 [hbm:s0], s1  }
0x1bb: {  	s0 =	simm.s32 @!p0 $0x4  }
0x1bc: {  	_ =	swait.ge @!p0 [sflag:s0], s1  }
0x1bd: {  	s1 =	ssub.s32 @!p0 $0x0, s1;
	[sflag:s0] =	ssyncset.done @!p0 $0x0  }
0x1be: {  	[sflag:s0] =	ssyncadd.s32 @!p0 s1  }
0x1bf: {  	[bflag:$0x3] =	sbarrier.arrive $0xFFFF  }
0x1c0: {  	_ =	shalt  }

// kernel: kernel.17.cloned.1.call-start
scs
__scs_entry_jumppad:
0x0: {  	(pc) =	sbr.rel $0x88, $3  }
0x1: {  	(tag) =	ssettag $0x0;
	lr =	simm.s32 $0x1  }
0x2: {  	[smem:$0x3F99] =	sst lr;
	_ =	strace $0xD0000000  }
0x3: {  	_ = 	snop  }
0x4: {  	_ = 	snop  }
0x5: {  	_ = 	snop  }
0x6: {  	_ = 	snop  }
0x7: {  	_ = 	snop  }
__scs_overlays_trampoline_lowered:
0x8: {  	[smem:$0x3FA8] =	sst s0  }
0x9: {  	[smem:$0x3FA9] =	sst s1  }
0xa: {  	[smem:$0x3FAA] =	sst s2  }
0xb: {  	[smem:$0x3FAB] =	sst s3  }
0xc: {  	[smem:$0x3FAC] =	sst s4  }
0xd: {  	[smem:$0x3FAD] =	sst s5  }
0xe: {  	[smem:$0x3FAE] =	sst s6  }
0xf: {  	[smem:$0x3FAF] =	sst s7  }
0x10: {  	[smem:$0x3FB0] =	sst s8  }
0x11: {  	[smem:$0x3FB1] =	sst s9;
	s0 =	simm.s32 @!p0 $0x0  }
0x12: {  	s1 =	sld [smem:$0x3F97];
	s0 =	simm.s32 @p0 $0x1  }
0x13: {  	[smem:$0x3FB2] =	sst s0;
	s0 =	simm.s32 @!p1 $0x0  }
0x14: {  	s2 =	sld [smem:$0x3F96];
	s0 =	simm.s32 @p1 $0x1  }
0x15: {  	[smem:$0x3FB3] =	sst s0;
	s0 =	simm.s32 @!p2 $0x0  }
0x16: {  	s3 =	sld [smem:$0x3FDB];
	s0 =	simm.s32 @p2 $0x1  }
0x17: {  	s4 =	simm.s32 $0x1BF5;
	[smem:$0x3FB5] =	sst s0  }
0x18: {  	s0 =	sld [smem:$0x3F98];
	_ =	swait.ge [sflag:s4], $0x0  }
0x19: {  	s7 =	sld [smem:$0x3F99]  }
0x1a: {  	s8 =	sadd.s32 $0xFFFFE003, lr  }
0x1b: {  	s9 =	sadd.s32 $0xFFFFFEF7, lr;
	s5 =	simm.s32 $0xFFFFFFFF;
	p2 =	slt.u32 s8, $0xFFFFF086  }
0x1c: {  	p1 =	slt.u32 s9, $0xF7A;
	s5 =	simm.s32 @!p2 $0x0  }
0x1d: {  	s5 =	simm.s32 @p1 $0x1;
	p0 =	seq.s32 s7, s2  }
0x1e: {  	s7 =	smul.u32 @!p0 $0xF7A, s2;
	p2 =	seq.s32 @!p0 s5, $0x0  }
0x1f: {  	s9 =	smul.u32 $0xF7A, s1;
	s8 =	simm.s32 @!p0 $0x1BF5;
	p2 =	por !p2, p0  }
0x20: {  	[sflag:s8] =	ssyncset.s32 @!p0 $0xFFFFF086;
	s6 =	sadd.s32 @!p0 s3, s7;
	s7 =	simm.s32 @!p0 $0x108  }
0x21: {  	s3 =	sadd.s32 s3, s9;
	s6 =	sadd.s32 @!p0 $0x88, s6;
	s7 =	simm.s32 @p2 $0x1082  }
0x22: {  	[simem:s7], [sflag:s8] =	dma.local @!p0 [hbm:s6], $0xF7A  }
0x23: {  	s9 =	sor.u32 $0xD0000000, s2;
	s6 =	simm.s32 $0x108;
	_ =	swait.ge @!p0 [sflag:s8], $0x0  }
0x24: {  	s3 =	sadd.s32 $0x88, s3;
	s6 =	simm.s32 @!p1 $0x1082;
	[sflag:s4] =	ssyncset.s32 $0xFFFFF086  }
0x25: {  	[simem:s6], [sflag:s4] =	dma.local [hbm:s3], $0xF7A  }
0x26: {  	[smem:$0x3F99] =	sst s1;
	(tag) =	ssettag s2;
	_ =	strace s9  }
0x27: {  	s1 =	sld [smem:$0x3FA9]  }
0x28: {  	s2 =	sld [smem:$0x3FAA]  }
0x29: {  	s4 =	sld [smem:$0x3FAC]  }
0x2a: {  	p0 =	seq.s32 s5, $0x0;
	s5 =	sld [smem:$0x3FAD]  }
0x2b: {  	s6 =	sld [smem:$0x3FAE]  }
0x2c: {  	s7 =	sld [smem:$0x3FAF]  }
0x2d: {  	s3 =	simm.s32 $0x108;
	s8 =	sld [smem:$0x3FB0]  }
0x2e: {  	s3 =	simm.s32 @!p0 $0x1082;
	s9 =	sld [smem:$0x3FB1]  }
0x2f: {  	lr =	sadd.s32 s0, s3;
	s0 =	sld [smem:$0x3FA8]  }
0x30: {  	s3 =	sld [smem:$0x3FAB]  }
0x31: {  	[smem:$0x3FB4] =	sst s10  }
0x32: {  	s10 =	sld [smem:$0x3FB2];
	_ =	sdelay $0x3  }
0x33: {  	p0 =	seq.s32 s10, $0x1;
	s10 =	sld [smem:$0x3FB4];
	_ =	sdelay $0x3  }
0x34: {  	[smem:$0x3FB4] =	sst s10  }
0x35: {  	s10 =	sld [smem:$0x3FB3];
	_ =	sdelay $0x3  }
0x36: {  	p1 =	seq.s32 s10, $0x1;
	s10 =	sld [smem:$0x3FB4];
	_ =	sdelay $0x3  }
0x37: {  	[smem:$0x3FB4] =	sst s10  }
0x38: {  	s10 =	sld [smem:$0x3FB5]  }
0x39: {  	_ = 	snop;
	(pc) =	sbr.ind lr, $3  }
0x3a: {  	_ = 	snop  }
0x3b: {  	_ = 	snop  }
0x3c: {  	p2 =	seq.s32 s10, $0x1;
	s10 =	sld [smem:$0x3FB4]  }
0x3d: {  	_ =	shalt  }
0x3e: {  	_ =	shalt  }
0x3f: {  	_ =	shalt  }
0x40: {  	_ =	shalt  }
0x41: {  	_ =	shalt  }
0x42: {  	_ =	shalt  }
0x43: {  	_ =	shalt  }
0x44: {  	_ =	shalt  }
0x45: {  	_ =	shalt  }
0x46: {  	_ =	shalt  }
0x47: {  	_ =	shalt  }
0x48: {  	_ =	shalt  }
0x49: {  	_ =	shalt  }
0x4a: {  	_ =	shalt  }
0x4b: {  	_ =	shalt  }
0x4c: {  	_ =	shalt  }
0x4d: {  	_ =	shalt  }
0x4e: {  	_ =	shalt  }
0x4f: {  	_ =	shalt  }
0x50: {  	_ =	shalt  }
0x51: {  	_ =	shalt  }
0x52: {  	_ =	shalt  }
0x53: {  	_ =	shalt  }
0x54: {  	_ =	shalt  }
0x55: {  	_ =	shalt  }
0x56: {  	_ =	shalt  }
0x57: {  	_ =	shalt  }
0x58: {  	_ =	shalt  }
0x59: {  	_ =	shalt  }
0x5a: {  	_ =	shalt  }
0x5b: {  	_ =	shalt  }
0x5c: {  	_ =	shalt  }
0x5d: {  	_ =	shalt  }
0x5e: {  	_ =	shalt  }
0x5f: {  	_ =	shalt  }
0x60: {  	_ =	shalt  }
0x61: {  	_ =	shalt  }
0x62: {  	_ =	shalt  }
0x63: {  	_ =	shalt  }
0x64: {  	_ =	shalt  }
0x65: {  	_ =	shalt  }
0x66: {  	_ =	shalt  }
0x67: {  	_ =	shalt  }
0x68: {  	_ =	shalt  }
0x69: {  	_ =	shalt  }
0x6a: {  	_ =	shalt  }
0x6b: {  	_ =	shalt  }
0x6c: {  	_ =	shalt  }
0x6d: {  	_ =	shalt  }
0x6e: {  	_ =	shalt  }
0x6f: {  	_ =	shalt  }
0x70: {  	_ =	shalt  }
0x71: {  	_ =	shalt  }
0x72: {  	_ =	shalt  }
0x73: {  	_ =	shalt  }
0x74: {  	_ =	shalt  }
0x75: {  	_ =	shalt  }
0x76: {  	_ =	shalt  }
0x77: {  	_ =	shalt  }
0x78: {  	_ =	shalt  }
0x79: {  	_ =	shalt  }
0x7a: {  	_ =	shalt  }
0x7b: {  	_ =	shalt  }
0x7c: {  	_ =	shalt  }
0x7d: {  	_ =	shalt  }
0x7e: {  	_ =	shalt  }
0x7f: {  	_ =	shalt  }
0x80: {  	_ =	shalt  }
0x81: {  	_ =	shalt  }
0x82: {  	_ =	shalt  }
0x83: {  	_ =	shalt  }
0x84: {  	_ =	shalt  }
0x85: {  	_ =	shalt  }
0x86: {  	_ =	shalt  }
0x87: {  	_ =	shalt  }
.Lfunc_end0:
.L_simem_size_0:
called_computation.2_lowered:
.L_overlay_start_0:
0x88: {  	s2 =	sld [smem:$0x3FD9]  }
0x89: {  	s3 =	sld [smem:$0x3FFE];
	_ =	sdelay $0x1  }
0x8a: {  	s1 =	srdreg.scid  }
0x8b: {  	s0 =	sand.u32 $0x1, s1  }
0x8c: {  	s16 =	sshll.u32 s0, $0xA;
	s2 =	sadd.s32 s3, s2  }
0x8d: {  	s2 =	sadd.s32 s2, s16  }
0x8e: {  	[smem:$0x3FC0] =	sst s2  }
0x8f: {  	_ = 	snop  }
0x90: {  	(tm) =	ssettm $0x1  }
0x91: {  	s17 =	sld [smem:$0x3FFB];
	_ =	sdelay $0x3  }
0x92: {  	_ =	strace s17  }
0x93: {  	s2 =	sld [smem:$0x3FFC];
	_ =	sdelay $0x3  }
0x94: {  	_ =	strace s2  }
0x95: {  	s2 =	sld [smem:$0x3FFD];
	_ =	sdelay $0x3  }
0x96: {  	_ =	strace s2  }
0x97: {  	_ =	strace $0x8FFFFFFF  }
0x98: {  	s18 =	sld [smem:$0x3FDB];
	_ =	sdelay $0x1  }
0x99: {  	s19 =	simm.s32 $_scs_section_size  }
0x9a: {  	s4 =	simm.s32 $_size__tile_overlayer_lowered;
	s5 =	simm.s32 $_tile_overlayer_lowered  }
0x9b: {  	s22 =	simm.s32 $0x1BFF;
	s21 =	sshll.u32 s5, $0x1;
	s2 =	sadd.s32 s19, s18  }
0x9c: {  	s6 =	simm.s32 $0x0;
	s20 =	sshll.u32 s4, $0x1;
	s4 =	sadd.s32 s21, s2  }
0x9d: {  	[timem:s6], [sflag:s22] =	dma.local [hbm:s4], s20  }
0x9e: {  	_ =	swait.ge [sflag:s22], s20  }
0x9f: {  	s3 =	ssub.s32 $0x0, s20;
	[sflag:s22] =	ssyncset.done $0x0  }
0xa0: {  	[sflag:s22] =	ssyncadd.s32 s3;
	_ =	sdelay $0x1  }
0xa1: {  	s23 =	simm.s32 $0x1B8B  }
0xa2: {  	_ =	swait.ge [sflag:s23], $0x1  }
0xa3: {  	[sflag:s23] =	ssyncset.done $0x0  }
0xa4: {  	s25 =	simm.s32 $0x1B8E;
	s24 =	sld [smem:$0x3FFE];
	[sflag:s23] =	ssyncadd.s32 $0xFFFFFFFF  }
0xa5: {  	s26 =	simm.s32 $execute0_lowered;
	[smem:$0x3FD2] =	sst s25  }
0xa6: {  	s4 =	sshll.u32 s26, $0x1;
	_ =	strace $0x8000004C;
	[dreg:$0x1] =	wrdreg $0xFFFFFFFF  }
0xa7: {  	s28 =	simm.s32 $_size_execute0_lowered;
	s2 =	sadd.s32 s2, s4;
	[dreg:$0x0] =	wrdreg $0x0  }
0xa8: {  	s4 =	sshll.u32 s28, $0x1;
	[dreg:$0x2] =	wrdreg s2  }
0xa9: {  	[dreg:$0x3] =	wrdreg s4  }
0xaa: {  	[dreg:$0x4] =	wrdreg $0xC0  }
0xab: {  	_ =	task [dreg:s6], $0x5FFFF  }
0xac: {  	[dreg:$0x1] =	wrdreg $0xFFFFFFFF  }
0xad: {  	[dreg:$0x0] =	wrdreg $0x60  }
0xae: {  	[dreg:$0x2] =	wrdreg s24  }
0xaf: {  	[dreg:$0x3] =	wrdreg $0xB8000  }
0xb0: {  	[dreg:$0x4] =	wrdreg $0x9  }
0xb1: {  	_ =	task.clear_ibuf [dreg:s6], $0x5FFFF;
	_ =	strace $0x9000004C  }
0xb2: {  	s29 =	simm.s32 $0x9;
	_ =	strace $0x8000004E  }
0xb3: {  	_ =	swait.ge [sflag:s29], $0x1  }
0xb4: {  	[sflag:s29] =	ssyncadd.s32 $0xFFFFFFFF  }
0xb5: {  	_ =	strace $0x9000004E  }
0xb6: {  	_ =	sfence  }
0xb7: {  	s30 =	sld [smem:$0x0];
	_ =	sdelay $0x2  }
0xb8: {  	s31 =	sshll.u32 s1, $0xD;
	s1 =	sshrl.u32 s1, $0x2  }
0xb9: {  	s3 =	sand.u32 $0x4000, s31;
	s1 =	sadd.s32 s1, s30  }
0xba: {  	s0 =	sor.u32 s3, s0;
	s1 =	sshll.u32 s1, $0x11  }
0xbb: {  	s0 =	sor.u32 s1, s0  }
0xbc: {  	s0 =	sadd.s32 $0x8F2B, s0  }
0xbd: {  	[sflag:s0] =	ssyncadd.remote.s32 $0x1  }
0xbe: {  	_ =	sfence.sel $0xFFFF  }
0xbf: {  	[dreg:$0x0] =	wrdreg $0xFFFFFFFF;
	(pc) =	sbr.abs _section_cstart, $3  }
0xc0: {  	[dreg:$0x1] =	wrdreg $0xFFFFFFFF  }
0xc1: {  	_ =	task.clear_ibuf [dreg:s6], $0x2FFFF;
	_ =	strace $0x9FFFFFFF  }
0xc2: {  	(tm) =	ssettm $0x7FFFFFFF  }
0xc3: {  	_ =	shalt  }
tec
execute0_lowered:
.L_overlay_start_1:
0x0: {  	(tag) =	ssettag $0x1  }
0x1: {  	s4 =	rddreg [dreg:$0x0]  }
0x2: {  	s2 =	rddreg [dreg:$0x1]  }
0x3: {  	s0 =	rddreg [dreg:$0x2];
	s1 =	stileid.u32  }
0x4: {  	s5 =	srdreg.scid;
	s3 =	simm.s32 $0x0;
	s13 =	simm.s32 $0x7D  }
0x5: {  	s14 =	simm.s32 $0x3800;
	s16 =	simm.s32 $0x3;
	s6 =	smul.u32 $0x500, s1  }
0x6: {  	s17 =	simm.s32 $0x7800;
	s18 =	simm.s32 $0x1;
	s8 =	smul.u32 $0x50000, s1  }
0x7: {  	s19 =	simm.s32 $0x2;
	s5 =	sand.u32 $0x1, s5;
	s20 =	smul.u32 $0x2800, s1  }
0x8: {  	[smem:$0x7FF] =	sst s3;
	s31 =	sshll.u32 s1, $0x6;
	s7 =	smul.u32 $0x28000, s5  }
0x9: {  	_ =	strace $0x8000004D;
	s5 =	ssub.s32 $0x2, s5;
	s9 =	sadd.s32 s6, s4  }
0xa: {  	s29 =	sshrl.u32 s5, $0x1;
	s30 =	sshrl.u32 s8, $0x2;
	s6 =	sor.u32 $0x1C04, s31  }
0xb: {  	s10 =	sadd.s32 s7, s4;
	s11 =	ssub.s32 s5, s29;
	s12 =	sadd.s32 s30, s2  }
0xc: {  	s7 =	sadd.s32 $0x5B800, s9;
	s8 =	sadd.s32 $0x56800, s9;
	s4 =	sadd.s32 $0x60800, s10  }
0xd: {  	s21 =	sadd.s32 $0xB0800, s10;
	s9 =	smax.u32 s11, $0x1;
	s10 =	sshrl.u32 s12, $0x3  }
0xe: {  	s11 =	simm.s32 $0x4;
	s12 =	simm.s32 $0x2800;
	s15 =	sadd.s32 $0x100, s8  }
0xf: {  	s5 =	sadd.s32 s20, s4;
	s20 =	sadd.s32 s20, s21;
	s21 =	simm.s32 $0x0  }
.LBB2_1:
0x10: {  	[spmem:s10], [sflag:s6] =	dma.local [hbm:s5], $0x2800  }
0x11: {  	_ =	swait.ge [sflag:s11], $0x2800  }
0x12: {  	[sflag:s11] =	ssyncset.done $0x0  }
0x13: {  	[sflag:s11] =	ssyncadd.s32 $0xFFFFD800  }
0x14: {  	[tilespmem:s3], [sflag:$0x4] =	stream.linear.gather [hbm4b:s7+s3], $0x2800, $0x38;
	[tilespmem:$0x1F800] =	vst v63  }
0x15: {  	_ =	swait.ge [sflag:s11], $0x2800  }
0x16: {  	[sflag:s11] =	ssyncset.done $0x0  }
0x17: {  	[sflag:s11] =	ssyncadd.s32 $0xFFFFD800  }
0x18: {  	p0 =	por $0x0, $0x0;
	[bflag:$0x0] =	sbarrier.arrive $0xFFFF  }
0x19: {  	[tilespmem:s12], [sflag:$0x3] =	stream.linear.gather [hbm4b:s8+s3], $0x800, $0x38;
	[tilespmem:$0x1F800] =	vst v63  }
0x1a: {  	s22 =	sxor.u32 @!p0 $0xFFFFFFFF, s3  }
0x1b: {  	[tilespmem:s14], [sflag:$0x1] =	stream.indirect.gather [hbm4b:s4+s13], $0x80, s3, s13, $0xb8;
	[tilespmem:$0x1F800] =	vst v63  }
0x1c: {  	s22 =	sand.u32 @!p0 $0x2000, s22;
	_ =	swait.ge [sflag:s16], $0x800  }
0x1d: {  	s22 =	sshrl.u32 @!p0 s22, $0x2;
	[sflag:s16] =	ssyncset.done $0x0  }
0x1e: {  	s23 =	simm.s32 @!p0 $0x0;
	s22 =	sadd.s32 @!p0 $0x2800, s22;
	[sflag:s16] =	ssyncadd.s32 $0xFFFFF800  }
0x1f: {  	[tilespmem:s22], [sflag:$0x3] =	stream.linear.gather @!p0 [hbm4b:s15+s23], $0x800, $0x38;
	[tilespmem:$0x1F800] =	vst v63  }
0x20: {  	s29 =	simm.s32 $0x80  }
0x21: {  	[tilespmem:s17], [sflag:$0x2] =	stream.indirect.gather [hbm4b:s4+s13], $0x80, s29, s13, $0xb8;
	[tilespmem:$0x1F800] =	vst v63  }
0x22: {  	s30 =	simm.s32 $0x0;
	_ =	swait.ge [sflag:s18], $0x3E80  }
0x23: {  	s22 =	sand.u32 $0x800, s30;
	[sflag:s18] =	ssyncset.done $0x0  }
0x24: {  	s31 =	sadd.s32 $0x2800, s22;
	[sflag:s18] =	ssyncadd.s32 $0xFFFFC180  }
0x25: {  	[spmem:s2] =	stream.indirect.scatter.add.f32 [tilespmem:s14], [sflag:$0x4], $0x80, s31, s13, $0xb8;
	[tilespmem:$0x1F800] =	vst v63  }
0x26: {  	_ =	swait.ge [sflag:s11], $0x3E80  }
0x27: {  	[sflag:s11] =	ssyncset.done $0x0  }
0x28: {  	s24 =	simm.s32 $0x100;
	[sflag:s11] =	ssyncadd.s32 $0xFFFFC180  }
0x29: {  	[tilespmem:s14], [sflag:$0x1] =	stream.indirect.gather [hbm4b:s4+s13], $0x80, s24, s13, $0xb8;
	[tilespmem:$0x1F800] =	vst v63  }
0x2a: {  	_ =	swait.ge [sflag:s19], $0x3E80  }
0x2b: {  	[sflag:s19] =	ssyncset.done $0x0  }
0x2c: {  	s25 =	sadd.s32 $0x2880, s22;
	[sflag:s19] =	ssyncadd.s32 $0xFFFFC180  }
0x2d: {  	[spmem:s2] =	stream.indirect.scatter.add.f32 [tilespmem:s17], [sflag:$0x4], $0x80, s25, s13, $0xb8;
	[tilespmem:$0x1F800] =	vst v63  }
0x2e: {  	_ =	swait.ge [sflag:s11], $0x3E80  }
0x2f: {  	[sflag:s11] =	ssyncset.done $0x0  }
0x30: {  	s26 =	simm.s32 $0x180;
	[sflag:s11] =	ssyncadd.s32 $0xFFFFC180  }
0x31: {  	[tilespmem:s17], [sflag:$0x2] =	stream.indirect.gather [hbm4b:s4+s13], $0x80, s26, s13, $0xb8;
	[tilespmem:$0x1F800] =	vst v63  }
0x32: {  	_ =	swait.ge [sflag:s18], $0x3E80  }
0x33: {  	[sflag:s18] =	ssyncset.done $0x0  }
0x34: {  	s28 =	sadd.s32 $0x2900, s22;
	[sflag:s18] =	ssyncadd.s32 $0xFFFFC180  }
0x35: {  	[spmem:s2] =	stream.indirect.scatter.add.f32 [tilespmem:s14], [sflag:$0x4], $0x80, s28, s13, $0xb8;
	[tilespmem:$0x1F800] =	vst v63  }
0x36: {  	_ =	swait.ge [sflag:s11], $0x3E80  }
0x37: {  	[sflag:s11] =	ssyncset.done $0x0  }
0x38: {  	s29 =	simm.s32 $0x200;
	[sflag:s11] =	ssyncadd.s32 $0xFFFFC180  }
0x39: {  	[tilespmem:s14], [sflag:$0x1] =	stream.indirect.gather [hbm4b:s4+s13], $0x80, s29, s13, $0xb8;
	[tilespmem:$0x1F800] =	vst v63  }
0x3a: {  	_ =	swait.ge [sflag:s19], $0x3E80  }
0x3b: {  	[sflag:s19] =	ssyncset.done $0x0  }
0x3c: {  	s30 =	sadd.s32 $0x2980, s22;
	[sflag:s19] =	ssyncadd.s32 $0xFFFFC180  }
0x3d: {  	[spmem:s2] =	stream.indirect.scatter.add.f32 [tilespmem:s17], [sflag:$0x4], $0x80, s30, s13, $0xb8;
	[tilespmem:$0x1F800] =	vst v63  }
0x3e: {  	_ =	swait.ge [sflag:s11], $0x3E80  }
0x3f: {  	[sflag:s11] =	ssyncset.done $0x0  }
0x40: {  	s31 =	simm.s32 $0x280;
	[sflag:s11] =	ssyncadd.s32 $0xFFFFC180  }
0x41: {  	[tilespmem:s17], [sflag:$0x2] =	stream.indirect.gather [hbm4b:s4+s13], $0x80, s31, s13, $0xb8;
	[tilespmem:$0x1F800] =	vst v63  }
0x42: {  	_ =	swait.ge [sflag:s18], $0x3E80  }
0x43: {  	[sflag:s18] =	ssyncset.done $0x0  }
0x44: {  	s24 =	sadd.s32 $0x2A00, s22;
	[sflag:s18] =	ssyncadd.s32 $0xFFFFC180  }
0x45: {  	[spmem:s2] =	stream.indirect.scatter.add.f32 [tilespmem:s14], [sflag:$0x4], $0x80, s24, s13, $0xb8;
	[tilespmem:$0x1F800] =	vst v63  }
0x46: {  	_ =	swait.ge [sflag:s11], $0x3E80  }
0x47: {  	[sflag:s11] =	ssyncset.done $0x0  }
0x48: {  	s25 =	simm.s32 $0x300;
	[sflag:s11] =	ssyncadd.s32 $0xFFFFC180  }
0x49: {  	[tilespmem:s14], [sflag:$0x1] =	stream.indirect.gather [hbm4b:s4+s13], $0x80, s25, s13, $0xb8;
	[tilespmem:$0x1F800] =	vst v63  }
0x4a: {  	_ =	swait.ge [sflag:s19], $0x3E80  }
0x4b: {  	[sflag:s19] =	ssyncset.done $0x0  }
0x4c: {  	s26 =	sadd.s32 $0x2A80, s22;
	[sflag:s19] =	ssyncadd.s32 $0xFFFFC180  }
0x4d: {  	[spmem:s2] =	stream.indirect.scatter.add.f32 [tilespmem:s17], [sflag:$0x4], $0x80, s26, s13, $0xb8;
	[tilespmem:$0x1F800] =	vst v63  }
0x4e: {  	_ =	swait.ge [sflag:s11], $0x3E80  }
0x4f: {  	[sflag:s11] =	ssyncset.done $0x0  }
0x50: {  	s28 =	simm.s32 $0x380;
	[sflag:s11] =	ssyncadd.s32 $0xFFFFC180  }
0x51: {  	[tilespmem:s17], [sflag:$0x2] =	stream.indirect.gather [hbm4b:s4+s13], $0x80, s28, s13, $0xb8;
	[tilespmem:$0x1F800] =	vst v63  }
0x52: {  	_ =	swait.ge [sflag:s18], $0x3E80  }
0x53: {  	[sflag:s18] =	ssyncset.done $0x0  }
0x54: {  	s29 =	sadd.s32 $0x2B00, s22;
	[sflag:s18] =	ssyncadd.s32 $0xFFFFC180  }
0x55: {  	[spmem:s2] =	stream.indirect.scatter.add.f32 [tilespmem:s14], [sflag:$0x4], $0x80, s29, s13, $0xb8;
	[tilespmem:$0x1F800] =	vst v63  }
0x56: {  	_ =	swait.ge [sflag:s11], $0x3E80  }
0x57: {  	[sflag:s11] =	ssyncset.done $0x0  }
0x58: {  	s30 =	simm.s32 $0x400;
	[sflag:s11] =	ssyncadd.s32 $0xFFFFC180  }
0x59: {  	[tilespmem:s14], [sflag:$0x1] =	stream.indirect.gather [hbm4b:s4+s13], $0x80, s30, s13, $0xb8;
	[tilespmem:$0x1F800] =	vst v63  }
0x5a: {  	_ =	swait.ge [sflag:s19], $0x3E80  }
0x5b: {  	[sflag:s19] =	ssyncset.done $0x0  }
0x5c: {  	s31 =	sadd.s32 $0x2B80, s22;
	[sflag:s19] =	ssyncadd.s32 $0xFFFFC180  }
0x5d: {  	[spmem:s2] =	stream.indirect.scatter.add.f32 [tilespmem:s17], [sflag:$0x4], $0x80, s31, s13, $0xb8;
	[tilespmem:$0x1F800] =	vst v63  }
0x5e: {  	_ =	swait.ge [sflag:s11], $0x3E80  }
0x5f: {  	[sflag:s11] =	ssyncset.done $0x0  }
0x60: {  	s24 =	simm.s32 $0x480;
	[sflag:s11] =	ssyncadd.s32 $0xFFFFC180  }
0x61: {  	[tilespmem:s17], [sflag:$0x2] =	stream.indirect.gather [hbm4b:s4+s13], $0x80, s24, s13, $0xb8;
	[tilespmem:$0x1F800] =	vst v63  }
0x62: {  	_ =	swait.ge [sflag:s18], $0x3E80  }
0x63: {  	[sflag:s18] =	ssyncset.done $0x0  }
0x64: {  	s25 =	sadd.s32 $0x2C00, s22;
	[sflag:s18] =	ssyncadd.s32 $0xFFFFC180  }
0x65: {  	[spmem:s2] =	stream.indirect.scatter.add.f32 [tilespmem:s14], [sflag:$0x4], $0x80, s25, s13, $0xb8;
	[tilespmem:$0x1F800] =	vst v63  }
0x66: {  	_ =	swait.ge [sflag:s11], $0x3E80  }
0x67: {  	[sflag:s11] =	ssyncset.done $0x0  }
0x68: {  	s26 =	simm.s32 $0x500;
	[sflag:s11] =	ssyncadd.s32 $0xFFFFC180  }
0x69: {  	[tilespmem:s14], [sflag:$0x1] =	stream.indirect.gather [hbm4b:s4+s13], $0x80, s26, s13, $0xb8;
	[tilespmem:$0x1F800] =	vst v63  }
0x6a: {  	_ =	swait.ge [sflag:s19], $0x3E80  }
0x6b: {  	[sflag:s19] =	ssyncset.done $0x0  }
0x6c: {  	s28 =	sadd.s32 $0x2C80, s22;
	[sflag:s19] =	ssyncadd.s32 $0xFFFFC180  }
0x6d: {  	[spmem:s2] =	stream.indirect.scatter.add.f32 [tilespmem:s17], [sflag:$0x4], $0x80, s28, s13, $0xb8;
	[tilespmem:$0x1F800] =	vst v63  }
0x6e: {  	_ =	swait.ge [sflag:s11], $0x3E80  }
0x6f: {  	[sflag:s11] =	ssyncset.done $0x0  }
0x70: {  	s29 =	simm.s32 $0x580;
	[sflag:s11] =	ssyncadd.s32 $0xFFFFC180  }
0x71: {  	[tilespmem:s17], [sflag:$0x2] =	stream.indirect.gather [hbm4b:s4+s13], $0x80, s29, s13, $0xb8;
	[tilespmem:$0x1F800] =	vst v63  }
0x72: {  	_ =	swait.ge [sflag:s18], $0x3E80  }
0x73: {  	[sflag:s18] =	ssyncset.done $0x0  }
0x74: {  	s30 =	sadd.s32 $0x2D00, s22;
	[sflag:s18] =	ssyncadd.s32 $0xFFFFC180  }
0x75: {  	[spmem:s2] =	stream.indirect.scatter.add.f32 [tilespmem:s14], [sflag:$0x4], $0x80, s30, s13, $0xb8;
	[tilespmem:$0x1F800] =	vst v63  }
0x76: {  	_ =	swait.ge [sflag:s11], $0x3E80  }
0x77: {  	[sflag:s11] =	ssyncset.done $0x0  }
0x78: {  	s31 =	simm.s32 $0x600;
	[sflag:s11] =	ssyncadd.s32 $0xFFFFC180  }
0x79: {  	[tilespmem:s14], [sflag:$0x1] =	stream.indirect.gather [hbm4b:s4+s13], $0x80, s31, s13, $0xb8;
	[tilespmem:$0x1F800] =	vst v63  }
0x7a: {  	_ =	swait.ge [sflag:s19], $0x3E80  }
0x7b: {  	[sflag:s19] =	ssyncset.done $0x0  }
0x7c: {  	s24 =	sadd.s32 $0x2D80, s22;
	[sflag:s19] =	ssyncadd.s32 $0xFFFFC180  }
0x7d: {  	[spmem:s2] =	stream.indirect.scatter.add.f32 [tilespmem:s17], [sflag:$0x4], $0x80, s24, s13, $0xb8;
	[tilespmem:$0x1F800] =	vst v63  }
0x7e: {  	_ =	swait.ge [sflag:s11], $0x3E80  }
0x7f: {  	[sflag:s11] =	ssyncset.done $0x0  }
0x80: {  	s25 =	simm.s32 $0x680;
	[sflag:s11] =	ssyncadd.s32 $0xFFFFC180  }
0x81: {  	[tilespmem:s17], [sflag:$0x2] =	stream.indirect.gather [hbm4b:s4+s13], $0x80, s25, s13, $0xb8;
	[tilespmem:$0x1F800] =	vst v63  }
0x82: {  	_ =	swait.ge [sflag:s18], $0x3E80  }
0x83: {  	[sflag:s18] =	ssyncset.done $0x0  }
0x84: {  	s26 =	sadd.s32 $0x2E00, s22;
	[sflag:s18] =	ssyncadd.s32 $0xFFFFC180  }
0x85: {  	[spmem:s2] =	stream.indirect.scatter.add.f32 [tilespmem:s14], [sflag:$0x4], $0x80, s26, s13, $0xb8;
	[tilespmem:$0x1F800] =	vst v63  }
0x86: {  	_ =	swait.ge [sflag:s11], $0x3E80  }
0x87: {  	[sflag:s11] =	ssyncset.done $0x0  }
0x88: {  	s28 =	simm.s32 $0x700;
	[sflag:s11] =	ssyncadd.s32 $0xFFFFC180  }
0x89: {  	[tilespmem:s14], [sflag:$0x1] =	stream.indirect.gather [hbm4b:s4+s13], $0x80, s28, s13, $0xb8;
	[tilespmem:$0x1F800] =	vst v63  }
0x8a: {  	_ =	swait.ge [sflag:s19], $0x3E80  }
0x8b: {  	[sflag:s19] =	ssyncset.done $0x0  }
0x8c: {  	s29 =	sadd.s32 $0x2E80, s22;
	[sflag:s19] =	ssyncadd.s32 $0xFFFFC180  }
0x8d: {  	[spmem:s2] =	stream.indirect.scatter.add.f32 [tilespmem:s17], [sflag:$0x4], $0x80, s29, s13, $0xb8;
	[tilespmem:$0x1F800] =	vst v63  }
0x8e: {  	_ =	swait.ge [sflag:s11], $0x3E80  }
0x8f: {  	[sflag:s11] =	ssyncset.done $0x0  }
0x90: {  	s30 =	simm.s32 $0x780;
	[sflag:s11] =	ssyncadd.s32 $0xFFFFC180  }
0x91: {  	[tilespmem:s17], [sflag:$0x2] =	stream.indirect.gather [hbm4b:s4+s13], $0x80, s30, s13, $0xb8;
	[tilespmem:$0x1F800] =	vst v63  }
0x92: {  	_ =	swait.ge [sflag:s18], $0x3E80  }
0x93: {  	[sflag:s18] =	ssyncset.done $0x0  }
0x94: {  	s31 =	sadd.s32 $0x2F00, s22;
	[sflag:s18] =	ssyncadd.s32 $0xFFFFC180  }
0x95: {  	[spmem:s2] =	stream.indirect.scatter.add.f32 [tilespmem:s14], [sflag:$0x4], $0x80, s31, s13, $0xb8;
	[tilespmem:$0x1F800] =	vst v63  }
0x96: {  	_ =	swait.ge [sflag:s11], $0x3E80  }
0x97: {  	s23 =	simm.s32 @!p0 $0x3800;
	[sflag:s11] =	ssyncset.done $0x0  }
0x98: {  	s24 =	simm.s32 @!p0 $0x800;
	s25 =	simm.s32 @!p0 $0x7D;
	[sflag:s11] =	ssyncadd.s32 $0xFFFFC180  }
0x99: {  	[tilespmem:s23], [sflag:$0x1] =	stream.indirect.gather @!p0 [hbm4b:s4+s25], $0x80, s24, s25, $0xb8;
	[tilespmem:$0x1F800] =	vst v63  }
0x9a: {  	_ =	swait.ge [sflag:s19], $0x3E80  }
0x9b: {  	[sflag:s19] =	ssyncset.done $0x0  }
0x9c: {  	s22 =	sadd.s32 $0x2F80, s22;
	[sflag:s19] =	ssyncadd.s32 $0xFFFFC180  }
0x9d: {  	[spmem:s2] =	stream.indirect.scatter.add.f32 [tilespmem:s17], [sflag:$0x4], $0x80, s22, s13, $0xb8;
	[tilespmem:$0x1F800] =	vst v63  }
0x9e: {  	s24 =	simm.s32 $0x4000;
	p0 =	por $0x0, $0x0;
	_ =	swait.ge [sflag:s11], $0x3E80  }
0x9f: {  	s23 =	sadd.s32 $0x100, s15;
	s22 =	simm.s32 $0x2000;
	[sflag:s11] =	ssyncset.done $0x0  }
.LBB2_2:
0xa0: {  	s26 =	sxor.u32 @!p0 $0xFFFFFFFF, s22  }
0xa1: {  	[sflag:s11] =	ssyncadd.s32 $0xFFFFC180;
	s25 =	smov.u32 s24;
	s24 =	sadd.s32 $0x2000, s24  }
0xa2: {  	p1 =	sne.s32 s24, $0xA000;
	_ =	swait.ge [sflag:s16], $0x800;
	s26 =	sand.u32 @!p0 $0x2000, s26  }
0xa3: {  	s28 =	sshra.s32 s22, $0x2;
	[sflag:s16] =	ssyncset.done $0x0;
	s26 =	sshrl.u32 @!p0 s26, $0x2  }
0xa4: {  	s29 =	simm.s32 @!p0 $0x0;
	[sflag:s16] =	ssyncadd.s32 $0xFFFFF800;
	s26 =	sadd.s32 @!p0 $0x2800, s26  }
0xa5: {  	[tilespmem:s26], [sflag:$0x3] =	stream.linear.gather @!p0 [hbm4b:s23+s29], $0x800, $0x38;
	[tilespmem:$0x1F800] =	vst v63  }
0xa6: {  	s26 =	sadd.s32 $0x80, s28  }
0xa7: {  	[tilespmem:s17], [sflag:$0x2] =	stream.indirect.gather [hbm4b:s4+s13], $0x80, s26, s13, $0xb8;
	[tilespmem:$0x1F800] =	vst v63  }
0xa8: {  	s26 =	sshrl.u32 s22, $0x2;
	_ =	swait.ge [sflag:s18], $0x3E80  }
0xa9: {  	s26 =	sand.u32 $0x800, s26;
	[sflag:s18] =	ssyncset.done $0x0  }
0xaa: {  	s29 =	sadd.s32 $0x2800, s26;
	[sflag:s18] =	ssyncadd.s32 $0xFFFFC180  }
0xab: {  	[spmem:s2] =	stream.indirect.scatter.add.f32 [tilespmem:s14], [sflag:$0x4], $0x80, s29, s13, $0xb8;
	[tilespmem:$0x1F800] =	vst v63  }
0xac: {  	_ =	swait.ge [sflag:s11], $0x3E80  }
0xad: {  	[sflag:s11] =	ssyncset.done $0x0  }
0xae: {  	s29 =	sadd.s32 $0x100, s28;
	[sflag:s11] =	ssyncadd.s32 $0xFFFFC180  }
0xaf: {  	[tilespmem:s14], [sflag:$0x1] =	stream.indirect.gather [hbm4b:s4+s13], $0x80, s29, s13, $0xb8;
	[tilespmem:$0x1F800] =	vst v63  }
0xb0: {  	_ =	swait.ge [sflag:s19], $0x3E80  }
0xb1: {  	[sflag:s19] =	ssyncset.done $0x0  }
0xb2: {  	s29 =	sadd.s32 $0x2880, s26;
	[sflag:s19] =	ssyncadd.s32 $0xFFFFC180  }
0xb3: {  	[spmem:s2] =	stream.indirect.scatter.add.f32 [tilespmem:s17], [sflag:$0x4], $0x80, s29, s13, $0xb8;
	[tilespmem:$0x1F800] =	vst v63  }
0xb4: {  	_ =	swait.ge [sflag:s11], $0x3E80  }
0xb5: {  	[sflag:s11] =	ssyncset.done $0x0  }
0xb6: {  	s29 =	sadd.s32 $0x180, s28;
	[sflag:s11] =	ssyncadd.s32 $0xFFFFC180  }
0xb7: {  	[tilespmem:s17], [sflag:$0x2] =	stream.indirect.gather [hbm4b:s4+s13], $0x80, s29, s13, $0xb8;
	[tilespmem:$0x1F800] =	vst v63  }
0xb8: {  	_ =	swait.ge [sflag:s18], $0x3E80  }
0xb9: {  	[sflag:s18] =	ssyncset.done $0x0  }
0xba: {  	s29 =	sadd.s32 $0x2900, s26;
	[sflag:s18] =	ssyncadd.s32 $0xFFFFC180  }
0xbb: {  	[spmem:s2] =	stream.indirect.scatter.add.f32 [tilespmem:s14], [sflag:$0x4], $0x80, s29, s13, $0xb8;
	[tilespmem:$0x1F800] =	vst v63  }
0xbc: {  	_ =	swait.ge [sflag:s11], $0x3E80  }
0xbd: {  	[sflag:s11] =	ssyncset.done $0x0  }
0xbe: {  	s29 =	sadd.s32 $0x200, s28;
	[sflag:s11] =	ssyncadd.s32 $0xFFFFC180  }
0xbf: {  	[tilespmem:s14], [sflag:$0x1] =	stream.indirect.gather [hbm4b:s4+s13], $0x80, s29, s13, $0xb8;
	[tilespmem:$0x1F800] =	vst v63  }
0xc0: {  	_ =	swait.ge [sflag:s19], $0x3E80  }
0xc1: {  	[sflag:s19] =	ssyncset.done $0x0  }
0xc2: {  	s29 =	sadd.s32 $0x2980, s26;
	[sflag:s19] =	ssyncadd.s32 $0xFFFFC180  }
0xc3: {  	[spmem:s2] =	stream.indirect.scatter.add.f32 [tilespmem:s17], [sflag:$0x4], $0x80, s29, s13, $0xb8;
	[tilespmem:$0x1F800] =	vst v63  }
0xc4: {  	_ =	swait.ge [sflag:s11], $0x3E80  }
0xc5: {  	[sflag:s11] =	ssyncset.done $0x0  }
0xc6: {  	s29 =	sadd.s32 $0x280, s28;
	[sflag:s11] =	ssyncadd.s32 $0xFFFFC180  }
0xc7: {  	[tilespmem:s17], [sflag:$0x2] =	stream.indirect.gather [hbm4b:s4+s13], $0x80, s29, s13, $0xb8;
	[tilespmem:$0x1F800] =	vst v63  }
0xc8: {  	_ =	swait.ge [sflag:s18], $0x3E80  }
0xc9: {  	[sflag:s18] =	ssyncset.done $0x0  }
0xca: {  	s29 =	sadd.s32 $0x2A00, s26;
	[sflag:s18] =	ssyncadd.s32 $0xFFFFC180  }
0xcb: {  	[spmem:s2] =	stream.indirect.scatter.add.f32 [tilespmem:s14], [sflag:$0x4], $0x80, s29, s13, $0xb8;
	[tilespmem:$0x1F800] =	vst v63  }
0xcc: {  	_ =	swait.ge [sflag:s11], $0x3E80  }
0xcd: {  	[sflag:s11] =	ssyncset.done $0x0  }
0xce: {  	s29 =	sadd.s32 $0x300, s28;
	[sflag:s11] =	ssyncadd.s32 $0xFFFFC180  }
0xcf: {  	[tilespmem:s14], [sflag:$0x1] =	stream.indirect.gather [hbm4b:s4+s13], $0x80, s29, s13, $0xb8;
	[tilespmem:$0x1F800] =	vst v63  }
0xd0: {  	_ =	swait.ge [sflag:s19], $0x3E80  }
0xd1: {  	[sflag:s19] =	ssyncset.done $0x0  }
0xd2: {  	s29 =	sadd.s32 $0x2A80, s26;
	[sflag:s19] =	ssyncadd.s32 $0xFFFFC180  }
0xd3: {  	[spmem:s2] =	stream.indirect.scatter.add.f32 [tilespmem:s17], [sflag:$0x4], $0x80, s29, s13, $0xb8;
	[tilespmem:$0x1F800] =	vst v63  }
0xd4: {  	_ =	swait.ge [sflag:s11], $0x3E80  }
0xd5: {  	[sflag:s11] =	ssyncset.done $0x0  }
0xd6: {  	s29 =	sadd.s32 $0x380, s28;
	[sflag:s11] =	ssyncadd.s32 $0xFFFFC180  }
0xd7: {  	[tilespmem:s17], [sflag:$0x2] =	stream.indirect.gather [hbm4b:s4+s13], $0x80, s29, s13, $0xb8;
	[tilespmem:$0x1F800] =	vst v63  }
0xd8: {  	_ =	swait.ge [sflag:s18], $0x3E80  }
0xd9: {  	[sflag:s18] =	ssyncset.done $0x0  }
0xda: {  	s29 =	sadd.s32 $0x2B00, s26;
	[sflag:s18] =	ssyncadd.s32 $0xFFFFC180  }
0xdb: {  	[spmem:s2] =	stream.indirect.scatter.add.f32 [tilespmem:s14], [sflag:$0x4], $0x80, s29, s13, $0xb8;
	[tilespmem:$0x1F800] =	vst v63  }
0xdc: {  	_ =	swait.ge [sflag:s11], $0x3E80  }
0xdd: {  	[sflag:s11] =	ssyncset.done $0x0  }
0xde: {  	s29 =	sadd.s32 $0x400, s28;
	[sflag:s11] =	ssyncadd.s32 $0xFFFFC180  }
0xdf: {  	[tilespmem:s14], [sflag:$0x1] =	stream.indirect.gather [hbm4b:s4+s13], $0x80, s29, s13, $0xb8;
	[tilespmem:$0x1F800] =	vst v63  }
0xe0: {  	_ =	swait.ge [sflag:s19], $0x3E80  }
0xe1: {  	[sflag:s19] =	ssyncset.done $0x0  }
0xe2: {  	s29 =	sadd.s32 $0x2B80, s26;
	[sflag:s19] =	ssyncadd.s32 $0xFFFFC180  }
0xe3: {  	[spmem:s2] =	stream.indirect.scatter.add.f32 [tilespmem:s17], [sflag:$0x4], $0x80, s29, s13, $0xb8;
	[tilespmem:$0x1F800] =	vst v63  }
0xe4: {  	_ =	swait.ge [sflag:s11], $0x3E80  }
0xe5: {  	[sflag:s11] =	ssyncset.done $0x0  }
0xe6: {  	s29 =	sadd.s32 $0x480, s28;
	[sflag:s11] =	ssyncadd.s32 $0xFFFFC180  }
0xe7: {  	[tilespmem:s17], [sflag:$0x2] =	stream.indirect.gather [hbm4b:s4+s13], $0x80, s29, s13, $0xb8;
	[tilespmem:$0x1F800] =	vst v63  }
0xe8: {  	_ =	swait.ge [sflag:s18], $0x3E80  }
0xe9: {  	[sflag:s18] =	ssyncset.done $0x0  }
0xea: {  	s29 =	sadd.s32 $0x2C00, s26;
	[sflag:s18] =	ssyncadd.s32 $0xFFFFC180  }
0xeb: {  	[spmem:s2] =	stream.indirect.scatter.add.f32 [tilespmem:s14], [sflag:$0x4], $0x80, s29, s13, $0xb8;
	[tilespmem:$0x1F800] =	vst v63  }
0xec: {  	_ =	swait.ge [sflag:s11], $0x3E80  }
0xed: {  	[sflag:s11] =	ssyncset.done $0x0  }
0xee: {  	s29 =	sadd.s32 $0x500, s28;
	[sflag:s11] =	ssyncadd.s32 $0xFFFFC180  }
0xef: {  	[tilespmem:s14], [sflag:$0x1] =	stream.indirect.gather [hbm4b:s4+s13], $0x80, s29, s13, $0xb8;
	[tilespmem:$0x1F800] =	vst v63  }
0xf0: {  	_ =	swait.ge [sflag:s19], $0x3E80  }
0xf1: {  	[sflag:s19] =	ssyncset.done $0x0  }
0xf2: {  	s29 =	sadd.s32 $0x2C80, s26;
	[sflag:s19] =	ssyncadd.s32 $0xFFFFC180  }
0xf3: {  	[spmem:s2] =	stream.indirect.scatter.add.f32 [tilespmem:s17], [sflag:$0x4], $0x80, s29, s13, $0xb8;
	[tilespmem:$0x1F800] =	vst v63  }
0xf4: {  	_ =	swait.ge [sflag:s11], $0x3E80  }
0xf5: {  	[sflag:s11] =	ssyncset.done $0x0  }
0xf6: {  	s29 =	sadd.s32 $0x580, s28;
	[sflag:s11] =	ssyncadd.s32 $0xFFFFC180  }
0xf7: {  	[tilespmem:s17], [sflag:$0x2] =	stream.indirect.gather [hbm4b:s4+s13], $0x80, s29, s13, $0xb8;
	[tilespmem:$0x1F800] =	vst v63  }
0xf8: {  	_ =	swait.ge [sflag:s18], $0x3E80  }
0xf9: {  	[sflag:s18] =	ssyncset.done $0x0  }
0xfa: {  	s29 =	sadd.s32 $0x2D00, s26;
	[sflag:s18] =	ssyncadd.s32 $0xFFFFC180  }
0xfb: {  	[spmem:s2] =	stream.indirect.scatter.add.f32 [tilespmem:s14], [sflag:$0x4], $0x80, s29, s13, $0xb8;
	[tilespmem:$0x1F800] =	vst v63  }
0xfc: {  	_ =	swait.ge [sflag:s11], $0x3E80  }
0xfd: {  	[sflag:s11] =	ssyncset.done $0x0  }
0xfe: {  	s29 =	sadd.s32 $0x600, s28;
	[sflag:s11] =	ssyncadd.s32 $0xFFFFC180  }
0xff: {  	[tilespmem:s14], [sflag:$0x1] =	stream.indirect.gather [hbm4b:s4+s13], $0x80, s29, s13, $0xb8;
	[tilespmem:$0x1F800] =	vst v63  }
0x100: {  	_ =	swait.ge [sflag:s19], $0x3E80  }
0x101: {  	[sflag:s19] =	ssyncset.done $0x0  }
0x102: {  	s29 =	sadd.s32 $0x2D80, s26;
	[sflag:s19] =	ssyncadd.s32 $0xFFFFC180  }
0x103: {  	[spmem:s2] =	stream.indirect.scatter.add.f32 [tilespmem:s17], [sflag:$0x4], $0x80, s29, s13, $0xb8;
	[tilespmem:$0x1F800] =	vst v63  }
0x104: {  	_ =	swait.ge [sflag:s11], $0x3E80  }
0x105: {  	[sflag:s11] =	ssyncset.done $0x0  }
0x106: {  	s29 =	sadd.s32 $0x680, s28;
	[sflag:s11] =	ssyncadd.s32 $0xFFFFC180  }
0x107: {  	[tilespmem:s17], [sflag:$0x2] =	stream.indirect.gather [hbm4b:s4+s13], $0x80, s29, s13, $0xb8;
	[tilespmem:$0x1F800] =	vst v63  }
0x108: {  	_ =	swait.ge [sflag:s18], $0x3E80  }
0x109: {  	[sflag:s18] =	ssyncset.done $0x0  }
0x10a: {  	s29 =	sadd.s32 $0x2E00, s26;
	[sflag:s18] =	ssyncadd.s32 $0xFFFFC180  }
0x10b: {  	[spmem:s2] =	stream.indirect.scatter.add.f32 [tilespmem:s14], [sflag:$0x4], $0x80, s29, s13, $0xb8;
	[tilespmem:$0x1F800] =	vst v63  }
0x10c: {  	_ =	swait.ge [sflag:s11], $0x3E80  }
0x10d: {  	[sflag:s11] =	ssyncset.done $0x0  }
0x10e: {  	s29 =	sadd.s32 $0x700, s28;
	[sflag:s11] =	ssyncadd.s32 $0xFFFFC180  }
0x10f: {  	[tilespmem:s14], [sflag:$0x1] =	stream.indirect.gather [hbm4b:s4+s13], $0x80, s29, s13, $0xb8;
	[tilespmem:$0x1F800] =	vst v63  }
0x110: {  	_ =	swait.ge [sflag:s19], $0x3E80  }
0x111: {  	[sflag:s19] =	ssyncset.done $0x0  }
0x112: {  	s29 =	sadd.s32 $0x2E80, s26;
	[sflag:s19] =	ssyncadd.s32 $0xFFFFC180  }
0x113: {  	[spmem:s2] =	stream.indirect.scatter.add.f32 [tilespmem:s17], [sflag:$0x4], $0x80, s29, s13, $0xb8;
	[tilespmem:$0x1F800] =	vst v63  }
0x114: {  	_ =	swait.ge [sflag:s11], $0x3E80  }
0x115: {  	[sflag:s11] =	ssyncset.done $0x0  }
0x116: {  	s28 =	sadd.s32 $0x780, s28;
	[sflag:s11] =	ssyncadd.s32 $0xFFFFC180  }
0x117: {  	[tilespmem:s17], [sflag:$0x2] =	stream.indirect.gather [hbm4b:s4+s13], $0x80, s28, s13, $0xb8;
	[tilespmem:$0x1F800] =	vst v63  }
0x118: {  	_ =	swait.ge [sflag:s18], $0x3E80  }
0x119: {  	[sflag:s18] =	ssyncset.done $0x0  }
0x11a: {  	s28 =	sadd.s32 $0x2F00, s26;
	[sflag:s18] =	ssyncadd.s32 $0xFFFFC180  }
0x11b: {  	[spmem:s2] =	stream.indirect.scatter.add.f32 [tilespmem:s14], [sflag:$0x4], $0x80, s28, s13, $0xb8;
	[tilespmem:$0x1F800] =	vst v63  }
0x11c: {  	_ =	swait.ge [sflag:s11], $0x3E80  }
0x11d: {  	s22 =	sshra.s32 @!p0 s22, $0x2;
	s28 =	simm.s32 @!p0 $0x3800;
	[sflag:s11] =	ssyncset.done $0x0  }
0x11e: {  	s22 =	sadd.s32 @!p0 $0x800, s22;
	s29 =	simm.s32 @!p0 $0x7D;
	[sflag:s11] =	ssyncadd.s32 $0xFFFFC180  }
0x11f: {  	[tilespmem:s28], [sflag:$0x1] =	stream.indirect.gather @!p0 [hbm4b:s4+s29], $0x80, s22, s29, $0xb8;
	[tilespmem:$0x1F800] =	vst v63  }
0x120: {  	s22 =	smov.u32 s25;
	_ =	swait.ge [sflag:s19], $0x3E80  }
.Ltmp0:
0x121: {  	[sflag:s19] =	ssyncset.done $0x0;
	(pc) =	sbr.rel @p1 .LBB2_2-.Ltmp0, $4  }
0x122: {  	s25 =	sadd.s32 $0x2F80, s26;
	[sflag:s19] =	ssyncadd.s32 $0xFFFFC180  }
0x123: {  	[spmem:s2] =	stream.indirect.scatter.add.f32 [tilespmem:s17], [sflag:$0x4], $0x80, s25, s13, $0xb8;
	[tilespmem:$0x1F800] =	vst v63  }
0x124: {  	_ =	swait.ge [sflag:s11], $0x3E80  }
0x125: {  	s23 =	sadd.s32 $0x100, s23;
	p0 =	seq.s32 s22, $0x8000;
	[sflag:s11] =	ssyncset.done $0x0  }
0x126: {  	s24 =	sxor.u32 @!p0 $0xFFFFFFFF, s22;
	[sflag:s11] =	ssyncadd.s32 $0xFFFFC180  }
0x127: {  	_ =	swait.ge [sflag:s16], $0x800;
	s24 =	sand.u32 @!p0 $0x2000, s24  }
0x128: {  	s26 =	simm.s32 @!p0 $0x0;
	[sflag:s16] =	ssyncset.done $0x0;
	s25 =	sshrl.u32 @!p0 s24, $0x2  }
0x129: {  	s24 =	sshra.s32 s22, $0x2;
	[sflag:s16] =	ssyncadd.s32 $0xFFFFF800;
	s25 =	sadd.s32 @!p0 $0x2800, s25  }
0x12a: {  	[tilespmem:s25], [sflag:$0x3] =	stream.linear.gather @!p0 [hbm4b:s23+s26], $0x800, $0x38;
	[tilespmem:$0x1F800] =	vst v63  }
0x12b: {  	s25 =	sadd.s32 $0x80, s24  }
0x12c: {  	[tilespmem:s17], [sflag:$0x2] =	stream.indirect.gather [hbm4b:s4+s13], $0x80, s25, s13, $0xb8;
	[tilespmem:$0x1F800] =	vst v63  }
0x12d: {  	s26 =	sshrl.u32 s22, $0x2;
	_ =	swait.ge [sflag:s18], $0x3E80  }
0x12e: {  	s23 =	sand.u32 $0x800, s26;
	[sflag:s18] =	ssyncset.done $0x0  }
0x12f: {  	s28 =	sadd.s32 $0x2800, s23;
	[sflag:s18] =	ssyncadd.s32 $0xFFFFC180  }
0x130: {  	[spmem:s2] =	stream.indirect.scatter.add.f32 [tilespmem:s14], [sflag:$0x4], $0x80, s28, s13, $0xb8;
	[tilespmem:$0x1F800] =	vst v63  }
0x131: {  	_ =	swait.ge [sflag:s11], $0x3E80  }
0x132: {  	[sflag:s11] =	ssyncset.done $0x0  }
0x133: {  	s29 =	sadd.s32 $0x100, s24;
	[sflag:s11] =	ssyncadd.s32 $0xFFFFC180  }
0x134: {  	[tilespmem:s14], [sflag:$0x1] =	stream.indirect.gather [hbm4b:s4+s13], $0x80, s29, s13, $0xb8;
	[tilespmem:$0x1F800] =	vst v63  }
0x135: {  	_ =	swait.ge [sflag:s19], $0x3E80  }
0x136: {  	[sflag:s19] =	ssyncset.done $0x0  }
0x137: {  	s30 =	sadd.s32 $0x2880, s23;
	[sflag:s19] =	ssyncadd.s32 $0xFFFFC180  }
0x138: {  	[spmem:s2] =	stream.indirect.scatter.add.f32 [tilespmem:s17], [sflag:$0x4], $0x80, s30, s13, $0xb8;
	[tilespmem:$0x1F800] =	vst v63  }
0x139: {  	_ =	swait.ge [sflag:s11], $0x3E80  }
0x13a: {  	[sflag:s11] =	ssyncset.done $0x0  }
0x13b: {  	s31 =	sadd.s32 $0x180, s24;
	[sflag:s11] =	ssyncadd.s32 $0xFFFFC180  }
0x13c: {  	[tilespmem:s17], [sflag:$0x2] =	stream.indirect.gather [hbm4b:s4+s13], $0x80, s31, s13, $0xb8;
	[tilespmem:$0x1F800] =	vst v63  }
0x13d: {  	_ =	swait.ge [sflag:s18], $0x3E80  }
0x13e: {  	[sflag:s18] =	ssyncset.done $0x0  }
0x13f: {  	s26 =	sadd.s32 $0x2900, s23;
	[sflag:s18] =	ssyncadd.s32 $0xFFFFC180  }
0x140: {  	[spmem:s2] =	stream.indirect.scatter.add.f32 [tilespmem:s14], [sflag:$0x4], $0x80, s26, s13, $0xb8;
	[tilespmem:$0x1F800] =	vst v63  }
0x141: {  	_ =	swait.ge [sflag:s11], $0x3E80  }
0x142: {  	[sflag:s11] =	ssyncset.done $0x0  }
0x143: {  	s28 =	sadd.s32 $0x200, s24;
	[sflag:s11] =	ssyncadd.s32 $0xFFFFC180  }
0x144: {  	[tilespmem:s14], [sflag:$0x1] =	stream.indirect.gather [hbm4b:s4+s13], $0x80, s28, s13, $0xb8;
	[tilespmem:$0x1F800] =	vst v63  }
0x145: {  	_ =	swait.ge [sflag:s19], $0x3E80  }
0x146: {  	[sflag:s19] =	ssyncset.done $0x0  }
0x147: {  	s29 =	sadd.s32 $0x2980, s23;
	[sflag:s19] =	ssyncadd.s32 $0xFFFFC180  }
0x148: {  	[spmem:s2] =	stream.indirect.scatter.add.f32 [tilespmem:s17], [sflag:$0x4], $0x80, s29, s13, $0xb8;
	[tilespmem:$0x1F800] =	vst v63  }
0x149: {  	_ =	swait.ge [sflag:s11], $0x3E80  }
0x14a: {  	[sflag:s11] =	ssyncset.done $0x0  }
0x14b: {  	s30 =	sadd.s32 $0x280, s24;
	[sflag:s11] =	ssyncadd.s32 $0xFFFFC180  }
0x14c: {  	[tilespmem:s17], [sflag:$0x2] =	stream.indirect.gather [hbm4b:s4+s13], $0x80, s30, s13, $0xb8;
	[tilespmem:$0x1F800] =	vst v63  }
0x14d: {  	_ =	swait.ge [sflag:s18], $0x3E80  }
0x14e: {  	[sflag:s18] =	ssyncset.done $0x0  }
0x14f: {  	s31 =	sadd.s32 $0x2A00, s23;
	[sflag:s18] =	ssyncadd.s32 $0xFFFFC180  }
0x150: {  	[spmem:s2] =	stream.indirect.scatter.add.f32 [tilespmem:s14], [sflag:$0x4], $0x80, s31, s13, $0xb8;
	[tilespmem:$0x1F800] =	vst v63  }
0x151: {  	_ =	swait.ge [sflag:s11], $0x3E80  }
0x152: {  	[sflag:s11] =	ssyncset.done $0x0  }
0x153: {  	s26 =	sadd.s32 $0x300, s24;
	[sflag:s11] =	ssyncadd.s32 $0xFFFFC180  }
0x154: {  	[tilespmem:s14], [sflag:$0x1] =	stream.indirect.gather [hbm4b:s4+s13], $0x80, s26, s13, $0xb8;
	[tilespmem:$0x1F800] =	vst v63  }
0x155: {  	_ =	swait.ge [sflag:s19], $0x3E80  }
0x156: {  	[sflag:s19] =	ssyncset.done $0x0  }
0x157: {  	s28 =	sadd.s32 $0x2A80, s23;
	[sflag:s19] =	ssyncadd.s32 $0xFFFFC180  }
0x158: {  	[spmem:s2] =	stream.indirect.scatter.add.f32 [tilespmem:s17], [sflag:$0x4], $0x80, s28, s13, $0xb8;
	[tilespmem:$0x1F800] =	vst v63  }
0x159: {  	_ =	swait.ge [sflag:s11], $0x3E80  }
0x15a: {  	[sflag:s11] =	ssyncset.done $0x0  }
0x15b: {  	s29 =	sadd.s32 $0x380, s24;
	[sflag:s11] =	ssyncadd.s32 $0xFFFFC180  }
0x15c: {  	[tilespmem:s17], [sflag:$0x2] =	stream.indirect.gather [hbm4b:s4+s13], $0x80, s29, s13, $0xb8;
	[tilespmem:$0x1F800] =	vst v63  }
0x15d: {  	_ =	swait.ge [sflag:s18], $0x3E80  }
0x15e: {  	[sflag:s18] =	ssyncset.done $0x0  }
0x15f: {  	s30 =	sadd.s32 $0x2B00, s23;
	[sflag:s18] =	ssyncadd.s32 $0xFFFFC180  }
0x160: {  	[spmem:s2] =	stream.indirect.scatter.add.f32 [tilespmem:s14], [sflag:$0x4], $0x80, s30, s13, $0xb8;
	[tilespmem:$0x1F800] =	vst v63  }
0x161: {  	_ =	swait.ge [sflag:s11], $0x3E80  }
0x162: {  	[sflag:s11] =	ssyncset.done $0x0  }
0x163: {  	s31 =	sadd.s32 $0x400, s24;
	[sflag:s11] =	ssyncadd.s32 $0xFFFFC180  }
0x164: {  	[tilespmem:s14], [sflag:$0x1] =	stream.indirect.gather [hbm4b:s4+s13], $0x80, s31, s13, $0xb8;
	[tilespmem:$0x1F800] =	vst v63  }
0x165: {  	_ =	swait.ge [sflag:s19], $0x3E80  }
0x166: {  	[sflag:s19] =	ssyncset.done $0x0  }
0x167: {  	s26 =	sadd.s32 $0x2B80, s23;
	[sflag:s19] =	ssyncadd.s32 $0xFFFFC180  }
0x168: {  	[spmem:s2] =	stream.indirect.scatter.add.f32 [tilespmem:s17], [sflag:$0x4], $0x80, s26, s13, $0xb8;
	[tilespmem:$0x1F800] =	vst v63  }
0x169: {  	_ =	swait.ge [sflag:s11], $0x3E80  }
0x16a: {  	[sflag:s11] =	ssyncset.done $0x0  }
0x16b: {  	s28 =	sadd.s32 $0x480, s24;
	[sflag:s11] =	ssyncadd.s32 $0xFFFFC180  }
0x16c: {  	[tilespmem:s17], [sflag:$0x2] =	stream.indirect.gather [hbm4b:s4+s13], $0x80, s28, s13, $0xb8;
	[tilespmem:$0x1F800] =	vst v63  }
0x16d: {  	_ =	swait.ge [sflag:s18], $0x3E80  }
0x16e: {  	[sflag:s18] =	ssyncset.done $0x0  }
0x16f: {  	s29 =	sadd.s32 $0x2C00, s23;
	[sflag:s18] =	ssyncadd.s32 $0xFFFFC180  }
0x170: {  	[spmem:s2] =	stream.indirect.scatter.add.f32 [tilespmem:s14], [sflag:$0x4], $0x80, s29, s13, $0xb8;
	[tilespmem:$0x1F800] =	vst v63  }
0x171: {  	_ =	swait.ge [sflag:s11], $0x3E80  }
0x172: {  	[sflag:s11] =	ssyncset.done $0x0  }
0x173: {  	s30 =	sadd.s32 $0x500, s24;
	[sflag:s11] =	ssyncadd.s32 $0xFFFFC180  }
0x174: {  	[tilespmem:s14], [sflag:$0x1] =	stream.indirect.gather [hbm4b:s4+s13], $0x80, s30, s13, $0xb8;
	[tilespmem:$0x1F800] =	vst v63  }
0x175: {  	_ =	swait.ge [sflag:s19], $0x3E80  }
0x176: {  	[sflag:s19] =	ssyncset.done $0x0  }
0x177: {  	s31 =	sadd.s32 $0x2C80, s23;
	[sflag:s19] =	ssyncadd.s32 $0xFFFFC180  }
0x178: {  	[spmem:s2] =	stream.indirect.scatter.add.f32 [tilespmem:s17], [sflag:$0x4], $0x80, s31, s13, $0xb8;
	[tilespmem:$0x1F800] =	vst v63  }
0x179: {  	_ =	swait.ge [sflag:s11], $0x3E80  }
0x17a: {  	[sflag:s11] =	ssyncset.done $0x0  }
0x17b: {  	s26 =	sadd.s32 $0x580, s24;
	[sflag:s11] =	ssyncadd.s32 $0xFFFFC180  }
0x17c: {  	[tilespmem:s17], [sflag:$0x2] =	stream.indirect.gather [hbm4b:s4+s13], $0x80, s26, s13, $0xb8;
	[tilespmem:$0x1F800] =	vst v63  }
0x17d: {  	_ =	swait.ge [sflag:s18], $0x3E80  }
0x17e: {  	[sflag:s18] =	ssyncset.done $0x0  }
0x17f: {  	s28 =	sadd.s32 $0x2D00, s23;
	[sflag:s18] =	ssyncadd.s32 $0xFFFFC180  }
0x180: {  	[spmem:s2] =	stream.indirect.scatter.add.f32 [tilespmem:s14], [sflag:$0x4], $0x80, s28, s13, $0xb8;
	[tilespmem:$0x1F800] =	vst v63  }
0x181: {  	_ =	swait.ge [sflag:s11], $0x3E80  }
0x182: {  	[sflag:s11] =	ssyncset.done $0x0  }
0x183: {  	s29 =	sadd.s32 $0x600, s24;
	[sflag:s11] =	ssyncadd.s32 $0xFFFFC180  }
0x184: {  	[tilespmem:s14], [sflag:$0x1] =	stream.indirect.gather [hbm4b:s4+s13], $0x80, s29, s13, $0xb8;
	[tilespmem:$0x1F800] =	vst v63  }
0x185: {  	_ =	swait.ge [sflag:s19], $0x3E80  }
0x186: {  	[sflag:s19] =	ssyncset.done $0x0  }
0x187: {  	s30 =	sadd.s32 $0x2D80, s23;
	[sflag:s19] =	ssyncadd.s32 $0xFFFFC180  }
0x188: {  	[spmem:s2] =	stream.indirect.scatter.add.f32 [tilespmem:s17], [sflag:$0x4], $0x80, s30, s13, $0xb8;
	[tilespmem:$0x1F800] =	vst v63  }
0x189: {  	_ =	swait.ge [sflag:s11], $0x3E80  }
0x18a: {  	[sflag:s11] =	ssyncset.done $0x0  }
0x18b: {  	s31 =	sadd.s32 $0x680, s24;
	[sflag:s11] =	ssyncadd.s32 $0xFFFFC180  }
0x18c: {  	[tilespmem:s17], [sflag:$0x2] =	stream.indirect.gather [hbm4b:s4+s13], $0x80, s31, s13, $0xb8;
	[tilespmem:$0x1F800] =	vst v63  }
0x18d: {  	_ =	swait.ge [sflag:s18], $0x3E80  }
0x18e: {  	[sflag:s18] =	ssyncset.done $0x0  }
0x18f: {  	s26 =	sadd.s32 $0x2E00, s23;
	[sflag:s18] =	ssyncadd.s32 $0xFFFFC180  }
0x190: {  	[spmem:s2] =	stream.indirect.scatter.add.f32 [tilespmem:s14], [sflag:$0x4], $0x80, s26, s13, $0xb8;
	[tilespmem:$0x1F800] =	vst v63  }
0x191: {  	_ =	swait.ge [sflag:s11], $0x3E80  }
0x192: {  	[sflag:s11] =	ssyncset.done $0x0  }
0x193: {  	s28 =	sadd.s32 $0x700, s24;
	[sflag:s11] =	ssyncadd.s32 $0xFFFFC180  }
0x194: {  	[tilespmem:s14], [sflag:$0x1] =	stream.indirect.gather [hbm4b:s4+s13], $0x80, s28, s13, $0xb8;
	[tilespmem:$0x1F800] =	vst v63  }
0x195: {  	_ =	swait.ge [sflag:s19], $0x3E80  }
0x196: {  	[sflag:s19] =	ssyncset.done $0x0  }
0x197: {  	s29 =	sadd.s32 $0x2E80, s23;
	[sflag:s19] =	ssyncadd.s32 $0xFFFFC180  }
0x198: {  	[spmem:s2] =	stream.indirect.scatter.add.f32 [tilespmem:s17], [sflag:$0x4], $0x80, s29, s13, $0xb8;
	[tilespmem:$0x1F800] =	vst v63  }
0x199: {  	_ =	swait.ge [sflag:s11], $0x3E80  }
0x19a: {  	[sflag:s11] =	ssyncset.done $0x0  }
0x19b: {  	s24 =	sadd.s32 $0x780, s24;
	[sflag:s11] =	ssyncadd.s32 $0xFFFFC180  }
0x19c: {  	[tilespmem:s17], [sflag:$0x2] =	stream.indirect.gather [hbm4b:s4+s13], $0x80, s24, s13, $0xb8;
	[tilespmem:$0x1F800] =	vst v63  }
0x19d: {  	_ =	swait.ge [sflag:s18], $0x3E80  }
0x19e: {  	[sflag:s18] =	ssyncset.done $0x0  }
0x19f: {  	s30 =	sadd.s32 $0x2F00, s23;
	[sflag:s18] =	ssyncadd.s32 $0xFFFFC180  }
0x1a0: {  	[spmem:s2] =	stream.indirect.scatter.add.f32 [tilespmem:s14], [sflag:$0x4], $0x80, s30, s13, $0xb8;
	[tilespmem:$0x1F800] =	vst v63  }
0x1a1: {  	s22 =	sshra.s32 @!p0 s22, $0x2;
	_ =	swait.ge [sflag:s11], $0x3E80  }
0x1a2: {  	s22 =	sadd.s32 @!p0 $0x800, s22;
	[sflag:s11] =	ssyncset.done $0x0  }
0x1a3: {  	s25 =	simm.s32 @!p0 $0x7D;
	s24 =	simm.s32 @!p0 $0x3800;
	[sflag:s11] =	ssyncadd.s32 $0xFFFFC180  }
0x1a4: {  	[tilespmem:s24], [sflag:$0x1] =	stream.indirect.gather @!p0 [hbm4b:s4+s25], $0x80, s22, s25, $0xb8;
	[tilespmem:$0x1F800] =	vst v63  }
0x1a5: {  	_ =	swait.ge [sflag:s19], $0x3E80  }
0x1a6: {  	[sflag:s19] =	ssyncset.done $0x0  }
0x1a7: {  	s31 =	sadd.s32 $0x2F80, s23;
	[sflag:s19] =	ssyncadd.s32 $0xFFFFC180  }
0x1a8: {  	[spmem:s2] =	stream.indirect.scatter.add.f32 [tilespmem:s17], [sflag:$0x4], $0x80, s31, s13, $0xb8;
	[tilespmem:$0x1F800] =	vst v63  }
0x1a9: {  	_ =	swait.ge [sflag:s11], $0x3E80  }
0x1aa: {  	s21 =	sadd.s32 $0x1, s21;
	[sflag:s11] =	ssyncset.done $0x0  }
0x1ab: {  	p0 =	sne.s32 s21, s9;
	[sflag:s11] =	ssyncadd.s32 $0xFFFFC180  }
.Ltmp1:
0x1ac: {  	[bflag:$0x0] =	sbarrier.arrive $0xFFFF;
	(pc) =	sbr.rel @p0 .LBB2_1-.Ltmp1, $4  }
0x1ad: {  	[hbm:s20], [sflag:s6] =	dma.local [spmem:s10], $0x2800  }
0x1ae: {  	_ =	swait.ge [sflag:s11], $0x2800  }
0x1af: {  	[sflag:s11] =	ssyncset.done $0x0  }
0x1b0: {  	[sflag:s11] =	ssyncadd.s32 $0xFFFFD800  }
0x1b1: {  	_ =	sfence.sel $0x180000  }
0x1b2: {  	[bflag:$0x0] =	sbarrier.arrive $0xFFFF  }
0x1b3: {  	p0 =	sne.s32 s1, $0x0;
	_ =	strace $0x9000004D  }
0x1b4: {  	s0 =	sadd.s32 @!p0 $0x100000, s0;
	[bflag:$0x2] =	sbarrier.arrive $0xFFFF  }
0x1b5: {  	[sflag:s0] =	ssyncadd.tile.s32 @!p0 $0x1;
	_ =	shalt  }
.Lfunc_end2:
_tile_overlayer_lowered:
.L_overlay_start_2:
0x1b6: {  	(tag) =	ssettag $0x2  }
0x1b7: {  	s0 =	rddreg [dreg:$0x0];
	s2 =	stileid.u32  }
0x1b8: {  	s1 =	rddreg [dreg:$0x1];
	p0 =	sne.s32 s2, $0x0  }
0x1b9: {  	s3 =	rddreg [dreg:$0x2];
	[bflag:$0x3] =	sbarrier.arrive $0xFFFF;
	s2 =	simm.s32 @!p0 $0x1C04  }
0x1ba: {  	[timem:s3], [sflag:s2] =	dma.local @!p0 [hbm:s0], s1  }
0x1bb: {  	s0 =	simm.s32 @!p0 $0x4  }
0x1bc: {  	_ =	swait.ge @!p0 [sflag:s0], s1  }
0x1bd: {  	s1 =	ssub.s32 @!p0 $0x0, s1;
	[sflag:s0] =	ssyncset.done @!p0 $0x0  }
0x1be: {  	[sflag:s0] =	ssyncadd.s32 @!p0 s1  }
0x1bf: {  	[bflag:$0x3] =	sbarrier.arrive $0xFFFF  }
0x1c0: {  	_ =	shalt  }

// kernel: kernel.20.cloned.1.call-start
scs
__scs_entry_jumppad:
0x0: {  	(pc) =	sbr.rel $0x88, $3  }
0x1: {  	(tag) =	ssettag $0x0;
	lr =	simm.s32 $0x1  }
0x2: {  	[smem:$0x3F99] =	sst lr;
	_ =	strace $0xD0000000  }
0x3: {  	_ = 	snop  }
0x4: {  	_ = 	snop  }
0x5: {  	_ = 	snop  }
0x6: {  	_ = 	snop  }
0x7: {  	_ = 	snop  }
__scs_overlays_trampoline_lowered:
0x8: {  	[smem:$0x3FA8] =	sst s0  }
0x9: {  	[smem:$0x3FA9] =	sst s1  }
0xa: {  	[smem:$0x3FAA] =	sst s2  }
0xb: {  	[smem:$0x3FAB] =	sst s3  }
0xc: {  	[smem:$0x3FAC] =	sst s4  }
0xd: {  	[smem:$0x3FAD] =	sst s5  }
0xe: {  	[smem:$0x3FAE] =	sst s6  }
0xf: {  	[smem:$0x3FAF] =	sst s7  }
0x10: {  	[smem:$0x3FB0] =	sst s8  }
0x11: {  	[smem:$0x3FB1] =	sst s9;
	s0 =	simm.s32 @!p0 $0x0  }
0x12: {  	s1 =	sld [smem:$0x3F97];
	s0 =	simm.s32 @p0 $0x1  }
0x13: {  	[smem:$0x3FB2] =	sst s0;
	s0 =	simm.s32 @!p1 $0x0  }
0x14: {  	s2 =	sld [smem:$0x3F96];
	s0 =	simm.s32 @p1 $0x1  }
0x15: {  	[smem:$0x3FB3] =	sst s0;
	s0 =	simm.s32 @!p2 $0x0  }
0x16: {  	s3 =	sld [smem:$0x3FDB];
	s0 =	simm.s32 @p2 $0x1  }
0x17: {  	s4 =	simm.s32 $0x1BF5;
	[smem:$0x3FB5] =	sst s0  }
0x18: {  	s0 =	sld [smem:$0x3F98];
	_ =	swait.ge [sflag:s4], $0x0  }
0x19: {  	s7 =	sld [smem:$0x3F99]  }
0x1a: {  	s8 =	sadd.s32 $0xFFFFE003, lr  }
0x1b: {  	s9 =	sadd.s32 $0xFFFFFEF7, lr;
	s5 =	simm.s32 $0xFFFFFFFF;
	p2 =	slt.u32 s8, $0xFFFFF086  }
0x1c: {  	p1 =	slt.u32 s9, $0xF7A;
	s5 =	simm.s32 @!p2 $0x0  }
0x1d: {  	s5 =	simm.s32 @p1 $0x1;
	p0 =	seq.s32 s7, s2  }
0x1e: {  	s7 =	smul.u32 @!p0 $0xF7A, s2;
	p2 =	seq.s32 @!p0 s5, $0x0  }
0x1f: {  	s9 =	smul.u32 $0xF7A, s1;
	s8 =	simm.s32 @!p0 $0x1BF5;
	p2 =	por !p2, p0  }
0x20: {  	[sflag:s8] =	ssyncset.s32 @!p0 $0xFFFFF086;
	s6 =	sadd.s32 @!p0 s3, s7;
	s7 =	simm.s32 @!p0 $0x108  }
0x21: {  	s3 =	sadd.s32 s3, s9;
	s6 =	sadd.s32 @!p0 $0x88, s6;
	s7 =	simm.s32 @p2 $0x1082  }
0x22: {  	[simem:s7], [sflag:s8] =	dma.local @!p0 [hbm:s6], $0xF7A  }
0x23: {  	s9 =	sor.u32 $0xD0000000, s2;
	s6 =	simm.s32 $0x108;
	_ =	swait.ge @!p0 [sflag:s8], $0x0  }
0x24: {  	s3 =	sadd.s32 $0x88, s3;
	s6 =	simm.s32 @!p1 $0x1082;
	[sflag:s4] =	ssyncset.s32 $0xFFFFF086  }
0x25: {  	[simem:s6], [sflag:s4] =	dma.local [hbm:s3], $0xF7A  }
0x26: {  	[smem:$0x3F99] =	sst s1;
	(tag) =	ssettag s2;
	_ =	strace s9  }
0x27: {  	s1 =	sld [smem:$0x3FA9]  }
0x28: {  	s2 =	sld [smem:$0x3FAA]  }
0x29: {  	s4 =	sld [smem:$0x3FAC]  }
0x2a: {  	p0 =	seq.s32 s5, $0x0;
	s5 =	sld [smem:$0x3FAD]  }
0x2b: {  	s6 =	sld [smem:$0x3FAE]  }
0x2c: {  	s7 =	sld [smem:$0x3FAF]  }
0x2d: {  	s3 =	simm.s32 $0x108;
	s8 =	sld [smem:$0x3FB0]  }
0x2e: {  	s3 =	simm.s32 @!p0 $0x1082;
	s9 =	sld [smem:$0x3FB1]  }
0x2f: {  	lr =	sadd.s32 s0, s3;
	s0 =	sld [smem:$0x3FA8]  }
0x30: {  	s3 =	sld [smem:$0x3FAB]  }
0x31: {  	[smem:$0x3FB4] =	sst s10  }
0x32: {  	s10 =	sld [smem:$0x3FB2];
	_ =	sdelay $0x3  }
0x33: {  	p0 =	seq.s32 s10, $0x1;
	s10 =	sld [smem:$0x3FB4];
	_ =	sdelay $0x3  }
0x34: {  	[smem:$0x3FB4] =	sst s10  }
0x35: {  	s10 =	sld [smem:$0x3FB3];
	_ =	sdelay $0x3  }
0x36: {  	p1 =	seq.s32 s10, $0x1;
	s10 =	sld [smem:$0x3FB4];
	_ =	sdelay $0x3  }
0x37: {  	[smem:$0x3FB4] =	sst s10  }
0x38: {  	s10 =	sld [smem:$0x3FB5]  }
0x39: {  	_ = 	snop;
	(pc) =	sbr.ind lr, $3  }
0x3a: {  	_ = 	snop  }
0x3b: {  	_ = 	snop  }
0x3c: {  	p2 =	seq.s32 s10, $0x1;
	s10 =	sld [smem:$0x3FB4]  }
0x3d: {  	_ =	shalt  }
0x3e: {  	_ =	shalt  }
0x3f: {  	_ =	shalt  }
0x40: {  	_ =	shalt  }
0x41: {  	_ =	shalt  }
0x42: {  	_ =	shalt  }
0x43: {  	_ =	shalt  }
0x44: {  	_ =	shalt  }
0x45: {  	_ =	shalt  }
0x46: {  	_ =	shalt  }
0x47: {  	_ =	shalt  }
0x48: {  	_ =	shalt  }
0x49: {  	_ =	shalt  }
0x4a: {  	_ =	shalt  }
0x4b: {  	_ =	shalt  }
0x4c: {  	_ =	shalt  }
0x4d: {  	_ =	shalt  }
0x4e: {  	_ =	shalt  }
0x4f: {  	_ =	shalt  }
0x50: {  	_ =	shalt  }
0x51: {  	_ =	shalt  }
0x52: {  	_ =	shalt  }
0x53: {  	_ =	shalt  }
0x54: {  	_ =	shalt  }
0x55: {  	_ =	shalt  }
0x56: {  	_ =	shalt  }
0x57: {  	_ =	shalt  }
0x58: {  	_ =	shalt  }
0x59: {  	_ =	shalt  }
0x5a: {  	_ =	shalt  }
0x5b: {  	_ =	shalt  }
0x5c: {  	_ =	shalt  }
0x5d: {  	_ =	shalt  }
0x5e: {  	_ =	shalt  }
0x5f: {  	_ =	shalt  }
0x60: {  	_ =	shalt  }
0x61: {  	_ =	shalt  }
0x62: {  	_ =	shalt  }
0x63: {  	_ =	shalt  }
0x64: {  	_ =	shalt  }
0x65: {  	_ =	shalt  }
0x66: {  	_ =	shalt  }
0x67: {  	_ =	shalt  }
0x68: {  	_ =	shalt  }
0x69: {  	_ =	shalt  }
0x6a: {  	_ =	shalt  }
0x6b: {  	_ =	shalt  }
0x6c: {  	_ =	shalt  }
0x6d: {  	_ =	shalt  }
0x6e: {  	_ =	shalt  }
0x6f: {  	_ =	shalt  }
0x70: {  	_ =	shalt  }
0x71: {  	_ =	shalt  }
0x72: {  	_ =	shalt  }
0x73: {  	_ =	shalt  }
0x74: {  	_ =	shalt  }
0x75: {  	_ =	shalt  }
0x76: {  	_ =	shalt  }
0x77: {  	_ =	shalt  }
0x78: {  	_ =	shalt  }
0x79: {  	_ =	shalt  }
0x7a: {  	_ =	shalt  }
0x7b: {  	_ =	shalt  }
0x7c: {  	_ =	shalt  }
0x7d: {  	_ =	shalt  }
0x7e: {  	_ =	shalt  }
0x7f: {  	_ =	shalt  }
0x80: {  	_ =	shalt  }
0x81: {  	_ =	shalt  }
0x82: {  	_ =	shalt  }
0x83: {  	_ =	shalt  }
0x84: {  	_ =	shalt  }
0x85: {  	_ =	shalt  }
0x86: {  	_ =	shalt  }
0x87: {  	_ =	shalt  }
.Lfunc_end0:
.L_simem_size_0:
called_computation.3_lowered:
.L_overlay_start_0:
0x88: {  	s2 =	sld [smem:$0x3FD9]  }
0x89: {  	s3 =	sld [smem:$0x3FFE];
	_ =	sdelay $0x1  }
0x8a: {  	s1 =	srdreg.scid  }
0x8b: {  	s0 =	sand.u32 $0x1, s1  }
0x8c: {  	s16 =	sshll.u32 s0, $0xA;
	s2 =	sadd.s32 s3, s2  }
0x8d: {  	s2 =	sadd.s32 s2, s16  }
0x8e: {  	[smem:$0x3FC0] =	sst s2  }
0x8f: {  	_ = 	snop  }
0x90: {  	(tm) =	ssettm $0x1  }
0x91: {  	s17 =	sld [smem:$0x3FFB];
	_ =	sdelay $0x3  }
0x92: {  	_ =	strace s17  }
0x93: {  	s2 =	sld [smem:$0x3FFC];
	_ =	sdelay $0x3  }
0x94: {  	_ =	strace s2  }
0x95: {  	s2 =	sld [smem:$0x3FFD];
	_ =	sdelay $0x3  }
0x96: {  	_ =	strace s2  }
0x97: {  	_ =	strace $0x8FFFFFFF  }
0x98: {  	s18 =	sld [smem:$0x3FDB];
	_ =	sdelay $0x1  }
0x99: {  	s19 =	simm.s32 $_scs_section_size  }
0x9a: {  	s4 =	simm.s32 $_size__tile_overlayer_lowered;
	s5 =	simm.s32 $_tile_overlayer_lowered  }
0x9b: {  	s22 =	simm.s32 $0x1BFF;
	s21 =	sshll.u32 s5, $0x1;
	s2 =	sadd.s32 s19, s18  }
0x9c: {  	s6 =	simm.s32 $0x0;
	s20 =	sshll.u32 s4, $0x1;
	s4 =	sadd.s32 s21, s2  }
0x9d: {  	[timem:s6], [sflag:s22] =	dma.local [hbm:s4], s20  }
0x9e: {  	_ =	swait.ge [sflag:s22], s20  }
0x9f: {  	s3 =	ssub.s32 $0x0, s20;
	[sflag:s22] =	ssyncset.done $0x0  }
0xa0: {  	[sflag:s22] =	ssyncadd.s32 s3;
	_ =	sdelay $0x1  }
0xa1: {  	s23 =	simm.s32 $0x1B8B  }
0xa2: {  	_ =	swait.ge [sflag:s23], $0x1  }
0xa3: {  	[sflag:s23] =	ssyncset.done $0x0  }
0xa4: {  	s25 =	simm.s32 $0x1B8E;
	s24 =	sld [smem:$0x3FFE];
	[sflag:s23] =	ssyncadd.s32 $0xFFFFFFFF  }
0xa5: {  	s26 =	simm.s32 $execute0_lowered;
	[smem:$0x3FD2] =	sst s25  }
0xa6: {  	s4 =	sshll.u32 s26, $0x1;
	_ =	strace $0x8000004F;
	[dreg:$0x1] =	wrdreg $0xFFFFFFFF  }
0xa7: {  	s28 =	simm.s32 $_size_execute0_lowered;
	s2 =	sadd.s32 s2, s4;
	[dreg:$0x0] =	wrdreg $0x0  }
0xa8: {  	s4 =	sshll.u32 s28, $0x1;
	[dreg:$0x2] =	wrdreg s2  }
0xa9: {  	[dreg:$0x3] =	wrdreg s4  }
0xaa: {  	[dreg:$0x4] =	wrdreg $0xC0  }
0xab: {  	_ =	task [dreg:s6], $0x5FFFF  }
0xac: {  	[dreg:$0x1] =	wrdreg $0xFFFFFFFF  }
0xad: {  	[dreg:$0x0] =	wrdreg $0x60  }
0xae: {  	[dreg:$0x2] =	wrdreg s24  }
0xaf: {  	[dreg:$0x3] =	wrdreg $0xB8000  }
0xb0: {  	[dreg:$0x4] =	wrdreg $0x9  }
0xb1: {  	_ =	task.clear_ibuf [dreg:s6], $0x5FFFF;
	_ =	strace $0x9000004F  }
0xb2: {  	s29 =	simm.s32 $0x9;
	_ =	strace $0x80000051  }
0xb3: {  	_ =	swait.ge [sflag:s29], $0x1  }
0xb4: {  	[sflag:s29] =	ssyncadd.s32 $0xFFFFFFFF  }
0xb5: {  	_ =	strace $0x90000051  }
0xb6: {  	_ =	sfence  }
0xb7: {  	s30 =	sld [smem:$0x0];
	_ =	sdelay $0x2  }
0xb8: {  	s31 =	sshll.u32 s1, $0xD;
	s1 =	sshrl.u32 s1, $0x2  }
0xb9: {  	s3 =	sand.u32 $0x4000, s31;
	s1 =	sadd.s32 s1, s30  }
0xba: {  	s0 =	sor.u32 s3, s0;
	s1 =	sshll.u32 s1, $0x11  }
0xbb: {  	s0 =	sor.u32 s1, s0  }
0xbc: {  	s0 =	sadd.s32 $0x8F2B, s0  }
0xbd: {  	[sflag:s0] =	ssyncadd.remote.s32 $0x1  }
0xbe: {  	_ =	sfence.sel $0xFFFF  }
0xbf: {  	[dreg:$0x0] =	wrdreg $0xFFFFFFFF;
	(pc) =	sbr.abs _section_cstart, $3  }
0xc0: {  	[dreg:$0x1] =	wrdreg $0xFFFFFFFF  }
0xc1: {  	_ =	task.clear_ibuf [dreg:s6], $0x2FFFF;
	_ =	strace $0x9FFFFFFF  }
0xc2: {  	(tm) =	ssettm $0x7FFFFFFF  }
0xc3: {  	_ =	shalt  }
tec
execute0_lowered:
.L_overlay_start_1:
0x0: {  	(tag) =	ssettag $0x1  }
0x1: {  	s4 =	rddreg [dreg:$0x0]  }
0x2: {  	s2 =	rddreg [dreg:$0x1]  }
0x3: {  	s0 =	rddreg [dreg:$0x2];
	s1 =	stileid.u32  }
0x4: {  	s5 =	srdreg.scid;
	s3 =	simm.s32 $0x0;
	s13 =	simm.s32 $0x7D  }
0x5: {  	s14 =	simm.s32 $0x3800;
	s16 =	simm.s32 $0x3;
	s6 =	smul.u32 $0x500, s1  }
0x6: {  	s17 =	simm.s32 $0x7800;
	s18 =	simm.s32 $0x1;
	s8 =	smul.u32 $0x50000, s1  }
0x7: {  	s19 =	simm.s32 $0x2;
	s5 =	sand.u32 $0x1, s5;
	s20 =	smul.u32 $0x2800, s1  }
0x8: {  	[smem:$0x7FF] =	sst s3;
	s31 =	sshll.u32 s1, $0x6;
	s7 =	smul.u32 $0x28000, s5  }
0x9: {  	_ =	strace $0x80000050;
	s5 =	ssub.s32 $0x2, s5;
	s9 =	sadd.s32 s6, s4  }
0xa: {  	s29 =	sshrl.u32 s5, $0x1;
	s30 =	sshrl.u32 s8, $0x2;
	s6 =	sor.u32 $0x1C04, s31  }
0xb: {  	s10 =	sadd.s32 s7, s4;
	s11 =	ssub.s32 s5, s29;
	s12 =	sadd.s32 s30, s2  }
0xc: {  	s7 =	sadd.s32 $0x5B800, s9;
	s8 =	sadd.s32 $0x56800, s9;
	s4 =	sadd.s32 $0x60800, s10  }
0xd: {  	s21 =	sadd.s32 $0xB0800, s10;
	s9 =	smax.u32 s11, $0x1;
	s10 =	sshrl.u32 s12, $0x3  }
0xe: {  	s11 =	simm.s32 $0x4;
	s12 =	simm.s32 $0x2800;
	s15 =	sadd.s32 $0x100, s8  }
0xf: {  	s5 =	sadd.s32 s20, s4;
	s20 =	sadd.s32 s20, s21;
	s21 =	simm.s32 $0x0  }
.LBB2_1:
0x10: {  	[spmem:s10], [sflag:s6] =	dma.local [hbm:s5], $0x2800  }
0x11: {  	_ =	swait.ge [sflag:s11], $0x2800  }
0x12: {  	[sflag:s11] =	ssyncset.done $0x0  }
0x13: {  	[sflag:s11] =	ssyncadd.s32 $0xFFFFD800  }
0x14: {  	[tilespmem:s3], [sflag:$0x4] =	stream.linear.gather [hbm4b:s7+s3], $0x2800, $0x38;
	[tilespmem:$0x1F800] =	vst v63  }
0x15: {  	_ =	swait.ge [sflag:s11], $0x2800  }
0x16: {  	[sflag:s11] =	ssyncset.done $0x0  }
0x17: {  	[sflag:s11] =	ssyncadd.s32 $0xFFFFD800  }
0x18: {  	p0 =	por $0x0, $0x0;
	[bflag:$0x0] =	sbarrier.arrive $0xFFFF  }
0x19: {  	[tilespmem:s12], [sflag:$0x3] =	stream.linear.gather [hbm4b:s8+s3], $0x800, $0x38;
	[tilespmem:$0x1F800] =	vst v63  }
0x1a: {  	s22 =	sxor.u32 @!p0 $0xFFFFFFFF, s3  }
0x1b: {  	[tilespmem:s14], [sflag:$0x1] =	stream.indirect.gather [hbm4b:s4+s13], $0x80, s3, s13, $0xb8;
	[tilespmem:$0x1F800] =	vst v63  }
0x1c: {  	s22 =	sand.u32 @!p0 $0x2000, s22;
	_ =	swait.ge [sflag:s16], $0x800  }
0x1d: {  	s22 =	sshrl.u32 @!p0 s22, $0x2;
	[sflag:s16] =	ssyncset.done $0x0  }
0x1e: {  	s23 =	simm.s32 @!p0 $0x0;
	s22 =	sadd.s32 @!p0 $0x2800, s22;
	[sflag:s16] =	ssyncadd.s32 $0xFFFFF800  }
0x1f: {  	[tilespmem:s22], [sflag:$0x3] =	stream.linear.gather @!p0 [hbm4b:s15+s23], $0x800, $0x38;
	[tilespmem:$0x1F800] =	vst v63  }
0x20: {  	s29 =	simm.s32 $0x80  }
0x21: {  	[tilespmem:s17], [sflag:$0x2] =	stream.indirect.gather [hbm4b:s4+s13], $0x80, s29, s13, $0xb8;
	[tilespmem:$0x1F800] =	vst v63  }
0x22: {  	s30 =	simm.s32 $0x0;
	_ =	swait.ge [sflag:s18], $0x3E80  }
0x23: {  	s22 =	sand.u32 $0x800, s30;
	[sflag:s18] =	ssyncset.done $0x0  }
0x24: {  	s31 =	sadd.s32 $0x2800, s22;
	[sflag:s18] =	ssyncadd.s32 $0xFFFFC180  }
0x25: {  	[spmem:s2] =	stream.indirect.scatter.add.f32 [tilespmem:s14], [sflag:$0x4], $0x80, s31, s13, $0xb8;
	[tilespmem:$0x1F800] =	vst v63  }
0x26: {  	_ =	swait.ge [sflag:s11], $0x3E80  }
0x27: {  	[sflag:s11] =	ssyncset.done $0x0  }
0x28: {  	s24 =	simm.s32 $0x100;
	[sflag:s11] =	ssyncadd.s32 $0xFFFFC180  }
0x29: {  	[tilespmem:s14], [sflag:$0x1] =	stream.indirect.gather [hbm4b:s4+s13], $0x80, s24, s13, $0xb8;
	[tilespmem:$0x1F800] =	vst v63  }
0x2a: {  	_ =	swait.ge [sflag:s19], $0x3E80  }
0x2b: {  	[sflag:s19] =	ssyncset.done $0x0  }
0x2c: {  	s25 =	sadd.s32 $0x2880, s22;
	[sflag:s19] =	ssyncadd.s32 $0xFFFFC180  }
0x2d: {  	[spmem:s2] =	stream.indirect.scatter.add.f32 [tilespmem:s17], [sflag:$0x4], $0x80, s25, s13, $0xb8;
	[tilespmem:$0x1F800] =	vst v63  }
0x2e: {  	_ =	swait.ge [sflag:s11], $0x3E80  }
0x2f: {  	[sflag:s11] =	ssyncset.done $0x0  }
0x30: {  	s26 =	simm.s32 $0x180;
	[sflag:s11] =	ssyncadd.s32 $0xFFFFC180  }
0x31: {  	[tilespmem:s17], [sflag:$0x2] =	stream.indirect.gather [hbm4b:s4+s13], $0x80, s26, s13, $0xb8;
	[tilespmem:$0x1F800] =	vst v63  }
0x32: {  	_ =	swait.ge [sflag:s18], $0x3E80  }
0x33: {  	[sflag:s18] =	ssyncset.done $0x0  }
0x34: {  	s28 =	sadd.s32 $0x2900, s22;
	[sflag:s18] =	ssyncadd.s32 $0xFFFFC180  }
0x35: {  	[spmem:s2] =	stream.indirect.scatter.add.f32 [tilespmem:s14], [sflag:$0x4], $0x80, s28, s13, $0xb8;
	[tilespmem:$0x1F800] =	vst v63  }
0x36: {  	_ =	swait.ge [sflag:s11], $0x3E80  }
0x37: {  	[sflag:s11] =	ssyncset.done $0x0  }
0x38: {  	s29 =	simm.s32 $0x200;
	[sflag:s11] =	ssyncadd.s32 $0xFFFFC180  }
0x39: {  	[tilespmem:s14], [sflag:$0x1] =	stream.indirect.gather [hbm4b:s4+s13], $0x80, s29, s13, $0xb8;
	[tilespmem:$0x1F800] =	vst v63  }
0x3a: {  	_ =	swait.ge [sflag:s19], $0x3E80  }
0x3b: {  	[sflag:s19] =	ssyncset.done $0x0  }
0x3c: {  	s30 =	sadd.s32 $0x2980, s22;
	[sflag:s19] =	ssyncadd.s32 $0xFFFFC180  }
0x3d: {  	[spmem:s2] =	stream.indirect.scatter.add.f32 [tilespmem:s17], [sflag:$0x4], $0x80, s30, s13, $0xb8;
	[tilespmem:$0x1F800] =	vst v63  }
0x3e: {  	_ =	swait.ge [sflag:s11], $0x3E80  }
0x3f: {  	[sflag:s11] =	ssyncset.done $0x0  }
0x40: {  	s31 =	simm.s32 $0x280;
	[sflag:s11] =	ssyncadd.s32 $0xFFFFC180  }
0x41: {  	[tilespmem:s17], [sflag:$0x2] =	stream.indirect.gather [hbm4b:s4+s13], $0x80, s31, s13, $0xb8;
	[tilespmem:$0x1F800] =	vst v63  }
0x42: {  	_ =	swait.ge [sflag:s18], $0x3E80  }
0x43: {  	[sflag:s18] =	ssyncset.done $0x0  }
0x44: {  	s24 =	sadd.s32 $0x2A00, s22;
	[sflag:s18] =	ssyncadd.s32 $0xFFFFC180  }
0x45: {  	[spmem:s2] =	stream.indirect.scatter.add.f32 [tilespmem:s14], [sflag:$0x4], $0x80, s24, s13, $0xb8;
	[tilespmem:$0x1F800] =	vst v63  }
0x46: {  	_ =	swait.ge [sflag:s11], $0x3E80  }
0x47: {  	[sflag:s11] =	ssyncset.done $0x0  }
0x48: {  	s25 =	simm.s32 $0x300;
	[sflag:s11] =	ssyncadd.s32 $0xFFFFC180  }
0x49: {  	[tilespmem:s14], [sflag:$0x1] =	stream.indirect.gather [hbm4b:s4+s13], $0x80, s25, s13, $0xb8;
	[tilespmem:$0x1F800] =	vst v63  }
0x4a: {  	_ =	swait.ge [sflag:s19], $0x3E80  }
0x4b: {  	[sflag:s19] =	ssyncset.done $0x0  }
0x4c: {  	s26 =	sadd.s32 $0x2A80, s22;
	[sflag:s19] =	ssyncadd.s32 $0xFFFFC180  }
0x4d: {  	[spmem:s2] =	stream.indirect.scatter.add.f32 [tilespmem:s17], [sflag:$0x4], $0x80, s26, s13, $0xb8;
	[tilespmem:$0x1F800] =	vst v63  }
0x4e: {  	_ =	swait.ge [sflag:s11], $0x3E80  }
0x4f: {  	[sflag:s11] =	ssyncset.done $0x0  }
0x50: {  	s28 =	simm.s32 $0x380;
	[sflag:s11] =	ssyncadd.s32 $0xFFFFC180  }
0x51: {  	[tilespmem:s17], [sflag:$0x2] =	stream.indirect.gather [hbm4b:s4+s13], $0x80, s28, s13, $0xb8;
	[tilespmem:$0x1F800] =	vst v63  }
0x52: {  	_ =	swait.ge [sflag:s18], $0x3E80  }
0x53: {  	[sflag:s18] =	ssyncset.done $0x0  }
0x54: {  	s29 =	sadd.s32 $0x2B00, s22;
	[sflag:s18] =	ssyncadd.s32 $0xFFFFC180  }
0x55: {  	[spmem:s2] =	stream.indirect.scatter.add.f32 [tilespmem:s14], [sflag:$0x4], $0x80, s29, s13, $0xb8;
	[tilespmem:$0x1F800] =	vst v63  }
0x56: {  	_ =	swait.ge [sflag:s11], $0x3E80  }
0x57: {  	[sflag:s11] =	ssyncset.done $0x0  }
0x58: {  	s30 =	simm.s32 $0x400;
	[sflag:s11] =	ssyncadd.s32 $0xFFFFC180  }
0x59: {  	[tilespmem:s14], [sflag:$0x1] =	stream.indirect.gather [hbm4b:s4+s13], $0x80, s30, s13, $0xb8;
	[tilespmem:$0x1F800] =	vst v63  }
0x5a: {  	_ =	swait.ge [sflag:s19], $0x3E80  }
0x5b: {  	[sflag:s19] =	ssyncset.done $0x0  }
0x5c: {  	s31 =	sadd.s32 $0x2B80, s22;
	[sflag:s19] =	ssyncadd.s32 $0xFFFFC180  }
0x5d: {  	[spmem:s2] =	stream.indirect.scatter.add.f32 [tilespmem:s17], [sflag:$0x4], $0x80, s31, s13, $0xb8;
	[tilespmem:$0x1F800] =	vst v63  }
0x5e: {  	_ =	swait.ge [sflag:s11], $0x3E80  }
0x5f: {  	[sflag:s11] =	ssyncset.done $0x0  }
0x60: {  	s24 =	simm.s32 $0x480;
	[sflag:s11] =	ssyncadd.s32 $0xFFFFC180  }
0x61: {  	[tilespmem:s17], [sflag:$0x2] =	stream.indirect.gather [hbm4b:s4+s13], $0x80, s24, s13, $0xb8;
	[tilespmem:$0x1F800] =	vst v63  }
0x62: {  	_ =	swait.ge [sflag:s18], $0x3E80  }
0x63: {  	[sflag:s18] =	ssyncset.done $0x0  }
0x64: {  	s25 =	sadd.s32 $0x2C00, s22;
	[sflag:s18] =	ssyncadd.s32 $0xFFFFC180  }
0x65: {  	[spmem:s2] =	stream.indirect.scatter.add.f32 [tilespmem:s14], [sflag:$0x4], $0x80, s25, s13, $0xb8;
	[tilespmem:$0x1F800] =	vst v63  }
0x66: {  	_ =	swait.ge [sflag:s11], $0x3E80  }
0x67: {  	[sflag:s11] =	ssyncset.done $0x0  }
0x68: {  	s26 =	simm.s32 $0x500;
	[sflag:s11] =	ssyncadd.s32 $0xFFFFC180  }
0x69: {  	[tilespmem:s14], [sflag:$0x1] =	stream.indirect.gather [hbm4b:s4+s13], $0x80, s26, s13, $0xb8;
	[tilespmem:$0x1F800] =	vst v63  }
0x6a: {  	_ =	swait.ge [sflag:s19], $0x3E80  }
0x6b: {  	[sflag:s19] =	ssyncset.done $0x0  }
0x6c: {  	s28 =	sadd.s32 $0x2C80, s22;
	[sflag:s19] =	ssyncadd.s32 $0xFFFFC180  }
0x6d: {  	[spmem:s2] =	stream.indirect.scatter.add.f32 [tilespmem:s17], [sflag:$0x4], $0x80, s28, s13, $0xb8;
	[tilespmem:$0x1F800] =	vst v63  }
0x6e: {  	_ =	swait.ge [sflag:s11], $0x3E80  }
0x6f: {  	[sflag:s11] =	ssyncset.done $0x0  }
0x70: {  	s29 =	simm.s32 $0x580;
	[sflag:s11] =	ssyncadd.s32 $0xFFFFC180  }
0x71: {  	[tilespmem:s17], [sflag:$0x2] =	stream.indirect.gather [hbm4b:s4+s13], $0x80, s29, s13, $0xb8;
	[tilespmem:$0x1F800] =	vst v63  }
0x72: {  	_ =	swait.ge [sflag:s18], $0x3E80  }
0x73: {  	[sflag:s18] =	ssyncset.done $0x0  }
0x74: {  	s30 =	sadd.s32 $0x2D00, s22;
	[sflag:s18] =	ssyncadd.s32 $0xFFFFC180  }
0x75: {  	[spmem:s2] =	stream.indirect.scatter.add.f32 [tilespmem:s14], [sflag:$0x4], $0x80, s30, s13, $0xb8;
	[tilespmem:$0x1F800] =	vst v63  }
0x76: {  	_ =	swait.ge [sflag:s11], $0x3E80  }
0x77: {  	[sflag:s11] =	ssyncset.done $0x0  }
0x78: {  	s31 =	simm.s32 $0x600;
	[sflag:s11] =	ssyncadd.s32 $0xFFFFC180  }
0x79: {  	[tilespmem:s14], [sflag:$0x1] =	stream.indirect.gather [hbm4b:s4+s13], $0x80, s31, s13, $0xb8;
	[tilespmem:$0x1F800] =	vst v63  }
0x7a: {  	_ =	swait.ge [sflag:s19], $0x3E80  }
0x7b: {  	[sflag:s19] =	ssyncset.done $0x0  }
0x7c: {  	s24 =	sadd.s32 $0x2D80, s22;
	[sflag:s19] =	ssyncadd.s32 $0xFFFFC180  }
0x7d: {  	[spmem:s2] =	stream.indirect.scatter.add.f32 [tilespmem:s17], [sflag:$0x4], $0x80, s24, s13, $0xb8;
	[tilespmem:$0x1F800] =	vst v63  }
0x7e: {  	_ =	swait.ge [sflag:s11], $0x3E80  }
0x7f: {  	[sflag:s11] =	ssyncset.done $0x0  }
0x80: {  	s25 =	simm.s32 $0x680;
	[sflag:s11] =	ssyncadd.s32 $0xFFFFC180  }
0x81: {  	[tilespmem:s17], [sflag:$0x2] =	stream.indirect.gather [hbm4b:s4+s13], $0x80, s25, s13, $0xb8;
	[tilespmem:$0x1F800] =	vst v63  }
0x82: {  	_ =	swait.ge [sflag:s18], $0x3E80  }
0x83: {  	[sflag:s18] =	ssyncset.done $0x0  }
0x84: {  	s26 =	sadd.s32 $0x2E00, s22;
	[sflag:s18] =	ssyncadd.s32 $0xFFFFC180  }
0x85: {  	[spmem:s2] =	stream.indirect.scatter.add.f32 [tilespmem:s14], [sflag:$0x4], $0x80, s26, s13, $0xb8;
	[tilespmem:$0x1F800] =	vst v63  }
0x86: {  	_ =	swait.ge [sflag:s11], $0x3E80  }
0x87: {  	[sflag:s11] =	ssyncset.done $0x0  }
0x88: {  	s28 =	simm.s32 $0x700;
	[sflag:s11] =	ssyncadd.s32 $0xFFFFC180  }
0x89: {  	[tilespmem:s14], [sflag:$0x1] =	stream.indirect.gather [hbm4b:s4+s13], $0x80, s28, s13, $0xb8;
	[tilespmem:$0x1F800] =	vst v63  }
0x8a: {  	_ =	swait.ge [sflag:s19], $0x3E80  }
0x8b: {  	[sflag:s19] =	ssyncset.done $0x0  }
0x8c: {  	s29 =	sadd.s32 $0x2E80, s22;
	[sflag:s19] =	ssyncadd.s32 $0xFFFFC180  }
0x8d: {  	[spmem:s2] =	stream.indirect.scatter.add.f32 [tilespmem:s17], [sflag:$0x4], $0x80, s29, s13, $0xb8;
	[tilespmem:$0x1F800] =	vst v63  }
0x8e: {  	_ =	swait.ge [sflag:s11], $0x3E80  }
0x8f: {  	[sflag:s11] =	ssyncset.done $0x0  }
0x90: {  	s30 =	simm.s32 $0x780;
	[sflag:s11] =	ssyncadd.s32 $0xFFFFC180  }
0x91: {  	[tilespmem:s17], [sflag:$0x2] =	stream.indirect.gather [hbm4b:s4+s13], $0x80, s30, s13, $0xb8;
	[tilespmem:$0x1F800] =	vst v63  }
0x92: {  	_ =	swait.ge [sflag:s18], $0x3E80  }
0x93: {  	[sflag:s18] =	ssyncset.done $0x0  }
0x94: {  	s31 =	sadd.s32 $0x2F00, s22;
	[sflag:s18] =	ssyncadd.s32 $0xFFFFC180  }
0x95: {  	[spmem:s2] =	stream.indirect.scatter.add.f32 [tilespmem:s14], [sflag:$0x4], $0x80, s31, s13, $0xb8;
	[tilespmem:$0x1F800] =	vst v63  }
0x96: {  	_ =	swait.ge [sflag:s11], $0x3E80  }
0x97: {  	s23 =	simm.s32 @!p0 $0x3800;
	[sflag:s11] =	ssyncset.done $0x0  }
0x98: {  	s24 =	simm.s32 @!p0 $0x800;
	s25 =	simm.s32 @!p0 $0x7D;
	[sflag:s11] =	ssyncadd.s32 $0xFFFFC180  }
0x99: {  	[tilespmem:s23], [sflag:$0x1] =	stream.indirect.gather @!p0 [hbm4b:s4+s25], $0x80, s24, s25, $0xb8;
	[tilespmem:$0x1F800] =	vst v63  }
0x9a: {  	_ =	swait.ge [sflag:s19], $0x3E80  }
0x9b: {  	[sflag:s19] =	ssyncset.done $0x0  }
0x9c: {  	s22 =	sadd.s32 $0x2F80, s22;
	[sflag:s19] =	ssyncadd.s32 $0xFFFFC180  }
0x9d: {  	[spmem:s2] =	stream.indirect.scatter.add.f32 [tilespmem:s17], [sflag:$0x4], $0x80, s22, s13, $0xb8;
	[tilespmem:$0x1F800] =	vst v63  }
0x9e: {  	s24 =	simm.s32 $0x4000;
	p0 =	por $0x0, $0x0;
	_ =	swait.ge [sflag:s11], $0x3E80  }
0x9f: {  	s23 =	sadd.s32 $0x100, s15;
	s22 =	simm.s32 $0x2000;
	[sflag:s11] =	ssyncset.done $0x0  }
.LBB2_2:
0xa0: {  	s26 =	sxor.u32 @!p0 $0xFFFFFFFF, s22  }
0xa1: {  	[sflag:s11] =	ssyncadd.s32 $0xFFFFC180;
	s25 =	smov.u32 s24;
	s24 =	sadd.s32 $0x2000, s24  }
0xa2: {  	p1 =	sne.s32 s24, $0xA000;
	_ =	swait.ge [sflag:s16], $0x800;
	s26 =	sand.u32 @!p0 $0x2000, s26  }
0xa3: {  	s28 =	sshra.s32 s22, $0x2;
	[sflag:s16] =	ssyncset.done $0x0;
	s26 =	sshrl.u32 @!p0 s26, $0x2  }
0xa4: {  	s29 =	simm.s32 @!p0 $0x0;
	[sflag:s16] =	ssyncadd.s32 $0xFFFFF800;
	s26 =	sadd.s32 @!p0 $0x2800, s26  }
0xa5: {  	[tilespmem:s26], [sflag:$0x3] =	stream.linear.gather @!p0 [hbm4b:s23+s29], $0x800, $0x38;
	[tilespmem:$0x1F800] =	vst v63  }
0xa6: {  	s26 =	sadd.s32 $0x80, s28  }
0xa7: {  	[tilespmem:s17], [sflag:$0x2] =	stream.indirect.gather [hbm4b:s4+s13], $0x80, s26, s13, $0xb8;
	[tilespmem:$0x1F800] =	vst v63  }
0xa8: {  	s26 =	sshrl.u32 s22, $0x2;
	_ =	swait.ge [sflag:s18], $0x3E80  }
0xa9: {  	s26 =	sand.u32 $0x800, s26;
	[sflag:s18] =	ssyncset.done $0x0  }
0xaa: {  	s29 =	sadd.s32 $0x2800, s26;
	[sflag:s18] =	ssyncadd.s32 $0xFFFFC180  }
0xab: {  	[spmem:s2] =	stream.indirect.scatter.add.f32 [tilespmem:s14], [sflag:$0x4], $0x80, s29, s13, $0xb8;
	[tilespmem:$0x1F800] =	vst v63  }
0xac: {  	_ =	swait.ge [sflag:s11], $0x3E80  }
0xad: {  	[sflag:s11] =	ssyncset.done $0x0  }
0xae: {  	s29 =	sadd.s32 $0x100, s28;
	[sflag:s11] =	ssyncadd.s32 $0xFFFFC180  }
0xaf: {  	[tilespmem:s14], [sflag:$0x1] =	stream.indirect.gather [hbm4b:s4+s13], $0x80, s29, s13, $0xb8;
	[tilespmem:$0x1F800] =	vst v63  }
0xb0: {  	_ =	swait.ge [sflag:s19], $0x3E80  }
0xb1: {  	[sflag:s19] =	ssyncset.done $0x0  }
0xb2: {  	s29 =	sadd.s32 $0x2880, s26;
	[sflag:s19] =	ssyncadd.s32 $0xFFFFC180  }
0xb3: {  	[spmem:s2] =	stream.indirect.scatter.add.f32 [tilespmem:s17], [sflag:$0x4], $0x80, s29, s13, $0xb8;
	[tilespmem:$0x1F800] =	vst v63  }
0xb4: {  	_ =	swait.ge [sflag:s11], $0x3E80  }
0xb5: {  	[sflag:s11] =	ssyncset.done $0x0  }
0xb6: {  	s29 =	sadd.s32 $0x180, s28;
	[sflag:s11] =	ssyncadd.s32 $0xFFFFC180  }
0xb7: {  	[tilespmem:s17], [sflag:$0x2] =	stream.indirect.gather [hbm4b:s4+s13], $0x80, s29, s13, $0xb8;
	[tilespmem:$0x1F800] =	vst v63  }
0xb8: {  	_ =	swait.ge [sflag:s18], $0x3E80  }
0xb9: {  	[sflag:s18] =	ssyncset.done $0x0  }
0xba: {  	s29 =	sadd.s32 $0x2900, s26;
	[sflag:s18] =	ssyncadd.s32 $0xFFFFC180  }
0xbb: {  	[spmem:s2] =	stream.indirect.scatter.add.f32 [tilespmem:s14], [sflag:$0x4], $0x80, s29, s13, $0xb8;
	[tilespmem:$0x1F800] =	vst v63  }
0xbc: {  	_ =	swait.ge [sflag:s11], $0x3E80  }
0xbd: {  	[sflag:s11] =	ssyncset.done $0x0  }
0xbe: {  	s29 =	sadd.s32 $0x200, s28;
	[sflag:s11] =	ssyncadd.s32 $0xFFFFC180  }
0xbf: {  	[tilespmem:s14], [sflag:$0x1] =	stream.indirect.gather [hbm4b:s4+s13], $0x80, s29, s13, $0xb8;
	[tilespmem:$0x1F800] =	vst v63  }
0xc0: {  	_ =	swait.ge [sflag:s19], $0x3E80  }
0xc1: {  	[sflag:s19] =	ssyncset.done $0x0  }
0xc2: {  	s29 =	sadd.s32 $0x2980, s26;
	[sflag:s19] =	ssyncadd.s32 $0xFFFFC180  }
0xc3: {  	[spmem:s2] =	stream.indirect.scatter.add.f32 [tilespmem:s17], [sflag:$0x4], $0x80, s29, s13, $0xb8;
	[tilespmem:$0x1F800] =	vst v63  }
0xc4: {  	_ =	swait.ge [sflag:s11], $0x3E80  }
0xc5: {  	[sflag:s11] =	ssyncset.done $0x0  }
0xc6: {  	s29 =	sadd.s32 $0x280, s28;
	[sflag:s11] =	ssyncadd.s32 $0xFFFFC180  }
0xc7: {  	[tilespmem:s17], [sflag:$0x2] =	stream.indirect.gather [hbm4b:s4+s13], $0x80, s29, s13, $0xb8;
	[tilespmem:$0x1F800] =	vst v63  }
0xc8: {  	_ =	swait.ge [sflag:s18], $0x3E80  }
0xc9: {  	[sflag:s18] =	ssyncset.done $0x0  }
0xca: {  	s29 =	sadd.s32 $0x2A00, s26;
	[sflag:s18] =	ssyncadd.s32 $0xFFFFC180  }
0xcb: {  	[spmem:s2] =	stream.indirect.scatter.add.f32 [tilespmem:s14], [sflag:$0x4], $0x80, s29, s13, $0xb8;
	[tilespmem:$0x1F800] =	vst v63  }
0xcc: {  	_ =	swait.ge [sflag:s11], $0x3E80  }
0xcd: {  	[sflag:s11] =	ssyncset.done $0x0  }
0xce: {  	s29 =	sadd.s32 $0x300, s28;
	[sflag:s11] =	ssyncadd.s32 $0xFFFFC180  }
0xcf: {  	[tilespmem:s14], [sflag:$0x1] =	stream.indirect.gather [hbm4b:s4+s13], $0x80, s29, s13, $0xb8;
	[tilespmem:$0x1F800] =	vst v63  }
0xd0: {  	_ =	swait.ge [sflag:s19], $0x3E80  }
0xd1: {  	[sflag:s19] =	ssyncset.done $0x0  }
0xd2: {  	s29 =	sadd.s32 $0x2A80, s26;
	[sflag:s19] =	ssyncadd.s32 $0xFFFFC180  }
0xd3: {  	[spmem:s2] =	stream.indirect.scatter.add.f32 [tilespmem:s17], [sflag:$0x4], $0x80, s29, s13, $0xb8;
	[tilespmem:$0x1F800] =	vst v63  }
0xd4: {  	_ =	swait.ge [sflag:s11], $0x3E80  }
0xd5: {  	[sflag:s11] =	ssyncset.done $0x0  }
0xd6: {  	s29 =	sadd.s32 $0x380, s28;
	[sflag:s11] =	ssyncadd.s32 $0xFFFFC180  }
0xd7: {  	[tilespmem:s17], [sflag:$0x2] =	stream.indirect.gather [hbm4b:s4+s13], $0x80, s29, s13, $0xb8;
	[tilespmem:$0x1F800] =	vst v63  }
0xd8: {  	_ =	swait.ge [sflag:s18], $0x3E80  }
0xd9: {  	[sflag:s18] =	ssyncset.done $0x0  }
0xda: {  	s29 =	sadd.s32 $0x2B00, s26;
	[sflag:s18] =	ssyncadd.s32 $0xFFFFC180  }
0xdb: {  	[spmem:s2] =	stream.indirect.scatter.add.f32 [tilespmem:s14], [sflag:$0x4], $0x80, s29, s13, $0xb8;
	[tilespmem:$0x1F800] =	vst v63  }
0xdc: {  	_ =	swait.ge [sflag:s11], $0x3E80  }
0xdd: {  	[sflag:s11] =	ssyncset.done $0x0  }
0xde: {  	s29 =	sadd.s32 $0x400, s28;
	[sflag:s11] =	ssyncadd.s32 $0xFFFFC180  }
0xdf: {  	[tilespmem:s14], [sflag:$0x1] =	stream.indirect.gather [hbm4b:s4+s13], $0x80, s29, s13, $0xb8;
	[tilespmem:$0x1F800] =	vst v63  }
0xe0: {  	_ =	swait.ge [sflag:s19], $0x3E80  }
0xe1: {  	[sflag:s19] =	ssyncset.done $0x0  }
0xe2: {  	s29 =	sadd.s32 $0x2B80, s26;
	[sflag:s19] =	ssyncadd.s32 $0xFFFFC180  }
0xe3: {  	[spmem:s2] =	stream.indirect.scatter.add.f32 [tilespmem:s17], [sflag:$0x4], $0x80, s29, s13, $0xb8;
	[tilespmem:$0x1F800] =	vst v63  }
0xe4: {  	_ =	swait.ge [sflag:s11], $0x3E80  }
0xe5: {  	[sflag:s11] =	ssyncset.done $0x0  }
0xe6: {  	s29 =	sadd.s32 $0x480, s28;
	[sflag:s11] =	ssyncadd.s32 $0xFFFFC180  }
0xe7: {  	[tilespmem:s17], [sflag:$0x2] =	stream.indirect.gather [hbm4b:s4+s13], $0x80, s29, s13, $0xb8;
	[tilespmem:$0x1F800] =	vst v63  }
0xe8: {  	_ =	swait.ge [sflag:s18], $0x3E80  }
0xe9: {  	[sflag:s18] =	ssyncset.done $0x0  }
0xea: {  	s29 =	sadd.s32 $0x2C00, s26;
	[sflag:s18] =	ssyncadd.s32 $0xFFFFC180  }
0xeb: {  	[spmem:s2] =	stream.indirect.scatter.add.f32 [tilespmem:s14], [sflag:$0x4], $0x80, s29, s13, $0xb8;
	[tilespmem:$0x1F800] =	vst v63  }
0xec: {  	_ =	swait.ge [sflag:s11], $0x3E80  }
0xed: {  	[sflag:s11] =	ssyncset.done $0x0  }
0xee: {  	s29 =	sadd.s32 $0x500, s28;
	[sflag:s11] =	ssyncadd.s32 $0xFFFFC180  }
0xef: {  	[tilespmem:s14], [sflag:$0x1] =	stream.indirect.gather [hbm4b:s4+s13], $0x80, s29, s13, $0xb8;
	[tilespmem:$0x1F800] =	vst v63  }
0xf0: {  	_ =	swait.ge [sflag:s19], $0x3E80  }
0xf1: {  	[sflag:s19] =	ssyncset.done $0x0  }
0xf2: {  	s29 =	sadd.s32 $0x2C80, s26;
	[sflag:s19] =	ssyncadd.s32 $0xFFFFC180  }
0xf3: {  	[spmem:s2] =	stream.indirect.scatter.add.f32 [tilespmem:s17], [sflag:$0x4], $0x80, s29, s13, $0xb8;
	[tilespmem:$0x1F800] =	vst v63  }
0xf4: {  	_ =	swait.ge [sflag:s11], $0x3E80  }
0xf5: {  	[sflag:s11] =	ssyncset.done $0x0  }
0xf6: {  	s29 =	sadd.s32 $0x580, s28;
	[sflag:s11] =	ssyncadd.s32 $0xFFFFC180  }
0xf7: {  	[tilespmem:s17], [sflag:$0x2] =	stream.indirect.gather [hbm4b:s4+s13], $0x80, s29, s13, $0xb8;
	[tilespmem:$0x1F800] =	vst v63  }
0xf8: {  	_ =	swait.ge [sflag:s18], $0x3E80  }
0xf9: {  	[sflag:s18] =	ssyncset.done $0x0  }
0xfa: {  	s29 =	sadd.s32 $0x2D00, s26;
	[sflag:s18] =	ssyncadd.s32 $0xFFFFC180  }
0xfb: {  	[spmem:s2] =	stream.indirect.scatter.add.f32 [tilespmem:s14], [sflag:$0x4], $0x80, s29, s13, $0xb8;
	[tilespmem:$0x1F800] =	vst v63  }
0xfc: {  	_ =	swait.ge [sflag:s11], $0x3E80  }
0xfd: {  	[sflag:s11] =	ssyncset.done $0x0  }
0xfe: {  	s29 =	sadd.s32 $0x600, s28;
	[sflag:s11] =	ssyncadd.s32 $0xFFFFC180  }
0xff: {  	[tilespmem:s14], [sflag:$0x1] =	stream.indirect.gather [hbm4b:s4+s13], $0x80, s29, s13, $0xb8;
	[tilespmem:$0x1F800] =	vst v63  }
0x100: {  	_ =	swait.ge [sflag:s19], $0x3E80  }
0x101: {  	[sflag:s19] =	ssyncset.done $0x0  }
0x102: {  	s29 =	sadd.s32 $0x2D80, s26;
	[sflag:s19] =	ssyncadd.s32 $0xFFFFC180  }
0x103: {  	[spmem:s2] =	stream.indirect.scatter.add.f32 [tilespmem:s17], [sflag:$0x4], $0x80, s29, s13, $0xb8;
	[tilespmem:$0x1F800] =	vst v63  }
0x104: {  	_ =	swait.ge [sflag:s11], $0x3E80  }
0x105: {  	[sflag:s11] =	ssyncset.done $0x0  }
0x106: {  	s29 =	sadd.s32 $0x680, s28;
	[sflag:s11] =	ssyncadd.s32 $0xFFFFC180  }
0x107: {  	[tilespmem:s17], [sflag:$0x2] =	stream.indirect.gather [hbm4b:s4+s13], $0x80, s29, s13, $0xb8;
	[tilespmem:$0x1F800] =	vst v63  }
0x108: {  	_ =	swait.ge [sflag:s18], $0x3E80  }
0x109: {  	[sflag:s18] =	ssyncset.done $0x0  }
0x10a: {  	s29 =	sadd.s32 $0x2E00, s26;
	[sflag:s18] =	ssyncadd.s32 $0xFFFFC180  }
0x10b: {  	[spmem:s2] =	stream.indirect.scatter.add.f32 [tilespmem:s14], [sflag:$0x4], $0x80, s29, s13, $0xb8;
	[tilespmem:$0x1F800] =	vst v63  }
0x10c: {  	_ =	swait.ge [sflag:s11], $0x3E80  }
0x10d: {  	[sflag:s11] =	ssyncset.done $0x0  }
0x10e: {  	s29 =	sadd.s32 $0x700, s28;
	[sflag:s11] =	ssyncadd.s32 $0xFFFFC180  }
0x10f: {  	[tilespmem:s14], [sflag:$0x1] =	stream.indirect.gather [hbm4b:s4+s13], $0x80, s29, s13, $0xb8;
	[tilespmem:$0x1F800] =	vst v63  }
0x110: {  	_ =	swait.ge [sflag:s19], $0x3E80  }
0x111: {  	[sflag:s19] =	ssyncset.done $0x0  }
0x112: {  	s29 =	sadd.s32 $0x2E80, s26;
	[sflag:s19] =	ssyncadd.s32 $0xFFFFC180  }
0x113: {  	[spmem:s2] =	stream.indirect.scatter.add.f32 [tilespmem:s17], [sflag:$0x4], $0x80, s29, s13, $0xb8;
	[tilespmem:$0x1F800] =	vst v63  }
0x114: {  	_ =	swait.ge [sflag:s11], $0x3E80  }
0x115: {  	[sflag:s11] =	ssyncset.done $0x0  }
0x116: {  	s28 =	sadd.s32 $0x780, s28;
	[sflag:s11] =	ssyncadd.s32 $0xFFFFC180  }
0x117: {  	[tilespmem:s17], [sflag:$0x2] =	stream.indirect.gather [hbm4b:s4+s13], $0x80, s28, s13, $0xb8;
	[tilespmem:$0x1F800] =	vst v63  }
0x118: {  	_ =	swait.ge [sflag:s18], $0x3E80  }
0x119: {  	[sflag:s18] =	ssyncset.done $0x0  }
0x11a: {  	s28 =	sadd.s32 $0x2F00, s26;
	[sflag:s18] =	ssyncadd.s32 $0xFFFFC180  }
0x11b: {  	[spmem:s2] =	stream.indirect.scatter.add.f32 [tilespmem:s14], [sflag:$0x4], $0x80, s28, s13, $0xb8;
	[tilespmem:$0x1F800] =	vst v63  }
0x11c: {  	_ =	swait.ge [sflag:s11], $0x3E80  }
0x11d: {  	s22 =	sshra.s32 @!p0 s22, $0x2;
	s28 =	simm.s32 @!p0 $0x3800;
	[sflag:s11] =	ssyncset.done $0x0  }
0x11e: {  	s22 =	sadd.s32 @!p0 $0x800, s22;
	s29 =	simm.s32 @!p0 $0x7D;
	[sflag:s11] =	ssyncadd.s32 $0xFFFFC180  }
0x11f: {  	[tilespmem:s28], [sflag:$0x1] =	stream.indirect.gather @!p0 [hbm4b:s4+s29], $0x80, s22, s29, $0xb8;
	[tilespmem:$0x1F800] =	vst v63  }
0x120: {  	s22 =	smov.u32 s25;
	_ =	swait.ge [sflag:s19], $0x3E80  }
.Ltmp0:
0x121: {  	[sflag:s19] =	ssyncset.done $0x0;
	(pc) =	sbr.rel @p1 .LBB2_2-.Ltmp0, $4  }
0x122: {  	s25 =	sadd.s32 $0x2F80, s26;
	[sflag:s19] =	ssyncadd.s32 $0xFFFFC180  }
0x123: {  	[spmem:s2] =	stream.indirect.scatter.add.f32 [tilespmem:s17], [sflag:$0x4], $0x80, s25, s13, $0xb8;
	[tilespmem:$0x1F800] =	vst v63  }
0x124: {  	_ =	swait.ge [sflag:s11], $0x3E80  }
0x125: {  	s23 =	sadd.s32 $0x100, s23;
	p0 =	seq.s32 s22, $0x8000;
	[sflag:s11] =	ssyncset.done $0x0  }
0x126: {  	s24 =	sxor.u32 @!p0 $0xFFFFFFFF, s22;
	[sflag:s11] =	ssyncadd.s32 $0xFFFFC180  }
0x127: {  	_ =	swait.ge [sflag:s16], $0x800;
	s24 =	sand.u32 @!p0 $0x2000, s24  }
0x128: {  	s26 =	simm.s32 @!p0 $0x0;
	[sflag:s16] =	ssyncset.done $0x0;
	s25 =	sshrl.u32 @!p0 s24, $0x2  }
0x129: {  	s24 =	sshra.s32 s22, $0x2;
	[sflag:s16] =	ssyncadd.s32 $0xFFFFF800;
	s25 =	sadd.s32 @!p0 $0x2800, s25  }
0x12a: {  	[tilespmem:s25], [sflag:$0x3] =	stream.linear.gather @!p0 [hbm4b:s23+s26], $0x800, $0x38;
	[tilespmem:$0x1F800] =	vst v63  }
0x12b: {  	s25 =	sadd.s32 $0x80, s24  }
0x12c: {  	[tilespmem:s17], [sflag:$0x2] =	stream.indirect.gather [hbm4b:s4+s13], $0x80, s25, s13, $0xb8;
	[tilespmem:$0x1F800] =	vst v63  }
0x12d: {  	s26 =	sshrl.u32 s22, $0x2;
	_ =	swait.ge [sflag:s18], $0x3E80  }
0x12e: {  	s23 =	sand.u32 $0x800, s26;
	[sflag:s18] =	ssyncset.done $0x0  }
0x12f: {  	s28 =	sadd.s32 $0x2800, s23;
	[sflag:s18] =	ssyncadd.s32 $0xFFFFC180  }
0x130: {  	[spmem:s2] =	stream.indirect.scatter.add.f32 [tilespmem:s14], [sflag:$0x4], $0x80, s28, s13, $0xb8;
	[tilespmem:$0x1F800] =	vst v63  }
0x131: {  	_ =	swait.ge [sflag:s11], $0x3E80  }
0x132: {  	[sflag:s11] =	ssyncset.done $0x0  }
0x133: {  	s29 =	sadd.s32 $0x100, s24;
	[sflag:s11] =	ssyncadd.s32 $0xFFFFC180  }
0x134: {  	[tilespmem:s14], [sflag:$0x1] =	stream.indirect.gather [hbm4b:s4+s13], $0x80, s29, s13, $0xb8;
	[tilespmem:$0x1F800] =	vst v63  }
0x135: {  	_ =	swait.ge [sflag:s19], $0x3E80  }
0x136: {  	[sflag:s19] =	ssyncset.done $0x0  }
0x137: {  	s30 =	sadd.s32 $0x2880, s23;
	[sflag:s19] =	ssyncadd.s32 $0xFFFFC180  }
0x138: {  	[spmem:s2] =	stream.indirect.scatter.add.f32 [tilespmem:s17], [sflag:$0x4], $0x80, s30, s13, $0xb8;
	[tilespmem:$0x1F800] =	vst v63  }
0x139: {  	_ =	swait.ge [sflag:s11], $0x3E80  }
0x13a: {  	[sflag:s11] =	ssyncset.done $0x0  }
0x13b: {  	s31 =	sadd.s32 $0x180, s24;
	[sflag:s11] =	ssyncadd.s32 $0xFFFFC180  }
0x13c: {  	[tilespmem:s17], [sflag:$0x2] =	stream.indirect.gather [hbm4b:s4+s13], $0x80, s31, s13, $0xb8;
	[tilespmem:$0x1F800] =	vst v63  }
0x13d: {  	_ =	swait.ge [sflag:s18], $0x3E80  }
0x13e: {  	[sflag:s18] =	ssyncset.done $0x0  }
0x13f: {  	s26 =	sadd.s32 $0x2900, s23;
	[sflag:s18] =	ssyncadd.s32 $0xFFFFC180  }
0x140: {  	[spmem:s2] =	stream.indirect.scatter.add.f32 [tilespmem:s14], [sflag:$0x4], $0x80, s26, s13, $0xb8;
	[tilespmem:$0x1F800] =	vst v63  }
0x141: {  	_ =	swait.ge [sflag:s11], $0x3E80  }
0x142: {  	[sflag:s11] =	ssyncset.done $0x0  }
0x143: {  	s28 =	sadd.s32 $0x200, s24;
	[sflag:s11] =	ssyncadd.s32 $0xFFFFC180  }
0x144: {  	[tilespmem:s14], [sflag:$0x1] =	stream.indirect.gather [hbm4b:s4+s13], $0x80, s28, s13, $0xb8;
	[tilespmem:$0x1F800] =	vst v63  }
0x145: {  	_ =	swait.ge [sflag:s19], $0x3E80  }
0x146: {  	[sflag:s19] =	ssyncset.done $0x0  }
0x147: {  	s29 =	sadd.s32 $0x2980, s23;
	[sflag:s19] =	ssyncadd.s32 $0xFFFFC180  }
0x148: {  	[spmem:s2] =	stream.indirect.scatter.add.f32 [tilespmem:s17], [sflag:$0x4], $0x80, s29, s13, $0xb8;
	[tilespmem:$0x1F800] =	vst v63  }
0x149: {  	_ =	swait.ge [sflag:s11], $0x3E80  }
0x14a: {  	[sflag:s11] =	ssyncset.done $0x0  }
0x14b: {  	s30 =	sadd.s32 $0x280, s24;
	[sflag:s11] =	ssyncadd.s32 $0xFFFFC180  }
0x14c: {  	[tilespmem:s17], [sflag:$0x2] =	stream.indirect.gather [hbm4b:s4+s13], $0x80, s30, s13, $0xb8;
	[tilespmem:$0x1F800] =	vst v63  }
0x14d: {  	_ =	swait.ge [sflag:s18], $0x3E80  }
0x14e: {  	[sflag:s18] =	ssyncset.done $0x0  }
0x14f: {  	s31 =	sadd.s32 $0x2A00, s23;
	[sflag:s18] =	ssyncadd.s32 $0xFFFFC180  }
0x150: {  	[spmem:s2] =	stream.indirect.scatter.add.f32 [tilespmem:s14], [sflag:$0x4], $0x80, s31, s13, $0xb8;
	[tilespmem:$0x1F800] =	vst v63  }
0x151: {  	_ =	swait.ge [sflag:s11], $0x3E80  }
0x152: {  	[sflag:s11] =	ssyncset.done $0x0  }
0x153: {  	s26 =	sadd.s32 $0x300, s24;
	[sflag:s11] =	ssyncadd.s32 $0xFFFFC180  }
0x154: {  	[tilespmem:s14], [sflag:$0x1] =	stream.indirect.gather [hbm4b:s4+s13], $0x80, s26, s13, $0xb8;
	[tilespmem:$0x1F800] =	vst v63  }
0x155: {  	_ =	swait.ge [sflag:s19], $0x3E80  }
0x156: {  	[sflag:s19] =	ssyncset.done $0x0  }
0x157: {  	s28 =	sadd.s32 $0x2A80, s23;
	[sflag:s19] =	ssyncadd.s32 $0xFFFFC180  }
0x158: {  	[spmem:s2] =	stream.indirect.scatter.add.f32 [tilespmem:s17], [sflag:$0x4], $0x80, s28, s13, $0xb8;
	[tilespmem:$0x1F800] =	vst v63  }
0x159: {  	_ =	swait.ge [sflag:s11], $0x3E80  }
0x15a: {  	[sflag:s11] =	ssyncset.done $0x0  }
0x15b: {  	s29 =	sadd.s32 $0x380, s24;
	[sflag:s11] =	ssyncadd.s32 $0xFFFFC180  }
0x15c: {  	[tilespmem:s17], [sflag:$0x2] =	stream.indirect.gather [hbm4b:s4+s13], $0x80, s29, s13, $0xb8;
	[tilespmem:$0x1F800] =	vst v63  }
0x15d: {  	_ =	swait.ge [sflag:s18], $0x3E80  }
0x15e: {  	[sflag:s18] =	ssyncset.done $0x0  }
0x15f: {  	s30 =	sadd.s32 $0x2B00, s23;
	[sflag:s18] =	ssyncadd.s32 $0xFFFFC180  }
0x160: {  	[spmem:s2] =	stream.indirect.scatter.add.f32 [tilespmem:s14], [sflag:$0x4], $0x80, s30, s13, $0xb8;
	[tilespmem:$0x1F800] =	vst v63  }
0x161: {  	_ =	swait.ge [sflag:s11], $0x3E80  }
0x162: {  	[sflag:s11] =	ssyncset.done $0x0  }
0x163: {  	s31 =	sadd.s32 $0x400, s24;
	[sflag:s11] =	ssyncadd.s32 $0xFFFFC180  }
0x164: {  	[tilespmem:s14], [sflag:$0x1] =	stream.indirect.gather [hbm4b:s4+s13], $0x80, s31, s13, $0xb8;
	[tilespmem:$0x1F800] =	vst v63  }
0x165: {  	_ =	swait.ge [sflag:s19], $0x3E80  }
0x166: {  	[sflag:s19] =	ssyncset.done $0x0  }
0x167: {  	s26 =	sadd.s32 $0x2B80, s23;
	[sflag:s19] =	ssyncadd.s32 $0xFFFFC180  }
0x168: {  	[spmem:s2] =	stream.indirect.scatter.add.f32 [tilespmem:s17], [sflag:$0x4], $0x80, s26, s13, $0xb8;
	[tilespmem:$0x1F800] =	vst v63  }
0x169: {  	_ =	swait.ge [sflag:s11], $0x3E80  }
0x16a: {  	[sflag:s11] =	ssyncset.done $0x0  }
0x16b: {  	s28 =	sadd.s32 $0x480, s24;
	[sflag:s11] =	ssyncadd.s32 $0xFFFFC180  }
0x16c: {  	[tilespmem:s17], [sflag:$0x2] =	stream.indirect.gather [hbm4b:s4+s13], $0x80, s28, s13, $0xb8;
	[tilespmem:$0x1F800] =	vst v63  }
0x16d: {  	_ =	swait.ge [sflag:s18], $0x3E80  }
0x16e: {  	[sflag:s18] =	ssyncset.done $0x0  }
0x16f: {  	s29 =	sadd.s32 $0x2C00, s23;
	[sflag:s18] =	ssyncadd.s32 $0xFFFFC180  }
0x170: {  	[spmem:s2] =	stream.indirect.scatter.add.f32 [tilespmem:s14], [sflag:$0x4], $0x80, s29, s13, $0xb8;
	[tilespmem:$0x1F800] =	vst v63  }
0x171: {  	_ =	swait.ge [sflag:s11], $0x3E80  }
0x172: {  	[sflag:s11] =	ssyncset.done $0x0  }
0x173: {  	s30 =	sadd.s32 $0x500, s24;
	[sflag:s11] =	ssyncadd.s32 $0xFFFFC180  }
0x174: {  	[tilespmem:s14], [sflag:$0x1] =	stream.indirect.gather [hbm4b:s4+s13], $0x80, s30, s13, $0xb8;
	[tilespmem:$0x1F800] =	vst v63  }
0x175: {  	_ =	swait.ge [sflag:s19], $0x3E80  }
0x176: {  	[sflag:s19] =	ssyncset.done $0x0  }
0x177: {  	s31 =	sadd.s32 $0x2C80, s23;
	[sflag:s19] =	ssyncadd.s32 $0xFFFFC180  }
0x178: {  	[spmem:s2] =	stream.indirect.scatter.add.f32 [tilespmem:s17], [sflag:$0x4], $0x80, s31, s13, $0xb8;
	[tilespmem:$0x1F800] =	vst v63  }
0x179: {  	_ =	swait.ge [sflag:s11], $0x3E80  }
0x17a: {  	[sflag:s11] =	ssyncset.done $0x0  }
0x17b: {  	s26 =	sadd.s32 $0x580, s24;
	[sflag:s11] =	ssyncadd.s32 $0xFFFFC180  }
0x17c: {  	[tilespmem:s17], [sflag:$0x2] =	stream.indirect.gather [hbm4b:s4+s13], $0x80, s26, s13, $0xb8;
	[tilespmem:$0x1F800] =	vst v63  }
0x17d: {  	_ =	swait.ge [sflag:s18], $0x3E80  }
0x17e: {  	[sflag:s18] =	ssyncset.done $0x0  }
0x17f: {  	s28 =	sadd.s32 $0x2D00, s23;
	[sflag:s18] =	ssyncadd.s32 $0xFFFFC180  }
0x180: {  	[spmem:s2] =	stream.indirect.scatter.add.f32 [tilespmem:s14], [sflag:$0x4], $0x80, s28, s13, $0xb8;
	[tilespmem:$0x1F800] =	vst v63  }
0x181: {  	_ =	swait.ge [sflag:s11], $0x3E80  }
0x182: {  	[sflag:s11] =	ssyncset.done $0x0  }
0x183: {  	s29 =	sadd.s32 $0x600, s24;
	[sflag:s11] =	ssyncadd.s32 $0xFFFFC180  }
0x184: {  	[tilespmem:s14], [sflag:$0x1] =	stream.indirect.gather [hbm4b:s4+s13], $0x80, s29, s13, $0xb8;
	[tilespmem:$0x1F800] =	vst v63  }
0x185: {  	_ =	swait.ge [sflag:s19], $0x3E80  }
0x186: {  	[sflag:s19] =	ssyncset.done $0x0  }
0x187: {  	s30 =	sadd.s32 $0x2D80, s23;
	[sflag:s19] =	ssyncadd.s32 $0xFFFFC180  }
0x188: {  	[spmem:s2] =	stream.indirect.scatter.add.f32 [tilespmem:s17], [sflag:$0x4], $0x80, s30, s13, $0xb8;
	[tilespmem:$0x1F800] =	vst v63  }
0x189: {  	_ =	swait.ge [sflag:s11], $0x3E80  }
0x18a: {  	[sflag:s11] =	ssyncset.done $0x0  }
0x18b: {  	s31 =	sadd.s32 $0x680, s24;
	[sflag:s11] =	ssyncadd.s32 $0xFFFFC180  }
0x18c: {  	[tilespmem:s17], [sflag:$0x2] =	stream.indirect.gather [hbm4b:s4+s13], $0x80, s31, s13, $0xb8;
	[tilespmem:$0x1F800] =	vst v63  }
0x18d: {  	_ =	swait.ge [sflag:s18], $0x3E80  }
0x18e: {  	[sflag:s18] =	ssyncset.done $0x0  }
0x18f: {  	s26 =	sadd.s32 $0x2E00, s23;
	[sflag:s18] =	ssyncadd.s32 $0xFFFFC180  }
0x190: {  	[spmem:s2] =	stream.indirect.scatter.add.f32 [tilespmem:s14], [sflag:$0x4], $0x80, s26, s13, $0xb8;
	[tilespmem:$0x1F800] =	vst v63  }
0x191: {  	_ =	swait.ge [sflag:s11], $0x3E80  }
0x192: {  	[sflag:s11] =	ssyncset.done $0x0  }
0x193: {  	s28 =	sadd.s32 $0x700, s24;
	[sflag:s11] =	ssyncadd.s32 $0xFFFFC180  }
0x194: {  	[tilespmem:s14], [sflag:$0x1] =	stream.indirect.gather [hbm4b:s4+s13], $0x80, s28, s13, $0xb8;
	[tilespmem:$0x1F800] =	vst v63  }
0x195: {  	_ =	swait.ge [sflag:s19], $0x3E80  }
0x196: {  	[sflag:s19] =	ssyncset.done $0x0  }
0x197: {  	s29 =	sadd.s32 $0x2E80, s23;
	[sflag:s19] =	ssyncadd.s32 $0xFFFFC180  }
0x198: {  	[spmem:s2] =	stream.indirect.scatter.add.f32 [tilespmem:s17], [sflag:$0x4], $0x80, s29, s13, $0xb8;
	[tilespmem:$0x1F800] =	vst v63  }
0x199: {  	_ =	swait.ge [sflag:s11], $0x3E80  }
0x19a: {  	[sflag:s11] =	ssyncset.done $0x0  }
0x19b: {  	s24 =	sadd.s32 $0x780, s24;
	[sflag:s11] =	ssyncadd.s32 $0xFFFFC180  }
0x19c: {  	[tilespmem:s17], [sflag:$0x2] =	stream.indirect.gather [hbm4b:s4+s13], $0x80, s24, s13, $0xb8;
	[tilespmem:$0x1F800] =	vst v63  }
0x19d: {  	_ =	swait.ge [sflag:s18], $0x3E80  }
0x19e: {  	[sflag:s18] =	ssyncset.done $0x0  }
0x19f: {  	s30 =	sadd.s32 $0x2F00, s23;
	[sflag:s18] =	ssyncadd.s32 $0xFFFFC180  }
0x1a0: {  	[spmem:s2] =	stream.indirect.scatter.add.f32 [tilespmem:s14], [sflag:$0x4], $0x80, s30, s13, $0xb8;
	[tilespmem:$0x1F800] =	vst v63  }
0x1a1: {  	s22 =	sshra.s32 @!p0 s22, $0x2;
	_ =	swait.ge [sflag:s11], $0x3E80  }
0x1a2: {  	s22 =	sadd.s32 @!p0 $0x800, s22;
	[sflag:s11] =	ssyncset.done $0x0  }
0x1a3: {  	s25 =	simm.s32 @!p0 $0x7D;
	s24 =	simm.s32 @!p0 $0x3800;
	[sflag:s11] =	ssyncadd.s32 $0xFFFFC180  }
0x1a4: {  	[tilespmem:s24], [sflag:$0x1] =	stream.indirect.gather @!p0 [hbm4b:s4+s25], $0x80, s22, s25, $0xb8;
	[tilespmem:$0x1F800] =	vst v63  }
0x1a5: {  	_ =	swait.ge [sflag:s19], $0x3E80  }
0x1a6: {  	[sflag:s19] =	ssyncset.done $0x0  }
0x1a7: {  	s31 =	sadd.s32 $0x2F80, s23;
	[sflag:s19] =	ssyncadd.s32 $0xFFFFC180  }
0x1a8: {  	[spmem:s2] =	stream.indirect.scatter.add.f32 [tilespmem:s17], [sflag:$0x4], $0x80, s31, s13, $0xb8;
	[tilespmem:$0x1F800] =	vst v63  }
0x1a9: {  	_ =	swait.ge [sflag:s11], $0x3E80  }
0x1aa: {  	s21 =	sadd.s32 $0x1, s21;
	[sflag:s11] =	ssyncset.done $0x0  }
0x1ab: {  	p0 =	sne.s32 s21, s9;
	[sflag:s11] =	ssyncadd.s32 $0xFFFFC180  }
.Ltmp1:
0x1ac: {  	[bflag:$0x0] =	sbarrier.arrive $0xFFFF;
	(pc) =	sbr.rel @p0 .LBB2_1-.Ltmp1, $4  }
0x1ad: {  	[hbm:s20], [sflag:s6] =	dma.local [spmem:s10], $0x2800  }
0x1ae: {  	_ =	swait.ge [sflag:s11], $0x2800  }
0x1af: {  	[sflag:s11] =	ssyncset.done $0x0  }
0x1b0: {  	[sflag:s11] =	ssyncadd.s32 $0xFFFFD800  }
0x1b1: {  	_ =	sfence.sel $0x180000  }
0x1b2: {  	[bflag:$0x0] =	sbarrier.arrive $0xFFFF  }
0x1b3: {  	p0 =	sne.s32 s1, $0x0;
	_ =	strace $0x90000050  }
0x1b4: {  	s0 =	sadd.s32 @!p0 $0x100000, s0;
	[bflag:$0x2] =	sbarrier.arrive $0xFFFF  }
0x1b5: {  	[sflag:s0] =	ssyncadd.tile.s32 @!p0 $0x1;
	_ =	shalt  }
.Lfunc_end2:
_tile_overlayer_lowered:
.L_overlay_start_2:
0x1b6: {  	(tag) =	ssettag $0x2  }
0x1b7: {  	s0 =	rddreg [dreg:$0x0];
	s2 =	stileid.u32  }
0x1b8: {  	s1 =	rddreg [dreg:$0x1];
	p0 =	sne.s32 s2, $0x0  }
0x1b9: {  	s3 =	rddreg [dreg:$0x2];
	[bflag:$0x3] =	sbarrier.arrive $0xFFFF;
	s2 =	simm.s32 @!p0 $0x1C04  }
0x1ba: {  	[timem:s3], [sflag:s2] =	dma.local @!p0 [hbm:s0], s1  }
0x1bb: {  	s0 =	simm.s32 @!p0 $0x4  }
0x1bc: {  	_ =	swait.ge @!p0 [sflag:s0], s1  }
0x1bd: {  	s1 =	ssub.s32 @!p0 $0x0, s1;
	[sflag:s0] =	ssyncset.done @!p0 $0x0  }
0x1be: {  	[sflag:s0] =	ssyncadd.s32 @!p0 s1  }
0x1bf: {  	[bflag:$0x3] =	sbarrier.arrive $0xFFFF  }
0x1c0: {  	_ =	shalt  }

</sc_bundles>
